<compile_context>
chip_gen: v7x
topology: tpu7x:2x2x1
jax: 0.10.2.dev20260603
libtpu: 0.0.44.dev20260713+nightly
codegen_flags: <defaults>
</compile_context>

<pallas_src>
import functools

import jax
import jax.numpy as jnp
from jax import lax
from jax.experimental import pallas as pl
from jax.experimental.pallas import tpu as pltpu
from jax.experimental.pallas import tpu_sc as plsc

N_BINS = 64

_info = plsc.get_sparse_core_info()
_NC, _NS, _L = _info.num_cores, _info.num_subcores, _info.num_lanes
_NW = _NC * _NS


def _sc_body(acc_hbm, conf_hbm, cnt_out, sd_out, bufs_and_sems, cnt_ref,
             sd_ref, n_per_w, chunk, unroll, nbuf):
    wid = lax.axis_index("s") * _NC + lax.axis_index("c")
    base = wid * n_per_w

    zeros16 = jnp.zeros((_L,), jnp.float32)
    for b in range(N_BINS):
        cnt_ref[b, :] = zeros16
        sd_ref[b, :] = zeros16

    lane = lax.iota(jnp.int32, _L)
    ones16 = jnp.ones((_L,), jnp.float32)
    n_chunks = n_per_w // chunk
    bufs = [tuple(bufs_and_sems[4 * i:4 * i + 4]) for i in range(nbuf)]

    def start(c):
        av, cv, sa, sc = bufs[c % nbuf]
        off = base + c * chunk
        return (pltpu.async_copy(acc_hbm.at[pl.ds(off, chunk)], av, sa),
                pltpu.async_copy(conf_hbm.at[pl.ds(off, chunk)], cv, sc))

    group = _L * unroll
    pending = [start(c) for c in range(min(nbuf - 1, n_chunks))]
    for c in range(n_chunks):
        if c + nbuf - 1 < n_chunks:
            pending.append(start(c + nbuf - 1))
        handles = pending.pop(0)
        handles[0].wait()
        handles[1].wait()
        av, cv = bufs[c % nbuf][0], bufs[c % nbuf][1]

        def inner(i, _, av=av, cv=cv):
            o0 = i * group
            confs = [cv[pl.ds(o0 + k * _L, _L)] for k in range(unroll)]
            accs = [av[pl.ds(o0 + k * _L, _L)] for k in range(unroll)]
            bins = [(c * jnp.float32(N_BINS)).astype(jnp.int32)
                    for c in confs]
            diffs = [c - a for c, a in zip(confs, accs)]
            for k in range(unroll):
                plsc.addupdate_scatter(cnt_ref, [bins[k], lane], ones16)
                plsc.addupdate_scatter(sd_ref, [bins[k], lane], diffs[k])
            return 0

        lax.fori_loop(0, chunk // group, inner, 0)

    pltpu.sync_copy(cnt_ref, cnt_out.at[wid])
    pltpu.sync_copy(sd_ref, sd_out.at[wid])


def _tc_hist_body(acc_ref, conf_ref, o_ref, *, rows):
    step = pl.program_id(0)

    @pl.when(step == 0)
    def _init():
        o_ref[...] = jnp.zeros(o_ref.shape, jnp.float32)

    iota_b = lax.broadcasted_iota(jnp.int32, (N_BINS, 1), 0).astype(jnp.float32)
    w = 8192
    total = jnp.zeros((N_BINS, 2), jnp.float32)
    for r in range(rows):
        conf = conf_ref[pl.ds(r * w, w)].reshape(1, w)
        acc = acc_ref[pl.ds(r * w, w)].reshape(1, w)
        t = jnp.floor(conf * jnp.float32(N_BINS))
        diff = conf - acc
        onehot = jnp.where(t == iota_b, 1.0, 0.0)
        v = jnp.concatenate([jnp.ones_like(diff), diff], axis=0)
        total = total + lax.dot_general(
            onehot, v, (((1,), (1,)), ((), ())),
            preferred_element_type=jnp.float32)
    o_ref[...] += total


def _final_body(cnt_ref, sd_ref, tc_ref, o_ref, *, n_total):
    cnt = jnp.sum(cnt_ref[...], axis=(0, 2)) + tc_ref[:, 0]
    sd = jnp.sum(sd_ref[...], axis=(0, 2)) + tc_ref[:, 1]
    denom = jnp.maximum(cnt, 1.0)
    contrib = jnp.where(cnt > 0.0,
                        (cnt / jnp.float32(n_total)) * jnp.abs(sd) / denom,
                        0.0)
    o_ref[0] = jnp.sum(contrib)


def kernel(accuracies, confidences):
    n = confidences.shape[0]
    tc_w = 8192
    blk = 8 * tc_w
    n_tc = (7 * n // 32) // blk * blk
    n_sc = n - n_tc
    if n_sc % _NW != 0:
        n_sc, n_tc = n, 0
    n_per_w = n_sc // _NW
    chunk = n_per_w
    for c in (8192, 5120, 4096, 2048, 1024):
        if n_per_w % c == 0:
            chunk = c
            break

    nbuf = 4
    mesh = plsc.VectorSubcoreMesh(core_axis_name="c", subcore_axis_name="s")
    buf_tree = [
        t for _ in range(nbuf)
        for t in (pltpu.VMEM((chunk,), jnp.float32),
                  pltpu.VMEM((chunk,), jnp.float32),
                  pltpu.SemaphoreType.DMA,
                  pltpu.SemaphoreType.DMA)
    ]
    sc_fn = pl.kernel(
        functools.partial(_sc_body, n_per_w=n_per_w, chunk=chunk, unroll=8,
                          nbuf=nbuf),
        mesh=mesh,
        compiler_params=pltpu.CompilerParams(needs_layout_passes=False),
        out_type=(
            jax.ShapeDtypeStruct((_NW, N_BINS, _L), jnp.float32),
            jax.ShapeDtypeStruct((_NW, N_BINS, _L), jnp.float32),
        ),
        scratch_types=[
            buf_tree,
            pltpu.VMEM((N_BINS, _L), jnp.float32),
            pltpu.VMEM((N_BINS, _L), jnp.float32),
        ],
    )
    cnt_parts, sd_parts = sc_fn(accuracies, confidences)

    if n_tc > 0:
        grid = n_tc // blk
        rows = blk // tc_w
        blk0 = n_sc // blk
        tc_parts = pl.pallas_call(
            functools.partial(_tc_hist_body, rows=rows),
            grid=(grid,),
            in_specs=[
                pl.BlockSpec((blk,), lambda i: (i + blk0,)),
                pl.BlockSpec((blk,), lambda i: (i + blk0,)),
            ],
            out_specs=pl.BlockSpec((N_BINS, 2), lambda i: (0, 0)),
            out_shape=jax.ShapeDtypeStruct((N_BINS, 2), jnp.float32),
        )(accuracies, confidences)
    else:
        tc_parts = jnp.zeros((N_BINS, 2), jnp.float32)

    out = pl.pallas_call(
        functools.partial(_final_body, n_total=n),
        out_shape=jax.ShapeDtypeStruct((1,), jnp.float32),
        out_specs=pl.BlockSpec(memory_space=pltpu.SMEM),
    )(cnt_parts, sd_parts, tc_parts)
    return out

# --- scband reference (transcript-rebuilt; emitter-appended) ---
"""Pipeline reference for scband-eceloss-81535659148005 (READ-ONLY COPY).

The authoritative reference and input builder live on the scoring server;
editing this copy changes nothing except your own understanding.
"""

import jax, jax.numpy as jnp
import numpy as np

N_BINS = 64

def setup_inputs(seed: int = 0) -> dict:
    key = jax.random.key(seed)
    k1, k2 = jax.random.split(key)
    N = 2097152
    accuracies = jax.random.uniform(k1, (N,), dtype=jnp.float32)
    confidences = jax.random.uniform(k2, (N,), dtype=jnp.float32)
    return {"accuracies": accuracies, "confidences": confidences}

def reference(accuracies, confidences):
    boundaries = jnp.linspace(0.0, 1.0, N_BINS + 1)
    bin_lowers = boundaries[:-1]
    bin_uppers = boundaries[1:]
    N = confidences.shape[0]
    ece = jnp.zeros((1,), dtype=confidences.dtype)
    for i in range(N_BINS):
        bin_lower = bin_lowers[i]
        bin_upper = bin_uppers[i]
        in_bin = (confidences >= bin_lower) & (confidences < bin_upper)
        cnt = jnp.sum(in_bin.astype(confidences.dtype))
        prop_in_bin = cnt / N
        denom = jnp.maximum(cnt, 1.0)
        accuracy_in_bin = jnp.sum(jnp.where(in_bin, accuracies, 0.0)) / denom
        avg_confidence_in_bin = jnp.sum(jnp.where(in_bin, confidences, 0.0)) / denom
        contrib = prop_in_bin * jnp.abs(avg_confidence_in_bin - accuracy_in_bin)
        ece = ece + jnp.where(cnt > 0, contrib, 0.0)
    return ece

if __name__ == "__main__":
    import jax
    _d = setup_inputs()
    print(jax.jit(kernel)(*tuple(_d.values())))

</pallas_src>

<mosaic_0001>
#map = affine_map<(d0, d1) -> (0)>
#map1 = affine_map<(d0, d1) -> (0, 0, 0)>
module attributes {stable_mosaic.version = 14 : i64} {
  func.func @_sc_body(%arg0: i32, %arg1: i32, %arg2: memref<2097152xf32, #tpu.memory_space<hbm>>, %arg3: memref<2097152xf32, #tpu.memory_space<hbm>>, %arg4: memref<32x64x16xf32, #tpu.memory_space<hbm>>, %arg5: memref<32x64x16xf32, #tpu.memory_space<hbm>>, %arg6: memref<5120xf32, #tpu.memory_space<vmem>>, %arg7: memref<5120xf32, #tpu.memory_space<vmem>>, %arg8: memref<!tpu.dma_semaphore, #tpu.memory_space<semaphore_mem>>, %arg9: memref<!tpu.dma_semaphore, #tpu.memory_space<semaphore_mem>>, %arg10: memref<5120xf32, #tpu.memory_space<vmem>>, %arg11: memref<5120xf32, #tpu.memory_space<vmem>>, %arg12: memref<!tpu.dma_semaphore, #tpu.memory_space<semaphore_mem>>, %arg13: memref<!tpu.dma_semaphore, #tpu.memory_space<semaphore_mem>>, %arg14: memref<5120xf32, #tpu.memory_space<vmem>>, %arg15: memref<5120xf32, #tpu.memory_space<vmem>>, %arg16: memref<!tpu.dma_semaphore, #tpu.memory_space<semaphore_mem>>, %arg17: memref<!tpu.dma_semaphore, #tpu.memory_space<semaphore_mem>>, %arg18: memref<5120xf32, #tpu.memory_space<vmem>>, %arg19: memref<5120xf32, #tpu.memory_space<vmem>>, %arg20: memref<!tpu.dma_semaphore, #tpu.memory_space<semaphore_mem>>, %arg21: memref<!tpu.dma_semaphore, #tpu.memory_space<semaphore_mem>>, %arg22: memref<64x16xf32, #tpu.memory_space<vmem>>, %arg23: memref<64x16xf32, #tpu.memory_space<vmem>>) attributes {dimension_semantics = [#tpu.dimension_semantics<core_parallel>, #tpu.dimension_semantics<subcore_parallel>], iteration_bounds = array<i64: 2, 16>, scalar_prefetch = 0 : i64, scratch_operands = 18 : i64, tpu.core_type = #tpu.core_type<sc_vector_subcore>, window_params = [{transform_indices = #map}, {transform_indices = #map}, {transform_indices = #map1}, {transform_indices = #map1}]} {
    %mul3A = arith.constant 2 : i32
    %mul3A_0 = arith.muli %arg1, %mul3A : i32
    %add3A = arith.addi %mul3A_0, %arg0 : i32
    %mul3A_1 = arith.constant 51200 : i32
    %mul3A_2 = arith.muli %add3A, %mul3A_1 : i32
    %broadcast_in_dim3A = arith.constant 0.000000e+00 : f32
    %broadcast_in_dim3A_3 = vector.broadcast %broadcast_in_dim3A : f32 to vector<16xf32>
    %swap3A = arith.constant 0 : i32
    %swap3A_4 = arith.index_cast %swap3A : i32 to index
    %swap3A_5 = arith.constant 0 : index
    %swap3A_6 = tpu.vector_load %arg22[%swap3A_4, %swap3A_5] {strides = array<i32>} : memref<64x16xf32, #tpu.memory_space<vmem>>, vector<16xf32>,
    tpu.vector_store %arg22[%swap3A_4, %swap3A_5], %broadcast_in_dim3A_3 {strides = array<i32>} : memref<64x16xf32, #tpu.memory_space<vmem>>, vector<16xf32>,
    %swap3A_7 = arith.constant 0 : i32
    %swap3A_8 = arith.index_cast %swap3A_7 : i32 to index
    %swap3A_9 = arith.constant 0 : index
    %swap3A_10 = tpu.vector_load %arg23[%swap3A_8, %swap3A_9] {strides = array<i32>} : memref<64x16xf32, #tpu.memory_space<vmem>>, vector<16xf32>,
    tpu.vector_store %arg23[%swap3A_8, %swap3A_9], %broadcast_in_dim3A_3 {strides = array<i32>} : memref<64x16xf32, #tpu.memory_space<vmem>>, vector<16xf32>,
    %swap3A_11 = arith.constant 1 : i32
    %swap3A_12 = arith.index_cast %swap3A_11 : i32 to index
    %swap3A_13 = arith.constant 0 : index
    %swap3A_14 = tpu.vector_load %arg22[%swap3A_12, %swap3A_13] {strides = array<i32>} : memref<64x16xf32, #tpu.memory_space<vmem>>, vector<16xf32>,
    tpu.vector_store %arg22[%swap3A_12, %swap3A_13], %broadcast_in_dim3A_3 {strides = array<i32>} : memref<64x16xf32, #tpu.memory_space<vmem>>, vector<16xf32>,
    %swap3A_15 = arith.constant 1 : i32
    %swap3A_16 = arith.index_cast %swap3A_15 : i32 to index
    %swap3A_17 = arith.constant 0 : index
    %swap3A_18 = tpu.vector_load %arg23[%swap3A_16, %swap3A_17] {strides = array<i32>} : memref<64x16xf32, #tpu.memory_space<vmem>>, vector<16xf32>,
    tpu.vector_store %arg23[%swap3A_16, %swap3A_17], %broadcast_in_dim3A_3 {strides = array<i32>} : memref<64x16xf32, #tpu.memory_space<vmem>>, vector<16xf32>,
    %swap3A_19 = arith.constant 2 : i32
    %swap3A_20 = arith.index_cast %swap3A_19 : i32 to index
    %swap3A_21 = arith.constant 0 : index
    %swap3A_22 = tpu.vector_load %arg22[%swap3A_20, %swap3A_21] {strides = array<i32>} : memref<64x16xf32, #tpu.memory_space<vmem>>, vector<16xf32>,
    tpu.vector_store %arg22[%swap3A_20, %swap3A_21], %broadcast_in_dim3A_3 {strides = array<i32>} : memref<64x16xf32, #tpu.memory_space<vmem>>, vector<16xf32>,
    %swap3A_23 = arith.constant 2 : i32
    %swap3A_24 = arith.index_cast %swap3A_23 : i32 to index
    %swap3A_25 = arith.constant 0 : index
    %swap3A_26 = tpu.vector_load %arg23[%swap3A_24, %swap3A_25] {strides = array<i32>} : memref<64x16xf32, #tpu.memory_space<vmem>>, vector<16xf32>,
    tpu.vector_store %arg23[%swap3A_24, %swap3A_25], %broadcast_in_dim3A_3 {strides = array<i32>} : memref<64x16xf32, #tpu.memory_space<vmem>>, vector<16xf32>,
    %swap3A_27 = arith.constant 3 : i32
    %swap3A_28 = arith.index_cast %swap3A_27 : i32 to index
    %swap3A_29 = arith.constant 0 : index
    %swap3A_30 = tpu.vector_load %arg22[%swap3A_28, %swap3A_29] {strides = array<i32>} : memref<64x16xf32, #tpu.memory_space<vmem>>, vector<16xf32>,
    tpu.vector_store %arg22[%swap3A_28, %swap3A_29], %broadcast_in_dim3A_3 {strides = array<i32>} : memref<64x16xf32, #tpu.memory_space<vmem>>, vector<16xf32>,
    %swap3A_31 = arith.constant 3 : i32
    %swap3A_32 = arith.index_cast %swap3A_31 : i32 to index
    %swap3A_33 = arith.constant 0 : index
    %swap3A_34 = tpu.vector_load %arg23[%swap3A_32, %swap3A_33] {strides = array<i32>} : memref<64x16xf32, #tpu.memory_space<vmem>>, vector<16xf32>,
    tpu.vector_store %arg23[%swap3A_32, %swap3A_33], %broadcast_in_dim3A_3 {strides = array<i32>} : memref<64x16xf32, #tpu.memory_space<vmem>>, vector<16xf32>,
    %swap3A_35 = arith.constant 4 : i32
    %swap3A_36 = arith.index_cast %swap3A_35 : i32 to index
    %swap3A_37 = arith.constant 0 : index
    %swap3A_38 = tpu.vector_load %arg22[%swap3A_36, %swap3A_37] {strides = array<i32>} : memref<64x16xf32, #tpu.memory_space<vmem>>, vector<16xf32>,
    tpu.vector_store %arg22[%swap3A_36, %swap3A_37], %broadcast_in_dim3A_3 {strides = array<i32>} : memref<64x16xf32, #tpu.memory_space<vmem>>, vector<16xf32>,
    %swap3A_39 = arith.constant 4 : i32
    %swap3A_40 = arith.index_cast %swap3A_39 : i32 to index
    %swap3A_41 = arith.constant 0 : index
    %swap3A_42 = tpu.vector_load %arg23[%swap3A_40, %swap3A_41] {strides = array<i32>} : memref<64x16xf32, #tpu.memory_space<vmem>>, vector<16xf32>,
    tpu.vector_store %arg23[%swap3A_40, %swap3A_41], %broadcast_in_dim3A_3 {strides = array<i32>} : memref<64x16xf32, #tpu.memory_space<vmem>>, vector<16xf32>,
    %swap3A_43 = arith.constant 5 : i32
    %swap3A_44 = arith.index_cast %swap3A_43 : i32 to index
    %swap3A_45 = arith.constant 0 : index
    %swap3A_46 = tpu.vector_load %arg22[%swap3A_44, %swap3A_45] {strides = array<i32>} : memref<64x16xf32, #tpu.memory_space<vmem>>, vector<16xf32>,
    tpu.vector_store %arg22[%swap3A_44, %swap3A_45], %broadcast_in_dim3A_3 {strides = array<i32>} : memref<64x16xf32, #tpu.memory_space<vmem>>, vector<16xf32>,
    %swap3A_47 = arith.constant 5 : i32
    %swap3A_48 = arith.index_cast %swap3A_47 : i32 to index
    %swap3A_49 = arith.constant 0 : index
    %swap3A_50 = tpu.vector_load %arg23[%swap3A_48, %swap3A_49] {strides = array<i32>} : memref<64x16xf32, #tpu.memory_space<vmem>>, vector<16xf32>,
    tpu.vector_store %arg23[%swap3A_48, %swap3A_49], %broadcast_in_dim3A_3 {strides = array<i32>} : memref<64x16xf32, #tpu.memory_space<vmem>>, vector<16xf32>,
    %swap3A_51 = arith.constant 6 : i32
    %swap3A_52 = arith.index_cast %swap3A_51 : i32 to index
    %swap3A_53 = arith.constant 0 : index
    %swap3A_54 = tpu.vector_load %arg22[%swap3A_52, %swap3A_53] {strides = array<i32>} : memref<64x16xf32, #tpu.memory_space<vmem>>, vector<16xf32>,
    tpu.vector_store %arg22[%swap3A_52, %swap3A_53], %broadcast_in_dim3A_3 {strides = array<i32>} : memref<64x16xf32, #tpu.memory_space<vmem>>, vector<16xf32>,
    %swap3A_55 = arith.constant 6 : i32
    %swap3A_56 = arith.index_cast %swap3A_55 : i32 to index
    %swap3A_57 = arith.constant 0 : index
    %swap3A_58 = tpu.vector_load %arg23[%swap3A_56, %swap3A_57] {strides = array<i32>} : memref<64x16xf32, #tpu.memory_space<vmem>>, vector<16xf32>,
    tpu.vector_store %arg23[%swap3A_56, %swap3A_57], %broadcast_in_dim3A_3 {strides = array<i32>} : memref<64x16xf32, #tpu.memory_space<vmem>>, vector<16xf32>,
    %swap3A_59 = arith.constant 7 : i32
    %swap3A_60 = arith.index_cast %swap3A_59 : i32 to index
    %swap3A_61 = arith.constant 0 : index
    %swap3A_62 = tpu.vector_load %arg22[%swap3A_60, %swap3A_61] {strides = array<i32>} : memref<64x16xf32, #tpu.memory_space<vmem>>, vector<16xf32>,
    tpu.vector_store %arg22[%swap3A_60, %swap3A_61], %broadcast_in_dim3A_3 {strides = array<i32>} : memref<64x16xf32, #tpu.memory_space<vmem>>, vector<16xf32>,
    %swap3A_63 = arith.constant 7 : i32
    %swap3A_64 = arith.index_cast %swap3A_63 : i32 to index
    %swap3A_65 = arith.constant 0 : index
    %swap3A_66 = tpu.vector_load %arg23[%swap3A_64, %swap3A_65] {strides = array<i32>} : memref<64x16xf32, #tpu.memory_space<vmem>>, vector<16xf32>,
    tpu.vector_store %arg23[%swap3A_64, %swap3A_65], %broadcast_in_dim3A_3 {strides = array<i32>} : memref<64x16xf32, #tpu.memory_space<vmem>>, vector<16xf32>,
    %swap3A_67 = arith.constant 8 : i32
    %swap3A_68 = arith.index_cast %swap3A_67 : i32 to index
    %swap3A_69 = arith.constant 0 : index
    %swap3A_70 = tpu.vector_load %arg22[%swap3A_68, %swap3A_69] {strides = array<i32>} : memref<64x16xf32, #tpu.memory_space<vmem>>, vector<16xf32>,
    tpu.vector_store %arg22[%swap3A_68, %swap3A_69], %broadcast_in_dim3A_3 {strides = array<i32>} : memref<64x16xf32, #tpu.memory_space<vmem>>, vector<16xf32>,
    %swap3A_71 = arith.constant 8 : i32
    %swap3A_72 = arith.index_cast %swap3A_71 : i32 to index
    %swap3A_73 = arith.constant 0 : index
    %swap3A_74 = tpu.vector_load %arg23[%swap3A_72, %swap3A_73] {strides = array<i32>} : memref<64x16xf32, #tpu.memory_space<vmem>>, vector<16xf32>,
    tpu.vector_store %arg23[%swap3A_72, %swap3A_73], %broadcast_in_dim3A_3 {strides = array<i32>} : memref<64x16xf32, #tpu.memory_space<vmem>>, vector<16xf32>,
    %swap3A_75 = arith.constant 9 : i32
    %swap3A_76 = arith.index_cast %swap3A_75 : i32 to index
    %swap3A_77 = arith.constant 0 : index
    %swap3A_78 = tpu.vector_load %arg22[%swap3A_76, %swap3A_77] {strides = array<i32>} : memref<64x16xf32, #tpu.memory_space<vmem>>, vector<16xf32>,
    tpu.vector_store %arg22[%swap3A_76, %swap3A_77], %broadcast_in_dim3A_3 {strides = array<i32>} : memref<64x16xf32, #tpu.memory_space<vmem>>, vector<16xf32>,
    %swap3A_79 = arith.constant 9 : i32
    %swap3A_80 = arith.index_cast %swap3A_79 : i32 to index
    %swap3A_81 = arith.constant 0 : index
    %swap3A_82 = tpu.vector_load %arg23[%swap3A_80, %swap3A_81] {strides = array<i32>} : memref<64x16xf32, #tpu.memory_space<vmem>>, vector<16xf32>,
    tpu.vector_store %arg23[%swap3A_80, %swap3A_81], %broadcast_in_dim3A_3 {strides = array<i32>} : memref<64x16xf32, #tpu.memory_space<vmem>>, vector<16xf32>,
    %swap3A_83 = arith.constant 10 : i32
    %swap3A_84 = arith.index_cast %swap3A_83 : i32 to index
    %swap3A_85 = arith.constant 0 : index
    %swap3A_86 = tpu.vector_load %arg22[%swap3A_84, %swap3A_85] {strides = array<i32>} : memref<64x16xf32, #tpu.memory_space<vmem>>, vector<16xf32>,
    tpu.vector_store %arg22[%swap3A_84, %swap3A_85], %broadcast_in_dim3A_3 {strides = array<i32>} : memref<64x16xf32, #tpu.memory_space<vmem>>, vector<16xf32>,
    %swap3A_87 = arith.constant 10 : i32
    %swap3A_88 = arith.index_cast %swap3A_87 : i32 to index
    %swap3A_89 = arith.constant 0 : index
    %swap3A_90 = tpu.vector_load %arg23[%swap3A_88, %swap3A_89] {strides = array<i32>} : memref<64x16xf32, #tpu.memory_space<vmem>>, vector<16xf32>,
    tpu.vector_store %arg23[%swap3A_88, %swap3A_89], %broadcast_in_dim3A_3 {strides = array<i32>} : memref<64x16xf32, #tpu.memory_space<vmem>>, vector<16xf32>,
    %swap3A_91 = arith.constant 11 : i32
    %swap3A_92 = arith.index_cast %swap3A_91 : i32 to index
    %swap3A_93 = arith.constant 0 : index
    %swap3A_94 = tpu.vector_load %arg22[%swap3A_92, %swap3A_93] {strides = array<i32>} : memref<64x16xf32, #tpu.memory_space<vmem>>, vector<16xf32>,
    tpu.vector_store %arg22[%swap3A_92, %swap3A_93], %broadcast_in_dim3A_3 {strides = array<i32>} : memref<64x16xf32, #tpu.memory_space<vmem>>, vector<16xf32>,
    %swap3A_95 = arith.constant 11 : i32
    %swap3A_96 = arith.index_cast %swap3A_95 : i32 to index
    %swap3A_97 = arith.constant 0 : index
    %swap3A_98 = tpu.vector_load %arg23[%swap3A_96, %swap3A_97] {strides = array<i32>} : memref<64x16xf32, #tpu.memory_space<vmem>>, vector<16xf32>,
    tpu.vector_store %arg23[%swap3A_96, %swap3A_97], %broadcast_in_dim3A_3 {strides = array<i32>} : memref<64x16xf32, #tpu.memory_space<vmem>>, vector<16xf32>,
    %swap3A_99 = arith.constant 12 : i32
    %swap3A_100 = arith.index_cast %swap3A_99 : i32 to index
    %swap3A_101 = arith.constant 0 : index
    %swap3A_102 = tpu.vector_load %arg22[%swap3A_100, %swap3A_101] {strides = array<i32>} : memref<64x16xf32, #tpu.memory_space<vmem>>, vector<16xf32>,
    tpu.vector_store %arg22[%swap3A_100, %swap3A_101], %broadcast_in_dim3A_3 {strides = array<i32>} : memref<64x16xf32, #tpu.memory_space<vmem>>, vector<16xf32>,
    %swap3A_103 = arith.constant 12 : i32
    %swap3A_104 = arith.index_cast %swap3A_103 : i32 to index
    %swap3A_105 = arith.constant 0 : index
    %swap3A_106 = tpu.vector_load %arg23[%swap3A_104, %swap3A_105] {strides = array<i32>} : memref<64x16xf32, #tpu.memory_space<vmem>>, vector<16xf32>,
    tpu.vector_store %arg23[%swap3A_104, %swap3A_105], %broadcast_in_dim3A_3 {strides = array<i32>} : memref<64x16xf32, #tpu.memory_space<vmem>>, vector<16xf32>,
    %swap3A_107 = arith.constant 13 : i32
    %swap3A_108 = arith.index_cast %swap3A_107 : i32 to index
    %swap3A_109 = arith.constant 0 : index
    %swap3A_110 = tpu.vector_load %arg22[%swap3A_108, %swap3A_109] {strides = array<i32>} : memref<64x16xf32, #tpu.memory_space<vmem>>, vector<16xf32>,
    tpu.vector_store %arg22[%swap3A_108, %swap3A_109], %broadcast_in_dim3A_3 {strides = array<i32>} : memref<64x16xf32, #tpu.memory_space<vmem>>, vector<16xf32>,
    %swap3A_111 = arith.constant 13 : i32
    %swap3A_112 = arith.index_cast %swap3A_111 : i32 to index
    %swap3A_113 = arith.constant 0 : index
    %swap3A_114 = tpu.vector_load %arg23[%swap3A_112, %swap3A_113] {strides = array<i32>} : memref<64x16xf32, #tpu.memory_space<vmem>>, vector<16xf32>,
    tpu.vector_store %arg23[%swap3A_112, %swap3A_113], %broadcast_in_dim3A_3 {strides = array<i32>} : memref<64x16xf32, #tpu.memory_space<vmem>>, vector<16xf32>,
    %swap3A_115 = arith.constant 14 : i32
    %swap3A_116 = arith.index_cast %swap3A_115 : i32 to index
    %swap3A_117 = arith.constant 0 : index
    %swap3A_118 = tpu.vector_load %arg22[%swap3A_116, %swap3A_117] {strides = array<i32>} : memref<64x16xf32, #tpu.memory_space<vmem>>, vector<16xf32>,
    tpu.vector_store %arg22[%swap3A_116, %swap3A_117], %broadcast_in_dim3A_3 {strides = array<i32>} : memref<64x16xf32, #tpu.memory_space<vmem>>, vector<16xf32>,
    %swap3A_119 = arith.constant 14 : i32
    %swap3A_120 = arith.index_cast %swap3A_119 : i32 to index
    %swap3A_121 = arith.constant 0 : index
    %swap3A_122 = tpu.vector_load %arg23[%swap3A_120, %swap3A_121] {strides = array<i32>} : memref<64x16xf32, #tpu.memory_space<vmem>>, vector<16xf32>,
    tpu.vector_store %arg23[%swap3A_120, %swap3A_121], %broadcast_in_dim3A_3 {strides = array<i32>} : memref<64x16xf32, #tpu.memory_space<vmem>>, vector<16xf32>,
    %swap3A_123 = arith.constant 15 : i32
    %swap3A_124 = arith.index_cast %swap3A_123 : i32 to index
    %swap3A_125 = arith.constant 0 : index
    %swap3A_126 = tpu.vector_load %arg22[%swap3A_124, %swap3A_125] {strides = array<i32>} : memref<64x16xf32, #tpu.memory_space<vmem>>, vector<16xf32>,
    tpu.vector_store %arg22[%swap3A_124, %swap3A_125], %broadcast_in_dim3A_3 {strides = array<i32>} : memref<64x16xf32, #tpu.memory_space<vmem>>, vector<16xf32>,
    %swap3A_127 = arith.constant 15 : i32
    %swap3A_128 = arith.index_cast %swap3A_127 : i32 to index
    %swap3A_129 = arith.constant 0 : index
    %swap3A_130 = tpu.vector_load %arg23[%swap3A_128, %swap3A_129] {strides = array<i32>} : memref<64x16xf32, #tpu.memory_space<vmem>>, vector<16xf32>,
    tpu.vector_store %arg23[%swap3A_128, %swap3A_129], %broadcast_in_dim3A_3 {strides = array<i32>} : memref<64x16xf32, #tpu.memory_space<vmem>>, vector<16xf32>,
    %swap3A_131 = arith.constant 16 : i32
    %swap3A_132 = arith.index_cast %swap3A_131 : i32 to index
    %swap3A_133 = arith.constant 0 : index
    %swap3A_134 = tpu.vector_load %arg22[%swap3A_132, %swap3A_133] {strides = array<i32>} : memref<64x16xf32, #tpu.memory_space<vmem>>, vector<16xf32>,
    tpu.vector_store %arg22[%swap3A_132, %swap3A_133], %broadcast_in_dim3A_3 {strides = array<i32>} : memref<64x16xf32, #tpu.memory_space<vmem>>, vector<16xf32>,
    %swap3A_135 = arith.constant 16 : i32
    %swap3A_136 = arith.index_cast %swap3A_135 : i32 to index
    %swap3A_137 = arith.constant 0 : index
    %swap3A_138 = tpu.vector_load %arg23[%swap3A_136, %swap3A_137] {strides = array<i32>} : memref<64x16xf32, #tpu.memory_space<vmem>>, vector<16xf32>,
    tpu.vector_store %arg23[%swap3A_136, %swap3A_137], %broadcast_in_dim3A_3 {strides = array<i32>} : memref<64x16xf32, #tpu.memory_space<vmem>>, vector<16xf32>,
    %swap3A_139 = arith.constant 17 : i32
    %swap3A_140 = arith.index_cast %swap3A_139 : i32 to index
    %swap3A_141 = arith.constant 0 : index
    %swap3A_142 = tpu.vector_load %arg22[%swap3A_140, %swap3A_141] {strides = array<i32>} : memref<64x16xf32, #tpu.memory_space<vmem>>, vector<16xf32>,
    tpu.vector_store %arg22[%swap3A_140, %swap3A_141], %broadcast_in_dim3A_3 {strides = array<i32>} : memref<64x16xf32, #tpu.memory_space<vmem>>, vector<16xf32>,
    %swap3A_143 = arith.constant 17 : i32
    %swap3A_144 = arith.index_cast %swap3A_143 : i32 to index
    %swap3A_145 = arith.constant 0 : index
    %swap3A_146 = tpu.vector_load %arg23[%swap3A_144, %swap3A_145] {strides = array<i32>} : memref<64x16xf32, #tpu.memory_space<vmem>>, vector<16xf32>,
    tpu.vector_store %arg23[%swap3A_144, %swap3A_145], %broadcast_in_dim3A_3 {strides = array<i32>} : memref<64x16xf32, #tpu.memory_space<vmem>>, vector<16xf32>,
    %swap3A_147 = arith.constant 18 : i32
    %swap3A_148 = arith.index_cast %swap3A_147 : i32 to index
    %swap3A_149 = arith.constant 0 : index
    %swap3A_150 = tpu.vector_load %arg22[%swap3A_148, %swap3A_149] {strides = array<i32>} : memref<64x16xf32, #tpu.memory_space<vmem>>, vector<16xf32>,
    tpu.vector_store %arg22[%swap3A_148, %swap3A_149], %broadcast_in_dim3A_3 {strides = array<i32>} : memref<64x16xf32, #tpu.memory_space<vmem>>, vector<16xf32>,
    %swap3A_151 = arith.constant 18 : i32
    %swap3A_152 = arith.index_cast %swap3A_151 : i32 to index
    %swap3A_153 = arith.constant 0 : index
    %swap3A_154 = tpu.vector_load %arg23[%swap3A_152, %swap3A_153] {strides = array<i32>} : memref<64x16xf32, #tpu.memory_space<vmem>>, vector<16xf32>,
    tpu.vector_store %arg23[%swap3A_152, %swap3A_153], %broadcast_in_dim3A_3 {strides = array<i32>} : memref<64x16xf32, #tpu.memory_space<vmem>>, vector<16xf32>,
    %swap3A_155 = arith.constant 19 : i32
    %swap3A_156 = arith.index_cast %swap3A_155 : i32 to index
    %swap3A_157 = arith.constant 0 : index
    %swap3A_158 = tpu.vector_load %arg22[%swap3A_156, %swap3A_157] {strides = array<i32>} : memref<64x16xf32, #tpu.memory_space<vmem>>, vector<16xf32>,
    tpu.vector_store %arg22[%swap3A_156, %swap3A_157], %broadcast_in_dim3A_3 {strides = array<i32>} : memref<64x16xf32, #tpu.memory_space<vmem>>, vector<16xf32>,
    %swap3A_159 = arith.constant 19 : i32
    %swap3A_160 = arith.index_cast %swap3A_159 : i32 to index
    %swap3A_161 = arith.constant 0 : index
    %swap3A_162 = tpu.vector_load %arg23[%swap3A_160, %swap3A_161] {strides = array<i32>} : memref<64x16xf32, #tpu.memory_space<vmem>>, vector<16xf32>,
    tpu.vector_store %arg23[%swap3A_160, %swap3A_161], %broadcast_in_dim3A_3 {strides = array<i32>} : memref<64x16xf32, #tpu.memory_space<vmem>>, vector<16xf32>,
    %swap3A_163 = arith.constant 20 : i32
    %swap3A_164 = arith.index_cast %swap3A_163 : i32 to index
    %swap3A_165 = arith.constant 0 : index
    %swap3A_166 = tpu.vector_load %arg22[%swap3A_164, %swap3A_165] {strides = array<i32>} : memref<64x16xf32, #tpu.memory_space<vmem>>, vector<16xf32>,
    tpu.vector_store %arg22[%swap3A_164, %swap3A_165], %broadcast_in_dim3A_3 {strides = array<i32>} : memref<64x16xf32, #tpu.memory_space<vmem>>, vector<16xf32>,
    %swap3A_167 = arith.constant 20 : i32
    %swap3A_168 = arith.index_cast %swap3A_167 : i32 to index
    %swap3A_169 = arith.constant 0 : index
    %swap3A_170 = tpu.vector_load %arg23[%swap3A_168, %swap3A_169] {strides = array<i32>} : memref<64x16xf32, #tpu.memory_space<vmem>>, vector<16xf32>,
    tpu.vector_store %arg23[%swap3A_168, %swap3A_169], %broadcast_in_dim3A_3 {strides = array<i32>} : memref<64x16xf32, #tpu.memory_space<vmem>>, vector<16xf32>,
    %swap3A_171 = arith.constant 21 : i32
    %swap3A_172 = arith.index_cast %swap3A_171 : i32 to index
    %swap3A_173 = arith.constant 0 : index
    %swap3A_174 = tpu.vector_load %arg22[%swap3A_172, %swap3A_173] {strides = array<i32>} : memref<64x16xf32, #tpu.memory_space<vmem>>, vector<16xf32>,
    tpu.vector_store %arg22[%swap3A_172, %swap3A_173], %broadcast_in_dim3A_3 {strides = array<i32>} : memref<64x16xf32, #tpu.memory_space<vmem>>, vector<16xf32>,
    %swap3A_175 = arith.constant 21 : i32
    %swap3A_176 = arith.index_cast %swap3A_175 : i32 to index
    %swap3A_177 = arith.constant 0 : index
    %swap3A_178 = tpu.vector_load %arg23[%swap3A_176, %swap3A_177] {strides = array<i32>} : memref<64x16xf32, #tpu.memory_space<vmem>>, vector<16xf32>,
    tpu.vector_store %arg23[%swap3A_176, %swap3A_177], %broadcast_in_dim3A_3 {strides = array<i32>} : memref<64x16xf32, #tpu.memory_space<vmem>>, vector<16xf32>,
    %swap3A_179 = arith.constant 22 : i32
    %swap3A_180 = arith.index_cast %swap3A_179 : i32 to index
    %swap3A_181 = arith.constant 0 : index
    %swap3A_182 = tpu.vector_load %arg22[%swap3A_180, %swap3A_181] {strides = array<i32>} : memref<64x16xf32, #tpu.memory_space<vmem>>, vector<16xf32>,
    tpu.vector_store %arg22[%swap3A_180, %swap3A_181], %broadcast_in_dim3A_3 {strides = array<i32>} : memref<64x16xf32, #tpu.memory_space<vmem>>, vector<16xf32>,
    %swap3A_183 = arith.constant 22 : i32
    %swap3A_184 = arith.index_cast %swap3A_183 : i32 to index
    %swap3A_185 = arith.constant 0 : index
    %swap3A_186 = tpu.vector_load %arg23[%swap3A_184, %swap3A_185] {strides = array<i32>} : memref<64x16xf32, #tpu.memory_space<vmem>>, vector<16xf32>,
    tpu.vector_store %arg23[%swap3A_184, %swap3A_185], %broadcast_in_dim3A_3 {strides = array<i32>} : memref<64x16xf32, #tpu.memory_space<vmem>>, vector<16xf32>,
    %swap3A_187 = arith.constant 23 : i32
    %swap3A_188 = arith.index_cast %swap3A_187 : i32 to index
    %swap3A_189 = arith.constant 0 : index
    %swap3A_190 = tpu.vector_load %arg22[%swap3A_188, %swap3A_189] {strides = array<i32>} : memref<64x16xf32, #tpu.memory_space<vmem>>, vector<16xf32>,
    tpu.vector_store %arg22[%swap3A_188, %swap3A_189], %broadcast_in_dim3A_3 {strides = array<i32>} : memref<64x16xf32, #tpu.memory_space<vmem>>, vector<16xf32>,
    %swap3A_191 = arith.constant 23 : i32
    %swap3A_192 = arith.index_cast %swap3A_191 : i32 to index
    %swap3A_193 = arith.constant 0 : index
    %swap3A_194 = tpu.vector_load %arg23[%swap3A_192, %swap3A_193] {strides = array<i32>} : memref<64x16xf32, #tpu.memory_space<vmem>>, vector<16xf32>,
    tpu.vector_store %arg23[%swap3A_192, %swap3A_193], %broadcast_in_dim3A_3 {strides = array<i32>} : memref<64x16xf32, #tpu.memory_space<vmem>>, vector<16xf32>,
    %swap3A_195 = arith.constant 24 : i32
    %swap3A_196 = arith.index_cast %swap3A_195 : i32 to index
    %swap3A_197 = arith.constant 0 : index
    %swap3A_198 = tpu.vector_load %arg22[%swap3A_196, %swap3A_197] {strides = array<i32>} : memref<64x16xf32, #tpu.memory_space<vmem>>, vector<16xf32>,
    tpu.vector_store %arg22[%swap3A_196, %swap3A_197], %broadcast_in_dim3A_3 {strides = array<i32>} : memref<64x16xf32, #tpu.memory_space<vmem>>, vector<16xf32>,
    %swap3A_199 = arith.constant 24 : i32
    %swap3A_200 = arith.index_cast %swap3A_199 : i32 to index
    %swap3A_201 = arith.constant 0 : index
    %swap3A_202 = tpu.vector_load %arg23[%swap3A_200, %swap3A_201] {strides = array<i32>} : memref<64x16xf32, #tpu.memory_space<vmem>>, vector<16xf32>,
    tpu.vector_store %arg23[%swap3A_200, %swap3A_201], %broadcast_in_dim3A_3 {strides = array<i32>} : memref<64x16xf32, #tpu.memory_space<vmem>>, vector<16xf32>,
    %swap3A_203 = arith.constant 25 : i32
    %swap3A_204 = arith.index_cast %swap3A_203 : i32 to index
    %swap3A_205 = arith.constant 0 : index
    %swap3A_206 = tpu.vector_load %arg22[%swap3A_204, %swap3A_205] {strides = array<i32>} : memref<64x16xf32, #tpu.memory_space<vmem>>, vector<16xf32>,
    tpu.vector_store %arg22[%swap3A_204, %swap3A_205], %broadcast_in_dim3A_3 {strides = array<i32>} : memref<64x16xf32, #tpu.memory_space<vmem>>, vector<16xf32>,
    %swap3A_207 = arith.constant 25 : i32
    %swap3A_208 = arith.index_cast %swap3A_207 : i32 to index
    %swap3A_209 = arith.constant 0 : index
    %swap3A_210 = tpu.vector_load %arg23[%swap3A_208, %swap3A_209] {strides = array<i32>} : memref<64x16xf32, #tpu.memory_space<vmem>>, vector<16xf32>,
    tpu.vector_store %arg23[%swap3A_208, %swap3A_209], %broadcast_in_dim3A_3 {strides = array<i32>} : memref<64x16xf32, #tpu.memory_space<vmem>>, vector<16xf32>,
    %swap3A_211 = arith.constant 26 : i32
    %swap3A_212 = arith.index_cast %swap3A_211 : i32 to index
    %swap3A_213 = arith.constant 0 : index
    %swap3A_214 = tpu.vector_load %arg22[%swap3A_212, %swap3A_213] {strides = array<i32>} : memref<64x16xf32, #tpu.memory_space<vmem>>, vector<16xf32>,
    tpu.vector_store %arg22[%swap3A_212, %swap3A_213], %broadcast_in_dim3A_3 {strides = array<i32>} : memref<64x16xf32, #tpu.memory_space<vmem>>, vector<16xf32>,
    %swap3A_215 = arith.constant 26 : i32
    %swap3A_216 = arith.index_cast %swap3A_215 : i32 to index
    %swap3A_217 = arith.constant 0 : index
    %swap3A_218 = tpu.vector_load %arg23[%swap3A_216, %swap3A_217] {strides = array<i32>} : memref<64x16xf32, #tpu.memory_space<vmem>>, vector<16xf32>,
    tpu.vector_store %arg23[%swap3A_216, %swap3A_217], %broadcast_in_dim3A_3 {strides = array<i32>} : memref<64x16xf32, #tpu.memory_space<vmem>>, vector<16xf32>,
    %swap3A_219 = arith.constant 27 : i32
    %swap3A_220 = arith.index_cast %swap3A_219 : i32 to index
    %swap3A_221 = arith.constant 0 : index
    %swap3A_222 = tpu.vector_load %arg22[%swap3A_220, %swap3A_221] {strides = array<i32>} : memref<64x16xf32, #tpu.memory_space<vmem>>, vector<16xf32>,
    tpu.vector_store %arg22[%swap3A_220, %swap3A_221], %broadcast_in_dim3A_3 {strides = array<i32>} : memref<64x16xf32, #tpu.memory_space<vmem>>, vector<16xf32>,
    %swap3A_223 = arith.constant 27 : i32
    %swap3A_224 = arith.index_cast %swap3A_223 : i32 to index
    %swap3A_225 = arith.constant 0 : index
    %swap3A_226 = tpu.vector_load %arg23[%swap3A_224, %swap3A_225] {strides = array<i32>} : memref<64x16xf32, #tpu.memory_space<vmem>>, vector<16xf32>,
    tpu.vector_store %arg23[%swap3A_224, %swap3A_225], %broadcast_in_dim3A_3 {strides = array<i32>} : memref<64x16xf32, #tpu.memory_space<vmem>>, vector<16xf32>,
    %swap3A_227 = arith.constant 28 : i32
    %swap3A_228 = arith.index_cast %swap3A_227 : i32 to index
    %swap3A_229 = arith.constant 0 : index
    %swap3A_230 = tpu.vector_load %arg22[%swap3A_228, %swap3A_229] {strides = array<i32>} : memref<64x16xf32, #tpu.memory_space<vmem>>, vector<16xf32>,
    tpu.vector_store %arg22[%swap3A_228, %swap3A_229], %broadcast_in_dim3A_3 {strides = array<i32>} : memref<64x16xf32, #tpu.memory_space<vmem>>, vector<16xf32>,
    %swap3A_231 = arith.constant 28 : i32
    %swap3A_232 = arith.index_cast %swap3A_231 : i32 to index
    %swap3A_233 = arith.constant 0 : index
    %swap3A_234 = tpu.vector_load %arg23[%swap3A_232, %swap3A_233] {strides = array<i32>} : memref<64x16xf32, #tpu.memory_space<vmem>>, vector<16xf32>,
    tpu.vector_store %arg23[%swap3A_232, %swap3A_233], %broadcast_in_dim3A_3 {strides = array<i32>} : memref<64x16xf32, #tpu.memory_space<vmem>>, vector<16xf32>,
    %swap3A_235 = arith.constant 29 : i32
    %swap3A_236 = arith.index_cast %swap3A_235 : i32 to index
    %swap3A_237 = arith.constant 0 : index
    %swap3A_238 = tpu.vector_load %arg22[%swap3A_236, %swap3A_237] {strides = array<i32>} : memref<64x16xf32, #tpu.memory_space<vmem>>, vector<16xf32>,
    tpu.vector_store %arg22[%swap3A_236, %swap3A_237], %broadcast_in_dim3A_3 {strides = array<i32>} : memref<64x16xf32, #tpu.memory_space<vmem>>, vector<16xf32>,
    %swap3A_239 = arith.constant 29 : i32
    %swap3A_240 = arith.index_cast %swap3A_239 : i32 to index
    %swap3A_241 = arith.constant 0 : index
    %swap3A_242 = tpu.vector_load %arg23[%swap3A_240, %swap3A_241] {strides = array<i32>} : memref<64x16xf32, #tpu.memory_space<vmem>>, vector<16xf32>,
    tpu.vector_store %arg23[%swap3A_240, %swap3A_241], %broadcast_in_dim3A_3 {strides = array<i32>} : memref<64x16xf32, #tpu.memory_space<vmem>>, vector<16xf32>,
    %swap3A_243 = arith.constant 30 : i32
    %swap3A_244 = arith.index_cast %swap3A_243 : i32 to index
    %swap3A_245 = arith.constant 0 : index
    %swap3A_246 = tpu.vector_load %arg22[%swap3A_244, %swap3A_245] {strides = array<i32>} : memref<64x16xf32, #tpu.memory_space<vmem>>, vector<16xf32>,
    tpu.vector_store %arg22[%swap3A_244, %swap3A_245], %broadcast_in_dim3A_3 {strides = array<i32>} : memref<64x16xf32, #tpu.memory_space<vmem>>, vector<16xf32>,
    %swap3A_247 = arith.constant 30 : i32
    %swap3A_248 = arith.index_cast %swap3A_247 : i32 to index
    %swap3A_249 = arith.constant 0 : index
    %swap3A_250 = tpu.vector_load %arg23[%swap3A_248, %swap3A_249] {strides = array<i32>} : memref<64x16xf32, #tpu.memory_space<vmem>>, vector<16xf32>,
    tpu.vector_store %arg23[%swap3A_248, %swap3A_249], %broadcast_in_dim3A_3 {strides = array<i32>} : memref<64x16xf32, #tpu.memory_space<vmem>>, vector<16xf32>,
    %swap3A_251 = arith.constant 31 : i32
    %swap3A_252 = arith.index_cast %swap3A_251 : i32 to index
    %swap3A_253 = arith.constant 0 : index
    %swap3A_254 = tpu.vector_load %arg22[%swap3A_252, %swap3A_253] {strides = array<i32>} : memref<64x16xf32, #tpu.memory_space<vmem>>, vector<16xf32>,
    tpu.vector_store %arg22[%swap3A_252, %swap3A_253], %broadcast_in_dim3A_3 {strides = array<i32>} : memref<64x16xf32, #tpu.memory_space<vmem>>, vector<16xf32>,
    %swap3A_255 = arith.constant 31 : i32
    %swap3A_256 = arith.index_cast %swap3A_255 : i32 to index
    %swap3A_257 = arith.constant 0 : index
    %swap3A_258 = tpu.vector_load %arg23[%swap3A_256, %swap3A_257] {strides = array<i32>} : memref<64x16xf32, #tpu.memory_space<vmem>>, vector<16xf32>,
    tpu.vector_store %arg23[%swap3A_256, %swap3A_257], %broadcast_in_dim3A_3 {strides = array<i32>} : memref<64x16xf32, #tpu.memory_space<vmem>>, vector<16xf32>,
    %swap3A_259 = arith.constant 32 : i32
    %swap3A_260 = arith.index_cast %swap3A_259 : i32 to index
    %swap3A_261 = arith.constant 0 : index
    %swap3A_262 = tpu.vector_load %arg22[%swap3A_260, %swap3A_261] {strides = array<i32>} : memref<64x16xf32, #tpu.memory_space<vmem>>, vector<16xf32>,
    tpu.vector_store %arg22[%swap3A_260, %swap3A_261], %broadcast_in_dim3A_3 {strides = array<i32>} : memref<64x16xf32, #tpu.memory_space<vmem>>, vector<16xf32>,
    %swap3A_263 = arith.constant 32 : i32
    %swap3A_264 = arith.index_cast %swap3A_263 : i32 to index
    %swap3A_265 = arith.constant 0 : index
    %swap3A_266 = tpu.vector_load %arg23[%swap3A_264, %swap3A_265] {strides = array<i32>} : memref<64x16xf32, #tpu.memory_space<vmem>>, vector<16xf32>,
    tpu.vector_store %arg23[%swap3A_264, %swap3A_265], %broadcast_in_dim3A_3 {strides = array<i32>} : memref<64x16xf32, #tpu.memory_space<vmem>>, vector<16xf32>,
    %swap3A_267 = arith.constant 33 : i32
    %swap3A_268 = arith.index_cast %swap3A_267 : i32 to index
    %swap3A_269 = arith.constant 0 : index
    %swap3A_270 = tpu.vector_load %arg22[%swap3A_268, %swap3A_269] {strides = array<i32>} : memref<64x16xf32, #tpu.memory_space<vmem>>, vector<16xf32>,
    tpu.vector_store %arg22[%swap3A_268, %swap3A_269], %broadcast_in_dim3A_3 {strides = array<i32>} : memref<64x16xf32, #tpu.memory_space<vmem>>, vector<16xf32>,
    %swap3A_271 = arith.constant 33 : i32
    %swap3A_272 = arith.index_cast %swap3A_271 : i32 to index
    %swap3A_273 = arith.constant 0 : index
    %swap3A_274 = tpu.vector_load %arg23[%swap3A_272, %swap3A_273] {strides = array<i32>} : memref<64x16xf32, #tpu.memory_space<vmem>>, vector<16xf32>,
    tpu.vector_store %arg23[%swap3A_272, %swap3A_273], %broadcast_in_dim3A_3 {strides = array<i32>} : memref<64x16xf32, #tpu.memory_space<vmem>>, vector<16xf32>,
    %swap3A_275 = arith.constant 34 : i32
    %swap3A_276 = arith.index_cast %swap3A_275 : i32 to index
    %swap3A_277 = arith.constant 0 : index
    %swap3A_278 = tpu.vector_load %arg22[%swap3A_276, %swap3A_277] {strides = array<i32>} : memref<64x16xf32, #tpu.memory_space<vmem>>, vector<16xf32>,
    tpu.vector_store %arg22[%swap3A_276, %swap3A_277], %broadcast_in_dim3A_3 {strides = array<i32>} : memref<64x16xf32, #tpu.memory_space<vmem>>, vector<16xf32>,
    %swap3A_279 = arith.constant 34 : i32
    %swap3A_280 = arith.index_cast %swap3A_279 : i32 to index
    %swap3A_281 = arith.constant 0 : index
    %swap3A_282 = tpu.vector_load %arg23[%swap3A_280, %swap3A_281] {strides = array<i32>} : memref<64x16xf32, #tpu.memory_space<vmem>>, vector<16xf32>,
    tpu.vector_store %arg23[%swap3A_280, %swap3A_281], %broadcast_in_dim3A_3 {strides = array<i32>} : memref<64x16xf32, #tpu.memory_space<vmem>>, vector<16xf32>,
    %swap3A_283 = arith.constant 35 : i32
    %swap3A_284 = arith.index_cast %swap3A_283 : i32 to index
    %swap3A_285 = arith.constant 0 : index
    %swap3A_286 = tpu.vector_load %arg22[%swap3A_284, %swap3A_285] {strides = array<i32>} : memref<64x16xf32, #tpu.memory_space<vmem>>, vector<16xf32>,
    tpu.vector_store %arg22[%swap3A_284, %swap3A_285], %broadcast_in_dim3A_3 {strides = array<i32>} : memref<64x16xf32, #tpu.memory_space<vmem>>, vector<16xf32>,
    %swap3A_287 = arith.constant 35 : i32
    %swap3A_288 = arith.index_cast %swap3A_287 : i32 to index
    %swap3A_289 = arith.constant 0 : index
    %swap3A_290 = tpu.vector_load %arg23[%swap3A_288, %swap3A_289] {strides = array<i32>} : memref<64x16xf32, #tpu.memory_space<vmem>>, vector<16xf32>,
    tpu.vector_store %arg23[%swap3A_288, %swap3A_289], %broadcast_in_dim3A_3 {strides = array<i32>} : memref<64x16xf32, #tpu.memory_space<vmem>>, vector<16xf32>,
    %swap3A_291 = arith.constant 36 : i32
    %swap3A_292 = arith.index_cast %swap3A_291 : i32 to index
    %swap3A_293 = arith.constant 0 : index
    %swap3A_294 = tpu.vector_load %arg22[%swap3A_292, %swap3A_293] {strides = array<i32>} : memref<64x16xf32, #tpu.memory_space<vmem>>, vector<16xf32>,
    tpu.vector_store %arg22[%swap3A_292, %swap3A_293], %broadcast_in_dim3A_3 {strides = array<i32>} : memref<64x16xf32, #tpu.memory_space<vmem>>, vector<16xf32>,
    %swap3A_295 = arith.constant 36 : i32
    %swap3A_296 = arith.index_cast %swap3A_295 : i32 to index
    %swap3A_297 = arith.constant 0 : index
    %swap3A_298 = tpu.vector_load %arg23[%swap3A_296, %swap3A_297] {strides = array<i32>} : memref<64x16xf32, #tpu.memory_space<vmem>>, vector<16xf32>,
    tpu.vector_store %arg23[%swap3A_296, %swap3A_297], %broadcast_in_dim3A_3 {strides = array<i32>} : memref<64x16xf32, #tpu.memory_space<vmem>>, vector<16xf32>,
    %swap3A_299 = arith.constant 37 : i32
    %swap3A_300 = arith.index_cast %swap3A_299 : i32 to index
    %swap3A_301 = arith.constant 0 : index
    %swap3A_302 = tpu.vector_load %arg22[%swap3A_300, %swap3A_301] {strides = array<i32>} : memref<64x16xf32, #tpu.memory_space<vmem>>, vector<16xf32>,
    tpu.vector_store %arg22[%swap3A_300, %swap3A_301], %broadcast_in_dim3A_3 {strides = array<i32>} : memref<64x16xf32, #tpu.memory_space<vmem>>, vector<16xf32>,
    %swap3A_303 = arith.constant 37 : i32
    %swap3A_304 = arith.index_cast %swap3A_303 : i32 to index
    %swap3A_305 = arith.constant 0 : index
    %swap3A_306 = tpu.vector_load %arg23[%swap3A_304, %swap3A_305] {strides = array<i32>} : memref<64x16xf32, #tpu.memory_space<vmem>>, vector<16xf32>,
    tpu.vector_store %arg23[%swap3A_304, %swap3A_305], %broadcast_in_dim3A_3 {strides = array<i32>} : memref<64x16xf32, #tpu.memory_space<vmem>>, vector<16xf32>,
    %swap3A_307 = arith.constant 38 : i32
    %swap3A_308 = arith.index_cast %swap3A_307 : i32 to index
    %swap3A_309 = arith.constant 0 : index
    %swap3A_310 = tpu.vector_load %arg22[%swap3A_308, %swap3A_309] {strides = array<i32>} : memref<64x16xf32, #tpu.memory_space<vmem>>, vector<16xf32>,
    tpu.vector_store %arg22[%swap3A_308, %swap3A_309], %broadcast_in_dim3A_3 {strides = array<i32>} : memref<64x16xf32, #tpu.memory_space<vmem>>, vector<16xf32>,
    %swap3A_311 = arith.constant 38 : i32
    %swap3A_312 = arith.index_cast %swap3A_311 : i32 to index
    %swap3A_313 = arith.constant 0 : index
    %swap3A_314 = tpu.vector_load %arg23[%swap3A_312, %swap3A_313] {strides = array<i32>} : memref<64x16xf32, #tpu.memory_space<vmem>>, vector<16xf32>,
    tpu.vector_store %arg23[%swap3A_312, %swap3A_313], %broadcast_in_dim3A_3 {strides = array<i32>} : memref<64x16xf32, #tpu.memory_space<vmem>>, vector<16xf32>,
    %swap3A_315 = arith.constant 39 : i32
    %swap3A_316 = arith.index_cast %swap3A_315 : i32 to index
    %swap3A_317 = arith.constant 0 : index
    %swap3A_318 = tpu.vector_load %arg22[%swap3A_316, %swap3A_317] {strides = array<i32>} : memref<64x16xf32, #tpu.memory_space<vmem>>, vector<16xf32>,
    tpu.vector_store %arg22[%swap3A_316, %swap3A_317], %broadcast_in_dim3A_3 {strides = array<i32>} : memref<64x16xf32, #tpu.memory_space<vmem>>, vector<16xf32>,
    %swap3A_319 = arith.constant 39 : i32
    %swap3A_320 = arith.index_cast %swap3A_319 : i32 to index
    %swap3A_321 = arith.constant 0 : index
    %swap3A_322 = tpu.vector_load %arg23[%swap3A_320, %swap3A_321] {strides = array<i32>} : memref<64x16xf32, #tpu.memory_space<vmem>>, vector<16xf32>,
    tpu.vector_store %arg23[%swap3A_320, %swap3A_321], %broadcast_in_dim3A_3 {strides = array<i32>} : memref<64x16xf32, #tpu.memory_space<vmem>>, vector<16xf32>,
    %swap3A_323 = arith.constant 40 : i32
    %swap3A_324 = arith.index_cast %swap3A_323 : i32 to index
    %swap3A_325 = arith.constant 0 : index
    %swap3A_326 = tpu.vector_load %arg22[%swap3A_324, %swap3A_325] {strides = array<i32>} : memref<64x16xf32, #tpu.memory_space<vmem>>, vector<16xf32>,
    tpu.vector_store %arg22[%swap3A_324, %swap3A_325], %broadcast_in_dim3A_3 {strides = array<i32>} : memref<64x16xf32, #tpu.memory_space<vmem>>, vector<16xf32>,
    %swap3A_327 = arith.constant 40 : i32
    %swap3A_328 = arith.index_cast %swap3A_327 : i32 to index
    %swap3A_329 = arith.constant 0 : index
    %swap3A_330 = tpu.vector_load %arg23[%swap3A_328, %swap3A_329] {strides = array<i32>} : memref<64x16xf32, #tpu.memory_space<vmem>>, vector<16xf32>,
    tpu.vector_store %arg23[%swap3A_328, %swap3A_329], %broadcast_in_dim3A_3 {strides = array<i32>} : memref<64x16xf32, #tpu.memory_space<vmem>>, vector<16xf32>,
    %swap3A_331 = arith.constant 41 : i32
    %swap3A_332 = arith.index_cast %swap3A_331 : i32 to index
    %swap3A_333 = arith.constant 0 : index
    %swap3A_334 = tpu.vector_load %arg22[%swap3A_332, %swap3A_333] {strides = array<i32>} : memref<64x16xf32, #tpu.memory_space<vmem>>, vector<16xf32>,
    tpu.vector_store %arg22[%swap3A_332, %swap3A_333], %broadcast_in_dim3A_3 {strides = array<i32>} : memref<64x16xf32, #tpu.memory_space<vmem>>, vector<16xf32>,
    %swap3A_335 = arith.constant 41 : i32
    %swap3A_336 = arith.index_cast %swap3A_335 : i32 to index
    %swap3A_337 = arith.constant 0 : index
    %swap3A_338 = tpu.vector_load %arg23[%swap3A_336, %swap3A_337] {strides = array<i32>} : memref<64x16xf32, #tpu.memory_space<vmem>>, vector<16xf32>,
    tpu.vector_store %arg23[%swap3A_336, %swap3A_337], %broadcast_in_dim3A_3 {strides = array<i32>} : memref<64x16xf32, #tpu.memory_space<vmem>>, vector<16xf32>,
    %swap3A_339 = arith.constant 42 : i32
    %swap3A_340 = arith.index_cast %swap3A_339 : i32 to index
    %swap3A_341 = arith.constant 0 : index
    %swap3A_342 = tpu.vector_load %arg22[%swap3A_340, %swap3A_341] {strides = array<i32>} : memref<64x16xf32, #tpu.memory_space<vmem>>, vector<16xf32>,
    tpu.vector_store %arg22[%swap3A_340, %swap3A_341], %broadcast_in_dim3A_3 {strides = array<i32>} : memref<64x16xf32, #tpu.memory_space<vmem>>, vector<16xf32>,
    %swap3A_343 = arith.constant 42 : i32
    %swap3A_344 = arith.index_cast %swap3A_343 : i32 to index
    %swap3A_345 = arith.constant 0 : index
    %swap3A_346 = tpu.vector_load %arg23[%swap3A_344, %swap3A_345] {strides = array<i32>} : memref<64x16xf32, #tpu.memory_space<vmem>>, vector<16xf32>,
    tpu.vector_store %arg23[%swap3A_344, %swap3A_345], %broadcast_in_dim3A_3 {strides = array<i32>} : memref<64x16xf32, #tpu.memory_space<vmem>>, vector<16xf32>,
    %swap3A_347 = arith.constant 43 : i32
    %swap3A_348 = arith.index_cast %swap3A_347 : i32 to index
    %swap3A_349 = arith.constant 0 : index
    %swap3A_350 = tpu.vector_load %arg22[%swap3A_348, %swap3A_349] {strides = array<i32>} : memref<64x16xf32, #tpu.memory_space<vmem>>, vector<16xf32>,
    tpu.vector_store %arg22[%swap3A_348, %swap3A_349], %broadcast_in_dim3A_3 {strides = array<i32>} : memref<64x16xf32, #tpu.memory_space<vmem>>, vector<16xf32>,
    %swap3A_351 = arith.constant 43 : i32
    %swap3A_352 = arith.index_cast %swap3A_351 : i32 to index
    %swap3A_353 = arith.constant 0 : index
    %swap3A_354 = tpu.vector_load %arg23[%swap3A_352, %swap3A_353] {strides = array<i32>} : memref<64x16xf32, #tpu.memory_space<vmem>>, vector<16xf32>,
    tpu.vector_store %arg23[%swap3A_352, %swap3A_353], %broadcast_in_dim3A_3 {strides = array<i32>} : memref<64x16xf32, #tpu.memory_space<vmem>>, vector<16xf32>,
    %swap3A_355 = arith.constant 44 : i32
    %swap3A_356 = arith.index_cast %swap3A_355 : i32 to index
    %swap3A_357 = arith.constant 0 : index
    %swap3A_358 = tpu.vector_load %arg22[%swap3A_356, %swap3A_357] {strides = array<i32>} : memref<64x16xf32, #tpu.memory_space<vmem>>, vector<16xf32>,
    tpu.vector_store %arg22[%swap3A_356, %swap3A_357], %broadcast_in_dim3A_3 {strides = array<i32>} : memref<64x16xf32, #tpu.memory_space<vmem>>, vector<16xf32>,
    %swap3A_359 = arith.constant 44 : i32
    %swap3A_360 = arith.index_cast %swap3A_359 : i32 to index
    %swap3A_361 = arith.constant 0 : index
    %swap3A_362 = tpu.vector_load %arg23[%swap3A_360, %swap3A_361] {strides = array<i32>} : memref<64x16xf32, #tpu.memory_space<vmem>>, vector<16xf32>,
    tpu.vector_store %arg23[%swap3A_360, %swap3A_361], %broadcast_in_dim3A_3 {strides = array<i32>} : memref<64x16xf32, #tpu.memory_space<vmem>>, vector<16xf32>,
    %swap3A_363 = arith.constant 45 : i32
    %swap3A_364 = arith.index_cast %swap3A_363 : i32 to index
    %swap3A_365 = arith.constant 0 : index
    %swap3A_366 = tpu.vector_load %arg22[%swap3A_364, %swap3A_365] {strides = array<i32>} : memref<64x16xf32, #tpu.memory_space<vmem>>, vector<16xf32>,
    tpu.vector_store %arg22[%swap3A_364, %swap3A_365], %broadcast_in_dim3A_3 {strides = array<i32>} : memref<64x16xf32, #tpu.memory_space<vmem>>, vector<16xf32>,
    %swap3A_367 = arith.constant 45 : i32
    %swap3A_368 = arith.index_cast %swap3A_367 : i32 to index
    %swap3A_369 = arith.constant 0 : index
    %swap3A_370 = tpu.vector_load %arg23[%swap3A_368, %swap3A_369] {strides = array<i32>} : memref<64x16xf32, #tpu.memory_space<vmem>>, vector<16xf32>,
    tpu.vector_store %arg23[%swap3A_368, %swap3A_369], %broadcast_in_dim3A_3 {strides = array<i32>} : memref<64x16xf32, #tpu.memory_space<vmem>>, vector<16xf32>,
    %swap3A_371 = arith.constant 46 : i32
    %swap3A_372 = arith.index_cast %swap3A_371 : i32 to index
    %swap3A_373 = arith.constant 0 : index
    %swap3A_374 = tpu.vector_load %arg22[%swap3A_372, %swap3A_373] {strides = array<i32>} : memref<64x16xf32, #tpu.memory_space<vmem>>, vector<16xf32>,
    tpu.vector_store %arg22[%swap3A_372, %swap3A_373], %broadcast_in_dim3A_3 {strides = array<i32>} : memref<64x16xf32, #tpu.memory_space<vmem>>, vector<16xf32>,
    %swap3A_375 = arith.constant 46 : i32
    %swap3A_376 = arith.index_cast %swap3A_375 : i32 to index
    %swap3A_377 = arith.constant 0 : index
    %swap3A_378 = tpu.vector_load %arg23[%swap3A_376, %swap3A_377] {strides = array<i32>} : memref<64x16xf32, #tpu.memory_space<vmem>>, vector<16xf32>,
    tpu.vector_store %arg23[%swap3A_376, %swap3A_377], %broadcast_in_dim3A_3 {strides = array<i32>} : memref<64x16xf32, #tpu.memory_space<vmem>>, vector<16xf32>,
    %swap3A_379 = arith.constant 47 : i32
    %swap3A_380 = arith.index_cast %swap3A_379 : i32 to index
    %swap3A_381 = arith.constant 0 : index
    %swap3A_382 = tpu.vector_load %arg22[%swap3A_380, %swap3A_381] {strides = array<i32>} : memref<64x16xf32, #tpu.memory_space<vmem>>, vector<16xf32>,
    tpu.vector_store %arg22[%swap3A_380, %swap3A_381], %broadcast_in_dim3A_3 {strides = array<i32>} : memref<64x16xf32, #tpu.memory_space<vmem>>, vector<16xf32>,
    %swap3A_383 = arith.constant 47 : i32
    %swap3A_384 = arith.index_cast %swap3A_383 : i32 to index
    %swap3A_385 = arith.constant 0 : index
    %swap3A_386 = tpu.vector_load %arg23[%swap3A_384, %swap3A_385] {strides = array<i32>} : memref<64x16xf32, #tpu.memory_space<vmem>>, vector<16xf32>,
    tpu.vector_store %arg23[%swap3A_384, %swap3A_385], %broadcast_in_dim3A_3 {strides = array<i32>} : memref<64x16xf32, #tpu.memory_space<vmem>>, vector<16xf32>,
    %swap3A_387 = arith.constant 48 : i32
    %swap3A_388 = arith.index_cast %swap3A_387 : i32 to index
    %swap3A_389 = arith.constant 0 : index
    %swap3A_390 = tpu.vector_load %arg22[%swap3A_388, %swap3A_389] {strides = array<i32>} : memref<64x16xf32, #tpu.memory_space<vmem>>, vector<16xf32>,
    tpu.vector_store %arg22[%swap3A_388, %swap3A_389], %broadcast_in_dim3A_3 {strides = array<i32>} : memref<64x16xf32, #tpu.memory_space<vmem>>, vector<16xf32>,
    %swap3A_391 = arith.constant 48 : i32
    %swap3A_392 = arith.index_cast %swap3A_391 : i32 to index
    %swap3A_393 = arith.constant 0 : index
    %swap3A_394 = tpu.vector_load %arg23[%swap3A_392, %swap3A_393] {strides = array<i32>} : memref<64x16xf32, #tpu.memory_space<vmem>>, vector<16xf32>,
    tpu.vector_store %arg23[%swap3A_392, %swap3A_393], %broadcast_in_dim3A_3 {strides = array<i32>} : memref<64x16xf32, #tpu.memory_space<vmem>>, vector<16xf32>,
    %swap3A_395 = arith.constant 49 : i32
    %swap3A_396 = arith.index_cast %swap3A_395 : i32 to index
    %swap3A_397 = arith.constant 0 : index
    %swap3A_398 = tpu.vector_load %arg22[%swap3A_396, %swap3A_397] {strides = array<i32>} : memref<64x16xf32, #tpu.memory_space<vmem>>, vector<16xf32>,
    tpu.vector_store %arg22[%swap3A_396, %swap3A_397], %broadcast_in_dim3A_3 {strides = array<i32>} : memref<64x16xf32, #tpu.memory_space<vmem>>, vector<16xf32>,
    %swap3A_399 = arith.constant 49 : i32
    %swap3A_400 = arith.index_cast %swap3A_399 : i32 to index
    %swap3A_401 = arith.constant 0 : index
    %swap3A_402 = tpu.vector_load %arg23[%swap3A_400, %swap3A_401] {strides = array<i32>} : memref<64x16xf32, #tpu.memory_space<vmem>>, vector<16xf32>,
    tpu.vector_store %arg23[%swap3A_400, %swap3A_401], %broadcast_in_dim3A_3 {strides = array<i32>} : memref<64x16xf32, #tpu.memory_space<vmem>>, vector<16xf32>,
    %swap3A_403 = arith.constant 50 : i32
    %swap3A_404 = arith.index_cast %swap3A_403 : i32 to index
    %swap3A_405 = arith.constant 0 : index
    %swap3A_406 = tpu.vector_load %arg22[%swap3A_404, %swap3A_405] {strides = array<i32>} : memref<64x16xf32, #tpu.memory_space<vmem>>, vector<16xf32>,
    tpu.vector_store %arg22[%swap3A_404, %swap3A_405], %broadcast_in_dim3A_3 {strides = array<i32>} : memref<64x16xf32, #tpu.memory_space<vmem>>, vector<16xf32>,
    %swap3A_407 = arith.constant 50 : i32
    %swap3A_408 = arith.index_cast %swap3A_407 : i32 to index
    %swap3A_409 = arith.constant 0 : index
    %swap3A_410 = tpu.vector_load %arg23[%swap3A_408, %swap3A_409] {strides = array<i32>} : memref<64x16xf32, #tpu.memory_space<vmem>>, vector<16xf32>,
    tpu.vector_store %arg23[%swap3A_408, %swap3A_409], %broadcast_in_dim3A_3 {strides = array<i32>} : memref<64x16xf32, #tpu.memory_space<vmem>>, vector<16xf32>,
    %swap3A_411 = arith.constant 51 : i32
    %swap3A_412 = arith.index_cast %swap3A_411 : i32 to index
    %swap3A_413 = arith.constant 0 : index
    %swap3A_414 = tpu.vector_load %arg22[%swap3A_412, %swap3A_413] {strides = array<i32>} : memref<64x16xf32, #tpu.memory_space<vmem>>, vector<16xf32>,
    tpu.vector_store %arg22[%swap3A_412, %swap3A_413], %broadcast_in_dim3A_3 {strides = array<i32>} : memref<64x16xf32, #tpu.memory_space<vmem>>, vector<16xf32>,
    %swap3A_415 = arith.constant 51 : i32
    %swap3A_416 = arith.index_cast %swap3A_415 : i32 to index
    %swap3A_417 = arith.constant 0 : index
    %swap3A_418 = tpu.vector_load %arg23[%swap3A_416, %swap3A_417] {strides = array<i32>} : memref<64x16xf32, #tpu.memory_space<vmem>>, vector<16xf32>,
    tpu.vector_store %arg23[%swap3A_416, %swap3A_417], %broadcast_in_dim3A_3 {strides = array<i32>} : memref<64x16xf32, #tpu.memory_space<vmem>>, vector<16xf32>,
    %swap3A_419 = arith.constant 52 : i32
    %swap3A_420 = arith.index_cast %swap3A_419 : i32 to index
    %swap3A_421 = arith.constant 0 : index
    %swap3A_422 = tpu.vector_load %arg22[%swap3A_420, %swap3A_421] {strides = array<i32>} : memref<64x16xf32, #tpu.memory_space<vmem>>, vector<16xf32>,
    tpu.vector_store %arg22[%swap3A_420, %swap3A_421], %broadcast_in_dim3A_3 {strides = array<i32>} : memref<64x16xf32, #tpu.memory_space<vmem>>, vector<16xf32>,
    %swap3A_423 = arith.constant 52 : i32
    %swap3A_424 = arith.index_cast %swap3A_423 : i32 to index
    %swap3A_425 = arith.constant 0 : index
    %swap3A_426 = tpu.vector_load %arg23[%swap3A_424, %swap3A_425] {strides = array<i32>} : memref<64x16xf32, #tpu.memory_space<vmem>>, vector<16xf32>,
    tpu.vector_store %arg23[%swap3A_424, %swap3A_425], %broadcast_in_dim3A_3 {strides = array<i32>} : memref<64x16xf32, #tpu.memory_space<vmem>>, vector<16xf32>,
    %swap3A_427 = arith.constant 53 : i32
    %swap3A_428 = arith.index_cast %swap3A_427 : i32 to index
    %swap3A_429 = arith.constant 0 : index
    %swap3A_430 = tpu.vector_load %arg22[%swap3A_428, %swap3A_429] {strides = array<i32>} : memref<64x16xf32, #tpu.memory_space<vmem>>, vector<16xf32>,
    tpu.vector_store %arg22[%swap3A_428, %swap3A_429], %broadcast_in_dim3A_3 {strides = array<i32>} : memref<64x16xf32, #tpu.memory_space<vmem>>, vector<16xf32>,
    %swap3A_431 = arith.constant 53 : i32
    %swap3A_432 = arith.index_cast %swap3A_431 : i32 to index
    %swap3A_433 = arith.constant 0 : index
    %swap3A_434 = tpu.vector_load %arg23[%swap3A_432, %swap3A_433] {strides = array<i32>} : memref<64x16xf32, #tpu.memory_space<vmem>>, vector<16xf32>,
    tpu.vector_store %arg23[%swap3A_432, %swap3A_433], %broadcast_in_dim3A_3 {strides = array<i32>} : memref<64x16xf32, #tpu.memory_space<vmem>>, vector<16xf32>,
    %swap3A_435 = arith.constant 54 : i32
    %swap3A_436 = arith.index_cast %swap3A_435 : i32 to index
    %swap3A_437 = arith.constant 0 : index
    %swap3A_438 = tpu.vector_load %arg22[%swap3A_436, %swap3A_437] {strides = array<i32>} : memref<64x16xf32, #tpu.memory_space<vmem>>, vector<16xf32>,
    tpu.vector_store %arg22[%swap3A_436, %swap3A_437], %broadcast_in_dim3A_3 {strides = array<i32>} : memref<64x16xf32, #tpu.memory_space<vmem>>, vector<16xf32>,
    %swap3A_439 = arith.constant 54 : i32
    %swap3A_440 = arith.index_cast %swap3A_439 : i32 to index
    %swap3A_441 = arith.constant 0 : index
    %swap3A_442 = tpu.vector_load %arg23[%swap3A_440, %swap3A_441] {strides = array<i32>} : memref<64x16xf32, #tpu.memory_space<vmem>>, vector<16xf32>,
    tpu.vector_store %arg23[%swap3A_440, %swap3A_441], %broadcast_in_dim3A_3 {strides = array<i32>} : memref<64x16xf32, #tpu.memory_space<vmem>>, vector<16xf32>,
    %swap3A_443 = arith.constant 55 : i32
    %swap3A_444 = arith.index_cast %swap3A_443 : i32 to index
    %swap3A_445 = arith.constant 0 : index
    %swap3A_446 = tpu.vector_load %arg22[%swap3A_444, %swap3A_445] {strides = array<i32>} : memref<64x16xf32, #tpu.memory_space<vmem>>, vector<16xf32>,
    tpu.vector_store %arg22[%swap3A_444, %swap3A_445], %broadcast_in_dim3A_3 {strides = array<i32>} : memref<64x16xf32, #tpu.memory_space<vmem>>, vector<16xf32>,
    %swap3A_447 = arith.constant 55 : i32
    %swap3A_448 = arith.index_cast %swap3A_447 : i32 to index
    %swap3A_449 = arith.constant 0 : index
    %swap3A_450 = tpu.vector_load %arg23[%swap3A_448, %swap3A_449] {strides = array<i32>} : memref<64x16xf32, #tpu.memory_space<vmem>>, vector<16xf32>,
    tpu.vector_store %arg23[%swap3A_448, %swap3A_449], %broadcast_in_dim3A_3 {strides = array<i32>} : memref<64x16xf32, #tpu.memory_space<vmem>>, vector<16xf32>,
    %swap3A_451 = arith.constant 56 : i32
    %swap3A_452 = arith.index_cast %swap3A_451 : i32 to index
    %swap3A_453 = arith.constant 0 : index
    %swap3A_454 = tpu.vector_load %arg22[%swap3A_452, %swap3A_453] {strides = array<i32>} : memref<64x16xf32, #tpu.memory_space<vmem>>, vector<16xf32>,
    tpu.vector_store %arg22[%swap3A_452, %swap3A_453], %broadcast_in_dim3A_3 {strides = array<i32>} : memref<64x16xf32, #tpu.memory_space<vmem>>, vector<16xf32>,
    %swap3A_455 = arith.constant 56 : i32
    %swap3A_456 = arith.index_cast %swap3A_455 : i32 to index
    %swap3A_457 = arith.constant 0 : index
    %swap3A_458 = tpu.vector_load %arg23[%swap3A_456, %swap3A_457] {strides = array<i32>} : memref<64x16xf32, #tpu.memory_space<vmem>>, vector<16xf32>,
    tpu.vector_store %arg23[%swap3A_456, %swap3A_457], %broadcast_in_dim3A_3 {strides = array<i32>} : memref<64x16xf32, #tpu.memory_space<vmem>>, vector<16xf32>,
    %swap3A_459 = arith.constant 57 : i32
    %swap3A_460 = arith.index_cast %swap3A_459 : i32 to index
    %swap3A_461 = arith.constant 0 : index
    %swap3A_462 = tpu.vector_load %arg22[%swap3A_460, %swap3A_461] {strides = array<i32>} : memref<64x16xf32, #tpu.memory_space<vmem>>, vector<16xf32>,
    tpu.vector_store %arg22[%swap3A_460, %swap3A_461], %broadcast_in_dim3A_3 {strides = array<i32>} : memref<64x16xf32, #tpu.memory_space<vmem>>, vector<16xf32>,
    %swap3A_463 = arith.constant 57 : i32
    %swap3A_464 = arith.index_cast %swap3A_463 : i32 to index
    %swap3A_465 = arith.constant 0 : index
    %swap3A_466 = tpu.vector_load %arg23[%swap3A_464, %swap3A_465] {strides = array<i32>} : memref<64x16xf32, #tpu.memory_space<vmem>>, vector<16xf32>,
    tpu.vector_store %arg23[%swap3A_464, %swap3A_465], %broadcast_in_dim3A_3 {strides = array<i32>} : memref<64x16xf32, #tpu.memory_space<vmem>>, vector<16xf32>,
    %swap3A_467 = arith.constant 58 : i32
    %swap3A_468 = arith.index_cast %swap3A_467 : i32 to index
    %swap3A_469 = arith.constant 0 : index
    %swap3A_470 = tpu.vector_load %arg22[%swap3A_468, %swap3A_469] {strides = array<i32>} : memref<64x16xf32, #tpu.memory_space<vmem>>, vector<16xf32>,
    tpu.vector_store %arg22[%swap3A_468, %swap3A_469], %broadcast_in_dim3A_3 {strides = array<i32>} : memref<64x16xf32, #tpu.memory_space<vmem>>, vector<16xf32>,
    %swap3A_471 = arith.constant 58 : i32
    %swap3A_472 = arith.index_cast %swap3A_471 : i32 to index
    %swap3A_473 = arith.constant 0 : index
    %swap3A_474 = tpu.vector_load %arg23[%swap3A_472, %swap3A_473] {strides = array<i32>} : memref<64x16xf32, #tpu.memory_space<vmem>>, vector<16xf32>,
    tpu.vector_store %arg23[%swap3A_472, %swap3A_473], %broadcast_in_dim3A_3 {strides = array<i32>} : memref<64x16xf32, #tpu.memory_space<vmem>>, vector<16xf32>,
    %swap3A_475 = arith.constant 59 : i32
    %swap3A_476 = arith.index_cast %swap3A_475 : i32 to index
    %swap3A_477 = arith.constant 0 : index
    %swap3A_478 = tpu.vector_load %arg22[%swap3A_476, %swap3A_477] {strides = array<i32>} : memref<64x16xf32, #tpu.memory_space<vmem>>, vector<16xf32>,
    tpu.vector_store %arg22[%swap3A_476, %swap3A_477], %broadcast_in_dim3A_3 {strides = array<i32>} : memref<64x16xf32, #tpu.memory_space<vmem>>, vector<16xf32>,
    %swap3A_479 = arith.constant 59 : i32
    %swap3A_480 = arith.index_cast %swap3A_479 : i32 to index
    %swap3A_481 = arith.constant 0 : index
    %swap3A_482 = tpu.vector_load %arg23[%swap3A_480, %swap3A_481] {strides = array<i32>} : memref<64x16xf32, #tpu.memory_space<vmem>>, vector<16xf32>,
    tpu.vector_store %arg23[%swap3A_480, %swap3A_481], %broadcast_in_dim3A_3 {strides = array<i32>} : memref<64x16xf32, #tpu.memory_space<vmem>>, vector<16xf32>,
    %swap3A_483 = arith.constant 60 : i32
    %swap3A_484 = arith.index_cast %swap3A_483 : i32 to index
    %swap3A_485 = arith.constant 0 : index
    %swap3A_486 = tpu.vector_load %arg22[%swap3A_484, %swap3A_485] {strides = array<i32>} : memref<64x16xf32, #tpu.memory_space<vmem>>, vector<16xf32>,
    tpu.vector_store %arg22[%swap3A_484, %swap3A_485], %broadcast_in_dim3A_3 {strides = array<i32>} : memref<64x16xf32, #tpu.memory_space<vmem>>, vector<16xf32>,
    %swap3A_487 = arith.constant 60 : i32
    %swap3A_488 = arith.index_cast %swap3A_487 : i32 to index
    %swap3A_489 = arith.constant 0 : index
    %swap3A_490 = tpu.vector_load %arg23[%swap3A_488, %swap3A_489] {strides = array<i32>} : memref<64x16xf32, #tpu.memory_space<vmem>>, vector<16xf32>,
    tpu.vector_store %arg23[%swap3A_488, %swap3A_489], %broadcast_in_dim3A_3 {strides = array<i32>} : memref<64x16xf32, #tpu.memory_space<vmem>>, vector<16xf32>,
    %swap3A_491 = arith.constant 61 : i32
    %swap3A_492 = arith.index_cast %swap3A_491 : i32 to index
    %swap3A_493 = arith.constant 0 : index
    %swap3A_494 = tpu.vector_load %arg22[%swap3A_492, %swap3A_493] {strides = array<i32>} : memref<64x16xf32, #tpu.memory_space<vmem>>, vector<16xf32>,
    tpu.vector_store %arg22[%swap3A_492, %swap3A_493], %broadcast_in_dim3A_3 {strides = array<i32>} : memref<64x16xf32, #tpu.memory_space<vmem>>, vector<16xf32>,
    %swap3A_495 = arith.constant 61 : i32
    %swap3A_496 = arith.index_cast %swap3A_495 : i32 to index
    %swap3A_497 = arith.constant 0 : index
    %swap3A_498 = tpu.vector_load %arg23[%swap3A_496, %swap3A_497] {strides = array<i32>} : memref<64x16xf32, #tpu.memory_space<vmem>>, vector<16xf32>,
    tpu.vector_store %arg23[%swap3A_496, %swap3A_497], %broadcast_in_dim3A_3 {strides = array<i32>} : memref<64x16xf32, #tpu.memory_space<vmem>>, vector<16xf32>,
    %swap3A_499 = arith.constant 62 : i32
    %swap3A_500 = arith.index_cast %swap3A_499 : i32 to index
    %swap3A_501 = arith.constant 0 : index
    %swap3A_502 = tpu.vector_load %arg22[%swap3A_500, %swap3A_501] {strides = array<i32>} : memref<64x16xf32, #tpu.memory_space<vmem>>, vector<16xf32>,
    tpu.vector_store %arg22[%swap3A_500, %swap3A_501], %broadcast_in_dim3A_3 {strides = array<i32>} : memref<64x16xf32, #tpu.memory_space<vmem>>, vector<16xf32>,
    %swap3A_503 = arith.constant 62 : i32
    %swap3A_504 = arith.index_cast %swap3A_503 : i32 to index
    %swap3A_505 = arith.constant 0 : index
    %swap3A_506 = tpu.vector_load %arg23[%swap3A_504, %swap3A_505] {strides = array<i32>} : memref<64x16xf32, #tpu.memory_space<vmem>>, vector<16xf32>,
    tpu.vector_store %arg23[%swap3A_504, %swap3A_505], %broadcast_in_dim3A_3 {strides = array<i32>} : memref<64x16xf32, #tpu.memory_space<vmem>>, vector<16xf32>,
    %swap3A_507 = arith.constant 63 : i32
    %swap3A_508 = arith.index_cast %swap3A_507 : i32 to index
    %swap3A_509 = arith.constant 0 : index
    %swap3A_510 = tpu.vector_load %arg22[%swap3A_508, %swap3A_509] {strides = array<i32>} : memref<64x16xf32, #tpu.memory_space<vmem>>, vector<16xf32>,
    tpu.vector_store %arg22[%swap3A_508, %swap3A_509], %broadcast_in_dim3A_3 {strides = array<i32>} : memref<64x16xf32, #tpu.memory_space<vmem>>, vector<16xf32>,
    %swap3A_511 = arith.constant 63 : i32
    %swap3A_512 = arith.index_cast %swap3A_511 : i32 to index
    %swap3A_513 = arith.constant 0 : index
    %swap3A_514 = tpu.vector_load %arg23[%swap3A_512, %swap3A_513] {strides = array<i32>} : memref<64x16xf32, #tpu.memory_space<vmem>>, vector<16xf32>,
    tpu.vector_store %arg23[%swap3A_512, %swap3A_513], %broadcast_in_dim3A_3 {strides = array<i32>} : memref<64x16xf32, #tpu.memory_space<vmem>>, vector<16xf32>,
    %iota3A = tpu.iota {dimensions = array<i32: 0>} : vector<16xi32>
    %broadcast_in_dim3A_515 = arith.constant 1.000000e+00 : f32
    %broadcast_in_dim3A_516 = vector.broadcast %broadcast_in_dim3A_515 : f32 to vector<16xf32>
    %add3A_517 = arith.constant 0 : i32
    %add3A_518 = arith.addi %mul3A_2, %add3A_517 : i32
    %dma_start3A = tpu.memref_slice %arg2[%add3A_518] : memref<2097152xf32, #tpu.memory_space<hbm>> -> memref<5120xf32, #tpu.memory_space<hbm>>
    %dma_start3A_519 = tpu.memref_slice %arg2[%add3A_518] : memref<2097152xf32, #tpu.memory_space<hbm>> -> memref<5120xf32, #tpu.memory_space<hbm>>
    tpu.enqueue_dma source(%dma_start3A_519 : memref<5120xf32, #tpu.memory_space<hbm>>) target(%arg6 : memref<5120xf32, #tpu.memory_space<vmem>>) target_semaphore(%arg8 : memref<!tpu.dma_semaphore, #tpu.memory_space<semaphore_mem>>)
    %dma_start3A_520 = tpu.memref_slice %arg3[%add3A_518] : memref<2097152xf32, #tpu.memory_space<hbm>> -> memref<5120xf32, #tpu.memory_space<hbm>>
    %dma_start3A_521 = tpu.memref_slice %arg3[%add3A_518] : memref<2097152xf32, #tpu.memory_space<hbm>> -> memref<5120xf32, #tpu.memory_space<hbm>>
    tpu.enqueue_dma source(%dma_start3A_521 : memref<5120xf32, #tpu.memory_space<hbm>>) target(%arg7 : memref<5120xf32, #tpu.memory_space<vmem>>) target_semaphore(%arg9 : memref<!tpu.dma_semaphore, #tpu.memory_space<semaphore_mem>>)
    %add3A_522 = arith.constant 5120 : i32
    %add3A_523 = arith.addi %mul3A_2, %add3A_522 : i32
    %dma_start3A_524 = tpu.memref_slice %arg2[%add3A_523] : memref<2097152xf32, #tpu.memory_space<hbm>> -> memref<5120xf32, #tpu.memory_space<hbm>>
    %dma_start3A_525 = tpu.memref_slice %arg2[%add3A_523] : memref<2097152xf32, #tpu.memory_space<hbm>> -> memref<5120xf32, #tpu.memory_space<hbm>>
    tpu.enqueue_dma source(%dma_start3A_525 : memref<5120xf32, #tpu.memory_space<hbm>>) target(%arg10 : memref<5120xf32, #tpu.memory_space<vmem>>) target_semaphore(%arg12 : memref<!tpu.dma_semaphore, #tpu.memory_space<semaphore_mem>>)
    %dma_start3A_526 = tpu.memref_slice %arg3[%add3A_523] : memref<2097152xf32, #tpu.memory_space<hbm>> -> memref<5120xf32, #tpu.memory_space<hbm>>
    %dma_start3A_527 = tpu.memref_slice %arg3[%add3A_523] : memref<2097152xf32, #tpu.memory_space<hbm>> -> memref<5120xf32, #tpu.memory_space<hbm>>
    tpu.enqueue_dma source(%dma_start3A_527 : memref<5120xf32, #tpu.memory_space<hbm>>) target(%arg11 : memref<5120xf32, #tpu.memory_space<vmem>>) target_semaphore(%arg13 : memref<!tpu.dma_semaphore, #tpu.memory_space<semaphore_mem>>)
    %add3A_528 = arith.constant 10240 : i32
    %add3A_529 = arith.addi %mul3A_2, %add3A_528 : i32
    %dma_start3A_530 = tpu.memref_slice %arg2[%add3A_529] : memref<2097152xf32, #tpu.memory_space<hbm>> -> memref<5120xf32, #tpu.memory_space<hbm>>
    %dma_start3A_531 = tpu.memref_slice %arg2[%add3A_529] : memref<2097152xf32, #tpu.memory_space<hbm>> -> memref<5120xf32, #tpu.memory_space<hbm>>
    tpu.enqueue_dma source(%dma_start3A_531 : memref<5120xf32, #tpu.memory_space<hbm>>) target(%arg14 : memref<5120xf32, #tpu.memory_space<vmem>>) target_semaphore(%arg16 : memref<!tpu.dma_semaphore, #tpu.memory_space<semaphore_mem>>)
    %dma_start3A_532 = tpu.memref_slice %arg3[%add3A_529] : memref<2097152xf32, #tpu.memory_space<hbm>> -> memref<5120xf32, #tpu.memory_space<hbm>>
    %dma_start3A_533 = tpu.memref_slice %arg3[%add3A_529] : memref<2097152xf32, #tpu.memory_space<hbm>> -> memref<5120xf32, #tpu.memory_space<hbm>>
    tpu.enqueue_dma source(%dma_start3A_533 : memref<5120xf32, #tpu.memory_space<hbm>>) target(%arg15 : memref<5120xf32, #tpu.memory_space<vmem>>) target_semaphore(%arg17 : memref<!tpu.dma_semaphore, #tpu.memory_space<semaphore_mem>>)
    %add3A_534 = arith.constant 15360 : i32
    %add3A_535 = arith.addi %mul3A_2, %add3A_534 : i32
    %dma_start3A_536 = tpu.memref_slice %arg2[%add3A_535] : memref<2097152xf32, #tpu.memory_space<hbm>> -> memref<5120xf32, #tpu.memory_space<hbm>>
    %dma_start3A_537 = tpu.memref_slice %arg2[%add3A_535] : memref<2097152xf32, #tpu.memory_space<hbm>> -> memref<5120xf32, #tpu.memory_space<hbm>>
    tpu.enqueue_dma source(%dma_start3A_537 : memref<5120xf32, #tpu.memory_space<hbm>>) target(%arg18 : memref<5120xf32, #tpu.memory_space<vmem>>) target_semaphore(%arg20 : memref<!tpu.dma_semaphore, #tpu.memory_space<semaphore_mem>>)
    %dma_start3A_538 = tpu.memref_slice %arg3[%add3A_535] : memref<2097152xf32, #tpu.memory_space<hbm>> -> memref<5120xf32, #tpu.memory_space<hbm>>
    %dma_start3A_539 = tpu.memref_slice %arg3[%add3A_535] : memref<2097152xf32, #tpu.memory_space<hbm>> -> memref<5120xf32, #tpu.memory_space<hbm>>
    tpu.enqueue_dma source(%dma_start3A_539 : memref<5120xf32, #tpu.memory_space<hbm>>) target(%arg19 : memref<5120xf32, #tpu.memory_space<vmem>>) target_semaphore(%arg21 : memref<!tpu.dma_semaphore, #tpu.memory_space<semaphore_mem>>)
    %dma_wait3A = tpu.memref_slice %arg2[%add3A_518] : memref<2097152xf32, #tpu.memory_space<hbm>> -> memref<5120xf32, #tpu.memory_space<hbm>>
    %dma_wait3A_540 = tpu.memref_slice %arg2[%add3A_518] : memref<2097152xf32, #tpu.memory_space<hbm>> -> memref<5120xf32, #tpu.memory_space<hbm>>
    tpu.wait_dma2 semaphore(%arg8 : memref<!tpu.dma_semaphore, #tpu.memory_space<semaphore_mem>>) src(%dma_wait3A_540 : memref<5120xf32, #tpu.memory_space<hbm>>) dst(%arg6 : memref<5120xf32, #tpu.memory_space<vmem>>)
    %dma_wait3A_541 = tpu.memref_slice %arg3[%add3A_518] : memref<2097152xf32, #tpu.memory_space<hbm>> -> memref<5120xf32, #tpu.memory_space<hbm>>
    %dma_wait3A_542 = tpu.memref_slice %arg3[%add3A_518] : memref<2097152xf32, #tpu.memory_space<hbm>> -> memref<5120xf32, #tpu.memory_space<hbm>>
    tpu.wait_dma2 semaphore(%arg9 : memref<!tpu.dma_semaphore, #tpu.memory_space<semaphore_mem>>) src(%dma_wait3A_542 : memref<5120xf32, #tpu.memory_space<hbm>>) dst(%arg7 : memref<5120xf32, #tpu.memory_space<vmem>>)
    %scan3A = arith.constant 0 : i32
    %scan3A_543 = arith.constant 0 : i32
    %scan3A_544 = arith.constant 40 : i32
    %scan3A_545 = arith.addi %scan3A_543, %scan3A_544 : i32
    %scan3A_546 = arith.constant 1 : i32
    %scan3A_547 = scf.for %scan3A_684 = %scan3A_543 to %scan3A_545 step %scan3A_546 iter_args(%scan3A_685 = %scan3A) -> (i32)  : i32 {
      %mul3A_686 = arith.constant 128 : i32
      %mul3A_687 = arith.muli %scan3A_684, %mul3A_686 : i32
      %add3A_688 = arith.constant 0 : i32
      %add3A_689 = arith.addi %mul3A_687, %add3A_688 : i32
      %get3A = arith.index_cast %add3A_689 : i32 to index
      %get3A_690 = tpu.vector_load %arg7[%get3A] {strides = array<i32>} : memref<5120xf32, #tpu.memory_space<vmem>>, vector<16xf32>,
      %add3A_691 = arith.constant 16 : i32
      %add3A_692 = arith.addi %mul3A_687, %add3A_691 : i32
      %get3A_693 = arith.index_cast %add3A_692 : i32 to index
      %get3A_694 = tpu.vector_load %arg7[%get3A_693] {strides = array<i32>} : memref<5120xf32, #tpu.memory_space<vmem>>, vector<16xf32>,
      %add3A_695 = arith.constant 32 : i32
      %add3A_696 = arith.addi %mul3A_687, %add3A_695 : i32
      %get3A_697 = arith.index_cast %add3A_696 : i32 to index
      %get3A_698 = tpu.vector_load %arg7[%get3A_697] {strides = array<i32>} : memref<5120xf32, #tpu.memory_space<vmem>>, vector<16xf32>,
      %add3A_699 = arith.constant 48 : i32
      %add3A_700 = arith.addi %mul3A_687, %add3A_699 : i32
      %get3A_701 = arith.index_cast %add3A_700 : i32 to index
      %get3A_702 = tpu.vector_load %arg7[%get3A_701] {strides = array<i32>} : memref<5120xf32, #tpu.memory_space<vmem>>, vector<16xf32>,
      %add3A_703 = arith.constant 64 : i32
      %add3A_704 = arith.addi %mul3A_687, %add3A_703 : i32
      %get3A_705 = arith.index_cast %add3A_704 : i32 to index
      %get3A_706 = tpu.vector_load %arg7[%get3A_705] {strides = array<i32>} : memref<5120xf32, #tpu.memory_space<vmem>>, vector<16xf32>,
      %add3A_707 = arith.constant 80 : i32
      %add3A_708 = arith.addi %mul3A_687, %add3A_707 : i32
      %get3A_709 = arith.index_cast %add3A_708 : i32 to index
      %get3A_710 = tpu.vector_load %arg7[%get3A_709] {strides = array<i32>} : memref<5120xf32, #tpu.memory_space<vmem>>, vector<16xf32>,
      %add3A_711 = arith.constant 96 : i32
      %add3A_712 = arith.addi %mul3A_687, %add3A_711 : i32
      %get3A_713 = arith.index_cast %add3A_712 : i32 to index
      %get3A_714 = tpu.vector_load %arg7[%get3A_713] {strides = array<i32>} : memref<5120xf32, #tpu.memory_space<vmem>>, vector<16xf32>,
      %add3A_715 = arith.constant 112 : i32
      %add3A_716 = arith.addi %mul3A_687, %add3A_715 : i32
      %get3A_717 = arith.index_cast %add3A_716 : i32 to index
      %get3A_718 = tpu.vector_load %arg7[%get3A_717] {strides = array<i32>} : memref<5120xf32, #tpu.memory_space<vmem>>, vector<16xf32>,
      %add3A_719 = arith.constant 0 : i32
      %add3A_720 = arith.addi %mul3A_687, %add3A_719 : i32
      %get3A_721 = arith.index_cast %add3A_720 : i32 to index
      %get3A_722 = tpu.vector_load %arg6[%get3A_721] {strides = array<i32>} : memref<5120xf32, #tpu.memory_space<vmem>>, vector<16xf32>,
      %add3A_723 = arith.constant 16 : i32
      %add3A_724 = arith.addi %mul3A_687, %add3A_723 : i32
      %get3A_725 = arith.index_cast %add3A_724 : i32 to index
      %get3A_726 = tpu.vector_load %arg6[%get3A_725] {strides = array<i32>} : memref<5120xf32, #tpu.memory_space<vmem>>, vector<16xf32>,
      %add3A_727 = arith.constant 32 : i32
      %add3A_728 = arith.addi %mul3A_687, %add3A_727 : i32
      %get3A_729 = arith.index_cast %add3A_728 : i32 to index
      %get3A_730 = tpu.vector_load %arg6[%get3A_729] {strides = array<i32>} : memref<5120xf32, #tpu.memory_space<vmem>>, vector<16xf32>,
      %add3A_731 = arith.constant 48 : i32
      %add3A_732 = arith.addi %mul3A_687, %add3A_731 : i32
      %get3A_733 = arith.index_cast %add3A_732 : i32 to index
      %get3A_734 = tpu.vector_load %arg6[%get3A_733] {strides = array<i32>} : memref<5120xf32, #tpu.memory_space<vmem>>, vector<16xf32>,
      %add3A_735 = arith.constant 64 : i32
      %add3A_736 = arith.addi %mul3A_687, %add3A_735 : i32
      %get3A_737 = arith.index_cast %add3A_736 : i32 to index
      %get3A_738 = tpu.vector_load %arg6[%get3A_737] {strides = array<i32>} : memref<5120xf32, #tpu.memory_space<vmem>>, vector<16xf32>,
      %add3A_739 = arith.constant 80 : i32
      %add3A_740 = arith.addi %mul3A_687, %add3A_739 : i32
      %get3A_741 = arith.index_cast %add3A_740 : i32 to index
      %get3A_742 = tpu.vector_load %arg6[%get3A_741] {strides = array<i32>} : memref<5120xf32, #tpu.memory_space<vmem>>, vector<16xf32>,
      %add3A_743 = arith.constant 96 : i32
      %add3A_744 = arith.addi %mul3A_687, %add3A_743 : i32
      %get3A_745 = arith.index_cast %add3A_744 : i32 to index
      %get3A_746 = tpu.vector_load %arg6[%get3A_745] {strides = array<i32>} : memref<5120xf32, #tpu.memory_space<vmem>>, vector<16xf32>,
      %add3A_747 = arith.constant 112 : i32
      %add3A_748 = arith.addi %mul3A_687, %add3A_747 : i32
      %get3A_749 = arith.index_cast %add3A_748 : i32 to index
      %get3A_750 = tpu.vector_load %arg6[%get3A_749] {strides = array<i32>} : memref<5120xf32, #tpu.memory_space<vmem>>, vector<16xf32>,
      %mul3A_751 = arith.constant 6.400000e+01 : f32
      %mul3A_752 = vector.broadcast %mul3A_751 : f32 to vector<16xf32>
      %mul3A_753 = arith.mulf %get3A_690, %mul3A_752 : vector<16xf32>
      %convert_element_type3A = arith.fptosi %mul3A_753 : vector<16xf32> to vector<16xi32>
      %mul3A_754 = arith.constant 6.400000e+01 : f32
      %mul3A_755 = vector.broadcast %mul3A_754 : f32 to vector<16xf32>
      %mul3A_756 = arith.mulf %get3A_694, %mul3A_755 : vector<16xf32>
      %convert_element_type3A_757 = arith.fptosi %mul3A_756 : vector<16xf32> to vector<16xi32>
      %mul3A_758 = arith.constant 6.400000e+01 : f32
      %mul3A_759 = vector.broadcast %mul3A_758 : f32 to vector<16xf32>
      %mul3A_760 = arith.mulf %get3A_698, %mul3A_759 : vector<16xf32>
      %convert_element_type3A_761 = arith.fptosi %mul3A_760 : vector<16xf32> to vector<16xi32>
      %mul3A_762 = arith.constant 6.400000e+01 : f32
      %mul3A_763 = vector.broadcast %mul3A_762 : f32 to vector<16xf32>
      %mul3A_764 = arith.mulf %get3A_702, %mul3A_763 : vector<16xf32>
      %convert_element_type3A_765 = arith.fptosi %mul3A_764 : vector<16xf32> to vector<16xi32>
      %mul3A_766 = arith.constant 6.400000e+01 : f32
      %mul3A_767 = vector.broadcast %mul3A_766 : f32 to vector<16xf32>
      %mul3A_768 = arith.mulf %get3A_706, %mul3A_767 : vector<16xf32>
      %convert_element_type3A_769 = arith.fptosi %mul3A_768 : vector<16xf32> to vector<16xi32>
      %mul3A_770 = arith.constant 6.400000e+01 : f32
      %mul3A_771 = vector.broadcast %mul3A_770 : f32 to vector<16xf32>
      %mul3A_772 = arith.mulf %get3A_710, %mul3A_771 : vector<16xf32>
      %convert_element_type3A_773 = arith.fptosi %mul3A_772 : vector<16xf32> to vector<16xi32>
      %mul3A_774 = arith.constant 6.400000e+01 : f32
      %mul3A_775 = vector.broadcast %mul3A_774 : f32 to vector<16xf32>
      %mul3A_776 = arith.mulf %get3A_714, %mul3A_775 : vector<16xf32>
      %convert_element_type3A_777 = arith.fptosi %mul3A_776 : vector<16xf32> to vector<16xi32>
      %mul3A_778 = arith.constant 6.400000e+01 : f32
      %mul3A_779 = vector.broadcast %mul3A_778 : f32 to vector<16xf32>
      %mul3A_780 = arith.mulf %get3A_718, %mul3A_779 : vector<16xf32>
      %convert_element_type3A_781 = arith.fptosi %mul3A_780 : vector<16xf32> to vector<16xi32>
      %sub3A = arith.subf %get3A_690, %get3A_722 : vector<16xf32>
      %sub3A_782 = arith.subf %get3A_694, %get3A_726 : vector<16xf32>
      %sub3A_783 = arith.subf %get3A_698, %get3A_730 : vector<16xf32>
      %sub3A_784 = arith.subf %get3A_702, %get3A_734 : vector<16xf32>
      %sub3A_785 = arith.subf %get3A_706, %get3A_738 : vector<16xf32>
      %sub3A_786 = arith.subf %get3A_710, %get3A_742 : vector<16xf32>
      %sub3A_787 = arith.subf %get3A_714, %get3A_746 : vector<16xf32>
      %sub3A_788 = arith.subf %get3A_718, %get3A_750 : vector<16xf32>
      tpu.vector_store_idx %arg22[%convert_element_type3A, %iota3A], %broadcast_in_dim3A_516 {add = true} : memref<64x16xf32, #tpu.memory_space<vmem>>[vector<16xi32>, vector<16xi32>], vector<16xf32>,
      tpu.vector_store_idx %arg23[%convert_element_type3A, %iota3A], %sub3A {add = true} : memref<64x16xf32, #tpu.memory_space<vmem>>[vector<16xi32>, vector<16xi32>], vector<16xf32>,
      tpu.vector_store_idx %arg22[%convert_element_type3A_757, %iota3A], %broadcast_in_dim3A_516 {add = true} : memref<64x16xf32, #tpu.memory_space<vmem>>[vector<16xi32>, vector<16xi32>], vector<16xf32>,
      tpu.vector_store_idx %arg23[%convert_element_type3A_757, %iota3A], %sub3A_782 {add = true} : memref<64x16xf32, #tpu.memory_space<vmem>>[vector<16xi32>, vector<16xi32>], vector<16xf32>,
      tpu.vector_store_idx %arg22[%convert_element_type3A_761, %iota3A], %broadcast_in_dim3A_516 {add = true} : memref<64x16xf32, #tpu.memory_space<vmem>>[vector<16xi32>, vector<16xi32>], vector<16xf32>,
      tpu.vector_store_idx %arg23[%convert_element_type3A_761, %iota3A], %sub3A_783 {add = true} : memref<64x16xf32, #tpu.memory_space<vmem>>[vector<16xi32>, vector<16xi32>], vector<16xf32>,
      tpu.vector_store_idx %arg22[%convert_element_type3A_765, %iota3A], %broadcast_in_dim3A_516 {add = true} : memref<64x16xf32, #tpu.memory_space<vmem>>[vector<16xi32>, vector<16xi32>], vector<16xf32>,
      tpu.vector_store_idx %arg23[%convert_element_type3A_765, %iota3A], %sub3A_784 {add = true} : memref<64x16xf32, #tpu.memory_space<vmem>>[vector<16xi32>, vector<16xi32>], vector<16xf32>,
      tpu.vector_store_idx %arg22[%convert_element_type3A_769, %iota3A], %broadcast_in_dim3A_516 {add = true} : memref<64x16xf32, #tpu.memory_space<vmem>>[vector<16xi32>, vector<16xi32>], vector<16xf32>,
      tpu.vector_store_idx %arg23[%convert_element_type3A_769, %iota3A], %sub3A_785 {add = true} : memref<64x16xf32, #tpu.memory_space<vmem>>[vector<16xi32>, vector<16xi32>], vector<16xf32>,
      tpu.vector_store_idx %arg22[%convert_element_type3A_773, %iota3A], %broadcast_in_dim3A_516 {add = true} : memref<64x16xf32, #tpu.memory_space<vmem>>[vector<16xi32>, vector<16xi32>], vector<16xf32>,
      tpu.vector_store_idx %arg23[%convert_element_type3A_773, %iota3A], %sub3A_786 {add = true} : memref<64x16xf32, #tpu.memory_space<vmem>>[vector<16xi32>, vector<16xi32>], vector<16xf32>,
      tpu.vector_store_idx %arg22[%convert_element_type3A_777, %iota3A], %broadcast_in_dim3A_516 {add = true} : memref<64x16xf32, #tpu.memory_space<vmem>>[vector<16xi32>, vector<16xi32>], vector<16xf32>,
      tpu.vector_store_idx %arg23[%convert_element_type3A_777, %iota3A], %sub3A_787 {add = true} : memref<64x16xf32, #tpu.memory_space<vmem>>[vector<16xi32>, vector<16xi32>], vector<16xf32>,
      tpu.vector_store_idx %arg22[%convert_element_type3A_781, %iota3A], %broadcast_in_dim3A_516 {add = true} : memref<64x16xf32, #tpu.memory_space<vmem>>[vector<16xi32>, vector<16xi32>], vector<16xf32>,
      tpu.vector_store_idx %arg23[%convert_element_type3A_781, %iota3A], %sub3A_788 {add = true} : memref<64x16xf32, #tpu.memory_space<vmem>>[vector<16xi32>, vector<16xi32>], vector<16xf32>,
      %scan3A_789 = arith.constant 0 : i32
      scf.yield %scan3A_789 : i32
    }
    %scan3A_548 = arith.constant 40 : i32
    %add3A_549 = arith.constant 20480 : i32
    %add3A_550 = arith.addi %mul3A_2, %add3A_549 : i32
    %dma_start3A_551 = tpu.memref_slice %arg2[%add3A_550] : memref<2097152xf32, #tpu.memory_space<hbm>> -> memref<5120xf32, #tpu.memory_space<hbm>>
    %dma_start3A_552 = tpu.memref_slice %arg2[%add3A_550] : memref<2097152xf32, #tpu.memory_space<hbm>> -> memref<5120xf32, #tpu.memory_space<hbm>>
    tpu.enqueue_dma source(%dma_start3A_552 : memref<5120xf32, #tpu.memory_space<hbm>>) target(%arg6 : memref<5120xf32, #tpu.memory_space<vmem>>) target_semaphore(%arg8 : memref<!tpu.dma_semaphore, #tpu.memory_space<semaphore_mem>>)
    %dma_start3A_553 = tpu.memref_slice %arg3[%add3A_550] : memref<2097152xf32, #tpu.memory_space<hbm>> -> memref<5120xf32, #tpu.memory_space<hbm>>
    %dma_start3A_554 = tpu.memref_slice %arg3[%add3A_550] : memref<2097152xf32, #tpu.memory_space<hbm>> -> memref<5120xf32, #tpu.memory_space<hbm>>
    tpu.enqueue_dma source(%dma_start3A_554 : memref<5120xf32, #tpu.memory_space<hbm>>) target(%arg7 : memref<5120xf32, #tpu.memory_space<vmem>>) target_semaphore(%arg9 : memref<!tpu.dma_semaphore, #tpu.memory_space<semaphore_mem>>)
    %dma_wait3A_555 = tpu.memref_slice %arg2[%add3A_523] : memref<2097152xf32, #tpu.memory_space<hbm>> -> memref<5120xf32, #tpu.memory_space<hbm>>
    %dma_wait3A_556 = tpu.memref_slice %arg2[%add3A_523] : memref<2097152xf32, #tpu.memory_space<hbm>> -> memref<5120xf32, #tpu.memory_space<hbm>>
    tpu.wait_dma2 semaphore(%arg12 : memref<!tpu.dma_semaphore, #tpu.memory_space<semaphore_mem>>) src(%dma_wait3A_556 : memref<5120xf32, #tpu.memory_space<hbm>>) dst(%arg10 : memref<5120xf32, #tpu.memory_space<vmem>>)
    %dma_wait3A_557 = tpu.memref_slice %arg3[%add3A_523] : memref<2097152xf32, #tpu.memory_space<hbm>> -> memref<5120xf32, #tpu.memory_space<hbm>>
    %dma_wait3A_558 = tpu.memref_slice %arg3[%add3A_523] : memref<2097152xf32, #tpu.memory_space<hbm>> -> memref<5120xf32, #tpu.memory_space<hbm>>
    tpu.wait_dma2 semaphore(%arg13 : memref<!tpu.dma_semaphore, #tpu.memory_space<semaphore_mem>>) src(%dma_wait3A_558 : memref<5120xf32, #tpu.memory_space<hbm>>) dst(%arg11 : memref<5120xf32, #tpu.memory_space<vmem>>)
    %scan3A_559 = arith.constant 0 : i32
    %scan3A_560 = arith.constant 0 : i32
    %scan3A_561 = arith.constant 40 : i32
    %scan3A_562 = arith.addi %scan3A_560, %scan3A_561 : i32
    %scan3A_563 = arith.constant 1 : i32
    %scan3A_564 = scf.for %scan3A_684 = %scan3A_560 to %scan3A_562 step %scan3A_563 iter_args(%scan3A_685 = %scan3A_559) -> (i32)  : i32 {
      %mul3A_686 = arith.constant 128 : i32
      %mul3A_687 = arith.muli %scan3A_684, %mul3A_686 : i32
      %add3A_688 = arith.constant 0 : i32
      %add3A_689 = arith.addi %mul3A_687, %add3A_688 : i32
      %get3A = arith.index_cast %add3A_689 : i32 to index
      %get3A_690 = tpu.vector_load %arg11[%get3A] {strides = array<i32>} : memref<5120xf32, #tpu.memory_space<vmem>>, vector<16xf32>,
      %add3A_691 = arith.constant 16 : i32
      %add3A_692 = arith.addi %mul3A_687, %add3A_691 : i32
      %get3A_693 = arith.index_cast %add3A_692 : i32 to index
      %get3A_694 = tpu.vector_load %arg11[%get3A_693] {strides = array<i32>} : memref<5120xf32, #tpu.memory_space<vmem>>, vector<16xf32>,
      %add3A_695 = arith.constant 32 : i32
      %add3A_696 = arith.addi %mul3A_687, %add3A_695 : i32
      %get3A_697 = arith.index_cast %add3A_696 : i32 to index
      %get3A_698 = tpu.vector_load %arg11[%get3A_697] {strides = array<i32>} : memref<5120xf32, #tpu.memory_space<vmem>>, vector<16xf32>,
      %add3A_699 = arith.constant 48 : i32
      %add3A_700 = arith.addi %mul3A_687, %add3A_699 : i32
      %get3A_701 = arith.index_cast %add3A_700 : i32 to index
      %get3A_702 = tpu.vector_load %arg11[%get3A_701] {strides = array<i32>} : memref<5120xf32, #tpu.memory_space<vmem>>, vector<16xf32>,
      %add3A_703 = arith.constant 64 : i32
      %add3A_704 = arith.addi %mul3A_687, %add3A_703 : i32
      %get3A_705 = arith.index_cast %add3A_704 : i32 to index
      %get3A_706 = tpu.vector_load %arg11[%get3A_705] {strides = array<i32>} : memref<5120xf32, #tpu.memory_space<vmem>>, vector<16xf32>,
      %add3A_707 = arith.constant 80 : i32
      %add3A_708 = arith.addi %mul3A_687, %add3A_707 : i32
      %get3A_709 = arith.index_cast %add3A_708 : i32 to index
      %get3A_710 = tpu.vector_load %arg11[%get3A_709] {strides = array<i32>} : memref<5120xf32, #tpu.memory_space<vmem>>, vector<16xf32>,
      %add3A_711 = arith.constant 96 : i32
      %add3A_712 = arith.addi %mul3A_687, %add3A_711 : i32
      %get3A_713 = arith.index_cast %add3A_712 : i32 to index
      %get3A_714 = tpu.vector_load %arg11[%get3A_713] {strides = array<i32>} : memref<5120xf32, #tpu.memory_space<vmem>>, vector<16xf32>,
      %add3A_715 = arith.constant 112 : i32
      %add3A_716 = arith.addi %mul3A_687, %add3A_715 : i32
      %get3A_717 = arith.index_cast %add3A_716 : i32 to index
      %get3A_718 = tpu.vector_load %arg11[%get3A_717] {strides = array<i32>} : memref<5120xf32, #tpu.memory_space<vmem>>, vector<16xf32>,
      %add3A_719 = arith.constant 0 : i32
      %add3A_720 = arith.addi %mul3A_687, %add3A_719 : i32
      %get3A_721 = arith.index_cast %add3A_720 : i32 to index
      %get3A_722 = tpu.vector_load %arg10[%get3A_721] {strides = array<i32>} : memref<5120xf32, #tpu.memory_space<vmem>>, vector<16xf32>,
      %add3A_723 = arith.constant 16 : i32
      %add3A_724 = arith.addi %mul3A_687, %add3A_723 : i32
      %get3A_725 = arith.index_cast %add3A_724 : i32 to index
      %get3A_726 = tpu.vector_load %arg10[%get3A_725] {strides = array<i32>} : memref<5120xf32, #tpu.memory_space<vmem>>, vector<16xf32>,
      %add3A_727 = arith.constant 32 : i32
      %add3A_728 = arith.addi %mul3A_687, %add3A_727 : i32
      %get3A_729 = arith.index_cast %add3A_728 : i32 to index
      %get3A_730 = tpu.vector_load %arg10[%get3A_729] {strides = array<i32>} : memref<5120xf32, #tpu.memory_space<vmem>>, vector<16xf32>,
      %add3A_731 = arith.constant 48 : i32
      %add3A_732 = arith.addi %mul3A_687, %add3A_731 : i32
      %get3A_733 = arith.index_cast %add3A_732 : i32 to index
      %get3A_734 = tpu.vector_load %arg10[%get3A_733] {strides = array<i32>} : memref<5120xf32, #tpu.memory_space<vmem>>, vector<16xf32>,
      %add3A_735 = arith.constant 64 : i32
      %add3A_736 = arith.addi %mul3A_687, %add3A_735 : i32
      %get3A_737 = arith.index_cast %add3A_736 : i32 to index
      %get3A_738 = tpu.vector_load %arg10[%get3A_737] {strides = array<i32>} : memref<5120xf32, #tpu.memory_space<vmem>>, vector<16xf32>,
      %add3A_739 = arith.constant 80 : i32
      %add3A_740 = arith.addi %mul3A_687, %add3A_739 : i32
      %get3A_741 = arith.index_cast %add3A_740 : i32 to index
      %get3A_742 = tpu.vector_load %arg10[%get3A_741] {strides = array<i32>} : memref<5120xf32, #tpu.memory_space<vmem>>, vector<16xf32>,
      %add3A_743 = arith.constant 96 : i32
      %add3A_744 = arith.addi %mul3A_687, %add3A_743 : i32
      %get3A_745 = arith.index_cast %add3A_744 : i32 to index
      %get3A_746 = tpu.vector_load %arg10[%get3A_745] {strides = array<i32>} : memref<5120xf32, #tpu.memory_space<vmem>>, vector<16xf32>,
      %add3A_747 = arith.constant 112 : i32
      %add3A_748 = arith.addi %mul3A_687, %add3A_747 : i32
      %get3A_749 = arith.index_cast %add3A_748 : i32 to index
      %get3A_750 = tpu.vector_load %arg10[%get3A_749] {strides = array<i32>} : memref<5120xf32, #tpu.memory_space<vmem>>, vector<16xf32>,
      %mul3A_751 = arith.constant 6.400000e+01 : f32
      %mul3A_752 = vector.broadcast %mul3A_751 : f32 to vector<16xf32>
      %mul3A_753 = arith.mulf %get3A_690, %mul3A_752 : vector<16xf32>
      %convert_element_type3A = arith.fptosi %mul3A_753 : vector<16xf32> to vector<16xi32>
      %mul3A_754 = arith.constant 6.400000e+01 : f32
      %mul3A_755 = vector.broadcast %mul3A_754 : f32 to vector<16xf32>
      %mul3A_756 = arith.mulf %get3A_694, %mul3A_755 : vector<16xf32>
      %convert_element_type3A_757 = arith.fptosi %mul3A_756 : vector<16xf32> to vector<16xi32>
      %mul3A_758 = arith.constant 6.400000e+01 : f32
      %mul3A_759 = vector.broadcast %mul3A_758 : f32 to vector<16xf32>
      %mul3A_760 = arith.mulf %get3A_698, %mul3A_759 : vector<16xf32>
      %convert_element_type3A_761 = arith.fptosi %mul3A_760 : vector<16xf32> to vector<16xi32>
      %mul3A_762 = arith.constant 6.400000e+01 : f32
      %mul3A_763 = vector.broadcast %mul3A_762 : f32 to vector<16xf32>
      %mul3A_764 = arith.mulf %get3A_702, %mul3A_763 : vector<16xf32>
      %convert_element_type3A_765 = arith.fptosi %mul3A_764 : vector<16xf32> to vector<16xi32>
      %mul3A_766 = arith.constant 6.400000e+01 : f32
      %mul3A_767 = vector.broadcast %mul3A_766 : f32 to vector<16xf32>
      %mul3A_768 = arith.mulf %get3A_706, %mul3A_767 : vector<16xf32>
      %convert_element_type3A_769 = arith.fptosi %mul3A_768 : vector<16xf32> to vector<16xi32>
      %mul3A_770 = arith.constant 6.400000e+01 : f32
      %mul3A_771 = vector.broadcast %mul3A_770 : f32 to vector<16xf32>
      %mul3A_772 = arith.mulf %get3A_710, %mul3A_771 : vector<16xf32>
      %convert_element_type3A_773 = arith.fptosi %mul3A_772 : vector<16xf32> to vector<16xi32>
      %mul3A_774 = arith.constant 6.400000e+01 : f32
      %mul3A_775 = vector.broadcast %mul3A_774 : f32 to vector<16xf32>
      %mul3A_776 = arith.mulf %get3A_714, %mul3A_775 : vector<16xf32>
      %convert_element_type3A_777 = arith.fptosi %mul3A_776 : vector<16xf32> to vector<16xi32>
      %mul3A_778 = arith.constant 6.400000e+01 : f32
      %mul3A_779 = vector.broadcast %mul3A_778 : f32 to vector<16xf32>
      %mul3A_780 = arith.mulf %get3A_718, %mul3A_779 : vector<16xf32>
      %convert_element_type3A_781 = arith.fptosi %mul3A_780 : vector<16xf32> to vector<16xi32>
      %sub3A = arith.subf %get3A_690, %get3A_722 : vector<16xf32>
      %sub3A_782 = arith.subf %get3A_694, %get3A_726 : vector<16xf32>
      %sub3A_783 = arith.subf %get3A_698, %get3A_730 : vector<16xf32>
      %sub3A_784 = arith.subf %get3A_702, %get3A_734 : vector<16xf32>
      %sub3A_785 = arith.subf %get3A_706, %get3A_738 : vector<16xf32>
      %sub3A_786 = arith.subf %get3A_710, %get3A_742 : vector<16xf32>
      %sub3A_787 = arith.subf %get3A_714, %get3A_746 : vector<16xf32>
      %sub3A_788 = arith.subf %get3A_718, %get3A_750 : vector<16xf32>
      tpu.vector_store_idx %arg22[%convert_element_type3A, %iota3A], %broadcast_in_dim3A_516 {add = true} : memref<64x16xf32, #tpu.memory_space<vmem>>[vector<16xi32>, vector<16xi32>], vector<16xf32>,
      tpu.vector_store_idx %arg23[%convert_element_type3A, %iota3A], %sub3A {add = true} : memref<64x16xf32, #tpu.memory_space<vmem>>[vector<16xi32>, vector<16xi32>], vector<16xf32>,
      tpu.vector_store_idx %arg22[%convert_element_type3A_757, %iota3A], %broadcast_in_dim3A_516 {add = true} : memref<64x16xf32, #tpu.memory_space<vmem>>[vector<16xi32>, vector<16xi32>], vector<16xf32>,
      tpu.vector_store_idx %arg23[%convert_element_type3A_757, %iota3A], %sub3A_782 {add = true} : memref<64x16xf32, #tpu.memory_space<vmem>>[vector<16xi32>, vector<16xi32>], vector<16xf32>,
      tpu.vector_store_idx %arg22[%convert_element_type3A_761, %iota3A], %broadcast_in_dim3A_516 {add = true} : memref<64x16xf32, #tpu.memory_space<vmem>>[vector<16xi32>, vector<16xi32>], vector<16xf32>,
      tpu.vector_store_idx %arg23[%convert_element_type3A_761, %iota3A], %sub3A_783 {add = true} : memref<64x16xf32, #tpu.memory_space<vmem>>[vector<16xi32>, vector<16xi32>], vector<16xf32>,
      tpu.vector_store_idx %arg22[%convert_element_type3A_765, %iota3A], %broadcast_in_dim3A_516 {add = true} : memref<64x16xf32, #tpu.memory_space<vmem>>[vector<16xi32>, vector<16xi32>], vector<16xf32>,
      tpu.vector_store_idx %arg23[%convert_element_type3A_765, %iota3A], %sub3A_784 {add = true} : memref<64x16xf32, #tpu.memory_space<vmem>>[vector<16xi32>, vector<16xi32>], vector<16xf32>,
      tpu.vector_store_idx %arg22[%convert_element_type3A_769, %iota3A], %broadcast_in_dim3A_516 {add = true} : memref<64x16xf32, #tpu.memory_space<vmem>>[vector<16xi32>, vector<16xi32>], vector<16xf32>,
      tpu.vector_store_idx %arg23[%convert_element_type3A_769, %iota3A], %sub3A_785 {add = true} : memref<64x16xf32, #tpu.memory_space<vmem>>[vector<16xi32>, vector<16xi32>], vector<16xf32>,
      tpu.vector_store_idx %arg22[%convert_element_type3A_773, %iota3A], %broadcast_in_dim3A_516 {add = true} : memref<64x16xf32, #tpu.memory_space<vmem>>[vector<16xi32>, vector<16xi32>], vector<16xf32>,
      tpu.vector_store_idx %arg23[%convert_element_type3A_773, %iota3A], %sub3A_786 {add = true} : memref<64x16xf32, #tpu.memory_space<vmem>>[vector<16xi32>, vector<16xi32>], vector<16xf32>,
      tpu.vector_store_idx %arg22[%convert_element_type3A_777, %iota3A], %broadcast_in_dim3A_516 {add = true} : memref<64x16xf32, #tpu.memory_space<vmem>>[vector<16xi32>, vector<16xi32>], vector<16xf32>,
      tpu.vector_store_idx %arg23[%convert_element_type3A_777, %iota3A], %sub3A_787 {add = true} : memref<64x16xf32, #tpu.memory_space<vmem>>[vector<16xi32>, vector<16xi32>], vector<16xf32>,
      tpu.vector_store_idx %arg22[%convert_element_type3A_781, %iota3A], %broadcast_in_dim3A_516 {add = true} : memref<64x16xf32, #tpu.memory_space<vmem>>[vector<16xi32>, vector<16xi32>], vector<16xf32>,
      tpu.vector_store_idx %arg23[%convert_element_type3A_781, %iota3A], %sub3A_788 {add = true} : memref<64x16xf32, #tpu.memory_space<vmem>>[vector<16xi32>, vector<16xi32>], vector<16xf32>,
      %scan3A_789 = arith.constant 0 : i32
      scf.yield %scan3A_789 : i32
    }
    %scan3A_565 = arith.constant 40 : i32
    %add3A_566 = arith.constant 25600 : i32
    %add3A_567 = arith.addi %mul3A_2, %add3A_566 : i32
    %dma_start3A_568 = tpu.memref_slice %arg2[%add3A_567] : memref<2097152xf32, #tpu.memory_space<hbm>> -> memref<5120xf32, #tpu.memory_space<hbm>>
    %dma_start3A_569 = tpu.memref_slice %arg2[%add3A_567] : memref<2097152xf32, #tpu.memory_space<hbm>> -> memref<5120xf32, #tpu.memory_space<hbm>>
    tpu.enqueue_dma source(%dma_start3A_569 : memref<5120xf32, #tpu.memory_space<hbm>>) target(%arg10 : memref<5120xf32, #tpu.memory_space<vmem>>) target_semaphore(%arg12 : memref<!tpu.dma_semaphore, #tpu.memory_space<semaphore_mem>>)
    %dma_start3A_570 = tpu.memref_slice %arg3[%add3A_567] : memref<2097152xf32, #tpu.memory_space<hbm>> -> memref<5120xf32, #tpu.memory_space<hbm>>
    %dma_start3A_571 = tpu.memref_slice %arg3[%add3A_567] : memref<2097152xf32, #tpu.memory_space<hbm>> -> memref<5120xf32, #tpu.memory_space<hbm>>
    tpu.enqueue_dma source(%dma_start3A_571 : memref<5120xf32, #tpu.memory_space<hbm>>) target(%arg11 : memref<5120xf32, #tpu.memory_space<vmem>>) target_semaphore(%arg13 : memref<!tpu.dma_semaphore, #tpu.memory_space<semaphore_mem>>)
    %dma_wait3A_572 = tpu.memref_slice %arg2[%add3A_529] : memref<2097152xf32, #tpu.memory_space<hbm>> -> memref<5120xf32, #tpu.memory_space<hbm>>
    %dma_wait3A_573 = tpu.memref_slice %arg2[%add3A_529] : memref<2097152xf32, #tpu.memory_space<hbm>> -> memref<5120xf32, #tpu.memory_space<hbm>>
    tpu.wait_dma2 semaphore(%arg16 : memref<!tpu.dma_semaphore, #tpu.memory_space<semaphore_mem>>) src(%dma_wait3A_573 : memref<5120xf32, #tpu.memory_space<hbm>>) dst(%arg14 : memref<5120xf32, #tpu.memory_space<vmem>>)
    %dma_wait3A_574 = tpu.memref_slice %arg3[%add3A_529] : memref<2097152xf32, #tpu.memory_space<hbm>> -> memref<5120xf32, #tpu.memory_space<hbm>>
    %dma_wait3A_575 = tpu.memref_slice %arg3[%add3A_529] : memref<2097152xf32, #tpu.memory_space<hbm>> -> memref<5120xf32, #tpu.memory_space<hbm>>
    tpu.wait_dma2 semaphore(%arg17 : memref<!tpu.dma_semaphore, #tpu.memory_space<semaphore_mem>>) src(%dma_wait3A_575 : memref<5120xf32, #tpu.memory_space<hbm>>) dst(%arg15 : memref<5120xf32, #tpu.memory_space<vmem>>)
    %scan3A_576 = arith.constant 0 : i32
    %scan3A_577 = arith.constant 0 : i32
    %scan3A_578 = arith.constant 40 : i32
    %scan3A_579 = arith.addi %scan3A_577, %scan3A_578 : i32
    %scan3A_580 = arith.constant 1 : i32
    %scan3A_581 = scf.for %scan3A_684 = %scan3A_577 to %scan3A_579 step %scan3A_580 iter_args(%scan3A_685 = %scan3A_576) -> (i32)  : i32 {
      %mul3A_686 = arith.constant 128 : i32
      %mul3A_687 = arith.muli %scan3A_684, %mul3A_686 : i32
      %add3A_688 = arith.constant 0 : i32
      %add3A_689 = arith.addi %mul3A_687, %add3A_688 : i32
      %get3A = arith.index_cast %add3A_689 : i32 to index
      %get3A_690 = tpu.vector_load %arg15[%get3A] {strides = array<i32>} : memref<5120xf32, #tpu.memory_space<vmem>>, vector<16xf32>,
      %add3A_691 = arith.constant 16 : i32
      %add3A_692 = arith.addi %mul3A_687, %add3A_691 : i32
      %get3A_693 = arith.index_cast %add3A_692 : i32 to index
      %get3A_694 = tpu.vector_load %arg15[%get3A_693] {strides = array<i32>} : memref<5120xf32, #tpu.memory_space<vmem>>, vector<16xf32>,
      %add3A_695 = arith.constant 32 : i32
      %add3A_696 = arith.addi %mul3A_687, %add3A_695 : i32
      %get3A_697 = arith.index_cast %add3A_696 : i32 to index
      %get3A_698 = tpu.vector_load %arg15[%get3A_697] {strides = array<i32>} : memref<5120xf32, #tpu.memory_space<vmem>>, vector<16xf32>,
      %add3A_699 = arith.constant 48 : i32
      %add3A_700 = arith.addi %mul3A_687, %add3A_699 : i32
      %get3A_701 = arith.index_cast %add3A_700 : i32 to index
      %get3A_702 = tpu.vector_load %arg15[%get3A_701] {strides = array<i32>} : memref<5120xf32, #tpu.memory_space<vmem>>, vector<16xf32>,
      %add3A_703 = arith.constant 64 : i32
      %add3A_704 = arith.addi %mul3A_687, %add3A_703 : i32
      %get3A_705 = arith.index_cast %add3A_704 : i32 to index
      %get3A_706 = tpu.vector_load %arg15[%get3A_705] {strides = array<i32>} : memref<5120xf32, #tpu.memory_space<vmem>>, vector<16xf32>,
      %add3A_707 = arith.constant 80 : i32
      %add3A_708 = arith.addi %mul3A_687, %add3A_707 : i32
      %get3A_709 = arith.index_cast %add3A_708 : i32 to index
      %get3A_710 = tpu.vector_load %arg15[%get3A_709] {strides = array<i32>} : memref<5120xf32, #tpu.memory_space<vmem>>, vector<16xf32>,
      %add3A_711 = arith.constant 96 : i32
      %add3A_712 = arith.addi %mul3A_687, %add3A_711 : i32
      %get3A_713 = arith.index_cast %add3A_712 : i32 to index
      %get3A_714 = tpu.vector_load %arg15[%get3A_713] {strides = array<i32>} : memref<5120xf32, #tpu.memory_space<vmem>>, vector<16xf32>,
      %add3A_715 = arith.constant 112 : i32
      %add3A_716 = arith.addi %mul3A_687, %add3A_715 : i32
      %get3A_717 = arith.index_cast %add3A_716 : i32 to index
      %get3A_718 = tpu.vector_load %arg15[%get3A_717] {strides = array<i32>} : memref<5120xf32, #tpu.memory_space<vmem>>, vector<16xf32>,
      %add3A_719 = arith.constant 0 : i32
      %add3A_720 = arith.addi %mul3A_687, %add3A_719 : i32
      %get3A_721 = arith.index_cast %add3A_720 : i32 to index
      %get3A_722 = tpu.vector_load %arg14[%get3A_721] {strides = array<i32>} : memref<5120xf32, #tpu.memory_space<vmem>>, vector<16xf32>,
      %add3A_723 = arith.constant 16 : i32
      %add3A_724 = arith.addi %mul3A_687, %add3A_723 : i32
      %get3A_725 = arith.index_cast %add3A_724 : i32 to index
      %get3A_726 = tpu.vector_load %arg14[%get3A_725] {strides = array<i32>} : memref<5120xf32, #tpu.memory_space<vmem>>, vector<16xf32>,
      %add3A_727 = arith.constant 32 : i32
      %add3A_728 = arith.addi %mul3A_687, %add3A_727 : i32
      %get3A_729 = arith.index_cast %add3A_728 : i32 to index
      %get3A_730 = tpu.vector_load %arg14[%get3A_729] {strides = array<i32>} : memref<5120xf32, #tpu.memory_space<vmem>>, vector<16xf32>,
      %add3A_731 = arith.constant 48 : i32
      %add3A_732 = arith.addi %mul3A_687, %add3A_731 : i32
      %get3A_733 = arith.index_cast %add3A_732 : i32 to index
      %get3A_734 = tpu.vector_load %arg14[%get3A_733] {strides = array<i32>} : memref<5120xf32, #tpu.memory_space<vmem>>, vector<16xf32>,
      %add3A_735 = arith.constant 64 : i32
      %add3A_736 = arith.addi %mul3A_687, %add3A_735 : i32
      %get3A_737 = arith.index_cast %add3A_736 : i32 to index
      %get3A_738 = tpu.vector_load %arg14[%get3A_737] {strides = array<i32>} : memref<5120xf32, #tpu.memory_space<vmem>>, vector<16xf32>,
      %add3A_739 = arith.constant 80 : i32
      %add3A_740 = arith.addi %mul3A_687, %add3A_739 : i32
      %get3A_741 = arith.index_cast %add3A_740 : i32 to index
      %get3A_742 = tpu.vector_load %arg14[%get3A_741] {strides = array<i32>} : memref<5120xf32, #tpu.memory_space<vmem>>, vector<16xf32>,
      %add3A_743 = arith.constant 96 : i32
      %add3A_744 = arith.addi %mul3A_687, %add3A_743 : i32
      %get3A_745 = arith.index_cast %add3A_744 : i32 to index
      %get3A_746 = tpu.vector_load %arg14[%get3A_745] {strides = array<i32>} : memref<5120xf32, #tpu.memory_space<vmem>>, vector<16xf32>,
      %add3A_747 = arith.constant 112 : i32
      %add3A_748 = arith.addi %mul3A_687, %add3A_747 : i32
      %get3A_749 = arith.index_cast %add3A_748 : i32 to index
      %get3A_750 = tpu.vector_load %arg14[%get3A_749] {strides = array<i32>} : memref<5120xf32, #tpu.memory_space<vmem>>, vector<16xf32>,
      %mul3A_751 = arith.constant 6.400000e+01 : f32
      %mul3A_752 = vector.broadcast %mul3A_751 : f32 to vector<16xf32>
      %mul3A_753 = arith.mulf %get3A_690, %mul3A_752 : vector<16xf32>
      %convert_element_type3A = arith.fptosi %mul3A_753 : vector<16xf32> to vector<16xi32>
      %mul3A_754 = arith.constant 6.400000e+01 : f32
      %mul3A_755 = vector.broadcast %mul3A_754 : f32 to vector<16xf32>
      %mul3A_756 = arith.mulf %get3A_694, %mul3A_755 : vector<16xf32>
      %convert_element_type3A_757 = arith.fptosi %mul3A_756 : vector<16xf32> to vector<16xi32>
      %mul3A_758 = arith.constant 6.400000e+01 : f32
      %mul3A_759 = vector.broadcast %mul3A_758 : f32 to vector<16xf32>
      %mul3A_760 = arith.mulf %get3A_698, %mul3A_759 : vector<16xf32>
      %convert_element_type3A_761 = arith.fptosi %mul3A_760 : vector<16xf32> to vector<16xi32>
      %mul3A_762 = arith.constant 6.400000e+01 : f32
      %mul3A_763 = vector.broadcast %mul3A_762 : f32 to vector<16xf32>
      %mul3A_764 = arith.mulf %get3A_702, %mul3A_763 : vector<16xf32>
      %convert_element_type3A_765 = arith.fptosi %mul3A_764 : vector<16xf32> to vector<16xi32>
      %mul3A_766 = arith.constant 6.400000e+01 : f32
      %mul3A_767 = vector.broadcast %mul3A_766 : f32 to vector<16xf32>
      %mul3A_768 = arith.mulf %get3A_706, %mul3A_767 : vector<16xf32>
      %convert_element_type3A_769 = arith.fptosi %mul3A_768 : vector<16xf32> to vector<16xi32>
      %mul3A_770 = arith.constant 6.400000e+01 : f32
      %mul3A_771 = vector.broadcast %mul3A_770 : f32 to vector<16xf32>
      %mul3A_772 = arith.mulf %get3A_710, %mul3A_771 : vector<16xf32>
      %convert_element_type3A_773 = arith.fptosi %mul3A_772 : vector<16xf32> to vector<16xi32>
      %mul3A_774 = arith.constant 6.400000e+01 : f32
      %mul3A_775 = vector.broadcast %mul3A_774 : f32 to vector<16xf32>
      %mul3A_776 = arith.mulf %get3A_714, %mul3A_775 : vector<16xf32>
      %convert_element_type3A_777 = arith.fptosi %mul3A_776 : vector<16xf32> to vector<16xi32>
      %mul3A_778 = arith.constant 6.400000e+01 : f32
      %mul3A_779 = vector.broadcast %mul3A_778 : f32 to vector<16xf32>
      %mul3A_780 = arith.mulf %get3A_718, %mul3A_779 : vector<16xf32>
      %convert_element_type3A_781 = arith.fptosi %mul3A_780 : vector<16xf32> to vector<16xi32>
      %sub3A = arith.subf %get3A_690, %get3A_722 : vector<16xf32>
      %sub3A_782 = arith.subf %get3A_694, %get3A_726 : vector<16xf32>
      %sub3A_783 = arith.subf %get3A_698, %get3A_730 : vector<16xf32>
      %sub3A_784 = arith.subf %get3A_702, %get3A_734 : vector<16xf32>
      %sub3A_785 = arith.subf %get3A_706, %get3A_738 : vector<16xf32>
      %sub3A_786 = arith.subf %get3A_710, %get3A_742 : vector<16xf32>
      %sub3A_787 = arith.subf %get3A_714, %get3A_746 : vector<16xf32>
      %sub3A_788 = arith.subf %get3A_718, %get3A_750 : vector<16xf32>
      tpu.vector_store_idx %arg22[%convert_element_type3A, %iota3A], %broadcast_in_dim3A_516 {add = true} : memref<64x16xf32, #tpu.memory_space<vmem>>[vector<16xi32>, vector<16xi32>], vector<16xf32>,
      tpu.vector_store_idx %arg23[%convert_element_type3A, %iota3A], %sub3A {add = true} : memref<64x16xf32, #tpu.memory_space<vmem>>[vector<16xi32>, vector<16xi32>], vector<16xf32>,
      tpu.vector_store_idx %arg22[%convert_element_type3A_757, %iota3A], %broadcast_in_dim3A_516 {add = true} : memref<64x16xf32, #tpu.memory_space<vmem>>[vector<16xi32>, vector<16xi32>], vector<16xf32>,
      tpu.vector_store_idx %arg23[%convert_element_type3A_757, %iota3A], %sub3A_782 {add = true} : memref<64x16xf32, #tpu.memory_space<vmem>>[vector<16xi32>, vector<16xi32>], vector<16xf32>,
      tpu.vector_store_idx %arg22[%convert_element_type3A_761, %iota3A], %broadcast_in_dim3A_516 {add = true} : memref<64x16xf32, #tpu.memory_space<vmem>>[vector<16xi32>, vector<16xi32>], vector<16xf32>,
      tpu.vector_store_idx %arg23[%convert_element_type3A_761, %iota3A], %sub3A_783 {add = true} : memref<64x16xf32, #tpu.memory_space<vmem>>[vector<16xi32>, vector<16xi32>], vector<16xf32>,
      tpu.vector_store_idx %arg22[%convert_element_type3A_765, %iota3A], %broadcast_in_dim3A_516 {add = true} : memref<64x16xf32, #tpu.memory_space<vmem>>[vector<16xi32>, vector<16xi32>], vector<16xf32>,
      tpu.vector_store_idx %arg23[%convert_element_type3A_765, %iota3A], %sub3A_784 {add = true} : memref<64x16xf32, #tpu.memory_space<vmem>>[vector<16xi32>, vector<16xi32>], vector<16xf32>,
      tpu.vector_store_idx %arg22[%convert_element_type3A_769, %iota3A], %broadcast_in_dim3A_516 {add = true} : memref<64x16xf32, #tpu.memory_space<vmem>>[vector<16xi32>, vector<16xi32>], vector<16xf32>,
      tpu.vector_store_idx %arg23[%convert_element_type3A_769, %iota3A], %sub3A_785 {add = true} : memref<64x16xf32, #tpu.memory_space<vmem>>[vector<16xi32>, vector<16xi32>], vector<16xf32>,
      tpu.vector_store_idx %arg22[%convert_element_type3A_773, %iota3A], %broadcast_in_dim3A_516 {add = true} : memref<64x16xf32, #tpu.memory_space<vmem>>[vector<16xi32>, vector<16xi32>], vector<16xf32>,
      tpu.vector_store_idx %arg23[%convert_element_type3A_773, %iota3A], %sub3A_786 {add = true} : memref<64x16xf32, #tpu.memory_space<vmem>>[vector<16xi32>, vector<16xi32>], vector<16xf32>,
      tpu.vector_store_idx %arg22[%convert_element_type3A_777, %iota3A], %broadcast_in_dim3A_516 {add = true} : memref<64x16xf32, #tpu.memory_space<vmem>>[vector<16xi32>, vector<16xi32>], vector<16xf32>,
      tpu.vector_store_idx %arg23[%convert_element_type3A_777, %iota3A], %sub3A_787 {add = true} : memref<64x16xf32, #tpu.memory_space<vmem>>[vector<16xi32>, vector<16xi32>], vector<16xf32>,
      tpu.vector_store_idx %arg22[%convert_element_type3A_781, %iota3A], %broadcast_in_dim3A_516 {add = true} : memref<64x16xf32, #tpu.memory_space<vmem>>[vector<16xi32>, vector<16xi32>], vector<16xf32>,
      tpu.vector_store_idx %arg23[%convert_element_type3A_781, %iota3A], %sub3A_788 {add = true} : memref<64x16xf32, #tpu.memory_space<vmem>>[vector<16xi32>, vector<16xi32>], vector<16xf32>,
      %scan3A_789 = arith.constant 0 : i32
      scf.yield %scan3A_789 : i32
    }
    %scan3A_582 = arith.constant 40 : i32
    %add3A_583 = arith.constant 30720 : i32
    %add3A_584 = arith.addi %mul3A_2, %add3A_583 : i32
    %dma_start3A_585 = tpu.memref_slice %arg2[%add3A_584] : memref<2097152xf32, #tpu.memory_space<hbm>> -> memref<5120xf32, #tpu.memory_space<hbm>>
    %dma_start3A_586 = tpu.memref_slice %arg2[%add3A_584] : memref<2097152xf32, #tpu.memory_space<hbm>> -> memref<5120xf32, #tpu.memory_space<hbm>>
    tpu.enqueue_dma source(%dma_start3A_586 : memref<5120xf32, #tpu.memory_space<hbm>>) target(%arg14 : memref<5120xf32, #tpu.memory_space<vmem>>) target_semaphore(%arg16 : memref<!tpu.dma_semaphore, #tpu.memory_space<semaphore_mem>>)
    %dma_start3A_587 = tpu.memref_slice %arg3[%add3A_584] : memref<2097152xf32, #tpu.memory_space<hbm>> -> memref<5120xf32, #tpu.memory_space<hbm>>
    %dma_start3A_588 = tpu.memref_slice %arg3[%add3A_584] : memref<2097152xf32, #tpu.memory_space<hbm>> -> memref<5120xf32, #tpu.memory_space<hbm>>
    tpu.enqueue_dma source(%dma_start3A_588 : memref<5120xf32, #tpu.memory_space<hbm>>) target(%arg15 : memref<5120xf32, #tpu.memory_space<vmem>>) target_semaphore(%arg17 : memref<!tpu.dma_semaphore, #tpu.memory_space<semaphore_mem>>)
    %dma_wait3A_589 = tpu.memref_slice %arg2[%add3A_535] : memref<2097152xf32, #tpu.memory_space<hbm>> -> memref<5120xf32, #tpu.memory_space<hbm>>
    %dma_wait3A_590 = tpu.memref_slice %arg2[%add3A_535] : memref<2097152xf32, #tpu.memory_space<hbm>> -> memref<5120xf32, #tpu.memory_space<hbm>>
    tpu.wait_dma2 semaphore(%arg20 : memref<!tpu.dma_semaphore, #tpu.memory_space<semaphore_mem>>) src(%dma_wait3A_590 : memref<5120xf32, #tpu.memory_space<hbm>>) dst(%arg18 : memref<5120xf32, #tpu.memory_space<vmem>>)
    %dma_wait3A_591 = tpu.memref_slice %arg3[%add3A_535] : memref<2097152xf32, #tpu.memory_space<hbm>> -> memref<5120xf32, #tpu.memory_space<hbm>>
    %dma_wait3A_592 = tpu.memref_slice %arg3[%add3A_535] : memref<2097152xf32, #tpu.memory_space<hbm>> -> memref<5120xf32, #tpu.memory_space<hbm>>
    tpu.wait_dma2 semaphore(%arg21 : memref<!tpu.dma_semaphore, #tpu.memory_space<semaphore_mem>>) src(%dma_wait3A_592 : memref<5120xf32, #tpu.memory_space<hbm>>) dst(%arg19 : memref<5120xf32, #tpu.memory_space<vmem>>)
    %scan3A_593 = arith.constant 0 : i32
    %scan3A_594 = arith.constant 0 : i32
    %scan3A_595 = arith.constant 40 : i32
    %scan3A_596 = arith.addi %scan3A_594, %scan3A_595 : i32
    %scan3A_597 = arith.constant 1 : i32
    %scan3A_598 = scf.for %scan3A_684 = %scan3A_594 to %scan3A_596 step %scan3A_597 iter_args(%scan3A_685 = %scan3A_593) -> (i32)  : i32 {
      %mul3A_686 = arith.constant 128 : i32
      %mul3A_687 = arith.muli %scan3A_684, %mul3A_686 : i32
      %add3A_688 = arith.constant 0 : i32
      %add3A_689 = arith.addi %mul3A_687, %add3A_688 : i32
      %get3A = arith.index_cast %add3A_689 : i32 to index
      %get3A_690 = tpu.vector_load %arg19[%get3A] {strides = array<i32>} : memref<5120xf32, #tpu.memory_space<vmem>>, vector<16xf32>,
      %add3A_691 = arith.constant 16 : i32
      %add3A_692 = arith.addi %mul3A_687, %add3A_691 : i32
      %get3A_693 = arith.index_cast %add3A_692 : i32 to index
      %get3A_694 = tpu.vector_load %arg19[%get3A_693] {strides = array<i32>} : memref<5120xf32, #tpu.memory_space<vmem>>, vector<16xf32>,
      %add3A_695 = arith.constant 32 : i32
      %add3A_696 = arith.addi %mul3A_687, %add3A_695 : i32
      %get3A_697 = arith.index_cast %add3A_696 : i32 to index
      %get3A_698 = tpu.vector_load %arg19[%get3A_697] {strides = array<i32>} : memref<5120xf32, #tpu.memory_space<vmem>>, vector<16xf32>,
      %add3A_699 = arith.constant 48 : i32
      %add3A_700 = arith.addi %mul3A_687, %add3A_699 : i32
      %get3A_701 = arith.index_cast %add3A_700 : i32 to index
      %get3A_702 = tpu.vector_load %arg19[%get3A_701] {strides = array<i32>} : memref<5120xf32, #tpu.memory_space<vmem>>, vector<16xf32>,
      %add3A_703 = arith.constant 64 : i32
      %add3A_704 = arith.addi %mul3A_687, %add3A_703 : i32
      %get3A_705 = arith.index_cast %add3A_704 : i32 to index
      %get3A_706 = tpu.vector_load %arg19[%get3A_705] {strides = array<i32>} : memref<5120xf32, #tpu.memory_space<vmem>>, vector<16xf32>,
      %add3A_707 = arith.constant 80 : i32
      %add3A_708 = arith.addi %mul3A_687, %add3A_707 : i32
      %get3A_709 = arith.index_cast %add3A_708 : i32 to index
      %get3A_710 = tpu.vector_load %arg19[%get3A_709] {strides = array<i32>} : memref<5120xf32, #tpu.memory_space<vmem>>, vector<16xf32>,
      %add3A_711 = arith.constant 96 : i32
      %add3A_712 = arith.addi %mul3A_687, %add3A_711 : i32
      %get3A_713 = arith.index_cast %add3A_712 : i32 to index
      %get3A_714 = tpu.vector_load %arg19[%get3A_713] {strides = array<i32>} : memref<5120xf32, #tpu.memory_space<vmem>>, vector<16xf32>,
      %add3A_715 = arith.constant 112 : i32
      %add3A_716 = arith.addi %mul3A_687, %add3A_715 : i32
      %get3A_717 = arith.index_cast %add3A_716 : i32 to index
      %get3A_718 = tpu.vector_load %arg19[%get3A_717] {strides = array<i32>} : memref<5120xf32, #tpu.memory_space<vmem>>, vector<16xf32>,
      %add3A_719 = arith.constant 0 : i32
      %add3A_720 = arith.addi %mul3A_687, %add3A_719 : i32
      %get3A_721 = arith.index_cast %add3A_720 : i32 to index
      %get3A_722 = tpu.vector_load %arg18[%get3A_721] {strides = array<i32>} : memref<5120xf32, #tpu.memory_space<vmem>>, vector<16xf32>,
      %add3A_723 = arith.constant 16 : i32
      %add3A_724 = arith.addi %mul3A_687, %add3A_723 : i32
      %get3A_725 = arith.index_cast %add3A_724 : i32 to index
      %get3A_726 = tpu.vector_load %arg18[%get3A_725] {strides = array<i32>} : memref<5120xf32, #tpu.memory_space<vmem>>, vector<16xf32>,
      %add3A_727 = arith.constant 32 : i32
      %add3A_728 = arith.addi %mul3A_687, %add3A_727 : i32
      %get3A_729 = arith.index_cast %add3A_728 : i32 to index
      %get3A_730 = tpu.vector_load %arg18[%get3A_729] {strides = array<i32>} : memref<5120xf32, #tpu.memory_space<vmem>>, vector<16xf32>,
      %add3A_731 = arith.constant 48 : i32
      %add3A_732 = arith.addi %mul3A_687, %add3A_731 : i32
      %get3A_733 = arith.index_cast %add3A_732 : i32 to index
      %get3A_734 = tpu.vector_load %arg18[%get3A_733] {strides = array<i32>} : memref<5120xf32, #tpu.memory_space<vmem>>, vector<16xf32>,
      %add3A_735 = arith.constant 64 : i32
      %add3A_736 = arith.addi %mul3A_687, %add3A_735 : i32
      %get3A_737 = arith.index_cast %add3A_736 : i32 to index
      %get3A_738 = tpu.vector_load %arg18[%get3A_737] {strides = array<i32>} : memref<5120xf32, #tpu.memory_space<vmem>>, vector<16xf32>,
      %add3A_739 = arith.constant 80 : i32
      %add3A_740 = arith.addi %mul3A_687, %add3A_739 : i32
      %get3A_741 = arith.index_cast %add3A_740 : i32 to index
      %get3A_742 = tpu.vector_load %arg18[%get3A_741] {strides = array<i32>} : memref<5120xf32, #tpu.memory_space<vmem>>, vector<16xf32>,
      %add3A_743 = arith.constant 96 : i32
      %add3A_744 = arith.addi %mul3A_687, %add3A_743 : i32
      %get3A_745 = arith.index_cast %add3A_744 : i32 to index
      %get3A_746 = tpu.vector_load %arg18[%get3A_745] {strides = array<i32>} : memref<5120xf32, #tpu.memory_space<vmem>>, vector<16xf32>,
      %add3A_747 = arith.constant 112 : i32
      %add3A_748 = arith.addi %mul3A_687, %add3A_747 : i32
      %get3A_749 = arith.index_cast %add3A_748 : i32 to index
      %get3A_750 = tpu.vector_load %arg18[%get3A_749] {strides = array<i32>} : memref<5120xf32, #tpu.memory_space<vmem>>, vector<16xf32>,
      %mul3A_751 = arith.constant 6.400000e+01 : f32
      %mul3A_752 = vector.broadcast %mul3A_751 : f32 to vector<16xf32>
      %mul3A_753 = arith.mulf %get3A_690, %mul3A_752 : vector<16xf32>
      %convert_element_type3A = arith.fptosi %mul3A_753 : vector<16xf32> to vector<16xi32>
      %mul3A_754 = arith.constant 6.400000e+01 : f32
      %mul3A_755 = vector.broadcast %mul3A_754 : f32 to vector<16xf32>
      %mul3A_756 = arith.mulf %get3A_694, %mul3A_755 : vector<16xf32>
      %convert_element_type3A_757 = arith.fptosi %mul3A_756 : vector<16xf32> to vector<16xi32>
      %mul3A_758 = arith.constant 6.400000e+01 : f32
      %mul3A_759 = vector.broadcast %mul3A_758 : f32 to vector<16xf32>
      %mul3A_760 = arith.mulf %get3A_698, %mul3A_759 : vector<16xf32>
      %convert_element_type3A_761 = arith.fptosi %mul3A_760 : vector<16xf32> to vector<16xi32>
      %mul3A_762 = arith.constant 6.400000e+01 : f32
      %mul3A_763 = vector.broadcast %mul3A_762 : f32 to vector<16xf32>
      %mul3A_764 = arith.mulf %get3A_702, %mul3A_763 : vector<16xf32>
      %convert_element_type3A_765 = arith.fptosi %mul3A_764 : vector<16xf32> to vector<16xi32>
      %mul3A_766 = arith.constant 6.400000e+01 : f32
      %mul3A_767 = vector.broadcast %mul3A_766 : f32 to vector<16xf32>
      %mul3A_768 = arith.mulf %get3A_706, %mul3A_767 : vector<16xf32>
      %convert_element_type3A_769 = arith.fptosi %mul3A_768 : vector<16xf32> to vector<16xi32>
      %mul3A_770 = arith.constant 6.400000e+01 : f32
      %mul3A_771 = vector.broadcast %mul3A_770 : f32 to vector<16xf32>
      %mul3A_772 = arith.mulf %get3A_710, %mul3A_771 : vector<16xf32>
      %convert_element_type3A_773 = arith.fptosi %mul3A_772 : vector<16xf32> to vector<16xi32>
      %mul3A_774 = arith.constant 6.400000e+01 : f32
      %mul3A_775 = vector.broadcast %mul3A_774 : f32 to vector<16xf32>
      %mul3A_776 = arith.mulf %get3A_714, %mul3A_775 : vector<16xf32>
      %convert_element_type3A_777 = arith.fptosi %mul3A_776 : vector<16xf32> to vector<16xi32>
      %mul3A_778 = arith.constant 6.400000e+01 : f32
      %mul3A_779 = vector.broadcast %mul3A_778 : f32 to vector<16xf32>
      %mul3A_780 = arith.mulf %get3A_718, %mul3A_779 : vector<16xf32>
      %convert_element_type3A_781 = arith.fptosi %mul3A_780 : vector<16xf32> to vector<16xi32>
      %sub3A = arith.subf %get3A_690, %get3A_722 : vector<16xf32>
      %sub3A_782 = arith.subf %get3A_694, %get3A_726 : vector<16xf32>
      %sub3A_783 = arith.subf %get3A_698, %get3A_730 : vector<16xf32>
      %sub3A_784 = arith.subf %get3A_702, %get3A_734 : vector<16xf32>
      %sub3A_785 = arith.subf %get3A_706, %get3A_738 : vector<16xf32>
      %sub3A_786 = arith.subf %get3A_710, %get3A_742 : vector<16xf32>
      %sub3A_787 = arith.subf %get3A_714, %get3A_746 : vector<16xf32>
      %sub3A_788 = arith.subf %get3A_718, %get3A_750 : vector<16xf32>
      tpu.vector_store_idx %arg22[%convert_element_type3A, %iota3A], %broadcast_in_dim3A_516 {add = true} : memref<64x16xf32, #tpu.memory_space<vmem>>[vector<16xi32>, vector<16xi32>], vector<16xf32>,
      tpu.vector_store_idx %arg23[%convert_element_type3A, %iota3A], %sub3A {add = true} : memref<64x16xf32, #tpu.memory_space<vmem>>[vector<16xi32>, vector<16xi32>], vector<16xf32>,
      tpu.vector_store_idx %arg22[%convert_element_type3A_757, %iota3A], %broadcast_in_dim3A_516 {add = true} : memref<64x16xf32, #tpu.memory_space<vmem>>[vector<16xi32>, vector<16xi32>], vector<16xf32>,
      tpu.vector_store_idx %arg23[%convert_element_type3A_757, %iota3A], %sub3A_782 {add = true} : memref<64x16xf32, #tpu.memory_space<vmem>>[vector<16xi32>, vector<16xi32>], vector<16xf32>,
      tpu.vector_store_idx %arg22[%convert_element_type3A_761, %iota3A], %broadcast_in_dim3A_516 {add = true} : memref<64x16xf32, #tpu.memory_space<vmem>>[vector<16xi32>, vector<16xi32>], vector<16xf32>,
      tpu.vector_store_idx %arg23[%convert_element_type3A_761, %iota3A], %sub3A_783 {add = true} : memref<64x16xf32, #tpu.memory_space<vmem>>[vector<16xi32>, vector<16xi32>], vector<16xf32>,
      tpu.vector_store_idx %arg22[%convert_element_type3A_765, %iota3A], %broadcast_in_dim3A_516 {add = true} : memref<64x16xf32, #tpu.memory_space<vmem>>[vector<16xi32>, vector<16xi32>], vector<16xf32>,
      tpu.vector_store_idx %arg23[%convert_element_type3A_765, %iota3A], %sub3A_784 {add = true} : memref<64x16xf32, #tpu.memory_space<vmem>>[vector<16xi32>, vector<16xi32>], vector<16xf32>,
      tpu.vector_store_idx %arg22[%convert_element_type3A_769, %iota3A], %broadcast_in_dim3A_516 {add = true} : memref<64x16xf32, #tpu.memory_space<vmem>>[vector<16xi32>, vector<16xi32>], vector<16xf32>,
      tpu.vector_store_idx %arg23[%convert_element_type3A_769, %iota3A], %sub3A_785 {add = true} : memref<64x16xf32, #tpu.memory_space<vmem>>[vector<16xi32>, vector<16xi32>], vector<16xf32>,
      tpu.vector_store_idx %arg22[%convert_element_type3A_773, %iota3A], %broadcast_in_dim3A_516 {add = true} : memref<64x16xf32, #tpu.memory_space<vmem>>[vector<16xi32>, vector<16xi32>], vector<16xf32>,
      tpu.vector_store_idx %arg23[%convert_element_type3A_773, %iota3A], %sub3A_786 {add = true} : memref<64x16xf32, #tpu.memory_space<vmem>>[vector<16xi32>, vector<16xi32>], vector<16xf32>,
      tpu.vector_store_idx %arg22[%convert_element_type3A_777, %iota3A], %broadcast_in_dim3A_516 {add = true} : memref<64x16xf32, #tpu.memory_space<vmem>>[vector<16xi32>, vector<16xi32>], vector<16xf32>,
      tpu.vector_store_idx %arg23[%convert_element_type3A_777, %iota3A], %sub3A_787 {add = true} : memref<64x16xf32, #tpu.memory_space<vmem>>[vector<16xi32>, vector<16xi32>], vector<16xf32>,
      tpu.vector_store_idx %arg22[%convert_element_type3A_781, %iota3A], %broadcast_in_dim3A_516 {add = true} : memref<64x16xf32, #tpu.memory_space<vmem>>[vector<16xi32>, vector<16xi32>], vector<16xf32>,
      tpu.vector_store_idx %arg23[%convert_element_type3A_781, %iota3A], %sub3A_788 {add = true} : memref<64x16xf32, #tpu.memory_space<vmem>>[vector<16xi32>, vector<16xi32>], vector<16xf32>,
      %scan3A_789 = arith.constant 0 : i32
      scf.yield %scan3A_789 : i32
    }
    %scan3A_599 = arith.constant 40 : i32
    %add3A_600 = arith.constant 35840 : i32
    %add3A_601 = arith.addi %mul3A_2, %add3A_600 : i32
    %dma_start3A_602 = tpu.memref_slice %arg2[%add3A_601] : memref<2097152xf32, #tpu.memory_space<hbm>> -> memref<5120xf32, #tpu.memory_space<hbm>>
    %dma_start3A_603 = tpu.memref_slice %arg2[%add3A_601] : memref<2097152xf32, #tpu.memory_space<hbm>> -> memref<5120xf32, #tpu.memory_space<hbm>>
    tpu.enqueue_dma source(%dma_start3A_603 : memref<5120xf32, #tpu.memory_space<hbm>>) target(%arg18 : memref<5120xf32, #tpu.memory_space<vmem>>) target_semaphore(%arg20 : memref<!tpu.dma_semaphore, #tpu.memory_space<semaphore_mem>>)
    %dma_start3A_604 = tpu.memref_slice %arg3[%add3A_601] : memref<2097152xf32, #tpu.memory_space<hbm>> -> memref<5120xf32, #tpu.memory_space<hbm>>
    %dma_start3A_605 = tpu.memref_slice %arg3[%add3A_601] : memref<2097152xf32, #tpu.memory_space<hbm>> -> memref<5120xf32, #tpu.memory_space<hbm>>
    tpu.enqueue_dma source(%dma_start3A_605 : memref<5120xf32, #tpu.memory_space<hbm>>) target(%arg19 : memref<5120xf32, #tpu.memory_space<vmem>>) target_semaphore(%arg21 : memref<!tpu.dma_semaphore, #tpu.memory_space<semaphore_mem>>)
    %dma_wait3A_606 = tpu.memref_slice %arg2[%add3A_550] : memref<2097152xf32, #tpu.memory_space<hbm>> -> memref<5120xf32, #tpu.memory_space<hbm>>
    %dma_wait3A_607 = tpu.memref_slice %arg2[%add3A_550] : memref<2097152xf32, #tpu.memory_space<hbm>> -> memref<5120xf32, #tpu.memory_space<hbm>>
    tpu.wait_dma2 semaphore(%arg8 : memref<!tpu.dma_semaphore, #tpu.memory_space<semaphore_mem>>) src(%dma_wait3A_607 : memref<5120xf32, #tpu.memory_space<hbm>>) dst(%arg6 : memref<5120xf32, #tpu.memory_space<vmem>>)
    %dma_wait3A_608 = tpu.memref_slice %arg3[%add3A_550] : memref<2097152xf32, #tpu.memory_space<hbm>> -> memref<5120xf32, #tpu.memory_space<hbm>>
    %dma_wait3A_609 = tpu.memref_slice %arg3[%add3A_550] : memref<2097152xf32, #tpu.memory_space<hbm>> -> memref<5120xf32, #tpu.memory_space<hbm>>
    tpu.wait_dma2 semaphore(%arg9 : memref<!tpu.dma_semaphore, #tpu.memory_space<semaphore_mem>>) src(%dma_wait3A_609 : memref<5120xf32, #tpu.memory_space<hbm>>) dst(%arg7 : memref<5120xf32, #tpu.memory_space<vmem>>)
    %scan3A_610 = arith.constant 0 : i32
    %scan3A_611 = arith.constant 0 : i32
    %scan3A_612 = arith.constant 40 : i32
    %scan3A_613 = arith.addi %scan3A_611, %scan3A_612 : i32
    %scan3A_614 = arith.constant 1 : i32
    %scan3A_615 = scf.for %scan3A_684 = %scan3A_611 to %scan3A_613 step %scan3A_614 iter_args(%scan3A_685 = %scan3A_610) -> (i32)  : i32 {
      %mul3A_686 = arith.constant 128 : i32
      %mul3A_687 = arith.muli %scan3A_684, %mul3A_686 : i32
      %add3A_688 = arith.constant 0 : i32
      %add3A_689 = arith.addi %mul3A_687, %add3A_688 : i32
      %get3A = arith.index_cast %add3A_689 : i32 to index
      %get3A_690 = tpu.vector_load %arg7[%get3A] {strides = array<i32>} : memref<5120xf32, #tpu.memory_space<vmem>>, vector<16xf32>,
      %add3A_691 = arith.constant 16 : i32
      %add3A_692 = arith.addi %mul3A_687, %add3A_691 : i32
      %get3A_693 = arith.index_cast %add3A_692 : i32 to index
      %get3A_694 = tpu.vector_load %arg7[%get3A_693] {strides = array<i32>} : memref<5120xf32, #tpu.memory_space<vmem>>, vector<16xf32>,
      %add3A_695 = arith.constant 32 : i32
      %add3A_696 = arith.addi %mul3A_687, %add3A_695 : i32
      %get3A_697 = arith.index_cast %add3A_696 : i32 to index
      %get3A_698 = tpu.vector_load %arg7[%get3A_697] {strides = array<i32>} : memref<5120xf32, #tpu.memory_space<vmem>>, vector<16xf32>,
      %add3A_699 = arith.constant 48 : i32
      %add3A_700 = arith.addi %mul3A_687, %add3A_699 : i32
      %get3A_701 = arith.index_cast %add3A_700 : i32 to index
      %get3A_702 = tpu.vector_load %arg7[%get3A_701] {strides = array<i32>} : memref<5120xf32, #tpu.memory_space<vmem>>, vector<16xf32>,
      %add3A_703 = arith.constant 64 : i32
      %add3A_704 = arith.addi %mul3A_687, %add3A_703 : i32
      %get3A_705 = arith.index_cast %add3A_704 : i32 to index
      %get3A_706 = tpu.vector_load %arg7[%get3A_705] {strides = array<i32>} : memref<5120xf32, #tpu.memory_space<vmem>>, vector<16xf32>,
      %add3A_707 = arith.constant 80 : i32
      %add3A_708 = arith.addi %mul3A_687, %add3A_707 : i32
      %get3A_709 = arith.index_cast %add3A_708 : i32 to index
      %get3A_710 = tpu.vector_load %arg7[%get3A_709] {strides = array<i32>} : memref<5120xf32, #tpu.memory_space<vmem>>, vector<16xf32>,
      %add3A_711 = arith.constant 96 : i32
      %add3A_712 = arith.addi %mul3A_687, %add3A_711 : i32
      %get3A_713 = arith.index_cast %add3A_712 : i32 to index
      %get3A_714 = tpu.vector_load %arg7[%get3A_713] {strides = array<i32>} : memref<5120xf32, #tpu.memory_space<vmem>>, vector<16xf32>,
      %add3A_715 = arith.constant 112 : i32
      %add3A_716 = arith.addi %mul3A_687, %add3A_715 : i32
      %get3A_717 = arith.index_cast %add3A_716 : i32 to index
      %get3A_718 = tpu.vector_load %arg7[%get3A_717] {strides = array<i32>} : memref<5120xf32, #tpu.memory_space<vmem>>, vector<16xf32>,
      %add3A_719 = arith.constant 0 : i32
      %add3A_720 = arith.addi %mul3A_687, %add3A_719 : i32
      %get3A_721 = arith.index_cast %add3A_720 : i32 to index
      %get3A_722 = tpu.vector_load %arg6[%get3A_721] {strides = array<i32>} : memref<5120xf32, #tpu.memory_space<vmem>>, vector<16xf32>,
      %add3A_723 = arith.constant 16 : i32
      %add3A_724 = arith.addi %mul3A_687, %add3A_723 : i32
      %get3A_725 = arith.index_cast %add3A_724 : i32 to index
      %get3A_726 = tpu.vector_load %arg6[%get3A_725] {strides = array<i32>} : memref<5120xf32, #tpu.memory_space<vmem>>, vector<16xf32>,
      %add3A_727 = arith.constant 32 : i32
      %add3A_728 = arith.addi %mul3A_687, %add3A_727 : i32
      %get3A_729 = arith.index_cast %add3A_728 : i32 to index
      %get3A_730 = tpu.vector_load %arg6[%get3A_729] {strides = array<i32>} : memref<5120xf32, #tpu.memory_space<vmem>>, vector<16xf32>,
      %add3A_731 = arith.constant 48 : i32
      %add3A_732 = arith.addi %mul3A_687, %add3A_731 : i32
      %get3A_733 = arith.index_cast %add3A_732 : i32 to index
      %get3A_734 = tpu.vector_load %arg6[%get3A_733] {strides = array<i32>} : memref<5120xf32, #tpu.memory_space<vmem>>, vector<16xf32>,
      %add3A_735 = arith.constant 64 : i32
      %add3A_736 = arith.addi %mul3A_687, %add3A_735 : i32
      %get3A_737 = arith.index_cast %add3A_736 : i32 to index
      %get3A_738 = tpu.vector_load %arg6[%get3A_737] {strides = array<i32>} : memref<5120xf32, #tpu.memory_space<vmem>>, vector<16xf32>,
      %add3A_739 = arith.constant 80 : i32
      %add3A_740 = arith.addi %mul3A_687, %add3A_739 : i32
      %get3A_741 = arith.index_cast %add3A_740 : i32 to index
      %get3A_742 = tpu.vector_load %arg6[%get3A_741] {strides = array<i32>} : memref<5120xf32, #tpu.memory_space<vmem>>, vector<16xf32>,
      %add3A_743 = arith.constant 96 : i32
      %add3A_744 = arith.addi %mul3A_687, %add3A_743 : i32
      %get3A_745 = arith.index_cast %add3A_744 : i32 to index
      %get3A_746 = tpu.vector_load %arg6[%get3A_745] {strides = array<i32>} : memref<5120xf32, #tpu.memory_space<vmem>>, vector<16xf32>,
      %add3A_747 = arith.constant 112 : i32
      %add3A_748 = arith.addi %mul3A_687, %add3A_747 : i32
      %get3A_749 = arith.index_cast %add3A_748 : i32 to index
      %get3A_750 = tpu.vector_load %arg6[%get3A_749] {strides = array<i32>} : memref<5120xf32, #tpu.memory_space<vmem>>, vector<16xf32>,
      %mul3A_751 = arith.constant 6.400000e+01 : f32
      %mul3A_752 = vector.broadcast %mul3A_751 : f32 to vector<16xf32>
      %mul3A_753 = arith.mulf %get3A_690, %mul3A_752 : vector<16xf32>
      %convert_element_type3A = arith.fptosi %mul3A_753 : vector<16xf32> to vector<16xi32>
      %mul3A_754 = arith.constant 6.400000e+01 : f32
      %mul3A_755 = vector.broadcast %mul3A_754 : f32 to vector<16xf32>
      %mul3A_756 = arith.mulf %get3A_694, %mul3A_755 : vector<16xf32>
      %convert_element_type3A_757 = arith.fptosi %mul3A_756 : vector<16xf32> to vector<16xi32>
      %mul3A_758 = arith.constant 6.400000e+01 : f32
      %mul3A_759 = vector.broadcast %mul3A_758 : f32 to vector<16xf32>
      %mul3A_760 = arith.mulf %get3A_698, %mul3A_759 : vector<16xf32>
      %convert_element_type3A_761 = arith.fptosi %mul3A_760 : vector<16xf32> to vector<16xi32>
      %mul3A_762 = arith.constant 6.400000e+01 : f32
      %mul3A_763 = vector.broadcast %mul3A_762 : f32 to vector<16xf32>
      %mul3A_764 = arith.mulf %get3A_702, %mul3A_763 : vector<16xf32>
      %convert_element_type3A_765 = arith.fptosi %mul3A_764 : vector<16xf32> to vector<16xi32>
      %mul3A_766 = arith.constant 6.400000e+01 : f32
      %mul3A_767 = vector.broadcast %mul3A_766 : f32 to vector<16xf32>
      %mul3A_768 = arith.mulf %get3A_706, %mul3A_767 : vector<16xf32>
      %convert_element_type3A_769 = arith.fptosi %mul3A_768 : vector<16xf32> to vector<16xi32>
      %mul3A_770 = arith.constant 6.400000e+01 : f32
      %mul3A_771 = vector.broadcast %mul3A_770 : f32 to vector<16xf32>
      %mul3A_772 = arith.mulf %get3A_710, %mul3A_771 : vector<16xf32>
      %convert_element_type3A_773 = arith.fptosi %mul3A_772 : vector<16xf32> to vector<16xi32>
      %mul3A_774 = arith.constant 6.400000e+01 : f32
      %mul3A_775 = vector.broadcast %mul3A_774 : f32 to vector<16xf32>
      %mul3A_776 = arith.mulf %get3A_714, %mul3A_775 : vector<16xf32>
      %convert_element_type3A_777 = arith.fptosi %mul3A_776 : vector<16xf32> to vector<16xi32>
      %mul3A_778 = arith.constant 6.400000e+01 : f32
      %mul3A_779 = vector.broadcast %mul3A_778 : f32 to vector<16xf32>
      %mul3A_780 = arith.mulf %get3A_718, %mul3A_779 : vector<16xf32>
      %convert_element_type3A_781 = arith.fptosi %mul3A_780 : vector<16xf32> to vector<16xi32>
      %sub3A = arith.subf %get3A_690, %get3A_722 : vector<16xf32>
      %sub3A_782 = arith.subf %get3A_694, %get3A_726 : vector<16xf32>
      %sub3A_783 = arith.subf %get3A_698, %get3A_730 : vector<16xf32>
      %sub3A_784 = arith.subf %get3A_702, %get3A_734 : vector<16xf32>
      %sub3A_785 = arith.subf %get3A_706, %get3A_738 : vector<16xf32>
      %sub3A_786 = arith.subf %get3A_710, %get3A_742 : vector<16xf32>
      %sub3A_787 = arith.subf %get3A_714, %get3A_746 : vector<16xf32>
      %sub3A_788 = arith.subf %get3A_718, %get3A_750 : vector<16xf32>
      tpu.vector_store_idx %arg22[%convert_element_type3A, %iota3A], %broadcast_in_dim3A_516 {add = true} : memref<64x16xf32, #tpu.memory_space<vmem>>[vector<16xi32>, vector<16xi32>], vector<16xf32>,
      tpu.vector_store_idx %arg23[%convert_element_type3A, %iota3A], %sub3A {add = true} : memref<64x16xf32, #tpu.memory_space<vmem>>[vector<16xi32>, vector<16xi32>], vector<16xf32>,
      tpu.vector_store_idx %arg22[%convert_element_type3A_757, %iota3A], %broadcast_in_dim3A_516 {add = true} : memref<64x16xf32, #tpu.memory_space<vmem>>[vector<16xi32>, vector<16xi32>], vector<16xf32>,
      tpu.vector_store_idx %arg23[%convert_element_type3A_757, %iota3A], %sub3A_782 {add = true} : memref<64x16xf32, #tpu.memory_space<vmem>>[vector<16xi32>, vector<16xi32>], vector<16xf32>,
      tpu.vector_store_idx %arg22[%convert_element_type3A_761, %iota3A], %broadcast_in_dim3A_516 {add = true} : memref<64x16xf32, #tpu.memory_space<vmem>>[vector<16xi32>, vector<16xi32>], vector<16xf32>,
      tpu.vector_store_idx %arg23[%convert_element_type3A_761, %iota3A], %sub3A_783 {add = true} : memref<64x16xf32, #tpu.memory_space<vmem>>[vector<16xi32>, vector<16xi32>], vector<16xf32>,
      tpu.vector_store_idx %arg22[%convert_element_type3A_765, %iota3A], %broadcast_in_dim3A_516 {add = true} : memref<64x16xf32, #tpu.memory_space<vmem>>[vector<16xi32>, vector<16xi32>], vector<16xf32>,
      tpu.vector_store_idx %arg23[%convert_element_type3A_765, %iota3A], %sub3A_784 {add = true} : memref<64x16xf32, #tpu.memory_space<vmem>>[vector<16xi32>, vector<16xi32>], vector<16xf32>,
      tpu.vector_store_idx %arg22[%convert_element_type3A_769, %iota3A], %broadcast_in_dim3A_516 {add = true} : memref<64x16xf32, #tpu.memory_space<vmem>>[vector<16xi32>, vector<16xi32>], vector<16xf32>,
      tpu.vector_store_idx %arg23[%convert_element_type3A_769, %iota3A], %sub3A_785 {add = true} : memref<64x16xf32, #tpu.memory_space<vmem>>[vector<16xi32>, vector<16xi32>], vector<16xf32>,
      tpu.vector_store_idx %arg22[%convert_element_type3A_773, %iota3A], %broadcast_in_dim3A_516 {add = true} : memref<64x16xf32, #tpu.memory_space<vmem>>[vector<16xi32>, vector<16xi32>], vector<16xf32>,
      tpu.vector_store_idx %arg23[%convert_element_type3A_773, %iota3A], %sub3A_786 {add = true} : memref<64x16xf32, #tpu.memory_space<vmem>>[vector<16xi32>, vector<16xi32>], vector<16xf32>,
      tpu.vector_store_idx %arg22[%convert_element_type3A_777, %iota3A], %broadcast_in_dim3A_516 {add = true} : memref<64x16xf32, #tpu.memory_space<vmem>>[vector<16xi32>, vector<16xi32>], vector<16xf32>,
      tpu.vector_store_idx %arg23[%convert_element_type3A_777, %iota3A], %sub3A_787 {add = true} : memref<64x16xf32, #tpu.memory_space<vmem>>[vector<16xi32>, vector<16xi32>], vector<16xf32>,
      tpu.vector_store_idx %arg22[%convert_element_type3A_781, %iota3A], %broadcast_in_dim3A_516 {add = true} : memref<64x16xf32, #tpu.memory_space<vmem>>[vector<16xi32>, vector<16xi32>], vector<16xf32>,
      tpu.vector_store_idx %arg23[%convert_element_type3A_781, %iota3A], %sub3A_788 {add = true} : memref<64x16xf32, #tpu.memory_space<vmem>>[vector<16xi32>, vector<16xi32>], vector<16xf32>,
      %scan3A_789 = arith.constant 0 : i32
      scf.yield %scan3A_789 : i32
    }
    %scan3A_616 = arith.constant 40 : i32
    %add3A_617 = arith.constant 40960 : i32
    %add3A_618 = arith.addi %mul3A_2, %add3A_617 : i32
    %dma_start3A_619 = tpu.memref_slice %arg2[%add3A_618] : memref<2097152xf32, #tpu.memory_space<hbm>> -> memref<5120xf32, #tpu.memory_space<hbm>>
    %dma_start3A_620 = tpu.memref_slice %arg2[%add3A_618] : memref<2097152xf32, #tpu.memory_space<hbm>> -> memref<5120xf32, #tpu.memory_space<hbm>>
    tpu.enqueue_dma source(%dma_start3A_620 : memref<5120xf32, #tpu.memory_space<hbm>>) target(%arg6 : memref<5120xf32, #tpu.memory_space<vmem>>) target_semaphore(%arg8 : memref<!tpu.dma_semaphore, #tpu.memory_space<semaphore_mem>>)
    %dma_start3A_621 = tpu.memref_slice %arg3[%add3A_618] : memref<2097152xf32, #tpu.memory_space<hbm>> -> memref<5120xf32, #tpu.memory_space<hbm>>
    %dma_start3A_622 = tpu.memref_slice %arg3[%add3A_618] : memref<2097152xf32, #tpu.memory_space<hbm>> -> memref<5120xf32, #tpu.memory_space<hbm>>
    tpu.enqueue_dma source(%dma_start3A_622 : memref<5120xf32, #tpu.memory_space<hbm>>) target(%arg7 : memref<5120xf32, #tpu.memory_space<vmem>>) target_semaphore(%arg9 : memref<!tpu.dma_semaphore, #tpu.memory_space<semaphore_mem>>)
    %dma_wait3A_623 = tpu.memref_slice %arg2[%add3A_567] : memref<2097152xf32, #tpu.memory_space<hbm>> -> memref<5120xf32, #tpu.memory_space<hbm>>
    %dma_wait3A_624 = tpu.memref_slice %arg2[%add3A_567] : memref<2097152xf32, #tpu.memory_space<hbm>> -> memref<5120xf32, #tpu.memory_space<hbm>>
    tpu.wait_dma2 semaphore(%arg12 : memref<!tpu.dma_semaphore, #tpu.memory_space<semaphore_mem>>) src(%dma_wait3A_624 : memref<5120xf32, #tpu.memory_space<hbm>>) dst(%arg10 : memref<5120xf32, #tpu.memory_space<vmem>>)
    %dma_wait3A_625 = tpu.memref_slice %arg3[%add3A_567] : memref<2097152xf32, #tpu.memory_space<hbm>> -> memref<5120xf32, #tpu.memory_space<hbm>>
    %dma_wait3A_626 = tpu.memref_slice %arg3[%add3A_567] : memref<2097152xf32, #tpu.memory_space<hbm>> -> memref<5120xf32, #tpu.memory_space<hbm>>
    tpu.wait_dma2 semaphore(%arg13 : memref<!tpu.dma_semaphore, #tpu.memory_space<semaphore_mem>>) src(%dma_wait3A_626 : memref<5120xf32, #tpu.memory_space<hbm>>) dst(%arg11 : memref<5120xf32, #tpu.memory_space<vmem>>)
    %scan3A_627 = arith.constant 0 : i32
    %scan3A_628 = arith.constant 0 : i32
    %scan3A_629 = arith.constant 40 : i32
    %scan3A_630 = arith.addi %scan3A_628, %scan3A_629 : i32
    %scan3A_631 = arith.constant 1 : i32
    %scan3A_632 = scf.for %scan3A_684 = %scan3A_628 to %scan3A_630 step %scan3A_631 iter_args(%scan3A_685 = %scan3A_627) -> (i32)  : i32 {
      %mul3A_686 = arith.constant 128 : i32
      %mul3A_687 = arith.muli %scan3A_684, %mul3A_686 : i32
      %add3A_688 = arith.constant 0 : i32
      %add3A_689 = arith.addi %mul3A_687, %add3A_688 : i32
      %get3A = arith.index_cast %add3A_689 : i32 to index
      %get3A_690 = tpu.vector_load %arg11[%get3A] {strides = array<i32>} : memref<5120xf32, #tpu.memory_space<vmem>>, vector<16xf32>,
      %add3A_691 = arith.constant 16 : i32
      %add3A_692 = arith.addi %mul3A_687, %add3A_691 : i32
      %get3A_693 = arith.index_cast %add3A_692 : i32 to index
      %get3A_694 = tpu.vector_load %arg11[%get3A_693] {strides = array<i32>} : memref<5120xf32, #tpu.memory_space<vmem>>, vector<16xf32>,
      %add3A_695 = arith.constant 32 : i32
      %add3A_696 = arith.addi %mul3A_687, %add3A_695 : i32
      %get3A_697 = arith.index_cast %add3A_696 : i32 to index
      %get3A_698 = tpu.vector_load %arg11[%get3A_697] {strides = array<i32>} : memref<5120xf32, #tpu.memory_space<vmem>>, vector<16xf32>,
      %add3A_699 = arith.constant 48 : i32
      %add3A_700 = arith.addi %mul3A_687, %add3A_699 : i32
      %get3A_701 = arith.index_cast %add3A_700 : i32 to index
      %get3A_702 = tpu.vector_load %arg11[%get3A_701] {strides = array<i32>} : memref<5120xf32, #tpu.memory_space<vmem>>, vector<16xf32>,
      %add3A_703 = arith.constant 64 : i32
      %add3A_704 = arith.addi %mul3A_687, %add3A_703 : i32
      %get3A_705 = arith.index_cast %add3A_704 : i32 to index
      %get3A_706 = tpu.vector_load %arg11[%get3A_705] {strides = array<i32>} : memref<5120xf32, #tpu.memory_space<vmem>>, vector<16xf32>,
      %add3A_707 = arith.constant 80 : i32
      %add3A_708 = arith.addi %mul3A_687, %add3A_707 : i32
      %get3A_709 = arith.index_cast %add3A_708 : i32 to index
      %get3A_710 = tpu.vector_load %arg11[%get3A_709] {strides = array<i32>} : memref<5120xf32, #tpu.memory_space<vmem>>, vector<16xf32>,
      %add3A_711 = arith.constant 96 : i32
      %add3A_712 = arith.addi %mul3A_687, %add3A_711 : i32
      %get3A_713 = arith.index_cast %add3A_712 : i32 to index
      %get3A_714 = tpu.vector_load %arg11[%get3A_713] {strides = array<i32>} : memref<5120xf32, #tpu.memory_space<vmem>>, vector<16xf32>,
      %add3A_715 = arith.constant 112 : i32
      %add3A_716 = arith.addi %mul3A_687, %add3A_715 : i32
      %get3A_717 = arith.index_cast %add3A_716 : i32 to index
      %get3A_718 = tpu.vector_load %arg11[%get3A_717] {strides = array<i32>} : memref<5120xf32, #tpu.memory_space<vmem>>, vector<16xf32>,
      %add3A_719 = arith.constant 0 : i32
      %add3A_720 = arith.addi %mul3A_687, %add3A_719 : i32
      %get3A_721 = arith.index_cast %add3A_720 : i32 to index
      %get3A_722 = tpu.vector_load %arg10[%get3A_721] {strides = array<i32>} : memref<5120xf32, #tpu.memory_space<vmem>>, vector<16xf32>,
      %add3A_723 = arith.constant 16 : i32
      %add3A_724 = arith.addi %mul3A_687, %add3A_723 : i32
      %get3A_725 = arith.index_cast %add3A_724 : i32 to index
      %get3A_726 = tpu.vector_load %arg10[%get3A_725] {strides = array<i32>} : memref<5120xf32, #tpu.memory_space<vmem>>, vector<16xf32>,
      %add3A_727 = arith.constant 32 : i32
      %add3A_728 = arith.addi %mul3A_687, %add3A_727 : i32
      %get3A_729 = arith.index_cast %add3A_728 : i32 to index
      %get3A_730 = tpu.vector_load %arg10[%get3A_729] {strides = array<i32>} : memref<5120xf32, #tpu.memory_space<vmem>>, vector<16xf32>,
      %add3A_731 = arith.constant 48 : i32
      %add3A_732 = arith.addi %mul3A_687, %add3A_731 : i32
      %get3A_733 = arith.index_cast %add3A_732 : i32 to index
      %get3A_734 = tpu.vector_load %arg10[%get3A_733] {strides = array<i32>} : memref<5120xf32, #tpu.memory_space<vmem>>, vector<16xf32>,
      %add3A_735 = arith.constant 64 : i32
      %add3A_736 = arith.addi %mul3A_687, %add3A_735 : i32
      %get3A_737 = arith.index_cast %add3A_736 : i32 to index
      %get3A_738 = tpu.vector_load %arg10[%get3A_737] {strides = array<i32>} : memref<5120xf32, #tpu.memory_space<vmem>>, vector<16xf32>,
      %add3A_739 = arith.constant 80 : i32
      %add3A_740 = arith.addi %mul3A_687, %add3A_739 : i32
      %get3A_741 = arith.index_cast %add3A_740 : i32 to index
      %get3A_742 = tpu.vector_load %arg10[%get3A_741] {strides = array<i32>} : memref<5120xf32, #tpu.memory_space<vmem>>, vector<16xf32>,
      %add3A_743 = arith.constant 96 : i32
      %add3A_744 = arith.addi %mul3A_687, %add3A_743 : i32
      %get3A_745 = arith.index_cast %add3A_744 : i32 to index
      %get3A_746 = tpu.vector_load %arg10[%get3A_745] {strides = array<i32>} : memref<5120xf32, #tpu.memory_space<vmem>>, vector<16xf32>,
      %add3A_747 = arith.constant 112 : i32
      %add3A_748 = arith.addi %mul3A_687, %add3A_747 : i32
      %get3A_749 = arith.index_cast %add3A_748 : i32 to index
      %get3A_750 = tpu.vector_load %arg10[%get3A_749] {strides = array<i32>} : memref<5120xf32, #tpu.memory_space<vmem>>, vector<16xf32>,
      %mul3A_751 = arith.constant 6.400000e+01 : f32
      %mul3A_752 = vector.broadcast %mul3A_751 : f32 to vector<16xf32>
      %mul3A_753 = arith.mulf %get3A_690, %mul3A_752 : vector<16xf32>
      %convert_element_type3A = arith.fptosi %mul3A_753 : vector<16xf32> to vector<16xi32>
      %mul3A_754 = arith.constant 6.400000e+01 : f32
      %mul3A_755 = vector.broadcast %mul3A_754 : f32 to vector<16xf32>
      %mul3A_756 = arith.mulf %get3A_694, %mul3A_755 : vector<16xf32>
      %convert_element_type3A_757 = arith.fptosi %mul3A_756 : vector<16xf32> to vector<16xi32>
      %mul3A_758 = arith.constant 6.400000e+01 : f32
      %mul3A_759 = vector.broadcast %mul3A_758 : f32 to vector<16xf32>
      %mul3A_760 = arith.mulf %get3A_698, %mul3A_759 : vector<16xf32>
      %convert_element_type3A_761 = arith.fptosi %mul3A_760 : vector<16xf32> to vector<16xi32>
      %mul3A_762 = arith.constant 6.400000e+01 : f32
      %mul3A_763 = vector.broadcast %mul3A_762 : f32 to vector<16xf32>
      %mul3A_764 = arith.mulf %get3A_702, %mul3A_763 : vector<16xf32>
      %convert_element_type3A_765 = arith.fptosi %mul3A_764 : vector<16xf32> to vector<16xi32>
      %mul3A_766 = arith.constant 6.400000e+01 : f32
      %mul3A_767 = vector.broadcast %mul3A_766 : f32 to vector<16xf32>
      %mul3A_768 = arith.mulf %get3A_706, %mul3A_767 : vector<16xf32>
      %convert_element_type3A_769 = arith.fptosi %mul3A_768 : vector<16xf32> to vector<16xi32>
      %mul3A_770 = arith.constant 6.400000e+01 : f32
      %mul3A_771 = vector.broadcast %mul3A_770 : f32 to vector<16xf32>
      %mul3A_772 = arith.mulf %get3A_710, %mul3A_771 : vector<16xf32>
      %convert_element_type3A_773 = arith.fptosi %mul3A_772 : vector<16xf32> to vector<16xi32>
      %mul3A_774 = arith.constant 6.400000e+01 : f32
      %mul3A_775 = vector.broadcast %mul3A_774 : f32 to vector<16xf32>
      %mul3A_776 = arith.mulf %get3A_714, %mul3A_775 : vector<16xf32>
      %convert_element_type3A_777 = arith.fptosi %mul3A_776 : vector<16xf32> to vector<16xi32>
      %mul3A_778 = arith.constant 6.400000e+01 : f32
      %mul3A_779 = vector.broadcast %mul3A_778 : f32 to vector<16xf32>
      %mul3A_780 = arith.mulf %get3A_718, %mul3A_779 : vector<16xf32>
      %convert_element_type3A_781 = arith.fptosi %mul3A_780 : vector<16xf32> to vector<16xi32>
      %sub3A = arith.subf %get3A_690, %get3A_722 : vector<16xf32>
      %sub3A_782 = arith.subf %get3A_694, %get3A_726 : vector<16xf32>
      %sub3A_783 = arith.subf %get3A_698, %get3A_730 : vector<16xf32>
      %sub3A_784 = arith.subf %get3A_702, %get3A_734 : vector<16xf32>
      %sub3A_785 = arith.subf %get3A_706, %get3A_738 : vector<16xf32>
      %sub3A_786 = arith.subf %get3A_710, %get3A_742 : vector<16xf32>
      %sub3A_787 = arith.subf %get3A_714, %get3A_746 : vector<16xf32>
      %sub3A_788 = arith.subf %get3A_718, %get3A_750 : vector<16xf32>
      tpu.vector_store_idx %arg22[%convert_element_type3A, %iota3A], %broadcast_in_dim3A_516 {add = true} : memref<64x16xf32, #tpu.memory_space<vmem>>[vector<16xi32>, vector<16xi32>], vector<16xf32>,
      tpu.vector_store_idx %arg23[%convert_element_type3A, %iota3A], %sub3A {add = true} : memref<64x16xf32, #tpu.memory_space<vmem>>[vector<16xi32>, vector<16xi32>], vector<16xf32>,
      tpu.vector_store_idx %arg22[%convert_element_type3A_757, %iota3A], %broadcast_in_dim3A_516 {add = true} : memref<64x16xf32, #tpu.memory_space<vmem>>[vector<16xi32>, vector<16xi32>], vector<16xf32>,
      tpu.vector_store_idx %arg23[%convert_element_type3A_757, %iota3A], %sub3A_782 {add = true} : memref<64x16xf32, #tpu.memory_space<vmem>>[vector<16xi32>, vector<16xi32>], vector<16xf32>,
      tpu.vector_store_idx %arg22[%convert_element_type3A_761, %iota3A], %broadcast_in_dim3A_516 {add = true} : memref<64x16xf32, #tpu.memory_space<vmem>>[vector<16xi32>, vector<16xi32>], vector<16xf32>,
      tpu.vector_store_idx %arg23[%convert_element_type3A_761, %iota3A], %sub3A_783 {add = true} : memref<64x16xf32, #tpu.memory_space<vmem>>[vector<16xi32>, vector<16xi32>], vector<16xf32>,
      tpu.vector_store_idx %arg22[%convert_element_type3A_765, %iota3A], %broadcast_in_dim3A_516 {add = true} : memref<64x16xf32, #tpu.memory_space<vmem>>[vector<16xi32>, vector<16xi32>], vector<16xf32>,
      tpu.vector_store_idx %arg23[%convert_element_type3A_765, %iota3A], %sub3A_784 {add = true} : memref<64x16xf32, #tpu.memory_space<vmem>>[vector<16xi32>, vector<16xi32>], vector<16xf32>,
      tpu.vector_store_idx %arg22[%convert_element_type3A_769, %iota3A], %broadcast_in_dim3A_516 {add = true} : memref<64x16xf32, #tpu.memory_space<vmem>>[vector<16xi32>, vector<16xi32>], vector<16xf32>,
      tpu.vector_store_idx %arg23[%convert_element_type3A_769, %iota3A], %sub3A_785 {add = true} : memref<64x16xf32, #tpu.memory_space<vmem>>[vector<16xi32>, vector<16xi32>], vector<16xf32>,
      tpu.vector_store_idx %arg22[%convert_element_type3A_773, %iota3A], %broadcast_in_dim3A_516 {add = true} : memref<64x16xf32, #tpu.memory_space<vmem>>[vector<16xi32>, vector<16xi32>], vector<16xf32>,
      tpu.vector_store_idx %arg23[%convert_element_type3A_773, %iota3A], %sub3A_786 {add = true} : memref<64x16xf32, #tpu.memory_space<vmem>>[vector<16xi32>, vector<16xi32>], vector<16xf32>,
      tpu.vector_store_idx %arg22[%convert_element_type3A_777, %iota3A], %broadcast_in_dim3A_516 {add = true} : memref<64x16xf32, #tpu.memory_space<vmem>>[vector<16xi32>, vector<16xi32>], vector<16xf32>,
      tpu.vector_store_idx %arg23[%convert_element_type3A_777, %iota3A], %sub3A_787 {add = true} : memref<64x16xf32, #tpu.memory_space<vmem>>[vector<16xi32>, vector<16xi32>], vector<16xf32>,
      tpu.vector_store_idx %arg22[%convert_element_type3A_781, %iota3A], %broadcast_in_dim3A_516 {add = true} : memref<64x16xf32, #tpu.memory_space<vmem>>[vector<16xi32>, vector<16xi32>], vector<16xf32>,
      tpu.vector_store_idx %arg23[%convert_element_type3A_781, %iota3A], %sub3A_788 {add = true} : memref<64x16xf32, #tpu.memory_space<vmem>>[vector<16xi32>, vector<16xi32>], vector<16xf32>,
      %scan3A_789 = arith.constant 0 : i32
      scf.yield %scan3A_789 : i32
    }
    %scan3A_633 = arith.constant 40 : i32
    %add3A_634 = arith.constant 46080 : i32
    %add3A_635 = arith.addi %mul3A_2, %add3A_634 : i32
    %dma_start3A_636 = tpu.memref_slice %arg2[%add3A_635] : memref<2097152xf32, #tpu.memory_space<hbm>> -> memref<5120xf32, #tpu.memory_space<hbm>>
    %dma_start3A_637 = tpu.memref_slice %arg2[%add3A_635] : memref<2097152xf32, #tpu.memory_space<hbm>> -> memref<5120xf32, #tpu.memory_space<hbm>>
    tpu.enqueue_dma source(%dma_start3A_637 : memref<5120xf32, #tpu.memory_space<hbm>>) target(%arg10 : memref<5120xf32, #tpu.memory_space<vmem>>) target_semaphore(%arg12 : memref<!tpu.dma_semaphore, #tpu.memory_space<semaphore_mem>>)
    %dma_start3A_638 = tpu.memref_slice %arg3[%add3A_635] : memref<2097152xf32, #tpu.memory_space<hbm>> -> memref<5120xf32, #tpu.memory_space<hbm>>
    %dma_start3A_639 = tpu.memref_slice %arg3[%add3A_635] : memref<2097152xf32, #tpu.memory_space<hbm>> -> memref<5120xf32, #tpu.memory_space<hbm>>
    tpu.enqueue_dma source(%dma_start3A_639 : memref<5120xf32, #tpu.memory_space<hbm>>) target(%arg11 : memref<5120xf32, #tpu.memory_space<vmem>>) target_semaphore(%arg13 : memref<!tpu.dma_semaphore, #tpu.memory_space<semaphore_mem>>)
    %dma_wait3A_640 = tpu.memref_slice %arg2[%add3A_584] : memref<2097152xf32, #tpu.memory_space<hbm>> -> memref<5120xf32, #tpu.memory_space<hbm>>
    %dma_wait3A_641 = tpu.memref_slice %arg2[%add3A_584] : memref<2097152xf32, #tpu.memory_space<hbm>> -> memref<5120xf32, #tpu.memory_space<hbm>>
    tpu.wait_dma2 semaphore(%arg16 : memref<!tpu.dma_semaphore, #tpu.memory_space<semaphore_mem>>) src(%dma_wait3A_641 : memref<5120xf32, #tpu.memory_space<hbm>>) dst(%arg14 : memref<5120xf32, #tpu.memory_space<vmem>>)
    %dma_wait3A_642 = tpu.memref_slice %arg3[%add3A_584] : memref<2097152xf32, #tpu.memory_space<hbm>> -> memref<5120xf32, #tpu.memory_space<hbm>>
    %dma_wait3A_643 = tpu.memref_slice %arg3[%add3A_584] : memref<2097152xf32, #tpu.memory_space<hbm>> -> memref<5120xf32, #tpu.memory_space<hbm>>
    tpu.wait_dma2 semaphore(%arg17 : memref<!tpu.dma_semaphore, #tpu.memory_space<semaphore_mem>>) src(%dma_wait3A_643 : memref<5120xf32, #tpu.memory_space<hbm>>) dst(%arg15 : memref<5120xf32, #tpu.memory_space<vmem>>)
    %scan3A_644 = arith.constant 0 : i32
    %scan3A_645 = arith.constant 0 : i32
    %scan3A_646 = arith.constant 40 : i32
    %scan3A_647 = arith.addi %scan3A_645, %scan3A_646 : i32
    %scan3A_648 = arith.constant 1 : i32
    %scan3A_649 = scf.for %scan3A_684 = %scan3A_645 to %scan3A_647 step %scan3A_648 iter_args(%scan3A_685 = %scan3A_644) -> (i32)  : i32 {
      %mul3A_686 = arith.constant 128 : i32
      %mul3A_687 = arith.muli %scan3A_684, %mul3A_686 : i32
      %add3A_688 = arith.constant 0 : i32
      %add3A_689 = arith.addi %mul3A_687, %add3A_688 : i32
      %get3A = arith.index_cast %add3A_689 : i32 to index
      %get3A_690 = tpu.vector_load %arg15[%get3A] {strides = array<i32>} : memref<5120xf32, #tpu.memory_space<vmem>>, vector<16xf32>,
      %add3A_691 = arith.constant 16 : i32
      %add3A_692 = arith.addi %mul3A_687, %add3A_691 : i32
      %get3A_693 = arith.index_cast %add3A_692 : i32 to index
      %get3A_694 = tpu.vector_load %arg15[%get3A_693] {strides = array<i32>} : memref<5120xf32, #tpu.memory_space<vmem>>, vector<16xf32>,
      %add3A_695 = arith.constant 32 : i32
      %add3A_696 = arith.addi %mul3A_687, %add3A_695 : i32
      %get3A_697 = arith.index_cast %add3A_696 : i32 to index
      %get3A_698 = tpu.vector_load %arg15[%get3A_697] {strides = array<i32>} : memref<5120xf32, #tpu.memory_space<vmem>>, vector<16xf32>,
      %add3A_699 = arith.constant 48 : i32
      %add3A_700 = arith.addi %mul3A_687, %add3A_699 : i32
      %get3A_701 = arith.index_cast %add3A_700 : i32 to index
      %get3A_702 = tpu.vector_load %arg15[%get3A_701] {strides = array<i32>} : memref<5120xf32, #tpu.memory_space<vmem>>, vector<16xf32>,
      %add3A_703 = arith.constant 64 : i32
      %add3A_704 = arith.addi %mul3A_687, %add3A_703 : i32
      %get3A_705 = arith.index_cast %add3A_704 : i32 to index
      %get3A_706 = tpu.vector_load %arg15[%get3A_705] {strides = array<i32>} : memref<5120xf32, #tpu.memory_space<vmem>>, vector<16xf32>,
      %add3A_707 = arith.constant 80 : i32
      %add3A_708 = arith.addi %mul3A_687, %add3A_707 : i32
      %get3A_709 = arith.index_cast %add3A_708 : i32 to index
      %get3A_710 = tpu.vector_load %arg15[%get3A_709] {strides = array<i32>} : memref<5120xf32, #tpu.memory_space<vmem>>, vector<16xf32>,
      %add3A_711 = arith.constant 96 : i32
      %add3A_712 = arith.addi %mul3A_687, %add3A_711 : i32
      %get3A_713 = arith.index_cast %add3A_712 : i32 to index
      %get3A_714 = tpu.vector_load %arg15[%get3A_713] {strides = array<i32>} : memref<5120xf32, #tpu.memory_space<vmem>>, vector<16xf32>,
      %add3A_715 = arith.constant 112 : i32
      %add3A_716 = arith.addi %mul3A_687, %add3A_715 : i32
      %get3A_717 = arith.index_cast %add3A_716 : i32 to index
      %get3A_718 = tpu.vector_load %arg15[%get3A_717] {strides = array<i32>} : memref<5120xf32, #tpu.memory_space<vmem>>, vector<16xf32>,
      %add3A_719 = arith.constant 0 : i32
      %add3A_720 = arith.addi %mul3A_687, %add3A_719 : i32
      %get3A_721 = arith.index_cast %add3A_720 : i32 to index
      %get3A_722 = tpu.vector_load %arg14[%get3A_721] {strides = array<i32>} : memref<5120xf32, #tpu.memory_space<vmem>>, vector<16xf32>,
      %add3A_723 = arith.constant 16 : i32
      %add3A_724 = arith.addi %mul3A_687, %add3A_723 : i32
      %get3A_725 = arith.index_cast %add3A_724 : i32 to index
      %get3A_726 = tpu.vector_load %arg14[%get3A_725] {strides = array<i32>} : memref<5120xf32, #tpu.memory_space<vmem>>, vector<16xf32>,
      %add3A_727 = arith.constant 32 : i32
      %add3A_728 = arith.addi %mul3A_687, %add3A_727 : i32
      %get3A_729 = arith.index_cast %add3A_728 : i32 to index
      %get3A_730 = tpu.vector_load %arg14[%get3A_729] {strides = array<i32>} : memref<5120xf32, #tpu.memory_space<vmem>>, vector<16xf32>,
      %add3A_731 = arith.constant 48 : i32
      %add3A_732 = arith.addi %mul3A_687, %add3A_731 : i32
      %get3A_733 = arith.index_cast %add3A_732 : i32 to index
      %get3A_734 = tpu.vector_load %arg14[%get3A_733] {strides = array<i32>} : memref<5120xf32, #tpu.memory_space<vmem>>, vector<16xf32>,
      %add3A_735 = arith.constant 64 : i32
      %add3A_736 = arith.addi %mul3A_687, %add3A_735 : i32
      %get3A_737 = arith.index_cast %add3A_736 : i32 to index
      %get3A_738 = tpu.vector_load %arg14[%get3A_737] {strides = array<i32>} : memref<5120xf32, #tpu.memory_space<vmem>>, vector<16xf32>,
      %add3A_739 = arith.constant 80 : i32
      %add3A_740 = arith.addi %mul3A_687, %add3A_739 : i32
      %get3A_741 = arith.index_cast %add3A_740 : i32 to index
      %get3A_742 = tpu.vector_load %arg14[%get3A_741] {strides = array<i32>} : memref<5120xf32, #tpu.memory_space<vmem>>, vector<16xf32>,
      %add3A_743 = arith.constant 96 : i32
      %add3A_744 = arith.addi %mul3A_687, %add3A_743 : i32
      %get3A_745 = arith.index_cast %add3A_744 : i32 to index
      %get3A_746 = tpu.vector_load %arg14[%get3A_745] {strides = array<i32>} : memref<5120xf32, #tpu.memory_space<vmem>>, vector<16xf32>,
      %add3A_747 = arith.constant 112 : i32
      %add3A_748 = arith.addi %mul3A_687, %add3A_747 : i32
      %get3A_749 = arith.index_cast %add3A_748 : i32 to index
      %get3A_750 = tpu.vector_load %arg14[%get3A_749] {strides = array<i32>} : memref<5120xf32, #tpu.memory_space<vmem>>, vector<16xf32>,
      %mul3A_751 = arith.constant 6.400000e+01 : f32
      %mul3A_752 = vector.broadcast %mul3A_751 : f32 to vector<16xf32>
      %mul3A_753 = arith.mulf %get3A_690, %mul3A_752 : vector<16xf32>
      %convert_element_type3A = arith.fptosi %mul3A_753 : vector<16xf32> to vector<16xi32>
      %mul3A_754 = arith.constant 6.400000e+01 : f32
      %mul3A_755 = vector.broadcast %mul3A_754 : f32 to vector<16xf32>
      %mul3A_756 = arith.mulf %get3A_694, %mul3A_755 : vector<16xf32>
      %convert_element_type3A_757 = arith.fptosi %mul3A_756 : vector<16xf32> to vector<16xi32>
      %mul3A_758 = arith.constant 6.400000e+01 : f32
      %mul3A_759 = vector.broadcast %mul3A_758 : f32 to vector<16xf32>
      %mul3A_760 = arith.mulf %get3A_698, %mul3A_759 : vector<16xf32>
      %convert_element_type3A_761 = arith.fptosi %mul3A_760 : vector<16xf32> to vector<16xi32>
      %mul3A_762 = arith.constant 6.400000e+01 : f32
      %mul3A_763 = vector.broadcast %mul3A_762 : f32 to vector<16xf32>
      %mul3A_764 = arith.mulf %get3A_702, %mul3A_763 : vector<16xf32>
      %convert_element_type3A_765 = arith.fptosi %mul3A_764 : vector<16xf32> to vector<16xi32>
      %mul3A_766 = arith.constant 6.400000e+01 : f32
      %mul3A_767 = vector.broadcast %mul3A_766 : f32 to vector<16xf32>
      %mul3A_768 = arith.mulf %get3A_706, %mul3A_767 : vector<16xf32>
      %convert_element_type3A_769 = arith.fptosi %mul3A_768 : vector<16xf32> to vector<16xi32>
      %mul3A_770 = arith.constant 6.400000e+01 : f32
      %mul3A_771 = vector.broadcast %mul3A_770 : f32 to vector<16xf32>
      %mul3A_772 = arith.mulf %get3A_710, %mul3A_771 : vector<16xf32>
      %convert_element_type3A_773 = arith.fptosi %mul3A_772 : vector<16xf32> to vector<16xi32>
      %mul3A_774 = arith.constant 6.400000e+01 : f32
      %mul3A_775 = vector.broadcast %mul3A_774 : f32 to vector<16xf32>
      %mul3A_776 = arith.mulf %get3A_714, %mul3A_775 : vector<16xf32>
      %convert_element_type3A_777 = arith.fptosi %mul3A_776 : vector<16xf32> to vector<16xi32>
      %mul3A_778 = arith.constant 6.400000e+01 : f32
      %mul3A_779 = vector.broadcast %mul3A_778 : f32 to vector<16xf32>
      %mul3A_780 = arith.mulf %get3A_718, %mul3A_779 : vector<16xf32>
      %convert_element_type3A_781 = arith.fptosi %mul3A_780 : vector<16xf32> to vector<16xi32>
      %sub3A = arith.subf %get3A_690, %get3A_722 : vector<16xf32>
      %sub3A_782 = arith.subf %get3A_694, %get3A_726 : vector<16xf32>
      %sub3A_783 = arith.subf %get3A_698, %get3A_730 : vector<16xf32>
      %sub3A_784 = arith.subf %get3A_702, %get3A_734 : vector<16xf32>
      %sub3A_785 = arith.subf %get3A_706, %get3A_738 : vector<16xf32>
      %sub3A_786 = arith.subf %get3A_710, %get3A_742 : vector<16xf32>
      %sub3A_787 = arith.subf %get3A_714, %get3A_746 : vector<16xf32>
      %sub3A_788 = arith.subf %get3A_718, %get3A_750 : vector<16xf32>
      tpu.vector_store_idx %arg22[%convert_element_type3A, %iota3A], %broadcast_in_dim3A_516 {add = true} : memref<64x16xf32, #tpu.memory_space<vmem>>[vector<16xi32>, vector<16xi32>], vector<16xf32>,
      tpu.vector_store_idx %arg23[%convert_element_type3A, %iota3A], %sub3A {add = true} : memref<64x16xf32, #tpu.memory_space<vmem>>[vector<16xi32>, vector<16xi32>], vector<16xf32>,
      tpu.vector_store_idx %arg22[%convert_element_type3A_757, %iota3A], %broadcast_in_dim3A_516 {add = true} : memref<64x16xf32, #tpu.memory_space<vmem>>[vector<16xi32>, vector<16xi32>], vector<16xf32>,
      tpu.vector_store_idx %arg23[%convert_element_type3A_757, %iota3A], %sub3A_782 {add = true} : memref<64x16xf32, #tpu.memory_space<vmem>>[vector<16xi32>, vector<16xi32>], vector<16xf32>,
      tpu.vector_store_idx %arg22[%convert_element_type3A_761, %iota3A], %broadcast_in_dim3A_516 {add = true} : memref<64x16xf32, #tpu.memory_space<vmem>>[vector<16xi32>, vector<16xi32>], vector<16xf32>,
      tpu.vector_store_idx %arg23[%convert_element_type3A_761, %iota3A], %sub3A_783 {add = true} : memref<64x16xf32, #tpu.memory_space<vmem>>[vector<16xi32>, vector<16xi32>], vector<16xf32>,
      tpu.vector_store_idx %arg22[%convert_element_type3A_765, %iota3A], %broadcast_in_dim3A_516 {add = true} : memref<64x16xf32, #tpu.memory_space<vmem>>[vector<16xi32>, vector<16xi32>], vector<16xf32>,
      tpu.vector_store_idx %arg23[%convert_element_type3A_765, %iota3A], %sub3A_784 {add = true} : memref<64x16xf32, #tpu.memory_space<vmem>>[vector<16xi32>, vector<16xi32>], vector<16xf32>,
      tpu.vector_store_idx %arg22[%convert_element_type3A_769, %iota3A], %broadcast_in_dim3A_516 {add = true} : memref<64x16xf32, #tpu.memory_space<vmem>>[vector<16xi32>, vector<16xi32>], vector<16xf32>,
      tpu.vector_store_idx %arg23[%convert_element_type3A_769, %iota3A], %sub3A_785 {add = true} : memref<64x16xf32, #tpu.memory_space<vmem>>[vector<16xi32>, vector<16xi32>], vector<16xf32>,
      tpu.vector_store_idx %arg22[%convert_element_type3A_773, %iota3A], %broadcast_in_dim3A_516 {add = true} : memref<64x16xf32, #tpu.memory_space<vmem>>[vector<16xi32>, vector<16xi32>], vector<16xf32>,
      tpu.vector_store_idx %arg23[%convert_element_type3A_773, %iota3A], %sub3A_786 {add = true} : memref<64x16xf32, #tpu.memory_space<vmem>>[vector<16xi32>, vector<16xi32>], vector<16xf32>,
      tpu.vector_store_idx %arg22[%convert_element_type3A_777, %iota3A], %broadcast_in_dim3A_516 {add = true} : memref<64x16xf32, #tpu.memory_space<vmem>>[vector<16xi32>, vector<16xi32>], vector<16xf32>,
      tpu.vector_store_idx %arg23[%convert_element_type3A_777, %iota3A], %sub3A_787 {add = true} : memref<64x16xf32, #tpu.memory_space<vmem>>[vector<16xi32>, vector<16xi32>], vector<16xf32>,
      tpu.vector_store_idx %arg22[%convert_element_type3A_781, %iota3A], %broadcast_in_dim3A_516 {add = true} : memref<64x16xf32, #tpu.memory_space<vmem>>[vector<16xi32>, vector<16xi32>], vector<16xf32>,
      tpu.vector_store_idx %arg23[%convert_element_type3A_781, %iota3A], %sub3A_788 {add = true} : memref<64x16xf32, #tpu.memory_space<vmem>>[vector<16xi32>, vector<16xi32>], vector<16xf32>,
      %scan3A_789 = arith.constant 0 : i32
      scf.yield %scan3A_789 : i32
    }
    %scan3A_650 = arith.constant 40 : i32
    %dma_wait3A_651 = tpu.memref_slice %arg2[%add3A_601] : memref<2097152xf32, #tpu.memory_space<hbm>> -> memref<5120xf32, #tpu.memory_space<hbm>>
    %dma_wait3A_652 = tpu.memref_slice %arg2[%add3A_601] : memref<2097152xf32, #tpu.memory_space<hbm>> -> memref<5120xf32, #tpu.memory_space<hbm>>
    tpu.wait_dma2 semaphore(%arg20 : memref<!tpu.dma_semaphore, #tpu.memory_space<semaphore_mem>>) src(%dma_wait3A_652 : memref<5120xf32, #tpu.memory_space<hbm>>) dst(%arg18 : memref<5120xf32, #tpu.memory_space<vmem>>)
    %dma_wait3A_653 = tpu.memref_slice %arg3[%add3A_601] : memref<2097152xf32, #tpu.memory_space<hbm>> -> memref<5120xf32, #tpu.memory_space<hbm>>
    %dma_wait3A_654 = tpu.memref_slice %arg3[%add3A_601] : memref<2097152xf32, #tpu.memory_space<hbm>> -> memref<5120xf32, #tpu.memory_space<hbm>>
    tpu.wait_dma2 semaphore(%arg21 : memref<!tpu.dma_semaphore, #tpu.memory_space<semaphore_mem>>) src(%dma_wait3A_654 : memref<5120xf32, #tpu.memory_space<hbm>>) dst(%arg19 : memref<5120xf32, #tpu.memory_space<vmem>>)
    %scan3A_655 = arith.constant 0 : i32
    %scan3A_656 = arith.constant 0 : i32
    %scan3A_657 = arith.constant 40 : i32
    %scan3A_658 = arith.addi %scan3A_656, %scan3A_657 : i32
    %scan3A_659 = arith.constant 1 : i32
    %scan3A_660 = scf.for %scan3A_684 = %scan3A_656 to %scan3A_658 step %scan3A_659 iter_args(%scan3A_685 = %scan3A_655) -> (i32)  : i32 {
      %mul3A_686 = arith.constant 128 : i32
      %mul3A_687 = arith.muli %scan3A_684, %mul3A_686 : i32
      %add3A_688 = arith.constant 0 : i32
      %add3A_689 = arith.addi %mul3A_687, %add3A_688 : i32
      %get3A = arith.index_cast %add3A_689 : i32 to index
      %get3A_690 = tpu.vector_load %arg19[%get3A] {strides = array<i32>} : memref<5120xf32, #tpu.memory_space<vmem>>, vector<16xf32>,
      %add3A_691 = arith.constant 16 : i32
      %add3A_692 = arith.addi %mul3A_687, %add3A_691 : i32
      %get3A_693 = arith.index_cast %add3A_692 : i32 to index
      %get3A_694 = tpu.vector_load %arg19[%get3A_693] {strides = array<i32>} : memref<5120xf32, #tpu.memory_space<vmem>>, vector<16xf32>,
      %add3A_695 = arith.constant 32 : i32
      %add3A_696 = arith.addi %mul3A_687, %add3A_695 : i32
      %get3A_697 = arith.index_cast %add3A_696 : i32 to index
      %get3A_698 = tpu.vector_load %arg19[%get3A_697] {strides = array<i32>} : memref<5120xf32, #tpu.memory_space<vmem>>, vector<16xf32>,
      %add3A_699 = arith.constant 48 : i32
      %add3A_700 = arith.addi %mul3A_687, %add3A_699 : i32
      %get3A_701 = arith.index_cast %add3A_700 : i32 to index
      %get3A_702 = tpu.vector_load %arg19[%get3A_701] {strides = array<i32>} : memref<5120xf32, #tpu.memory_space<vmem>>, vector<16xf32>,
      %add3A_703 = arith.constant 64 : i32
      %add3A_704 = arith.addi %mul3A_687, %add3A_703 : i32
      %get3A_705 = arith.index_cast %add3A_704 : i32 to index
      %get3A_706 = tpu.vector_load %arg19[%get3A_705] {strides = array<i32>} : memref<5120xf32, #tpu.memory_space<vmem>>, vector<16xf32>,
      %add3A_707 = arith.constant 80 : i32
      %add3A_708 = arith.addi %mul3A_687, %add3A_707 : i32
      %get3A_709 = arith.index_cast %add3A_708 : i32 to index
      %get3A_710 = tpu.vector_load %arg19[%get3A_709] {strides = array<i32>} : memref<5120xf32, #tpu.memory_space<vmem>>, vector<16xf32>,
      %add3A_711 = arith.constant 96 : i32
      %add3A_712 = arith.addi %mul3A_687, %add3A_711 : i32
      %get3A_713 = arith.index_cast %add3A_712 : i32 to index
      %get3A_714 = tpu.vector_load %arg19[%get3A_713] {strides = array<i32>} : memref<5120xf32, #tpu.memory_space<vmem>>, vector<16xf32>,
      %add3A_715 = arith.constant 112 : i32
      %add3A_716 = arith.addi %mul3A_687, %add3A_715 : i32
      %get3A_717 = arith.index_cast %add3A_716 : i32 to index
      %get3A_718 = tpu.vector_load %arg19[%get3A_717] {strides = array<i32>} : memref<5120xf32, #tpu.memory_space<vmem>>, vector<16xf32>,
      %add3A_719 = arith.constant 0 : i32
      %add3A_720 = arith.addi %mul3A_687, %add3A_719 : i32
      %get3A_721 = arith.index_cast %add3A_720 : i32 to index
      %get3A_722 = tpu.vector_load %arg18[%get3A_721] {strides = array<i32>} : memref<5120xf32, #tpu.memory_space<vmem>>, vector<16xf32>,
      %add3A_723 = arith.constant 16 : i32
      %add3A_724 = arith.addi %mul3A_687, %add3A_723 : i32
      %get3A_725 = arith.index_cast %add3A_724 : i32 to index
      %get3A_726 = tpu.vector_load %arg18[%get3A_725] {strides = array<i32>} : memref<5120xf32, #tpu.memory_space<vmem>>, vector<16xf32>,
      %add3A_727 = arith.constant 32 : i32
      %add3A_728 = arith.addi %mul3A_687, %add3A_727 : i32
      %get3A_729 = arith.index_cast %add3A_728 : i32 to index
      %get3A_730 = tpu.vector_load %arg18[%get3A_729] {strides = array<i32>} : memref<5120xf32, #tpu.memory_space<vmem>>, vector<16xf32>,
      %add3A_731 = arith.constant 48 : i32
      %add3A_732 = arith.addi %mul3A_687, %add3A_731 : i32
      %get3A_733 = arith.index_cast %add3A_732 : i32 to index
      %get3A_734 = tpu.vector_load %arg18[%get3A_733] {strides = array<i32>} : memref<5120xf32, #tpu.memory_space<vmem>>, vector<16xf32>,
      %add3A_735 = arith.constant 64 : i32
      %add3A_736 = arith.addi %mul3A_687, %add3A_735 : i32
      %get3A_737 = arith.index_cast %add3A_736 : i32 to index
      %get3A_738 = tpu.vector_load %arg18[%get3A_737] {strides = array<i32>} : memref<5120xf32, #tpu.memory_space<vmem>>, vector<16xf32>,
      %add3A_739 = arith.constant 80 : i32
      %add3A_740 = arith.addi %mul3A_687, %add3A_739 : i32
      %get3A_741 = arith.index_cast %add3A_740 : i32 to index
      %get3A_742 = tpu.vector_load %arg18[%get3A_741] {strides = array<i32>} : memref<5120xf32, #tpu.memory_space<vmem>>, vector<16xf32>,
      %add3A_743 = arith.constant 96 : i32
      %add3A_744 = arith.addi %mul3A_687, %add3A_743 : i32
      %get3A_745 = arith.index_cast %add3A_744 : i32 to index
      %get3A_746 = tpu.vector_load %arg18[%get3A_745] {strides = array<i32>} : memref<5120xf32, #tpu.memory_space<vmem>>, vector<16xf32>,
      %add3A_747 = arith.constant 112 : i32
      %add3A_748 = arith.addi %mul3A_687, %add3A_747 : i32
      %get3A_749 = arith.index_cast %add3A_748 : i32 to index
      %get3A_750 = tpu.vector_load %arg18[%get3A_749] {strides = array<i32>} : memref<5120xf32, #tpu.memory_space<vmem>>, vector<16xf32>,
      %mul3A_751 = arith.constant 6.400000e+01 : f32
      %mul3A_752 = vector.broadcast %mul3A_751 : f32 to vector<16xf32>
      %mul3A_753 = arith.mulf %get3A_690, %mul3A_752 : vector<16xf32>
      %convert_element_type3A = arith.fptosi %mul3A_753 : vector<16xf32> to vector<16xi32>
      %mul3A_754 = arith.constant 6.400000e+01 : f32
      %mul3A_755 = vector.broadcast %mul3A_754 : f32 to vector<16xf32>
      %mul3A_756 = arith.mulf %get3A_694, %mul3A_755 : vector<16xf32>
      %convert_element_type3A_757 = arith.fptosi %mul3A_756 : vector<16xf32> to vector<16xi32>
      %mul3A_758 = arith.constant 6.400000e+01 : f32
      %mul3A_759 = vector.broadcast %mul3A_758 : f32 to vector<16xf32>
      %mul3A_760 = arith.mulf %get3A_698, %mul3A_759 : vector<16xf32>
      %convert_element_type3A_761 = arith.fptosi %mul3A_760 : vector<16xf32> to vector<16xi32>
      %mul3A_762 = arith.constant 6.400000e+01 : f32
      %mul3A_763 = vector.broadcast %mul3A_762 : f32 to vector<16xf32>
      %mul3A_764 = arith.mulf %get3A_702, %mul3A_763 : vector<16xf32>
      %convert_element_type3A_765 = arith.fptosi %mul3A_764 : vector<16xf32> to vector<16xi32>
      %mul3A_766 = arith.constant 6.400000e+01 : f32
      %mul3A_767 = vector.broadcast %mul3A_766 : f32 to vector<16xf32>
      %mul3A_768 = arith.mulf %get3A_706, %mul3A_767 : vector<16xf32>
      %convert_element_type3A_769 = arith.fptosi %mul3A_768 : vector<16xf32> to vector<16xi32>
      %mul3A_770 = arith.constant 6.400000e+01 : f32
      %mul3A_771 = vector.broadcast %mul3A_770 : f32 to vector<16xf32>
      %mul3A_772 = arith.mulf %get3A_710, %mul3A_771 : vector<16xf32>
      %convert_element_type3A_773 = arith.fptosi %mul3A_772 : vector<16xf32> to vector<16xi32>
      %mul3A_774 = arith.constant 6.400000e+01 : f32
      %mul3A_775 = vector.broadcast %mul3A_774 : f32 to vector<16xf32>
      %mul3A_776 = arith.mulf %get3A_714, %mul3A_775 : vector<16xf32>
      %convert_element_type3A_777 = arith.fptosi %mul3A_776 : vector<16xf32> to vector<16xi32>
      %mul3A_778 = arith.constant 6.400000e+01 : f32
      %mul3A_779 = vector.broadcast %mul3A_778 : f32 to vector<16xf32>
      %mul3A_780 = arith.mulf %get3A_718, %mul3A_779 : vector<16xf32>
      %convert_element_type3A_781 = arith.fptosi %mul3A_780 : vector<16xf32> to vector<16xi32>
      %sub3A = arith.subf %get3A_690, %get3A_722 : vector<16xf32>
      %sub3A_782 = arith.subf %get3A_694, %get3A_726 : vector<16xf32>
      %sub3A_783 = arith.subf %get3A_698, %get3A_730 : vector<16xf32>
      %sub3A_784 = arith.subf %get3A_702, %get3A_734 : vector<16xf32>
      %sub3A_785 = arith.subf %get3A_706, %get3A_738 : vector<16xf32>
      %sub3A_786 = arith.subf %get3A_710, %get3A_742 : vector<16xf32>
      %sub3A_787 = arith.subf %get3A_714, %get3A_746 : vector<16xf32>
      %sub3A_788 = arith.subf %get3A_718, %get3A_750 : vector<16xf32>
      tpu.vector_store_idx %arg22[%convert_element_type3A, %iota3A], %broadcast_in_dim3A_516 {add = true} : memref<64x16xf32, #tpu.memory_space<vmem>>[vector<16xi32>, vector<16xi32>], vector<16xf32>,
      tpu.vector_store_idx %arg23[%convert_element_type3A, %iota3A], %sub3A {add = true} : memref<64x16xf32, #tpu.memory_space<vmem>>[vector<16xi32>, vector<16xi32>], vector<16xf32>,
      tpu.vector_store_idx %arg22[%convert_element_type3A_757, %iota3A], %broadcast_in_dim3A_516 {add = true} : memref<64x16xf32, #tpu.memory_space<vmem>>[vector<16xi32>, vector<16xi32>], vector<16xf32>,
      tpu.vector_store_idx %arg23[%convert_element_type3A_757, %iota3A], %sub3A_782 {add = true} : memref<64x16xf32, #tpu.memory_space<vmem>>[vector<16xi32>, vector<16xi32>], vector<16xf32>,
      tpu.vector_store_idx %arg22[%convert_element_type3A_761, %iota3A], %broadcast_in_dim3A_516 {add = true} : memref<64x16xf32, #tpu.memory_space<vmem>>[vector<16xi32>, vector<16xi32>], vector<16xf32>,
      tpu.vector_store_idx %arg23[%convert_element_type3A_761, %iota3A], %sub3A_783 {add = true} : memref<64x16xf32, #tpu.memory_space<vmem>>[vector<16xi32>, vector<16xi32>], vector<16xf32>,
      tpu.vector_store_idx %arg22[%convert_element_type3A_765, %iota3A], %broadcast_in_dim3A_516 {add = true} : memref<64x16xf32, #tpu.memory_space<vmem>>[vector<16xi32>, vector<16xi32>], vector<16xf32>,
      tpu.vector_store_idx %arg23[%convert_element_type3A_765, %iota3A], %sub3A_784 {add = true} : memref<64x16xf32, #tpu.memory_space<vmem>>[vector<16xi32>, vector<16xi32>], vector<16xf32>,
      tpu.vector_store_idx %arg22[%convert_element_type3A_769, %iota3A], %broadcast_in_dim3A_516 {add = true} : memref<64x16xf32, #tpu.memory_space<vmem>>[vector<16xi32>, vector<16xi32>], vector<16xf32>,
      tpu.vector_store_idx %arg23[%convert_element_type3A_769, %iota3A], %sub3A_785 {add = true} : memref<64x16xf32, #tpu.memory_space<vmem>>[vector<16xi32>, vector<16xi32>], vector<16xf32>,
      tpu.vector_store_idx %arg22[%convert_element_type3A_773, %iota3A], %broadcast_in_dim3A_516 {add = true} : memref<64x16xf32, #tpu.memory_space<vmem>>[vector<16xi32>, vector<16xi32>], vector<16xf32>,
      tpu.vector_store_idx %arg23[%convert_element_type3A_773, %iota3A], %sub3A_786 {add = true} : memref<64x16xf32, #tpu.memory_space<vmem>>[vector<16xi32>, vector<16xi32>], vector<16xf32>,
      tpu.vector_store_idx %arg22[%convert_element_type3A_777, %iota3A], %broadcast_in_dim3A_516 {add = true} : memref<64x16xf32, #tpu.memory_space<vmem>>[vector<16xi32>, vector<16xi32>], vector<16xf32>,
      tpu.vector_store_idx %arg23[%convert_element_type3A_777, %iota3A], %sub3A_787 {add = true} : memref<64x16xf32, #tpu.memory_space<vmem>>[vector<16xi32>, vector<16xi32>], vector<16xf32>,
      tpu.vector_store_idx %arg22[%convert_element_type3A_781, %iota3A], %broadcast_in_dim3A_516 {add = true} : memref<64x16xf32, #tpu.memory_space<vmem>>[vector<16xi32>, vector<16xi32>], vector<16xf32>,
      tpu.vector_store_idx %arg23[%convert_element_type3A_781, %iota3A], %sub3A_788 {add = true} : memref<64x16xf32, #tpu.memory_space<vmem>>[vector<16xi32>, vector<16xi32>], vector<16xf32>,
      %scan3A_789 = arith.constant 0 : i32
      scf.yield %scan3A_789 : i32
    }
    %scan3A_661 = arith.constant 40 : i32
    %dma_wait3A_662 = tpu.memref_slice %arg2[%add3A_618] : memref<2097152xf32, #tpu.memory_space<hbm>> -> memref<5120xf32, #tpu.memory_space<hbm>>
    %dma_wait3A_663 = tpu.memref_slice %arg2[%add3A_618] : memref<2097152xf32, #tpu.memory_space<hbm>> -> memref<5120xf32, #tpu.memory_space<hbm>>
    tpu.wait_dma2 semaphore(%arg8 : memref<!tpu.dma_semaphore, #tpu.memory_space<semaphore_mem>>) src(%dma_wait3A_663 : memref<5120xf32, #tpu.memory_space<hbm>>) dst(%arg6 : memref<5120xf32, #tpu.memory_space<vmem>>)
    %dma_wait3A_664 = tpu.memref_slice %arg3[%add3A_618] : memref<2097152xf32, #tpu.memory_space<hbm>> -> memref<5120xf32, #tpu.memory_space<hbm>>
    %dma_wait3A_665 = tpu.memref_slice %arg3[%add3A_618] : memref<2097152xf32, #tpu.memory_space<hbm>> -> memref<5120xf32, #tpu.memory_space<hbm>>
    tpu.wait_dma2 semaphore(%arg9 : memref<!tpu.dma_semaphore, #tpu.memory_space<semaphore_mem>>) src(%dma_wait3A_665 : memref<5120xf32, #tpu.memory_space<hbm>>) dst(%arg7 : memref<5120xf32, #tpu.memory_space<vmem>>)
    %scan3A_666 = arith.constant 0 : i32
    %scan3A_667 = arith.constant 0 : i32
    %scan3A_668 = arith.constant 40 : i32
    %scan3A_669 = arith.addi %scan3A_667, %scan3A_668 : i32
    %scan3A_670 = arith.constant 1 : i32
    %scan3A_671 = scf.for %scan3A_684 = %scan3A_667 to %scan3A_669 step %scan3A_670 iter_args(%scan3A_685 = %scan3A_666) -> (i32)  : i32 {
      %mul3A_686 = arith.constant 128 : i32
      %mul3A_687 = arith.muli %scan3A_684, %mul3A_686 : i32
      %add3A_688 = arith.constant 0 : i32
      %add3A_689 = arith.addi %mul3A_687, %add3A_688 : i32
      %get3A = arith.index_cast %add3A_689 : i32 to index
      %get3A_690 = tpu.vector_load %arg7[%get3A] {strides = array<i32>} : memref<5120xf32, #tpu.memory_space<vmem>>, vector<16xf32>,
      %add3A_691 = arith.constant 16 : i32
      %add3A_692 = arith.addi %mul3A_687, %add3A_691 : i32
      %get3A_693 = arith.index_cast %add3A_692 : i32 to index
      %get3A_694 = tpu.vector_load %arg7[%get3A_693] {strides = array<i32>} : memref<5120xf32, #tpu.memory_space<vmem>>, vector<16xf32>,
      %add3A_695 = arith.constant 32 : i32
      %add3A_696 = arith.addi %mul3A_687, %add3A_695 : i32
      %get3A_697 = arith.index_cast %add3A_696 : i32 to index
      %get3A_698 = tpu.vector_load %arg7[%get3A_697] {strides = array<i32>} : memref<5120xf32, #tpu.memory_space<vmem>>, vector<16xf32>,
      %add3A_699 = arith.constant 48 : i32
      %add3A_700 = arith.addi %mul3A_687, %add3A_699 : i32
      %get3A_701 = arith.index_cast %add3A_700 : i32 to index
      %get3A_702 = tpu.vector_load %arg7[%get3A_701] {strides = array<i32>} : memref<5120xf32, #tpu.memory_space<vmem>>, vector<16xf32>,
      %add3A_703 = arith.constant 64 : i32
      %add3A_704 = arith.addi %mul3A_687, %add3A_703 : i32
      %get3A_705 = arith.index_cast %add3A_704 : i32 to index
      %get3A_706 = tpu.vector_load %arg7[%get3A_705] {strides = array<i32>} : memref<5120xf32, #tpu.memory_space<vmem>>, vector<16xf32>,
      %add3A_707 = arith.constant 80 : i32
      %add3A_708 = arith.addi %mul3A_687, %add3A_707 : i32
      %get3A_709 = arith.index_cast %add3A_708 : i32 to index
      %get3A_710 = tpu.vector_load %arg7[%get3A_709] {strides = array<i32>} : memref<5120xf32, #tpu.memory_space<vmem>>, vector<16xf32>,
      %add3A_711 = arith.constant 96 : i32
      %add3A_712 = arith.addi %mul3A_687, %add3A_711 : i32
      %get3A_713 = arith.index_cast %add3A_712 : i32 to index
      %get3A_714 = tpu.vector_load %arg7[%get3A_713] {strides = array<i32>} : memref<5120xf32, #tpu.memory_space<vmem>>, vector<16xf32>,
      %add3A_715 = arith.constant 112 : i32
      %add3A_716 = arith.addi %mul3A_687, %add3A_715 : i32
      %get3A_717 = arith.index_cast %add3A_716 : i32 to index
      %get3A_718 = tpu.vector_load %arg7[%get3A_717] {strides = array<i32>} : memref<5120xf32, #tpu.memory_space<vmem>>, vector<16xf32>,
      %add3A_719 = arith.constant 0 : i32
      %add3A_720 = arith.addi %mul3A_687, %add3A_719 : i32
      %get3A_721 = arith.index_cast %add3A_720 : i32 to index
      %get3A_722 = tpu.vector_load %arg6[%get3A_721] {strides = array<i32>} : memref<5120xf32, #tpu.memory_space<vmem>>, vector<16xf32>,
      %add3A_723 = arith.constant 16 : i32
      %add3A_724 = arith.addi %mul3A_687, %add3A_723 : i32
      %get3A_725 = arith.index_cast %add3A_724 : i32 to index
      %get3A_726 = tpu.vector_load %arg6[%get3A_725] {strides = array<i32>} : memref<5120xf32, #tpu.memory_space<vmem>>, vector<16xf32>,
      %add3A_727 = arith.constant 32 : i32
      %add3A_728 = arith.addi %mul3A_687, %add3A_727 : i32
      %get3A_729 = arith.index_cast %add3A_728 : i32 to index
      %get3A_730 = tpu.vector_load %arg6[%get3A_729] {strides = array<i32>} : memref<5120xf32, #tpu.memory_space<vmem>>, vector<16xf32>,
      %add3A_731 = arith.constant 48 : i32
      %add3A_732 = arith.addi %mul3A_687, %add3A_731 : i32
      %get3A_733 = arith.index_cast %add3A_732 : i32 to index
      %get3A_734 = tpu.vector_load %arg6[%get3A_733] {strides = array<i32>} : memref<5120xf32, #tpu.memory_space<vmem>>, vector<16xf32>,
      %add3A_735 = arith.constant 64 : i32
      %add3A_736 = arith.addi %mul3A_687, %add3A_735 : i32
      %get3A_737 = arith.index_cast %add3A_736 : i32 to index
      %get3A_738 = tpu.vector_load %arg6[%get3A_737] {strides = array<i32>} : memref<5120xf32, #tpu.memory_space<vmem>>, vector<16xf32>,
      %add3A_739 = arith.constant 80 : i32
      %add3A_740 = arith.addi %mul3A_687, %add3A_739 : i32
      %get3A_741 = arith.index_cast %add3A_740 : i32 to index
      %get3A_742 = tpu.vector_load %arg6[%get3A_741] {strides = array<i32>} : memref<5120xf32, #tpu.memory_space<vmem>>, vector<16xf32>,
      %add3A_743 = arith.constant 96 : i32
      %add3A_744 = arith.addi %mul3A_687, %add3A_743 : i32
      %get3A_745 = arith.index_cast %add3A_744 : i32 to index
      %get3A_746 = tpu.vector_load %arg6[%get3A_745] {strides = array<i32>} : memref<5120xf32, #tpu.memory_space<vmem>>, vector<16xf32>,
      %add3A_747 = arith.constant 112 : i32
      %add3A_748 = arith.addi %mul3A_687, %add3A_747 : i32
      %get3A_749 = arith.index_cast %add3A_748 : i32 to index
      %get3A_750 = tpu.vector_load %arg6[%get3A_749] {strides = array<i32>} : memref<5120xf32, #tpu.memory_space<vmem>>, vector<16xf32>,
      %mul3A_751 = arith.constant 6.400000e+01 : f32
      %mul3A_752 = vector.broadcast %mul3A_751 : f32 to vector<16xf32>
      %mul3A_753 = arith.mulf %get3A_690, %mul3A_752 : vector<16xf32>
      %convert_element_type3A = arith.fptosi %mul3A_753 : vector<16xf32> to vector<16xi32>
      %mul3A_754 = arith.constant 6.400000e+01 : f32
      %mul3A_755 = vector.broadcast %mul3A_754 : f32 to vector<16xf32>
      %mul3A_756 = arith.mulf %get3A_694, %mul3A_755 : vector<16xf32>
      %convert_element_type3A_757 = arith.fptosi %mul3A_756 : vector<16xf32> to vector<16xi32>
      %mul3A_758 = arith.constant 6.400000e+01 : f32
      %mul3A_759 = vector.broadcast %mul3A_758 : f32 to vector<16xf32>
      %mul3A_760 = arith.mulf %get3A_698, %mul3A_759 : vector<16xf32>
      %convert_element_type3A_761 = arith.fptosi %mul3A_760 : vector<16xf32> to vector<16xi32>
      %mul3A_762 = arith.constant 6.400000e+01 : f32
      %mul3A_763 = vector.broadcast %mul3A_762 : f32 to vector<16xf32>
      %mul3A_764 = arith.mulf %get3A_702, %mul3A_763 : vector<16xf32>
      %convert_element_type3A_765 = arith.fptosi %mul3A_764 : vector<16xf32> to vector<16xi32>
      %mul3A_766 = arith.constant 6.400000e+01 : f32
      %mul3A_767 = vector.broadcast %mul3A_766 : f32 to vector<16xf32>
      %mul3A_768 = arith.mulf %get3A_706, %mul3A_767 : vector<16xf32>
      %convert_element_type3A_769 = arith.fptosi %mul3A_768 : vector<16xf32> to vector<16xi32>
      %mul3A_770 = arith.constant 6.400000e+01 : f32
      %mul3A_771 = vector.broadcast %mul3A_770 : f32 to vector<16xf32>
      %mul3A_772 = arith.mulf %get3A_710, %mul3A_771 : vector<16xf32>
      %convert_element_type3A_773 = arith.fptosi %mul3A_772 : vector<16xf32> to vector<16xi32>
      %mul3A_774 = arith.constant 6.400000e+01 : f32
      %mul3A_775 = vector.broadcast %mul3A_774 : f32 to vector<16xf32>
      %mul3A_776 = arith.mulf %get3A_714, %mul3A_775 : vector<16xf32>
      %convert_element_type3A_777 = arith.fptosi %mul3A_776 : vector<16xf32> to vector<16xi32>
      %mul3A_778 = arith.constant 6.400000e+01 : f32
      %mul3A_779 = vector.broadcast %mul3A_778 : f32 to vector<16xf32>
      %mul3A_780 = arith.mulf %get3A_718, %mul3A_779 : vector<16xf32>
      %convert_element_type3A_781 = arith.fptosi %mul3A_780 : vector<16xf32> to vector<16xi32>
      %sub3A = arith.subf %get3A_690, %get3A_722 : vector<16xf32>
      %sub3A_782 = arith.subf %get3A_694, %get3A_726 : vector<16xf32>
      %sub3A_783 = arith.subf %get3A_698, %get3A_730 : vector<16xf32>
      %sub3A_784 = arith.subf %get3A_702, %get3A_734 : vector<16xf32>
      %sub3A_785 = arith.subf %get3A_706, %get3A_738 : vector<16xf32>
      %sub3A_786 = arith.subf %get3A_710, %get3A_742 : vector<16xf32>
      %sub3A_787 = arith.subf %get3A_714, %get3A_746 : vector<16xf32>
      %sub3A_788 = arith.subf %get3A_718, %get3A_750 : vector<16xf32>
      tpu.vector_store_idx %arg22[%convert_element_type3A, %iota3A], %broadcast_in_dim3A_516 {add = true} : memref<64x16xf32, #tpu.memory_space<vmem>>[vector<16xi32>, vector<16xi32>], vector<16xf32>,
      tpu.vector_store_idx %arg23[%convert_element_type3A, %iota3A], %sub3A {add = true} : memref<64x16xf32, #tpu.memory_space<vmem>>[vector<16xi32>, vector<16xi32>], vector<16xf32>,
      tpu.vector_store_idx %arg22[%convert_element_type3A_757, %iota3A], %broadcast_in_dim3A_516 {add = true} : memref<64x16xf32, #tpu.memory_space<vmem>>[vector<16xi32>, vector<16xi32>], vector<16xf32>,
      tpu.vector_store_idx %arg23[%convert_element_type3A_757, %iota3A], %sub3A_782 {add = true} : memref<64x16xf32, #tpu.memory_space<vmem>>[vector<16xi32>, vector<16xi32>], vector<16xf32>,
      tpu.vector_store_idx %arg22[%convert_element_type3A_761, %iota3A], %broadcast_in_dim3A_516 {add = true} : memref<64x16xf32, #tpu.memory_space<vmem>>[vector<16xi32>, vector<16xi32>], vector<16xf32>,
      tpu.vector_store_idx %arg23[%convert_element_type3A_761, %iota3A], %sub3A_783 {add = true} : memref<64x16xf32, #tpu.memory_space<vmem>>[vector<16xi32>, vector<16xi32>], vector<16xf32>,
      tpu.vector_store_idx %arg22[%convert_element_type3A_765, %iota3A], %broadcast_in_dim3A_516 {add = true} : memref<64x16xf32, #tpu.memory_space<vmem>>[vector<16xi32>, vector<16xi32>], vector<16xf32>,
      tpu.vector_store_idx %arg23[%convert_element_type3A_765, %iota3A], %sub3A_784 {add = true} : memref<64x16xf32, #tpu.memory_space<vmem>>[vector<16xi32>, vector<16xi32>], vector<16xf32>,
      tpu.vector_store_idx %arg22[%convert_element_type3A_769, %iota3A], %broadcast_in_dim3A_516 {add = true} : memref<64x16xf32, #tpu.memory_space<vmem>>[vector<16xi32>, vector<16xi32>], vector<16xf32>,
      tpu.vector_store_idx %arg23[%convert_element_type3A_769, %iota3A], %sub3A_785 {add = true} : memref<64x16xf32, #tpu.memory_space<vmem>>[vector<16xi32>, vector<16xi32>], vector<16xf32>,
      tpu.vector_store_idx %arg22[%convert_element_type3A_773, %iota3A], %broadcast_in_dim3A_516 {add = true} : memref<64x16xf32, #tpu.memory_space<vmem>>[vector<16xi32>, vector<16xi32>], vector<16xf32>,
      tpu.vector_store_idx %arg23[%convert_element_type3A_773, %iota3A], %sub3A_786 {add = true} : memref<64x16xf32, #tpu.memory_space<vmem>>[vector<16xi32>, vector<16xi32>], vector<16xf32>,
      tpu.vector_store_idx %arg22[%convert_element_type3A_777, %iota3A], %broadcast_in_dim3A_516 {add = true} : memref<64x16xf32, #tpu.memory_space<vmem>>[vector<16xi32>, vector<16xi32>], vector<16xf32>,
      tpu.vector_store_idx %arg23[%convert_element_type3A_777, %iota3A], %sub3A_787 {add = true} : memref<64x16xf32, #tpu.memory_space<vmem>>[vector<16xi32>, vector<16xi32>], vector<16xf32>,
      tpu.vector_store_idx %arg22[%convert_element_type3A_781, %iota3A], %broadcast_in_dim3A_516 {add = true} : memref<64x16xf32, #tpu.memory_space<vmem>>[vector<16xi32>, vector<16xi32>], vector<16xf32>,
      tpu.vector_store_idx %arg23[%convert_element_type3A_781, %iota3A], %sub3A_788 {add = true} : memref<64x16xf32, #tpu.memory_space<vmem>>[vector<16xi32>, vector<16xi32>], vector<16xf32>,
      %scan3A_789 = arith.constant 0 : i32
      scf.yield %scan3A_789 : i32
    }
    %scan3A_672 = arith.constant 40 : i32
    %dma_wait3A_673 = tpu.memref_slice %arg2[%add3A_635] : memref<2097152xf32, #tpu.memory_space<hbm>> -> memref<5120xf32, #tpu.memory_space<hbm>>
    %dma_wait3A_674 = tpu.memref_slice %arg2[%add3A_635] : memref<2097152xf32, #tpu.memory_space<hbm>> -> memref<5120xf32, #tpu.memory_space<hbm>>
    tpu.wait_dma2 semaphore(%arg12 : memref<!tpu.dma_semaphore, #tpu.memory_space<semaphore_mem>>) src(%dma_wait3A_674 : memref<5120xf32, #tpu.memory_space<hbm>>) dst(%arg10 : memref<5120xf32, #tpu.memory_space<vmem>>)
    %dma_wait3A_675 = tpu.memref_slice %arg3[%add3A_635] : memref<2097152xf32, #tpu.memory_space<hbm>> -> memref<5120xf32, #tpu.memory_space<hbm>>
    %dma_wait3A_676 = tpu.memref_slice %arg3[%add3A_635] : memref<2097152xf32, #tpu.memory_space<hbm>> -> memref<5120xf32, #tpu.memory_space<hbm>>
    tpu.wait_dma2 semaphore(%arg13 : memref<!tpu.dma_semaphore, #tpu.memory_space<semaphore_mem>>) src(%dma_wait3A_676 : memref<5120xf32, #tpu.memory_space<hbm>>) dst(%arg11 : memref<5120xf32, #tpu.memory_space<vmem>>)
    %scan3A_677 = arith.constant 0 : i32
    %scan3A_678 = arith.constant 0 : i32
    %scan3A_679 = arith.constant 40 : i32
    %scan3A_680 = arith.addi %scan3A_678, %scan3A_679 : i32
    %scan3A_681 = arith.constant 1 : i32
    %scan3A_682 = scf.for %scan3A_684 = %scan3A_678 to %scan3A_680 step %scan3A_681 iter_args(%scan3A_685 = %scan3A_677) -> (i32)  : i32 {
      %mul3A_686 = arith.constant 128 : i32
      %mul3A_687 = arith.muli %scan3A_684, %mul3A_686 : i32
      %add3A_688 = arith.constant 0 : i32
      %add3A_689 = arith.addi %mul3A_687, %add3A_688 : i32
      %get3A = arith.index_cast %add3A_689 : i32 to index
      %get3A_690 = tpu.vector_load %arg11[%get3A] {strides = array<i32>} : memref<5120xf32, #tpu.memory_space<vmem>>, vector<16xf32>,
      %add3A_691 = arith.constant 16 : i32
      %add3A_692 = arith.addi %mul3A_687, %add3A_691 : i32
      %get3A_693 = arith.index_cast %add3A_692 : i32 to index
      %get3A_694 = tpu.vector_load %arg11[%get3A_693] {strides = array<i32>} : memref<5120xf32, #tpu.memory_space<vmem>>, vector<16xf32>,
      %add3A_695 = arith.constant 32 : i32
      %add3A_696 = arith.addi %mul3A_687, %add3A_695 : i32
      %get3A_697 = arith.index_cast %add3A_696 : i32 to index
      %get3A_698 = tpu.vector_load %arg11[%get3A_697] {strides = array<i32>} : memref<5120xf32, #tpu.memory_space<vmem>>, vector<16xf32>,
      %add3A_699 = arith.constant 48 : i32
      %add3A_700 = arith.addi %mul3A_687, %add3A_699 : i32
      %get3A_701 = arith.index_cast %add3A_700 : i32 to index
      %get3A_702 = tpu.vector_load %arg11[%get3A_701] {strides = array<i32>} : memref<5120xf32, #tpu.memory_space<vmem>>, vector<16xf32>,
      %add3A_703 = arith.constant 64 : i32
      %add3A_704 = arith.addi %mul3A_687, %add3A_703 : i32
      %get3A_705 = arith.index_cast %add3A_704 : i32 to index
      %get3A_706 = tpu.vector_load %arg11[%get3A_705] {strides = array<i32>} : memref<5120xf32, #tpu.memory_space<vmem>>, vector<16xf32>,
      %add3A_707 = arith.constant 80 : i32
      %add3A_708 = arith.addi %mul3A_687, %add3A_707 : i32
      %get3A_709 = arith.index_cast %add3A_708 : i32 to index
      %get3A_710 = tpu.vector_load %arg11[%get3A_709] {strides = array<i32>} : memref<5120xf32, #tpu.memory_space<vmem>>, vector<16xf32>,
      %add3A_711 = arith.constant 96 : i32
      %add3A_712 = arith.addi %mul3A_687, %add3A_711 : i32
      %get3A_713 = arith.index_cast %add3A_712 : i32 to index
      %get3A_714 = tpu.vector_load %arg11[%get3A_713] {strides = array<i32>} : memref<5120xf32, #tpu.memory_space<vmem>>, vector<16xf32>,
      %add3A_715 = arith.constant 112 : i32
      %add3A_716 = arith.addi %mul3A_687, %add3A_715 : i32
      %get3A_717 = arith.index_cast %add3A_716 : i32 to index
      %get3A_718 = tpu.vector_load %arg11[%get3A_717] {strides = array<i32>} : memref<5120xf32, #tpu.memory_space<vmem>>, vector<16xf32>,
      %add3A_719 = arith.constant 0 : i32
      %add3A_720 = arith.addi %mul3A_687, %add3A_719 : i32
      %get3A_721 = arith.index_cast %add3A_720 : i32 to index
      %get3A_722 = tpu.vector_load %arg10[%get3A_721] {strides = array<i32>} : memref<5120xf32, #tpu.memory_space<vmem>>, vector<16xf32>,
      %add3A_723 = arith.constant 16 : i32
      %add3A_724 = arith.addi %mul3A_687, %add3A_723 : i32
      %get3A_725 = arith.index_cast %add3A_724 : i32 to index
      %get3A_726 = tpu.vector_load %arg10[%get3A_725] {strides = array<i32>} : memref<5120xf32, #tpu.memory_space<vmem>>, vector<16xf32>,
      %add3A_727 = arith.constant 32 : i32
      %add3A_728 = arith.addi %mul3A_687, %add3A_727 : i32
      %get3A_729 = arith.index_cast %add3A_728 : i32 to index
      %get3A_730 = tpu.vector_load %arg10[%get3A_729] {strides = array<i32>} : memref<5120xf32, #tpu.memory_space<vmem>>, vector<16xf32>,
      %add3A_731 = arith.constant 48 : i32
      %add3A_732 = arith.addi %mul3A_687, %add3A_731 : i32
      %get3A_733 = arith.index_cast %add3A_732 : i32 to index
      %get3A_734 = tpu.vector_load %arg10[%get3A_733] {strides = array<i32>} : memref<5120xf32, #tpu.memory_space<vmem>>, vector<16xf32>,
      %add3A_735 = arith.constant 64 : i32
      %add3A_736 = arith.addi %mul3A_687, %add3A_735 : i32
      %get3A_737 = arith.index_cast %add3A_736 : i32 to index
      %get3A_738 = tpu.vector_load %arg10[%get3A_737] {strides = array<i32>} : memref<5120xf32, #tpu.memory_space<vmem>>, vector<16xf32>,
      %add3A_739 = arith.constant 80 : i32
      %add3A_740 = arith.addi %mul3A_687, %add3A_739 : i32
      %get3A_741 = arith.index_cast %add3A_740 : i32 to index
      %get3A_742 = tpu.vector_load %arg10[%get3A_741] {strides = array<i32>} : memref<5120xf32, #tpu.memory_space<vmem>>, vector<16xf32>,
      %add3A_743 = arith.constant 96 : i32
      %add3A_744 = arith.addi %mul3A_687, %add3A_743 : i32
      %get3A_745 = arith.index_cast %add3A_744 : i32 to index
      %get3A_746 = tpu.vector_load %arg10[%get3A_745] {strides = array<i32>} : memref<5120xf32, #tpu.memory_space<vmem>>, vector<16xf32>,
      %add3A_747 = arith.constant 112 : i32
      %add3A_748 = arith.addi %mul3A_687, %add3A_747 : i32
      %get3A_749 = arith.index_cast %add3A_748 : i32 to index
      %get3A_750 = tpu.vector_load %arg10[%get3A_749] {strides = array<i32>} : memref<5120xf32, #tpu.memory_space<vmem>>, vector<16xf32>,
      %mul3A_751 = arith.constant 6.400000e+01 : f32
      %mul3A_752 = vector.broadcast %mul3A_751 : f32 to vector<16xf32>
      %mul3A_753 = arith.mulf %get3A_690, %mul3A_752 : vector<16xf32>
      %convert_element_type3A = arith.fptosi %mul3A_753 : vector<16xf32> to vector<16xi32>
      %mul3A_754 = arith.constant 6.400000e+01 : f32
      %mul3A_755 = vector.broadcast %mul3A_754 : f32 to vector<16xf32>
      %mul3A_756 = arith.mulf %get3A_694, %mul3A_755 : vector<16xf32>
      %convert_element_type3A_757 = arith.fptosi %mul3A_756 : vector<16xf32> to vector<16xi32>
      %mul3A_758 = arith.constant 6.400000e+01 : f32
      %mul3A_759 = vector.broadcast %mul3A_758 : f32 to vector<16xf32>
      %mul3A_760 = arith.mulf %get3A_698, %mul3A_759 : vector<16xf32>
      %convert_element_type3A_761 = arith.fptosi %mul3A_760 : vector<16xf32> to vector<16xi32>
      %mul3A_762 = arith.constant 6.400000e+01 : f32
      %mul3A_763 = vector.broadcast %mul3A_762 : f32 to vector<16xf32>
      %mul3A_764 = arith.mulf %get3A_702, %mul3A_763 : vector<16xf32>
      %convert_element_type3A_765 = arith.fptosi %mul3A_764 : vector<16xf32> to vector<16xi32>
      %mul3A_766 = arith.constant 6.400000e+01 : f32
      %mul3A_767 = vector.broadcast %mul3A_766 : f32 to vector<16xf32>
      %mul3A_768 = arith.mulf %get3A_706, %mul3A_767 : vector<16xf32>
      %convert_element_type3A_769 = arith.fptosi %mul3A_768 : vector<16xf32> to vector<16xi32>
      %mul3A_770 = arith.constant 6.400000e+01 : f32
      %mul3A_771 = vector.broadcast %mul3A_770 : f32 to vector<16xf32>
      %mul3A_772 = arith.mulf %get3A_710, %mul3A_771 : vector<16xf32>
      %convert_element_type3A_773 = arith.fptosi %mul3A_772 : vector<16xf32> to vector<16xi32>
      %mul3A_774 = arith.constant 6.400000e+01 : f32
      %mul3A_775 = vector.broadcast %mul3A_774 : f32 to vector<16xf32>
      %mul3A_776 = arith.mulf %get3A_714, %mul3A_775 : vector<16xf32>
      %convert_element_type3A_777 = arith.fptosi %mul3A_776 : vector<16xf32> to vector<16xi32>
      %mul3A_778 = arith.constant 6.400000e+01 : f32
      %mul3A_779 = vector.broadcast %mul3A_778 : f32 to vector<16xf32>
      %mul3A_780 = arith.mulf %get3A_718, %mul3A_779 : vector<16xf32>
      %convert_element_type3A_781 = arith.fptosi %mul3A_780 : vector<16xf32> to vector<16xi32>
      %sub3A = arith.subf %get3A_690, %get3A_722 : vector<16xf32>
      %sub3A_782 = arith.subf %get3A_694, %get3A_726 : vector<16xf32>
      %sub3A_783 = arith.subf %get3A_698, %get3A_730 : vector<16xf32>
      %sub3A_784 = arith.subf %get3A_702, %get3A_734 : vector<16xf32>
      %sub3A_785 = arith.subf %get3A_706, %get3A_738 : vector<16xf32>
      %sub3A_786 = arith.subf %get3A_710, %get3A_742 : vector<16xf32>
      %sub3A_787 = arith.subf %get3A_714, %get3A_746 : vector<16xf32>
      %sub3A_788 = arith.subf %get3A_718, %get3A_750 : vector<16xf32>
      tpu.vector_store_idx %arg22[%convert_element_type3A, %iota3A], %broadcast_in_dim3A_516 {add = true} : memref<64x16xf32, #tpu.memory_space<vmem>>[vector<16xi32>, vector<16xi32>], vector<16xf32>,
      tpu.vector_store_idx %arg23[%convert_element_type3A, %iota3A], %sub3A {add = true} : memref<64x16xf32, #tpu.memory_space<vmem>>[vector<16xi32>, vector<16xi32>], vector<16xf32>,
      tpu.vector_store_idx %arg22[%convert_element_type3A_757, %iota3A], %broadcast_in_dim3A_516 {add = true} : memref<64x16xf32, #tpu.memory_space<vmem>>[vector<16xi32>, vector<16xi32>], vector<16xf32>,
      tpu.vector_store_idx %arg23[%convert_element_type3A_757, %iota3A], %sub3A_782 {add = true} : memref<64x16xf32, #tpu.memory_space<vmem>>[vector<16xi32>, vector<16xi32>], vector<16xf32>,
      tpu.vector_store_idx %arg22[%convert_element_type3A_761, %iota3A], %broadcast_in_dim3A_516 {add = true} : memref<64x16xf32, #tpu.memory_space<vmem>>[vector<16xi32>, vector<16xi32>], vector<16xf32>,
      tpu.vector_store_idx %arg23[%convert_element_type3A_761, %iota3A], %sub3A_783 {add = true} : memref<64x16xf32, #tpu.memory_space<vmem>>[vector<16xi32>, vector<16xi32>], vector<16xf32>,
      tpu.vector_store_idx %arg22[%convert_element_type3A_765, %iota3A], %broadcast_in_dim3A_516 {add = true} : memref<64x16xf32, #tpu.memory_space<vmem>>[vector<16xi32>, vector<16xi32>], vector<16xf32>,
      tpu.vector_store_idx %arg23[%convert_element_type3A_765, %iota3A], %sub3A_784 {add = true} : memref<64x16xf32, #tpu.memory_space<vmem>>[vector<16xi32>, vector<16xi32>], vector<16xf32>,
      tpu.vector_store_idx %arg22[%convert_element_type3A_769, %iota3A], %broadcast_in_dim3A_516 {add = true} : memref<64x16xf32, #tpu.memory_space<vmem>>[vector<16xi32>, vector<16xi32>], vector<16xf32>,
      tpu.vector_store_idx %arg23[%convert_element_type3A_769, %iota3A], %sub3A_785 {add = true} : memref<64x16xf32, #tpu.memory_space<vmem>>[vector<16xi32>, vector<16xi32>], vector<16xf32>,
      tpu.vector_store_idx %arg22[%convert_element_type3A_773, %iota3A], %broadcast_in_dim3A_516 {add = true} : memref<64x16xf32, #tpu.memory_space<vmem>>[vector<16xi32>, vector<16xi32>], vector<16xf32>,
      tpu.vector_store_idx %arg23[%convert_element_type3A_773, %iota3A], %sub3A_786 {add = true} : memref<64x16xf32, #tpu.memory_space<vmem>>[vector<16xi32>, vector<16xi32>], vector<16xf32>,
      tpu.vector_store_idx %arg22[%convert_element_type3A_777, %iota3A], %broadcast_in_dim3A_516 {add = true} : memref<64x16xf32, #tpu.memory_space<vmem>>[vector<16xi32>, vector<16xi32>], vector<16xf32>,
      tpu.vector_store_idx %arg23[%convert_element_type3A_777, %iota3A], %sub3A_787 {add = true} : memref<64x16xf32, #tpu.memory_space<vmem>>[vector<16xi32>, vector<16xi32>], vector<16xf32>,
      tpu.vector_store_idx %arg22[%convert_element_type3A_781, %iota3A], %broadcast_in_dim3A_516 {add = true} : memref<64x16xf32, #tpu.memory_space<vmem>>[vector<16xi32>, vector<16xi32>], vector<16xf32>,
      tpu.vector_store_idx %arg23[%convert_element_type3A_781, %iota3A], %sub3A_788 {add = true} : memref<64x16xf32, #tpu.memory_space<vmem>>[vector<16xi32>, vector<16xi32>], vector<16xf32>,
      %scan3A_789 = arith.constant 0 : i32
      scf.yield %scan3A_789 : i32
    }
    %scan3A_683 = arith.constant 40 : i32
    "tpu.region"() ({
      %run_scoped3A = tpu.sem_alloc : memref<!tpu.dma_semaphore, #tpu.memory_space<semaphore_mem>>
      %dma_start3A_684 = arith.constant 0 : i32
      %dma_start3A_685 = arith.constant 0 : i32
      %dma_start3A_686 = tpu.memref_slice %arg4[%add3A, %dma_start3A_684, %dma_start3A_685] : memref<32x64x16xf32, #tpu.memory_space<hbm>> -> memref<1x64x16xf32, #tpu.memory_space<hbm>>
      %dma_start3A_687 = tpu.memref_squeeze %dma_start3A_686 : memref<1x64x16xf32, #tpu.memory_space<hbm>> -> memref<64x16xf32, #tpu.memory_space<hbm>>
      %dma_start3A_688 = arith.constant 0 : i32
      %dma_start3A_689 = arith.constant 0 : i32
      %dma_start3A_690 = tpu.memref_slice %arg4[%add3A, %dma_start3A_688, %dma_start3A_689] : memref<32x64x16xf32, #tpu.memory_space<hbm>> -> memref<1x64x16xf32, #tpu.memory_space<hbm>>
      %dma_start3A_691 = tpu.memref_squeeze %dma_start3A_690 : memref<1x64x16xf32, #tpu.memory_space<hbm>> -> memref<64x16xf32, #tpu.memory_space<hbm>>
      tpu.enqueue_dma source(%arg22 : memref<64x16xf32, #tpu.memory_space<vmem>>) target(%dma_start3A_691 : memref<64x16xf32, #tpu.memory_space<hbm>>) target_semaphore(%run_scoped3A : memref<!tpu.dma_semaphore, #tpu.memory_space<semaphore_mem>>)
      %dma_wait3A_692 = arith.constant 0 : i32
      %dma_wait3A_693 = arith.constant 0 : i32
      %dma_wait3A_694 = tpu.memref_slice %arg4[%add3A, %dma_wait3A_692, %dma_wait3A_693] : memref<32x64x16xf32, #tpu.memory_space<hbm>> -> memref<1x64x16xf32, #tpu.memory_space<hbm>>
      %dma_wait3A_695 = tpu.memref_squeeze %dma_wait3A_694 : memref<1x64x16xf32, #tpu.memory_space<hbm>> -> memref<64x16xf32, #tpu.memory_space<hbm>>
      %dma_wait3A_696 = arith.constant 0 : i32
      %dma_wait3A_697 = arith.constant 0 : i32
      %dma_wait3A_698 = tpu.memref_slice %arg4[%add3A, %dma_wait3A_696, %dma_wait3A_697] : memref<32x64x16xf32, #tpu.memory_space<hbm>> -> memref<1x64x16xf32, #tpu.memory_space<hbm>>
      %dma_wait3A_699 = tpu.memref_squeeze %dma_wait3A_698 : memref<1x64x16xf32, #tpu.memory_space<hbm>> -> memref<64x16xf32, #tpu.memory_space<hbm>>
      tpu.wait_dma2 semaphore(%run_scoped3A : memref<!tpu.dma_semaphore, #tpu.memory_space<semaphore_mem>>) src(%arg22 : memref<64x16xf32, #tpu.memory_space<vmem>>) dst(%dma_wait3A_699 : memref<64x16xf32, #tpu.memory_space<hbm>>)
      tpu.yield
    }) : () -> ()
    "tpu.region"() ({
      %run_scoped3A = tpu.sem_alloc : memref<!tpu.dma_semaphore, #tpu.memory_space<semaphore_mem>>
      %dma_start3A_684 = arith.constant 0 : i32
      %dma_start3A_685 = arith.constant 0 : i32
      %dma_start3A_686 = tpu.memref_slice %arg5[%add3A, %dma_start3A_684, %dma_start3A_685] : memref<32x64x16xf32, #tpu.memory_space<hbm>> -> memref<1x64x16xf32, #tpu.memory_space<hbm>>
      %dma_start3A_687 = tpu.memref_squeeze %dma_start3A_686 : memref<1x64x16xf32, #tpu.memory_space<hbm>> -> memref<64x16xf32, #tpu.memory_space<hbm>>
      %dma_start3A_688 = arith.constant 0 : i32
      %dma_start3A_689 = arith.constant 0 : i32
      %dma_start3A_690 = tpu.memref_slice %arg5[%add3A, %dma_start3A_688, %dma_start3A_689] : memref<32x64x16xf32, #tpu.memory_space<hbm>> -> memref<1x64x16xf32, #tpu.memory_space<hbm>>
      %dma_start3A_691 = tpu.memref_squeeze %dma_start3A_690 : memref<1x64x16xf32, #tpu.memory_space<hbm>> -> memref<64x16xf32, #tpu.memory_space<hbm>>
      tpu.enqueue_dma source(%arg23 : memref<64x16xf32, #tpu.memory_space<vmem>>) target(%dma_start3A_691 : memref<64x16xf32, #tpu.memory_space<hbm>>) target_semaphore(%run_scoped3A : memref<!tpu.dma_semaphore, #tpu.memory_space<semaphore_mem>>)
      %dma_wait3A_692 = arith.constant 0 : i32
      %dma_wait3A_693 = arith.constant 0 : i32
      %dma_wait3A_694 = tpu.memref_slice %arg5[%add3A, %dma_wait3A_692, %dma_wait3A_693] : memref<32x64x16xf32, #tpu.memory_space<hbm>> -> memref<1x64x16xf32, #tpu.memory_space<hbm>>
      %dma_wait3A_695 = tpu.memref_squeeze %dma_wait3A_694 : memref<1x64x16xf32, #tpu.memory_space<hbm>> -> memref<64x16xf32, #tpu.memory_space<hbm>>
      %dma_wait3A_696 = arith.constant 0 : i32
      %dma_wait3A_697 = arith.constant 0 : i32
      %dma_wait3A_698 = tpu.memref_slice %arg5[%add3A, %dma_wait3A_696, %dma_wait3A_697] : memref<32x64x16xf32, #tpu.memory_space<hbm>> -> memref<1x64x16xf32, #tpu.memory_space<hbm>>
      %dma_wait3A_699 = tpu.memref_squeeze %dma_wait3A_698 : memref<1x64x16xf32, #tpu.memory_space<hbm>> -> memref<64x16xf32, #tpu.memory_space<hbm>>
      tpu.wait_dma2 semaphore(%run_scoped3A : memref<!tpu.dma_semaphore, #tpu.memory_space<semaphore_mem>>) src(%arg23 : memref<64x16xf32, #tpu.memory_space<vmem>>) dst(%dma_wait3A_699 : memref<64x16xf32, #tpu.memory_space<hbm>>)
      tpu.yield
    }) : () -> ()
    return
  }
}

module attributes {stable_mosaic.version = 14 : i64} {
  func.func @_final_body(%arg0: memref<32x64x16xf32, #tpu.memory_space<vmem>>, %arg1: memref<32x64x16xf32, #tpu.memory_space<vmem>>, %arg2: memref<64x2xf32, #tpu.memory_space<vmem>>, %arg3: memref<1xf32, #tpu.memory_space<smem>>) attributes {dimension_semantics = [], scalar_prefetch = 0 : i64, scratch_operands = 0 : i64, tpu.core_type = #tpu.core_type<tc>} {
    %get3A = arith.constant 0 : index
    %get3A_0 = arith.constant 0 : index
    %get3A_1 = arith.constant 0 : index
    %get3A_2 = vector.load %arg0[%get3A, %get3A_0, %get3A_1] : memref<32x64x16xf32, #tpu.memory_space<vmem>>, vector<32x64x16xf32>
    %reduce_sum3A = arith.constant dense<0.000000e+00> : vector<64xf32>
    %reduce_sum3A_3 = vector.multi_reduction <add>, %get3A_2, %reduce_sum3A [0, 2] : vector<32x64x16xf32> to vector<64xf32>
    %get3A_4 = arith.constant 0 : index
    %get3A_5 = arith.constant 0 : index
    %get3A_6 = vector.load %arg2[%get3A_4, %get3A_5] : memref<64x2xf32, #tpu.memory_space<vmem>>, vector<64x1xf32>
    %get3A_7 = vector.shape_cast %get3A_6 : vector<64x1xf32> to vector<64xf32>
    %add3A = arith.addf %reduce_sum3A_3, %get3A_7 : vector<64xf32>
    %get3A_8 = arith.constant 0 : index
    %get3A_9 = arith.constant 0 : index
    %get3A_10 = arith.constant 0 : index
    %get3A_11 = vector.load %arg1[%get3A_8, %get3A_9, %get3A_10] : memref<32x64x16xf32, #tpu.memory_space<vmem>>, vector<32x64x16xf32>
    %reduce_sum3A_12 = arith.constant dense<0.000000e+00> : vector<64xf32>
    %reduce_sum3A_13 = vector.multi_reduction <add>, %get3A_11, %reduce_sum3A_12 [0, 2] : vector<32x64x16xf32> to vector<64xf32>
    %get3A_14 = arith.constant 0 : index
    %get3A_15 = arith.constant 1 : index
    %get3A_16 = vector.load %arg2[%get3A_14, %get3A_15] : memref<64x2xf32, #tpu.memory_space<vmem>>, vector<64x1xf32>
    %get3A_17 = vector.shape_cast %get3A_16 : vector<64x1xf32> to vector<64xf32>
    %add3A_18 = arith.addf %reduce_sum3A_13, %get3A_17 : vector<64xf32>
    %max3A = arith.constant 1.000000e+00 : f32
    %max3A_19 = vector.broadcast %max3A : f32 to vector<64xf32>
    %max3A_20 = arith.maximumf %add3A, %max3A_19 : vector<64xf32>
    %gt3A = arith.constant 0.000000e+00 : f32
    %gt3A_21 = vector.broadcast %gt3A : f32 to vector<64xf32>
    %gt3A_22 = arith.cmpf ogt, %add3A, %gt3A_21 : vector<64xf32>
    %div3A = arith.constant 0x4A000000 : f32
    %div3A_23 = vector.broadcast %div3A : f32 to vector<64xf32>
    %div3A_24 = arith.divf %add3A, %div3A_23 : vector<64xf32>
    %abs3A = math.absf %add3A_18 : vector<64xf32>
    %mul3A = arith.mulf %div3A_24, %abs3A : vector<64xf32>
    %div3A_25 = arith.divf %mul3A, %max3A_20 : vector<64xf32>
    %jit3A = arith.constant 0.000000e+00 : f32
    %broadcast_in_dim3A = vector.broadcast %jit3A : f32 to vector<64xf32>
    %select_n3A = arith.select %gt3A_22, %div3A_25, %broadcast_in_dim3A : vector<64xi1>, vector<64xf32>
    %reduce_sum3A_26 = vector.shape_cast %select_n3A : vector<64xf32> to vector<1x64xf32>
    %reduce_sum3A_27 = arith.constant dense<0.000000e+00> : vector<1xf32>
    %reduce_sum3A_28 = vector.multi_reduction <add>, %reduce_sum3A_26, %reduce_sum3A_27 [1] : vector<1x64xf32> to vector<1xf32>
    %reduce_sum3A_29 = vector.shape_cast %reduce_sum3A_28 : vector<1xf32> to vector<1x1xf32>
    %reduce_sum3A_30 = vector.extract %reduce_sum3A_29[0, 0] : f32 from vector<1x1xf32>
    %swap3A = arith.constant 0 : index
    %swap3A_31 = memref.load %arg3[%swap3A] : memref<1xf32, #tpu.memory_space<smem>>
    memref.store %reduce_sum3A_30, %arg3[%swap3A] : memref<1xf32, #tpu.memory_space<smem>>
    return
  }
}

module attributes {stable_mosaic.version = 14 : i64} {
  func.func @_tc_hist_body(%arg0: i32, %arg1: memref<65536xf32, #tpu.memory_space<vmem>>, %arg2: memref<65536xf32, #tpu.memory_space<vmem>>, %arg3: memref<64x2xf32, #tpu.memory_space<vmem>>) attributes {dimension_semantics = [#tpu.dimension_semantics<arbitrary>], iteration_bounds = array<i64: 7>, scalar_prefetch = 0 : i64, scratch_operands = 0 : i64, tpu.core_type = #tpu.core_type<tc>, window_params = [{transform_indices = @transform_0, window_bounds = array<i64: 65536>}, {transform_indices = @transform_1, window_bounds = array<i64: 65536>}, {pipeline_mode = #tpu.pipeline_mode<synchronous>, transform_indices = @transform_2, window_bounds = array<i64: 64, 2>}]} {
    %eq3A = arith.constant 0 : i32
    %eq3A_0 = arith.cmpi eq, %arg0, %eq3A : i32
    %convert_element_type3A = arith.extui %eq3A_0 : i1 to i32
    %cond3A = arith.constant 0 : i32
    %cond3A_1 = arith.cmpi ne, %convert_element_type3A, %cond3A : i32
    scf.if %cond3A_1 {
      %broadcast_in_dim3A_200 = arith.constant 0.000000e+00 : f32
      %broadcast_in_dim3A_201 = vector.broadcast %broadcast_in_dim3A_200 : f32 to vector<64x2xf32>
      %swap3A_202 = arith.constant 0 : index
      %swap3A_203 = arith.constant 0 : index
      %swap3A_204 = vector.load %arg3[%swap3A_202, %swap3A_203] : memref<64x2xf32, #tpu.memory_space<vmem>>, vector<64x2xf32>
      tpu.vector_store %arg3[%swap3A_202, %swap3A_203], %broadcast_in_dim3A_201 {strides = array<i32>} : memref<64x2xf32, #tpu.memory_space<vmem>>, vector<64x2xf32>,
    } else {
    }
    %iota3A = tpu.iota {dimensions = array<i32: 0>} : vector<64x1xi32>
    %convert_element_type3A_2 = arith.sitofp %iota3A : vector<64x1xi32> to vector<64x1xf32>
    %broadcast_in_dim3A = arith.constant 0.000000e+00 : f32
    %broadcast_in_dim3A_3 = vector.broadcast %broadcast_in_dim3A : f32 to vector<64x2xf32>
    %get3A = arith.constant 0 : index
    %get3A_4 = vector.load %arg2[%get3A] : memref<65536xf32, #tpu.memory_space<vmem>>, vector<8192xf32>
    %reshape3A = vector.shape_cast %get3A_4 : vector<8192xf32> to vector<1x8192xf32>
    %get3A_5 = arith.constant 0 : index
    %get3A_6 = vector.load %arg1[%get3A_5] : memref<65536xf32, #tpu.memory_space<vmem>>, vector<8192xf32>
    %reshape3A_7 = vector.shape_cast %get3A_6 : vector<8192xf32> to vector<1x8192xf32>
    %mul3A = arith.constant 6.400000e+01 : f32
    %mul3A_8 = vector.broadcast %mul3A : f32 to vector<1x8192xf32>
    %mul3A_9 = arith.mulf %reshape3A, %mul3A_8 : vector<1x8192xf32>
    %floor3A = math.floor %mul3A_9 : vector<1x8192xf32>
    %sub3A = arith.subf %reshape3A, %reshape3A_7 : vector<1x8192xf32>
    %eq3A_10 = vector.broadcast %floor3A : vector<1x8192xf32> to vector<64x8192xf32>
    %eq3A_11 = vector.broadcast %convert_element_type3A_2 : vector<64x1xf32> to vector<64x8192xf32>
    %eq3A_12 = arith.cmpf oeq, %eq3A_10, %eq3A_11 : vector<64x8192xf32>
    %jit3A = arith.constant 1.000000e+00 : f32
    %jit3A_13 = arith.constant 0.000000e+00 : f32
    %broadcast_in_dim3A_14 = vector.broadcast %jit3A : f32 to vector<64x8192xf32>
    %broadcast_in_dim3A_15 = vector.broadcast %jit3A_13 : f32 to vector<64x8192xf32>
    %select_n3A = arith.select %eq3A_12, %broadcast_in_dim3A_14, %broadcast_in_dim3A_15 : vector<64x8192xi1>, vector<64x8192xf32>
    %broadcast_in_dim3A_16 = arith.constant 1.000000e+00 : f32
    %broadcast_in_dim3A_17 = vector.broadcast %broadcast_in_dim3A_16 : f32 to vector<1x8192xf32>
    %concatenate3A = tpu.concatenate %broadcast_in_dim3A_17, %sub3A in 0 : vector<1x8192xf32>, vector<1x8192xf32> -> vector<2x8192xf32>
    %dot_general3A = arith.constant dense<0.000000e+00> : vector<64x2xf32>
    %dot_general3A_18 = tpu.matmul %select_n3A, %concatenate3A, %dot_general3A {dimension_numbers = #tpu.dot_dimension_numbers<[1], [1], [0], [0], [0, 0, 1, 0], [], []>, transpose_lhs_hint = false} : vector<64x8192xf32>, vector<2x8192xf32>, vector<64x2xf32> -> vector<64x2xf32>
    %add3A = arith.addf %broadcast_in_dim3A_3, %dot_general3A_18 : vector<64x2xf32>
    %get3A_19 = arith.constant 8192 : index
    %get3A_20 = vector.load %arg2[%get3A_19] : memref<65536xf32, #tpu.memory_space<vmem>>, vector<8192xf32>
    %reshape3A_21 = vector.shape_cast %get3A_20 : vector<8192xf32> to vector<1x8192xf32>
    %get3A_22 = arith.constant 8192 : index
    %get3A_23 = vector.load %arg1[%get3A_22] : memref<65536xf32, #tpu.memory_space<vmem>>, vector<8192xf32>
    %reshape3A_24 = vector.shape_cast %get3A_23 : vector<8192xf32> to vector<1x8192xf32>
    %mul3A_25 = arith.constant 6.400000e+01 : f32
    %mul3A_26 = vector.broadcast %mul3A_25 : f32 to vector<1x8192xf32>
    %mul3A_27 = arith.mulf %reshape3A_21, %mul3A_26 : vector<1x8192xf32>
    %floor3A_28 = math.floor %mul3A_27 : vector<1x8192xf32>
    %sub3A_29 = arith.subf %reshape3A_21, %reshape3A_24 : vector<1x8192xf32>
    %eq3A_30 = vector.broadcast %floor3A_28 : vector<1x8192xf32> to vector<64x8192xf32>
    %eq3A_31 = vector.broadcast %convert_element_type3A_2 : vector<64x1xf32> to vector<64x8192xf32>
    %eq3A_32 = arith.cmpf oeq, %eq3A_30, %eq3A_31 : vector<64x8192xf32>
    %jit3A_33 = arith.constant 1.000000e+00 : f32
    %jit3A_34 = arith.constant 0.000000e+00 : f32
    %broadcast_in_dim3A_35 = vector.broadcast %jit3A_33 : f32 to vector<64x8192xf32>
    %broadcast_in_dim3A_36 = vector.broadcast %jit3A_34 : f32 to vector<64x8192xf32>
    %select_n3A_37 = arith.select %eq3A_32, %broadcast_in_dim3A_35, %broadcast_in_dim3A_36 : vector<64x8192xi1>, vector<64x8192xf32>
    %broadcast_in_dim3A_38 = arith.constant 1.000000e+00 : f32
    %broadcast_in_dim3A_39 = vector.broadcast %broadcast_in_dim3A_38 : f32 to vector<1x8192xf32>
    %concatenate3A_40 = tpu.concatenate %broadcast_in_dim3A_39, %sub3A_29 in 0 : vector<1x8192xf32>, vector<1x8192xf32> -> vector<2x8192xf32>
    %dot_general3A_41 = arith.constant dense<0.000000e+00> : vector<64x2xf32>
    %dot_general3A_42 = tpu.matmul %select_n3A_37, %concatenate3A_40, %dot_general3A_41 {dimension_numbers = #tpu.dot_dimension_numbers<[1], [1], [0], [0], [0, 0, 1, 0], [], []>, transpose_lhs_hint = false} : vector<64x8192xf32>, vector<2x8192xf32>, vector<64x2xf32> -> vector<64x2xf32>
    %add3A_43 = arith.addf %add3A, %dot_general3A_42 : vector<64x2xf32>
    %get3A_44 = arith.constant 16384 : index
    %get3A_45 = vector.load %arg2[%get3A_44] : memref<65536xf32, #tpu.memory_space<vmem>>, vector<8192xf32>
    %reshape3A_46 = vector.shape_cast %get3A_45 : vector<8192xf32> to vector<1x8192xf32>
    %get3A_47 = arith.constant 16384 : index
    %get3A_48 = vector.load %arg1[%get3A_47] : memref<65536xf32, #tpu.memory_space<vmem>>, vector<8192xf32>
    %reshape3A_49 = vector.shape_cast %get3A_48 : vector<8192xf32> to vector<1x8192xf32>
    %mul3A_50 = arith.constant 6.400000e+01 : f32
    %mul3A_51 = vector.broadcast %mul3A_50 : f32 to vector<1x8192xf32>
    %mul3A_52 = arith.mulf %reshape3A_46, %mul3A_51 : vector<1x8192xf32>
    %floor3A_53 = math.floor %mul3A_52 : vector<1x8192xf32>
    %sub3A_54 = arith.subf %reshape3A_46, %reshape3A_49 : vector<1x8192xf32>
    %eq3A_55 = vector.broadcast %floor3A_53 : vector<1x8192xf32> to vector<64x8192xf32>
    %eq3A_56 = vector.broadcast %convert_element_type3A_2 : vector<64x1xf32> to vector<64x8192xf32>
    %eq3A_57 = arith.cmpf oeq, %eq3A_55, %eq3A_56 : vector<64x8192xf32>
    %jit3A_58 = arith.constant 1.000000e+00 : f32
    %jit3A_59 = arith.constant 0.000000e+00 : f32
    %broadcast_in_dim3A_60 = vector.broadcast %jit3A_58 : f32 to vector<64x8192xf32>
    %broadcast_in_dim3A_61 = vector.broadcast %jit3A_59 : f32 to vector<64x8192xf32>
    %select_n3A_62 = arith.select %eq3A_57, %broadcast_in_dim3A_60, %broadcast_in_dim3A_61 : vector<64x8192xi1>, vector<64x8192xf32>
    %broadcast_in_dim3A_63 = arith.constant 1.000000e+00 : f32
    %broadcast_in_dim3A_64 = vector.broadcast %broadcast_in_dim3A_63 : f32 to vector<1x8192xf32>
    %concatenate3A_65 = tpu.concatenate %broadcast_in_dim3A_64, %sub3A_54 in 0 : vector<1x8192xf32>, vector<1x8192xf32> -> vector<2x8192xf32>
    %dot_general3A_66 = arith.constant dense<0.000000e+00> : vector<64x2xf32>
    %dot_general3A_67 = tpu.matmul %select_n3A_62, %concatenate3A_65, %dot_general3A_66 {dimension_numbers = #tpu.dot_dimension_numbers<[1], [1], [0], [0], [0, 0, 1, 0], [], []>, transpose_lhs_hint = false} : vector<64x8192xf32>, vector<2x8192xf32>, vector<64x2xf32> -> vector<64x2xf32>
    %add3A_68 = arith.addf %add3A_43, %dot_general3A_67 : vector<64x2xf32>
    %get3A_69 = arith.constant 24576 : index
    %get3A_70 = vector.load %arg2[%get3A_69] : memref<65536xf32, #tpu.memory_space<vmem>>, vector<8192xf32>
    %reshape3A_71 = vector.shape_cast %get3A_70 : vector<8192xf32> to vector<1x8192xf32>
    %get3A_72 = arith.constant 24576 : index
    %get3A_73 = vector.load %arg1[%get3A_72] : memref<65536xf32, #tpu.memory_space<vmem>>, vector<8192xf32>
    %reshape3A_74 = vector.shape_cast %get3A_73 : vector<8192xf32> to vector<1x8192xf32>
    %mul3A_75 = arith.constant 6.400000e+01 : f32
    %mul3A_76 = vector.broadcast %mul3A_75 : f32 to vector<1x8192xf32>
    %mul3A_77 = arith.mulf %reshape3A_71, %mul3A_76 : vector<1x8192xf32>
    %floor3A_78 = math.floor %mul3A_77 : vector<1x8192xf32>
    %sub3A_79 = arith.subf %reshape3A_71, %reshape3A_74 : vector<1x8192xf32>
    %eq3A_80 = vector.broadcast %floor3A_78 : vector<1x8192xf32> to vector<64x8192xf32>
    %eq3A_81 = vector.broadcast %convert_element_type3A_2 : vector<64x1xf32> to vector<64x8192xf32>
    %eq3A_82 = arith.cmpf oeq, %eq3A_80, %eq3A_81 : vector<64x8192xf32>
    %jit3A_83 = arith.constant 1.000000e+00 : f32
    %jit3A_84 = arith.constant 0.000000e+00 : f32
    %broadcast_in_dim3A_85 = vector.broadcast %jit3A_83 : f32 to vector<64x8192xf32>
    %broadcast_in_dim3A_86 = vector.broadcast %jit3A_84 : f32 to vector<64x8192xf32>
    %select_n3A_87 = arith.select %eq3A_82, %broadcast_in_dim3A_85, %broadcast_in_dim3A_86 : vector<64x8192xi1>, vector<64x8192xf32>
    %broadcast_in_dim3A_88 = arith.constant 1.000000e+00 : f32
    %broadcast_in_dim3A_89 = vector.broadcast %broadcast_in_dim3A_88 : f32 to vector<1x8192xf32>
    %concatenate3A_90 = tpu.concatenate %broadcast_in_dim3A_89, %sub3A_79 in 0 : vector<1x8192xf32>, vector<1x8192xf32> -> vector<2x8192xf32>
    %dot_general3A_91 = arith.constant dense<0.000000e+00> : vector<64x2xf32>
    %dot_general3A_92 = tpu.matmul %select_n3A_87, %concatenate3A_90, %dot_general3A_91 {dimension_numbers = #tpu.dot_dimension_numbers<[1], [1], [0], [0], [0, 0, 1, 0], [], []>, transpose_lhs_hint = false} : vector<64x8192xf32>, vector<2x8192xf32>, vector<64x2xf32> -> vector<64x2xf32>
    %add3A_93 = arith.addf %add3A_68, %dot_general3A_92 : vector<64x2xf32>
    %get3A_94 = arith.constant 32768 : index
    %get3A_95 = vector.load %arg2[%get3A_94] : memref<65536xf32, #tpu.memory_space<vmem>>, vector<8192xf32>
    %reshape3A_96 = vector.shape_cast %get3A_95 : vector<8192xf32> to vector<1x8192xf32>
    %get3A_97 = arith.constant 32768 : index
    %get3A_98 = vector.load %arg1[%get3A_97] : memref<65536xf32, #tpu.memory_space<vmem>>, vector<8192xf32>
    %reshape3A_99 = vector.shape_cast %get3A_98 : vector<8192xf32> to vector<1x8192xf32>
    %mul3A_100 = arith.constant 6.400000e+01 : f32
    %mul3A_101 = vector.broadcast %mul3A_100 : f32 to vector<1x8192xf32>
    %mul3A_102 = arith.mulf %reshape3A_96, %mul3A_101 : vector<1x8192xf32>
    %floor3A_103 = math.floor %mul3A_102 : vector<1x8192xf32>
    %sub3A_104 = arith.subf %reshape3A_96, %reshape3A_99 : vector<1x8192xf32>
    %eq3A_105 = vector.broadcast %floor3A_103 : vector<1x8192xf32> to vector<64x8192xf32>
    %eq3A_106 = vector.broadcast %convert_element_type3A_2 : vector<64x1xf32> to vector<64x8192xf32>
    %eq3A_107 = arith.cmpf oeq, %eq3A_105, %eq3A_106 : vector<64x8192xf32>
    %jit3A_108 = arith.constant 1.000000e+00 : f32
    %jit3A_109 = arith.constant 0.000000e+00 : f32
    %broadcast_in_dim3A_110 = vector.broadcast %jit3A_108 : f32 to vector<64x8192xf32>
    %broadcast_in_dim3A_111 = vector.broadcast %jit3A_109 : f32 to vector<64x8192xf32>
    %select_n3A_112 = arith.select %eq3A_107, %broadcast_in_dim3A_110, %broadcast_in_dim3A_111 : vector<64x8192xi1>, vector<64x8192xf32>
    %broadcast_in_dim3A_113 = arith.constant 1.000000e+00 : f32
    %broadcast_in_dim3A_114 = vector.broadcast %broadcast_in_dim3A_113 : f32 to vector<1x8192xf32>
    %concatenate3A_115 = tpu.concatenate %broadcast_in_dim3A_114, %sub3A_104 in 0 : vector<1x8192xf32>, vector<1x8192xf32> -> vector<2x8192xf32>
    %dot_general3A_116 = arith.constant dense<0.000000e+00> : vector<64x2xf32>
    %dot_general3A_117 = tpu.matmul %select_n3A_112, %concatenate3A_115, %dot_general3A_116 {dimension_numbers = #tpu.dot_dimension_numbers<[1], [1], [0], [0], [0, 0, 1, 0], [], []>, transpose_lhs_hint = false} : vector<64x8192xf32>, vector<2x8192xf32>, vector<64x2xf32> -> vector<64x2xf32>
    %add3A_118 = arith.addf %add3A_93, %dot_general3A_117 : vector<64x2xf32>
    %get3A_119 = arith.constant 40960 : index
    %get3A_120 = vector.load %arg2[%get3A_119] : memref<65536xf32, #tpu.memory_space<vmem>>, vector<8192xf32>
    %reshape3A_121 = vector.shape_cast %get3A_120 : vector<8192xf32> to vector<1x8192xf32>
    %get3A_122 = arith.constant 40960 : index
    %get3A_123 = vector.load %arg1[%get3A_122] : memref<65536xf32, #tpu.memory_space<vmem>>, vector<8192xf32>
    %reshape3A_124 = vector.shape_cast %get3A_123 : vector<8192xf32> to vector<1x8192xf32>
    %mul3A_125 = arith.constant 6.400000e+01 : f32
    %mul3A_126 = vector.broadcast %mul3A_125 : f32 to vector<1x8192xf32>
    %mul3A_127 = arith.mulf %reshape3A_121, %mul3A_126 : vector<1x8192xf32>
    %floor3A_128 = math.floor %mul3A_127 : vector<1x8192xf32>
    %sub3A_129 = arith.subf %reshape3A_121, %reshape3A_124 : vector<1x8192xf32>
    %eq3A_130 = vector.broadcast %floor3A_128 : vector<1x8192xf32> to vector<64x8192xf32>
    %eq3A_131 = vector.broadcast %convert_element_type3A_2 : vector<64x1xf32> to vector<64x8192xf32>
    %eq3A_132 = arith.cmpf oeq, %eq3A_130, %eq3A_131 : vector<64x8192xf32>
    %jit3A_133 = arith.constant 1.000000e+00 : f32
    %jit3A_134 = arith.constant 0.000000e+00 : f32
    %broadcast_in_dim3A_135 = vector.broadcast %jit3A_133 : f32 to vector<64x8192xf32>
    %broadcast_in_dim3A_136 = vector.broadcast %jit3A_134 : f32 to vector<64x8192xf32>
    %select_n3A_137 = arith.select %eq3A_132, %broadcast_in_dim3A_135, %broadcast_in_dim3A_136 : vector<64x8192xi1>, vector<64x8192xf32>
    %broadcast_in_dim3A_138 = arith.constant 1.000000e+00 : f32
    %broadcast_in_dim3A_139 = vector.broadcast %broadcast_in_dim3A_138 : f32 to vector<1x8192xf32>
    %concatenate3A_140 = tpu.concatenate %broadcast_in_dim3A_139, %sub3A_129 in 0 : vector<1x8192xf32>, vector<1x8192xf32> -> vector<2x8192xf32>
    %dot_general3A_141 = arith.constant dense<0.000000e+00> : vector<64x2xf32>
    %dot_general3A_142 = tpu.matmul %select_n3A_137, %concatenate3A_140, %dot_general3A_141 {dimension_numbers = #tpu.dot_dimension_numbers<[1], [1], [0], [0], [0, 0, 1, 0], [], []>, transpose_lhs_hint = false} : vector<64x8192xf32>, vector<2x8192xf32>, vector<64x2xf32> -> vector<64x2xf32>
    %add3A_143 = arith.addf %add3A_118, %dot_general3A_142 : vector<64x2xf32>
    %get3A_144 = arith.constant 49152 : index
    %get3A_145 = vector.load %arg2[%get3A_144] : memref<65536xf32, #tpu.memory_space<vmem>>, vector<8192xf32>
    %reshape3A_146 = vector.shape_cast %get3A_145 : vector<8192xf32> to vector<1x8192xf32>
    %get3A_147 = arith.constant 49152 : index
    %get3A_148 = vector.load %arg1[%get3A_147] : memref<65536xf32, #tpu.memory_space<vmem>>, vector<8192xf32>
    %reshape3A_149 = vector.shape_cast %get3A_148 : vector<8192xf32> to vector<1x8192xf32>
    %mul3A_150 = arith.constant 6.400000e+01 : f32
    %mul3A_151 = vector.broadcast %mul3A_150 : f32 to vector<1x8192xf32>
    %mul3A_152 = arith.mulf %reshape3A_146, %mul3A_151 : vector<1x8192xf32>
    %floor3A_153 = math.floor %mul3A_152 : vector<1x8192xf32>
    %sub3A_154 = arith.subf %reshape3A_146, %reshape3A_149 : vector<1x8192xf32>
    %eq3A_155 = vector.broadcast %floor3A_153 : vector<1x8192xf32> to vector<64x8192xf32>
    %eq3A_156 = vector.broadcast %convert_element_type3A_2 : vector<64x1xf32> to vector<64x8192xf32>
    %eq3A_157 = arith.cmpf oeq, %eq3A_155, %eq3A_156 : vector<64x8192xf32>
    %jit3A_158 = arith.constant 1.000000e+00 : f32
    %jit3A_159 = arith.constant 0.000000e+00 : f32
    %broadcast_in_dim3A_160 = vector.broadcast %jit3A_158 : f32 to vector<64x8192xf32>
    %broadcast_in_dim3A_161 = vector.broadcast %jit3A_159 : f32 to vector<64x8192xf32>
    %select_n3A_162 = arith.select %eq3A_157, %broadcast_in_dim3A_160, %broadcast_in_dim3A_161 : vector<64x8192xi1>, vector<64x8192xf32>
    %broadcast_in_dim3A_163 = arith.constant 1.000000e+00 : f32
    %broadcast_in_dim3A_164 = vector.broadcast %broadcast_in_dim3A_163 : f32 to vector<1x8192xf32>
    %concatenate3A_165 = tpu.concatenate %broadcast_in_dim3A_164, %sub3A_154 in 0 : vector<1x8192xf32>, vector<1x8192xf32> -> vector<2x8192xf32>
    %dot_general3A_166 = arith.constant dense<0.000000e+00> : vector<64x2xf32>
    %dot_general3A_167 = tpu.matmul %select_n3A_162, %concatenate3A_165, %dot_general3A_166 {dimension_numbers = #tpu.dot_dimension_numbers<[1], [1], [0], [0], [0, 0, 1, 0], [], []>, transpose_lhs_hint = false} : vector<64x8192xf32>, vector<2x8192xf32>, vector<64x2xf32> -> vector<64x2xf32>
    %add3A_168 = arith.addf %add3A_143, %dot_general3A_167 : vector<64x2xf32>
    %get3A_169 = arith.constant 57344 : index
    %get3A_170 = vector.load %arg2[%get3A_169] : memref<65536xf32, #tpu.memory_space<vmem>>, vector<8192xf32>
    %reshape3A_171 = vector.shape_cast %get3A_170 : vector<8192xf32> to vector<1x8192xf32>
    %get3A_172 = arith.constant 57344 : index
    %get3A_173 = vector.load %arg1[%get3A_172] : memref<65536xf32, #tpu.memory_space<vmem>>, vector<8192xf32>
    %reshape3A_174 = vector.shape_cast %get3A_173 : vector<8192xf32> to vector<1x8192xf32>
    %mul3A_175 = arith.constant 6.400000e+01 : f32
    %mul3A_176 = vector.broadcast %mul3A_175 : f32 to vector<1x8192xf32>
    %mul3A_177 = arith.mulf %reshape3A_171, %mul3A_176 : vector<1x8192xf32>
    %floor3A_178 = math.floor %mul3A_177 : vector<1x8192xf32>
    %sub3A_179 = arith.subf %reshape3A_171, %reshape3A_174 : vector<1x8192xf32>
    %eq3A_180 = vector.broadcast %floor3A_178 : vector<1x8192xf32> to vector<64x8192xf32>
    %eq3A_181 = vector.broadcast %convert_element_type3A_2 : vector<64x1xf32> to vector<64x8192xf32>
    %eq3A_182 = arith.cmpf oeq, %eq3A_180, %eq3A_181 : vector<64x8192xf32>
    %jit3A_183 = arith.constant 1.000000e+00 : f32
    %jit3A_184 = arith.constant 0.000000e+00 : f32
    %broadcast_in_dim3A_185 = vector.broadcast %jit3A_183 : f32 to vector<64x8192xf32>
    %broadcast_in_dim3A_186 = vector.broadcast %jit3A_184 : f32 to vector<64x8192xf32>
    %select_n3A_187 = arith.select %eq3A_182, %broadcast_in_dim3A_185, %broadcast_in_dim3A_186 : vector<64x8192xi1>, vector<64x8192xf32>
    %broadcast_in_dim3A_188 = arith.constant 1.000000e+00 : f32
    %broadcast_in_dim3A_189 = vector.broadcast %broadcast_in_dim3A_188 : f32 to vector<1x8192xf32>
    %concatenate3A_190 = tpu.concatenate %broadcast_in_dim3A_189, %sub3A_179 in 0 : vector<1x8192xf32>, vector<1x8192xf32> -> vector<2x8192xf32>
    %dot_general3A_191 = arith.constant dense<0.000000e+00> : vector<64x2xf32>
    %dot_general3A_192 = tpu.matmul %select_n3A_187, %concatenate3A_190, %dot_general3A_191 {dimension_numbers = #tpu.dot_dimension_numbers<[1], [1], [0], [0], [0, 0, 1, 0], [], []>, transpose_lhs_hint = false} : vector<64x8192xf32>, vector<2x8192xf32>, vector<64x2xf32> -> vector<64x2xf32>
    %add3A_193 = arith.addf %add3A_168, %dot_general3A_192 : vector<64x2xf32>
    %get3A_194 = arith.constant 0 : index
    %get3A_195 = arith.constant 0 : index
    %get3A_196 = vector.load %arg3[%get3A_194, %get3A_195] : memref<64x2xf32, #tpu.memory_space<vmem>>, vector<64x2xf32>
    %add3A_197 = arith.addf %get3A_196, %add3A_193 : vector<64x2xf32>
    %swap3A = arith.constant 0 : index
    %swap3A_198 = arith.constant 0 : index
    %swap3A_199 = vector.load %arg3[%swap3A, %swap3A_198] : memref<64x2xf32, #tpu.memory_space<vmem>>, vector<64x2xf32>
    tpu.vector_store %arg3[%swap3A, %swap3A_198], %add3A_197 {strides = array<i32>} : memref<64x2xf32, #tpu.memory_space<vmem>>, vector<64x2xf32>,
    return
  }
  func.func @transform_0(%arg0: i32) -> i32 {
    %add3A = arith.constant 25 : i32
    %add3A_0 = arith.addi %arg0, %add3A : i32
    %c0_i32 = arith.constant 0 : i32
    return %add3A_0 : i32
  }
  func.func @transform_1(%arg0: i32) -> i32 {
    %add3A = arith.constant 25 : i32
    %add3A_0 = arith.addi %arg0, %add3A : i32
    %c0_i32 = arith.constant 0 : i32
    return %add3A_0 : i32
  }
  func.func @transform_2(%arg0: i32) -> (i32, i32) {
    %c0_i32 = arith.constant 0 : i32
    %c0_i32_0 = arith.constant 0 : i32
    %c0_i32_1 = arith.constant 0 : i32
    return %c0_i32, %c0_i32_0 : i32, i32
  }
}

</mosaic_0001>

<sc_bundles>
// kernel: kernel.5.cloned.1.call-start
scs
__scs_entry_jumppad:
0x0: {  	(pc) =	sbr.rel $0x88, $3  }
0x1: {  	(tag) =	ssettag $0x0;
	lr =	simm.s32 $0x1  }
0x2: {  	[smem:$0x3F9F] =	sst lr;
	_ =	strace $0xD0000000  }
0x3: {  	_ = 	snop  }
0x4: {  	_ = 	snop  }
0x5: {  	_ = 	snop  }
0x6: {  	_ = 	snop  }
0x7: {  	_ = 	snop  }
__scs_overlays_trampoline_lowered:
0x8: {  	[smem:$0x3FAE] =	sst s0  }
0x9: {  	[smem:$0x3FAF] =	sst s1  }
0xa: {  	[smem:$0x3FB0] =	sst s2  }
0xb: {  	[smem:$0x3FB1] =	sst s3  }
0xc: {  	[smem:$0x3FB2] =	sst s4  }
0xd: {  	[smem:$0x3FB3] =	sst s5  }
0xe: {  	[smem:$0x3FB4] =	sst s6  }
0xf: {  	[smem:$0x3FB5] =	sst s7  }
0x10: {  	[smem:$0x3FB6] =	sst s8  }
0x11: {  	[smem:$0x3FB7] =	sst s9;
	s0 =	simm.s32 @!p0 $0x0  }
0x12: {  	s1 =	sld [smem:$0x3F9D];
	s0 =	simm.s32 @p0 $0x1  }
0x13: {  	[smem:$0x3FB8] =	sst s0;
	s0 =	simm.s32 @!p1 $0x0  }
0x14: {  	s2 =	sld [smem:$0x3F9C];
	s0 =	simm.s32 @p1 $0x1  }
0x15: {  	[smem:$0x3FB9] =	sst s0;
	s0 =	simm.s32 @!p2 $0x0  }
0x16: {  	s3 =	sld [smem:$0x3FDB];
	s0 =	simm.s32 @p2 $0x1  }
0x17: {  	s4 =	simm.s32 $0x1BF5;
	[smem:$0x3FBB] =	sst s0  }
0x18: {  	s0 =	sld [smem:$0x3F9E];
	_ =	swait.ge [sflag:s4], $0x0  }
0x19: {  	s7 =	sld [smem:$0x3F9F]  }
0x1a: {  	s8 =	sadd.s32 $0xFFFFE003, lr  }
0x1b: {  	s9 =	sadd.s32 $0xFFFFFEF7, lr;
	s5 =	simm.s32 $0xFFFFFFFF;
	p2 =	slt.u32 s8, $0xFFFFF086  }
0x1c: {  	p1 =	slt.u32 s9, $0xF7A;
	s5 =	simm.s32 @!p2 $0x0  }
0x1d: {  	s5 =	simm.s32 @p1 $0x1;
	p0 =	seq.s32 s7, s2  }
0x1e: {  	s7 =	smul.u32 @!p0 $0xF7A, s2;
	p2 =	seq.s32 @!p0 s5, $0x0  }
0x1f: {  	s9 =	smul.u32 $0xF7A, s1;
	s8 =	simm.s32 @!p0 $0x1BF5;
	p2 =	por !p2, p0  }
0x20: {  	[sflag:s8] =	ssyncset.s32 @!p0 $0xFFFFF086;
	s6 =	sadd.s32 @!p0 s3, s7;
	s7 =	simm.s32 @!p0 $0x108  }
0x21: {  	s3 =	sadd.s32 s3, s9;
	s6 =	sadd.s32 @!p0 $0x88, s6;
	s7 =	simm.s32 @p2 $0x1082  }
0x22: {  	[simem:s7], [sflag:s8] =	dma.local @!p0 [hbm:s6], $0xF7A  }
0x23: {  	s9 =	sor.u32 $0xD0000000, s2;
	s6 =	simm.s32 $0x108;
	_ =	swait.ge @!p0 [sflag:s8], $0x0  }
0x24: {  	s3 =	sadd.s32 $0x88, s3;
	s6 =	simm.s32 @!p1 $0x1082;
	[sflag:s4] =	ssyncset.s32 $0xFFFFF086  }
0x25: {  	[simem:s6], [sflag:s4] =	dma.local [hbm:s3], $0xF7A  }
0x26: {  	[smem:$0x3F9F] =	sst s1;
	(tag) =	ssettag s2;
	_ =	strace s9  }
0x27: {  	s1 =	sld [smem:$0x3FAF]  }
0x28: {  	s2 =	sld [smem:$0x3FB0]  }
0x29: {  	s4 =	sld [smem:$0x3FB2]  }
0x2a: {  	p0 =	seq.s32 s5, $0x0;
	s5 =	sld [smem:$0x3FB3]  }
0x2b: {  	s6 =	sld [smem:$0x3FB4]  }
0x2c: {  	s7 =	sld [smem:$0x3FB5]  }
0x2d: {  	s3 =	simm.s32 $0x108;
	s8 =	sld [smem:$0x3FB6]  }
0x2e: {  	s3 =	simm.s32 @!p0 $0x1082;
	s9 =	sld [smem:$0x3FB7]  }
0x2f: {  	lr =	sadd.s32 s0, s3;
	s0 =	sld [smem:$0x3FAE]  }
0x30: {  	s3 =	sld [smem:$0x3FB1]  }
0x31: {  	[smem:$0x3FBA] =	sst s10  }
0x32: {  	s10 =	sld [smem:$0x3FB8];
	_ =	sdelay $0x3  }
0x33: {  	p0 =	seq.s32 s10, $0x1;
	s10 =	sld [smem:$0x3FBA];
	_ =	sdelay $0x3  }
0x34: {  	[smem:$0x3FBA] =	sst s10  }
0x35: {  	s10 =	sld [smem:$0x3FB9];
	_ =	sdelay $0x3  }
0x36: {  	p1 =	seq.s32 s10, $0x1;
	s10 =	sld [smem:$0x3FBA];
	_ =	sdelay $0x3  }
0x37: {  	[smem:$0x3FBA] =	sst s10  }
0x38: {  	s10 =	sld [smem:$0x3FBB]  }
0x39: {  	_ = 	snop;
	(pc) =	sbr.ind lr, $3  }
0x3a: {  	_ = 	snop  }
0x3b: {  	_ = 	snop  }
0x3c: {  	p2 =	seq.s32 s10, $0x1;
	s10 =	sld [smem:$0x3FBA]  }
0x3d: {  	_ =	shalt  }
0x3e: {  	_ =	shalt  }
0x3f: {  	_ =	shalt  }
0x40: {  	_ =	shalt  }
0x41: {  	_ =	shalt  }
0x42: {  	_ =	shalt  }
0x43: {  	_ =	shalt  }
0x44: {  	_ =	shalt  }
0x45: {  	_ =	shalt  }
0x46: {  	_ =	shalt  }
0x47: {  	_ =	shalt  }
0x48: {  	_ =	shalt  }
0x49: {  	_ =	shalt  }
0x4a: {  	_ =	shalt  }
0x4b: {  	_ =	shalt  }
0x4c: {  	_ =	shalt  }
0x4d: {  	_ =	shalt  }
0x4e: {  	_ =	shalt  }
0x4f: {  	_ =	shalt  }
0x50: {  	_ =	shalt  }
0x51: {  	_ =	shalt  }
0x52: {  	_ =	shalt  }
0x53: {  	_ =	shalt  }
0x54: {  	_ =	shalt  }
0x55: {  	_ =	shalt  }
0x56: {  	_ =	shalt  }
0x57: {  	_ =	shalt  }
0x58: {  	_ =	shalt  }
0x59: {  	_ =	shalt  }
0x5a: {  	_ =	shalt  }
0x5b: {  	_ =	shalt  }
0x5c: {  	_ =	shalt  }
0x5d: {  	_ =	shalt  }
0x5e: {  	_ =	shalt  }
0x5f: {  	_ =	shalt  }
0x60: {  	_ =	shalt  }
0x61: {  	_ =	shalt  }
0x62: {  	_ =	shalt  }
0x63: {  	_ =	shalt  }
0x64: {  	_ =	shalt  }
0x65: {  	_ =	shalt  }
0x66: {  	_ =	shalt  }
0x67: {  	_ =	shalt  }
0x68: {  	_ =	shalt  }
0x69: {  	_ =	shalt  }
0x6a: {  	_ =	shalt  }
0x6b: {  	_ =	shalt  }
0x6c: {  	_ =	shalt  }
0x6d: {  	_ =	shalt  }
0x6e: {  	_ =	shalt  }
0x6f: {  	_ =	shalt  }
0x70: {  	_ =	shalt  }
0x71: {  	_ =	shalt  }
0x72: {  	_ =	shalt  }
0x73: {  	_ =	shalt  }
0x74: {  	_ =	shalt  }
0x75: {  	_ =	shalt  }
0x76: {  	_ =	shalt  }
0x77: {  	_ =	shalt  }
0x78: {  	_ =	shalt  }
0x79: {  	_ =	shalt  }
0x7a: {  	_ =	shalt  }
0x7b: {  	_ =	shalt  }
0x7c: {  	_ =	shalt  }
0x7d: {  	_ =	shalt  }
0x7e: {  	_ =	shalt  }
0x7f: {  	_ =	shalt  }
0x80: {  	_ =	shalt  }
0x81: {  	_ =	shalt  }
0x82: {  	_ =	shalt  }
0x83: {  	_ =	shalt  }
0x84: {  	_ =	shalt  }
0x85: {  	_ =	shalt  }
0x86: {  	_ =	shalt  }
0x87: {  	_ =	shalt  }
.Lfunc_end0:
.L_simem_size_0:
called_computation_lowered:
.L_overlay_start_0:
0x88: {  	s2 =	sld [smem:$0x3FD9]  }
0x89: {  	s3 =	sld [smem:$0x3FFE];
	_ =	sdelay $0x1  }
0x8a: {  	s1 =	srdreg.scid  }
0x8b: {  	s0 =	sand.u32 $0x1, s1  }
0x8c: {  	s17 =	sshll.u32 s0, $0xA;
	s2 =	sadd.s32 s3, s2  }
0x8d: {  	s2 =	sadd.s32 s2, s17  }
0x8e: {  	[smem:$0x3FC6] =	sst s2  }
0x8f: {  	_ = 	snop  }
0x90: {  	s2 =	sld [smem:$0x3FC9]  }
0x91: {  	s18 =	sld [smem:$0x3FC8];
	(tm) =	ssettm $0x1  }
0x92: {  	s4 =	sld [smem:$0x3FFB];
	_ =	sdelay $0x3  }
0x93: {  	_ =	strace s4  }
0x94: {  	s4 =	sld [smem:$0x3FFC];
	_ =	sdelay $0x3  }
0x95: {  	_ =	strace s4  }
0x96: {  	s4 =	sld [smem:$0x3FFD];
	_ =	sdelay $0x3  }
0x97: {  	_ =	strace s4  }
0x98: {  	_ =	strace $0x8FFFFFFF  }
0x99: {  	s19 =	sld [smem:$0x3FDB];
	_ =	sdelay $0x1  }
0x9a: {  	s5 =	simm.s32 $_scs_section_size  }
0x9b: {  	s6 =	simm.s32 $_size__tile_overlayer_lowered;
	s7 =	simm.s32 $_tile_overlayer_lowered  }
0x9c: {  	s22 =	simm.s32 $0x1BFF;
	s21 =	sshll.u32 s7, $0x1;
	s4 =	sadd.s32 s5, s19  }
0x9d: {  	s8 =	simm.s32 $0x0;
	s20 =	sshll.u32 s6, $0x1;
	s6 =	sadd.s32 s21, s4  }
0x9e: {  	[timem:s8], [sflag:s22] =	dma.local [hbm:s6], s20  }
0x9f: {  	_ =	swait.ge [sflag:s22], s20  }
0xa0: {  	s5 =	ssub.s32 $0x0, s20;
	[sflag:s22] =	ssyncset.done $0x0  }
0xa1: {  	[sflag:s22] =	ssyncadd.s32 s5;
	_ =	sdelay $0x1  }
0xa2: {  	s23 =	simm.s32 $0x1B8B  }
0xa3: {  	_ =	swait.ge [sflag:s23], $0x1  }
0xa4: {  	[sflag:s23] =	ssyncset.done $0x0  }
0xa5: {  	s25 =	simm.s32 $0x1B8E;
	s24 =	sld [smem:$0x3FFE];
	[sflag:s23] =	ssyncadd.s32 $0xFFFFFFFF  }
0xa6: {  	s26 =	simm.s32 $execute0_lowered;
	[smem:$0x3FD2] =	sst s25  }
0xa7: {  	s6 =	sshll.u32 s26, $0x1;
	_ =	strace $0x80000046;
	[dreg:$0x1] =	wrdreg $0xFFFFFFFF  }
0xa8: {  	s28 =	simm.s32 $_size_execute0_lowered;
	s4 =	sadd.s32 s4, s6;
	[dreg:$0x0] =	wrdreg $0x0  }
0xa9: {  	s6 =	sshll.u32 s28, $0x1;
	[dreg:$0x2] =	wrdreg s4  }
0xaa: {  	[dreg:$0x3] =	wrdreg s6  }
0xab: {  	[dreg:$0x4] =	wrdreg $0xC0  }
0xac: {  	_ =	task [dreg:s8], $0x5FFFF  }
0xad: {  	[dreg:$0x1] =	wrdreg $0xFFFFFFFF  }
0xae: {  	[dreg:$0x0] =	wrdreg $0x60  }
0xaf: {  	[dreg:$0x2] =	wrdreg s2  }
0xb0: {  	[dreg:$0x3] =	wrdreg s18  }
0xb1: {  	[dreg:$0x4] =	wrdreg s24  }
0xb2: {  	[dreg:$0x5] =	wrdreg $0x9  }
0xb3: {  	_ =	task.clear_ibuf [dreg:s8], $0x6FFFF;
	_ =	strace $0x90000046  }
0xb4: {  	s29 =	simm.s32 $0x9;
	_ =	strace $0x80000048  }
0xb5: {  	_ =	swait.ge [sflag:s29], $0x1  }
0xb6: {  	[sflag:s29] =	ssyncadd.s32 $0xFFFFFFFF  }
0xb7: {  	_ =	strace $0x90000048  }
0xb8: {  	_ =	sfence  }
0xb9: {  	s30 =	sld [smem:$0x0];
	_ =	sdelay $0x2  }
0xba: {  	s31 =	sshll.u32 s1, $0xD;
	s1 =	sshrl.u32 s1, $0x2  }
0xbb: {  	s3 =	sand.u32 $0x4000, s31;
	s1 =	sadd.s32 s1, s30  }
0xbc: {  	s0 =	sor.u32 s3, s0;
	s1 =	sshll.u32 s1, $0x11  }
0xbd: {  	s0 =	sor.u32 s1, s0  }
0xbe: {  	s0 =	sadd.s32 $0x8F2B, s0  }
0xbf: {  	[sflag:s0] =	ssyncadd.remote.s32 $0x1  }
0xc0: {  	_ =	sfence.sel $0xFFFF  }
0xc1: {  	[dreg:$0x0] =	wrdreg $0xFFFFFFFF;
	(pc) =	sbr.abs _section_cstart, $3  }
0xc2: {  	[dreg:$0x1] =	wrdreg $0xFFFFFFFF  }
0xc3: {  	_ =	task.clear_ibuf [dreg:s8], $0x2FFFF;
	_ =	strace $0x9FFFFFFF  }
0xc4: {  	(tm) =	ssettm $0x7FFFFFFF  }
0xc5: {  	_ =	shalt  }
tec
execute0_lowered:
.L_overlay_start_1:
0x0: {  	(tag) =	ssettag $0x1  }
0x1: {  	s0 =	rddreg [dreg:$0x0]  }
0x2: {  	s1 =	rddreg [dreg:$0x1];
	s2 =	srdreg.scid  }
0x3: {  	s5 =	stileid.u32;
	s3 =	rddreg [dreg:$0x2];
	s28 =	simm.s32 $0x2800  }
0x4: {  	s29 =	simm.s32 $0x3C00;
	s30 =	simm.s32 $0x1;
	s31 =	simm.s32 $0xA000  }
0x5: {  	s8 =	simm.s32 $0x8;
	s4 =	sand.u32 $0x1, s2;
	s5 =	sshll.u32 s5, $0x1  }
0x6: {  	s9 =	simm.s32 $0x9;
	s2 =	simm.s32 $0x0;
	s5 =	sor.u32 s4, s5  }
0x7: {  	s10 =	simm.s32 $0x0;
	[smem:$0x7FF] =	sst s2;
	s6 =	smul.u32 $0xC800, s5  }
0x8: {  	s4 =	ssub.s32 $0x2, s4;
	_ =	strace $0x80000047;
	s5 =	sshll.u32 s5, $0xA  }
0x9: {  	s7 =	sshrl.u32 s4, $0x1;
	s3 =	sadd.s32 s5, s3;
	s12 =	sshrl.u32 s6, $0x3  }
0xa: {  	s4 =	ssub.s32 s4, s7;
	s7 =	simm.s32 $0x7;
	s6 =	sadd.s32 s0, s12  }
0xb: {  	s14 =	sadd.s32 s1, s12;
	s15 =	sadd.s32 $0x280, s12;
	s17 =	sadd.s32 $0x500, s12  }
0xc: {  	s19 =	sadd.s32 $0x780, s12;
	s21 =	sadd.s32 $0xA00, s12;
	s23 =	sadd.s32 $0xC80, s12  }
0xd: {  	s24 =	sadd.s32 $0xF00, s12;
	s25 =	sadd.s32 $0x1180, s12;
	[dreg:$0x4] =	wrdreg s6  }
0xe: {  	s26 =	sadd.s32 $0x1400, s12;
	[dreg:$0x5] =	wrdreg s14;
	s16 =	sadd.s32 s0, s15  }
0xf: {  	s5 =	sadd.s32 $0x1680, s12;
	s6 =	sadd.s32 s1, s15;
	[dreg:$0x6] =	wrdreg s16  }
0x10: {  	s18 =	sadd.s32 s0, s17;
	s20 =	sadd.s32 s0, s19;
	[dreg:$0x7] =	wrdreg s6  }
0x11: {  	s22 =	sadd.s32 s0, s21;
	s13 =	sadd.s32 s0, s23;
	[dreg:$0x8] =	wrdreg s18  }
0x12: {  	s14 =	sadd.s32 s1, s23;
	s15 =	sadd.s32 s0, s24;
	[dreg:$0xa] =	wrdreg s20  }
0x13: {  	s23 =	sadd.s32 $0x1000, s3;
	s6 =	sadd.s32 s1, s17;
	[dreg:$0xc] =	wrdreg s22  }
0x14: {  	s16 =	sadd.s32 s1, s24;
	s17 =	sadd.s32 s0, s25;
	s18 =	sadd.s32 s1, s25  }
0x15: {  	s20 =	sadd.s32 s1, s26;
	s22 =	sadd.s32 s1, s5;
	s24 =	sadd.s32 $0x9000, s3  }
0x16: {  	s25 =	smax.u32 s4, $0x1;
	s3 =	simm.s32 $0x2;
	s4 =	simm.s32 $0xC000  }
0x17: {  	[dreg:$0x9] =	wrdreg s6;
	s6 =	sadd.s32 s1, s19;
	s19 =	sadd.s32 s0, s26  }
0x18: {  	s26 =	simm.s32 $0x1400;
	[dreg:$0xb] =	wrdreg s6;
	s6 =	sadd.s32 s1, s21  }
0x19: {  	s21 =	sadd.s32 s0, s5;
	s1 =	simm.s32 $0x3;
	s0 =	simm.s32 $0x4  }
0x1a: {  	v0 =	vimm.f32 $0.0e+00;
	v1 =	vlaneseq.u32;
	v2 =	vimm.f32 $1.000000000e+00;
	s5 =	simm.s32 $0x5;
	[dreg:$0xd] =	wrdreg s6;
	s6 =	simm.s32 $0x6  }
.LBB2_1:
0x1b: {  	[tilespmem:$0xA000] =	vst v0  }
0x1c: {  	[tilespmem:$0xC000] =	vst v0  }
0x1d: {  	[tilespmem:$0xA080] =	vst v0  }
0x1e: {  	[tilespmem:$0xC080] =	vst v0  }
0x1f: {  	[tilespmem:$0xA100] =	vst v0  }
0x20: {  	[tilespmem:$0xC100] =	vst v0  }
0x21: {  	[tilespmem:$0xA180] =	vst v0  }
0x22: {  	[tilespmem:$0xC180] =	vst v0  }
0x23: {  	[tilespmem:$0xA200] =	vst v0  }
0x24: {  	[tilespmem:$0xC200] =	vst v0  }
0x25: {  	[tilespmem:$0xA280] =	vst v0  }
0x26: {  	[tilespmem:$0xC280] =	vst v0  }
0x27: {  	[tilespmem:$0xA300] =	vst v0  }
0x28: {  	[tilespmem:$0xC300] =	vst v0  }
0x29: {  	[tilespmem:$0xA380] =	vst v0  }
0x2a: {  	[tilespmem:$0xC380] =	vst v0  }
0x2b: {  	[tilespmem:$0xA400] =	vst v0  }
0x2c: {  	[tilespmem:$0xC400] =	vst v0  }
0x2d: {  	[tilespmem:$0xA480] =	vst v0  }
0x2e: {  	[tilespmem:$0xC480] =	vst v0  }
0x2f: {  	[tilespmem:$0xA500] =	vst v0  }
0x30: {  	[tilespmem:$0xC500] =	vst v0  }
0x31: {  	[tilespmem:$0xA580] =	vst v0  }
0x32: {  	[tilespmem:$0xC580] =	vst v0  }
0x33: {  	[tilespmem:$0xA600] =	vst v0  }
0x34: {  	[tilespmem:$0xC600] =	vst v0  }
0x35: {  	[tilespmem:$0xA680] =	vst v0  }
0x36: {  	[tilespmem:$0xC680] =	vst v0  }
0x37: {  	[tilespmem:$0xA700] =	vst v0  }
0x38: {  	[tilespmem:$0xC700] =	vst v0  }
0x39: {  	[tilespmem:$0xA780] =	vst v0  }
0x3a: {  	[tilespmem:$0xC780] =	vst v0  }
0x3b: {  	[tilespmem:$0xA800] =	vst v0  }
0x3c: {  	[tilespmem:$0xC800] =	vst v0  }
0x3d: {  	[tilespmem:$0xA880] =	vst v0  }
0x3e: {  	[tilespmem:$0xC880] =	vst v0  }
0x3f: {  	[tilespmem:$0xA900] =	vst v0  }
0x40: {  	[tilespmem:$0xC900] =	vst v0  }
0x41: {  	[tilespmem:$0xA980] =	vst v0  }
0x42: {  	[tilespmem:$0xC980] =	vst v0  }
0x43: {  	[tilespmem:$0xAA00] =	vst v0  }
0x44: {  	[tilespmem:$0xCA00] =	vst v0  }
0x45: {  	[tilespmem:$0xAA80] =	vst v0  }
0x46: {  	[tilespmem:$0xCA80] =	vst v0  }
0x47: {  	[tilespmem:$0xAB00] =	vst v0  }
0x48: {  	[tilespmem:$0xCB00] =	vst v0  }
0x49: {  	[tilespmem:$0xAB80] =	vst v0  }
0x4a: {  	[tilespmem:$0xCB80] =	vst v0  }
0x4b: {  	[tilespmem:$0xAC00] =	vst v0  }
0x4c: {  	[tilespmem:$0xCC00] =	vst v0  }
0x4d: {  	[tilespmem:$0xAC80] =	vst v0  }
0x4e: {  	[tilespmem:$0xCC80] =	vst v0  }
0x4f: {  	[tilespmem:$0xAD00] =	vst v0  }
0x50: {  	[tilespmem:$0xCD00] =	vst v0  }
0x51: {  	[tilespmem:$0xAD80] =	vst v0  }
0x52: {  	[tilespmem:$0xCD80] =	vst v0  }
0x53: {  	[tilespmem:$0xAE00] =	vst v0  }
0x54: {  	[tilespmem:$0xCE00] =	vst v0  }
0x55: {  	[tilespmem:$0xAE80] =	vst v0  }
0x56: {  	[tilespmem:$0xCE80] =	vst v0  }
0x57: {  	[tilespmem:$0xAF00] =	vst v0  }
0x58: {  	[tilespmem:$0xCF00] =	vst v0  }
0x59: {  	[tilespmem:$0xAF80] =	vst v0  }
0x5a: {  	[tilespmem:$0xCF80] =	vst v0  }
0x5b: {  	[tilespmem:$0xB000] =	vst v0  }
0x5c: {  	[tilespmem:$0xD000] =	vst v0  }
0x5d: {  	[tilespmem:$0xB080] =	vst v0  }
0x5e: {  	[tilespmem:$0xD080] =	vst v0  }
0x5f: {  	[tilespmem:$0xB100] =	vst v0  }
0x60: {  	[tilespmem:$0xD100] =	vst v0  }
0x61: {  	[tilespmem:$0xB180] =	vst v0  }
0x62: {  	[tilespmem:$0xD180] =	vst v0  }
0x63: {  	[tilespmem:$0xB200] =	vst v0  }
0x64: {  	[tilespmem:$0xD200] =	vst v0  }
0x65: {  	[tilespmem:$0xB280] =	vst v0  }
0x66: {  	[tilespmem:$0xD280] =	vst v0  }
0x67: {  	[tilespmem:$0xB300] =	vst v0  }
0x68: {  	[tilespmem:$0xD300] =	vst v0  }
0x69: {  	[tilespmem:$0xB380] =	vst v0  }
0x6a: {  	[tilespmem:$0xD380] =	vst v0  }
0x6b: {  	[tilespmem:$0xB400] =	vst v0  }
0x6c: {  	[tilespmem:$0xD400] =	vst v0  }
0x6d: {  	[tilespmem:$0xB480] =	vst v0  }
0x6e: {  	[tilespmem:$0xD480] =	vst v0  }
0x6f: {  	[tilespmem:$0xB500] =	vst v0  }
0x70: {  	[tilespmem:$0xD500] =	vst v0  }
0x71: {  	[tilespmem:$0xB580] =	vst v0  }
0x72: {  	[tilespmem:$0xD580] =	vst v0  }
0x73: {  	[tilespmem:$0xB600] =	vst v0  }
0x74: {  	[tilespmem:$0xD600] =	vst v0  }
0x75: {  	[tilespmem:$0xB680] =	vst v0  }
0x76: {  	[tilespmem:$0xD680] =	vst v0  }
0x77: {  	[tilespmem:$0xB700] =	vst v0  }
0x78: {  	[tilespmem:$0xD700] =	vst v0  }
0x79: {  	[tilespmem:$0xB780] =	vst v0  }
0x7a: {  	[tilespmem:$0xD780] =	vst v0  }
0x7b: {  	[tilespmem:$0xB800] =	vst v0  }
0x7c: {  	[tilespmem:$0xD800] =	vst v0  }
0x7d: {  	[tilespmem:$0xB880] =	vst v0  }
0x7e: {  	[tilespmem:$0xD880] =	vst v0  }
0x7f: {  	[tilespmem:$0xB900] =	vst v0  }
0x80: {  	[tilespmem:$0xD900] =	vst v0  }
0x81: {  	[tilespmem:$0xB980] =	vst v0  }
0x82: {  	[tilespmem:$0xD980] =	vst v0  }
0x83: {  	[tilespmem:$0xBA00] =	vst v0  }
0x84: {  	[tilespmem:$0xDA00] =	vst v0  }
0x85: {  	[tilespmem:$0xBA80] =	vst v0  }
0x86: {  	[tilespmem:$0xDA80] =	vst v0  }
0x87: {  	[tilespmem:$0xBB00] =	vst v0  }
0x88: {  	[tilespmem:$0xDB00] =	vst v0  }
0x89: {  	[tilespmem:$0xBB80] =	vst v0  }
0x8a: {  	[tilespmem:$0xDB80] =	vst v0  }
0x8b: {  	[tilespmem:$0xBC00] =	vst v0  }
0x8c: {  	[tilespmem:$0xDC00] =	vst v0  }
0x8d: {  	[tilespmem:$0xBC80] =	vst v0  }
0x8e: {  	[tilespmem:$0xDC80] =	vst v0  }
0x8f: {  	[tilespmem:$0xBD00] =	vst v0  }
0x90: {  	[tilespmem:$0xDD00] =	vst v0  }
0x91: {  	[tilespmem:$0xBD80] =	vst v0  }
0x92: {  	[tilespmem:$0xDD80] =	vst v0  }
0x93: {  	[tilespmem:$0xBE00] =	vst v0  }
0x94: {  	[tilespmem:$0xDE00] =	vst v0  }
0x95: {  	[tilespmem:$0xBE80] =	vst v0  }
0x96: {  	[tilespmem:$0xDE80] =	vst v0  }
0x97: {  	[tilespmem:$0xBF00] =	vst v0  }
0x98: {  	[tilespmem:$0xDF00] =	vst v0  }
0x99: {  	[tilespmem:$0xBF80] =	vst v0  }
0x9a: {  	[tilespmem:$0xDF80] =	vst v0;
	s11 =	rddreg [dreg:$0x4]  }
0x9b: {  	[tilespmem:s2], [sflag:$0x1] =	stream.linear.gather [hbm4b:s11+s2], $0x1400, $0x38;
	[tilespmem:$0xE000] =	vst v63  }
0x9c: {  	s12 =	rddreg [dreg:$0x5]  }
0x9d: {  	[tilespmem:s26], [sflag:$0x2] =	stream.linear.gather [hbm4b:s12+s2], $0x1400, $0x38;
	[tilespmem:$0xE000] =	vst v63  }
0x9e: {  	s12 =	rddreg [dreg:$0x6]  }
0x9f: {  	[tilespmem:s28], [sflag:$0x3] =	stream.linear.gather [hbm4b:s12+s2], $0x1400, $0x38;
	[tilespmem:$0xE000] =	vst v63  }
0xa0: {  	s12 =	rddreg [dreg:$0x7]  }
0xa1: {  	[tilespmem:s29], [sflag:$0x4] =	stream.linear.gather [hbm4b:s12+s2], $0x1400, $0x38;
	[tilespmem:$0xE000] =	vst v63  }
0xa2: {  	s11 =	rddreg [dreg:$0x8];
	s12 =	simm.s32 $0x5000  }
0xa3: {  	[tilespmem:s12], [sflag:$0x5] =	stream.linear.gather [hbm4b:s11+s2], $0x1400, $0x38;
	[tilespmem:$0xE000] =	vst v63  }
0xa4: {  	s11 =	rddreg [dreg:$0x9];
	s12 =	simm.s32 $0x6400  }
0xa5: {  	[tilespmem:s12], [sflag:$0x6] =	stream.linear.gather [hbm4b:s11+s2], $0x1400, $0x38;
	[tilespmem:$0xE000] =	vst v63  }
0xa6: {  	s11 =	rddreg [dreg:$0xa];
	s12 =	simm.s32 $0x7800  }
0xa7: {  	[tilespmem:s12], [sflag:$0x7] =	stream.linear.gather [hbm4b:s11+s2], $0x1400, $0x38;
	[tilespmem:$0xE000] =	vst v63  }
0xa8: {  	s11 =	rddreg [dreg:$0xb];
	s12 =	simm.s32 $0x8C00  }
0xa9: {  	[tilespmem:s12], [sflag:$0x8] =	stream.linear.gather [hbm4b:s11+s2], $0x1400, $0x38;
	[tilespmem:$0xE000] =	vst v63  }
0xaa: {  	_ =	swait.ge [sflag:s30], $0x1400  }
0xab: {  	[sflag:s30] =	ssyncset.done $0x0  }
0xac: {  	[sflag:s30] =	ssyncadd.s32 $0xFFFFEC00  }
0xad: {  	_ =	swait.ge [sflag:s3], $0x1400  }
0xae: {  	[sflag:s3] =	ssyncset.done $0x0  }
0xaf: {  	s12 =	simm.s32 $0x0;
	[sflag:s3] =	ssyncadd.s32 $0xFFFFEC00  }
0xb0: {  	v3 =	vld [tilespmem:s12+$0x1400]  }
0xb1: {  	v4 =	vld [tilespmem:s12+$0x70]  }
0xb2: {  	v5 =	vld [tilespmem:s12+$0x1410]  }
0xb3: {  	v6 =	vld [tilespmem:s12+$0x60]  }
0xb4: {  	v7 =	vld [tilespmem:s12+$0x1420]  }
0xb5: {  	v8 =	vld [tilespmem:s12+$0x50];
	v9 =	vmul.f32 $6.400000000e+01, v3  }
0xb6: {  	v10 =	vld [tilespmem:s12+$0x1430]  }
0xb7: {  	v11 =	vld [tilespmem:s12+$0x40];
	v12 =	vmul.f32 $6.400000000e+01, v5;
	v9 =	vtrunc.f32 v9  }
0xb8: {  	v13 =	vld [tilespmem:s12+$0x1440];
	v9 =	vcvt.f32.s32 v9  }
0xb9: {  	v14 =	vld [tilespmem:s12+$0x0];
	v15 =	vmul.f32 $6.400000000e+01, v7;
	v12 =	vtrunc.f32 v12  }
0xba: {  	v16 =	vld [tilespmem:s12+$0x1450];
	v12 =	vcvt.f32.s32 v12;
	v9 =	vshll.u32 v9, $0x7  }
0xbb: {  	v17 =	vld [tilespmem:s12+$0x10];
	v18 =	vmul.f32 $6.400000000e+01, v10;
	v15 =	vtrunc.f32 v15;
	v9 =	vor.u32 v1, v9  }
0xbc: {  	v19 =	vld [tilespmem:s12+$0x1460];
	v15 =	vcvt.f32.s32 v15;
	v12 =	vshll.u32 v12, $0x7  }
0xbd: {  	v20 =	vld [tilespmem:s12+$0x20];
	v21 =	vmul.f32 $6.400000000e+01, v13;
	v18 =	vtrunc.f32 v18;
	v12 =	vor.u32 v1, v12  }
0xbe: {  	v22 =	vld [tilespmem:s12+$0x1470];
	v3 =	vsub.f32 v3, v14;
	v18 =	vcvt.f32.s32 v18;
	v51 =	vshll.u32 v15, $0x7  }
0xbf: {  	v52 =	vld [tilespmem:s12+$0x30];
	v23 =	vmul.f32 $6.400000000e+01, v16;
	v21 =	vtrunc.f32 v21;
	v14 =	vor.u32 v1, v51  }
0xc0: {  	v5 =	vsub.f32 v5, v17;
	v21 =	vcvt.f32.s32 v21;
	v53 =	vshll.u32 v18, $0x7;
	[tilespmem:v9+s31+$0x0] =	vst.idx.add.f32.msk $0xffff, v2  }
0xc1: {  	v55 =	vmul.f32 $6.400000000e+01, v19;
	v54 =	vtrunc.f32 v23;
	[tilespmem:v9+s4+$0x0] =	vst.idx.add.f32.msk $0xffff, v3;
	v3 =	vor.u32 v1, v53  }
0xc2: {  	v7 =	vsub.f32 v7, v20;
	v56 =	vcvt.f32.s32 v54;
	v57 =	vshll.u32 v21, $0x7;
	[tilespmem:v12+s31+$0x0] =	vst.idx.add.f32.msk $0xffff, v2  }
0xc3: {  	v59 =	vmul.f32 $6.400000000e+01, v22;
	v58 =	vtrunc.f32 v55;
	[tilespmem:v12+s4+$0x0] =	vst.idx.add.f32.msk $0xffff, v5;
	v5 =	vor.u32 v1, v57  }
0xc4: {  	v60 =	vcvt.f32.s32 v58;
	v9 =	vshll.u32 v56, $0x7;
	[tilespmem:v14+s31+$0x0] =	vst.idx.add.f32.msk $0xffff, v2  }
0xc5: {  	v10 =	vsub.f32 v10, v52;
	v61 =	vtrunc.f32 v59;
	[tilespmem:v14+s4+$0x0] =	vst.idx.add.f32.msk $0xffff, v7;
	v7 =	vor.u32 v1, v9  }
0xc6: {  	v62 =	vcvt.f32.s32 v61;
	v12 =	vshll.u32 v60, $0x7;
	[tilespmem:v3+s31+$0x0] =	vst.idx.add.f32.msk $0xffff, v2  }
0xc7: {  	v11 =	vsub.f32 v13, v11;
	v63 =	vor.u32 v1, v12;
	[tilespmem:v3+s4+$0x0] =	vst.idx.add.f32.msk $0xffff, v10  }
0xc8: {  	v3 =	vshll.u32 v62, $0x7;
	[tilespmem:v5+s31+$0x0] =	vst.idx.add.f32.msk $0xffff, v2  }
0xc9: {  	v8 =	vsub.f32 v16, v8;
	v3 =	vor.u32 v1, v3;
	[tilespmem:v5+s4+$0x0] =	vst.idx.add.f32.msk $0xffff, v11  }
0xca: {  	[tilespmem:v7+s31+$0x0] =	vst.idx.add.f32.msk $0xffff, v2  }
0xcb: {  	v5 =	vsub.f32 v19, v6;
	[tilespmem:v7+s4+$0x0] =	vst.idx.add.f32.msk $0xffff, v8  }
0xcc: {  	[tilespmem:v63+s31+$0x0] =	vst.idx.add.f32.msk $0xffff, v2  }
0xcd: {  	v4 =	vsub.f32 v22, v4;
	[tilespmem:v63+s4+$0x0] =	vst.idx.add.f32.msk $0xffff, v5  }
0xce: {  	s11 =	simm.s32 $0x200;
	[tilespmem:v3+s31+$0x0] =	vst.idx.add.f32.msk $0xffff, v2  }
.LBB2_2:
0xcf: {  	s12 =	sshra.s32 s11, $0x2;
	p0 =	sne.s32 s11, $0x4E00;
	s11 =	sadd.s32 $0x200, s11;
	[tilespmem:v3+s4+$0x0] =	vst.idx.add.f32.msk $0xffff, v4  }
0xd0: {  	v3 =	vld [tilespmem:s12+$0x1400]  }
0xd1: {  	v4 =	vld [tilespmem:s12+$0x70]  }
0xd2: {  	v5 =	vld [tilespmem:s12+$0x1410]  }
0xd3: {  	v6 =	vld [tilespmem:s12+$0x60]  }
0xd4: {  	v7 =	vld [tilespmem:s12+$0x1420]  }
0xd5: {  	v8 =	vld [tilespmem:s12+$0x50];
	v9 =	vmul.f32 $6.400000000e+01, v3  }
0xd6: {  	v10 =	vld [tilespmem:s12+$0x1430]  }
0xd7: {  	v11 =	vld [tilespmem:s12+$0x40];
	v9 =	vtrunc.f32 v9;
	v12 =	vmul.f32 $6.400000000e+01, v5  }
0xd8: {  	v13 =	vld [tilespmem:s12+$0x1440];
	v9 =	vcvt.f32.s32 v9  }
0xd9: {  	v14 =	vld [tilespmem:s12+$0x0];
	v12 =	vtrunc.f32 v12;
	v15 =	vmul.f32 $6.400000000e+01, v7  }
0xda: {  	v16 =	vld [tilespmem:s12+$0x1450];
	v12 =	vcvt.f32.s32 v12;
	v9 =	vshll.u32 v9, $0x7  }
0xdb: {  	v17 =	vld [tilespmem:s12+$0x10];
	v15 =	vtrunc.f32 v15;
	v18 =	vmul.f32 $6.400000000e+01, v10;
	v9 =	vor.u32 v1, v9  }
0xdc: {  	v19 =	vld [tilespmem:s12+$0x1460];
	v15 =	vcvt.f32.s32 v15;
	v12 =	vshll.u32 v12, $0x7  }
0xdd: {  	v20 =	vld [tilespmem:s12+$0x20];
	v18 =	vtrunc.f32 v18;
	v21 =	vmul.f32 $6.400000000e+01, v13;
	v12 =	vor.u32 v1, v12  }
0xde: {  	v22 =	vld [tilespmem:s12+$0x1470];
	v18 =	vcvt.f32.s32 v18;
	v3 =	vsub.f32 v3, v14;
	v14 =	vshll.u32 v15, $0x7  }
0xdf: {  	v15 =	vld [tilespmem:s12+$0x30];
	v21 =	vtrunc.f32 v21;
	v23 =	vmul.f32 $6.400000000e+01, v16;
	v14 =	vor.u32 v1, v14  }
0xe0: {  	v21 =	vcvt.f32.s32 v21;
	v5 =	vsub.f32 v5, v17;
	[tilespmem:v9+s31+$0x0] =	vst.idx.add.f32.msk $0xffff, v2;
	v17 =	vshll.u32 v18, $0x7  }
0xe1: {  	v18 =	vtrunc.f32 v23;
	v23 =	vmul.f32 $6.400000000e+01, v19;
	[tilespmem:v9+s4+$0x0] =	vst.idx.add.f32.msk $0xffff, v3;
	v3 =	vor.u32 v1, v17  }
0xe2: {  	v9 =	vcvt.f32.s32 v18;
	v7 =	vsub.f32 v7, v20;
	[tilespmem:v12+s31+$0x0] =	vst.idx.add.f32.msk $0xffff, v2;
	v17 =	vshll.u32 v21, $0x7  }
0xe3: {  	v18 =	vtrunc.f32 v23;
	v20 =	vmul.f32 $6.400000000e+01, v22;
	[tilespmem:v12+s4+$0x0] =	vst.idx.add.f32.msk $0xffff, v5;
	v5 =	vor.u32 v1, v17  }
0xe4: {  	v12 =	vcvt.f32.s32 v18;
	v10 =	vsub.f32 v10, v15;
	[tilespmem:v14+s31+$0x0] =	vst.idx.add.f32.msk $0xffff, v2;
	v9 =	vshll.u32 v9, $0x7  }
0xe5: {  	v11 =	vsub.f32 v13, v11;
	v15 =	vtrunc.f32 v20;
	[tilespmem:v14+s4+$0x0] =	vst.idx.add.f32.msk $0xffff, v7;
	v7 =	vor.u32 v1, v9  }
0xe6: {  	v8 =	vsub.f32 v16, v8;
	v9 =	vcvt.f32.s32 v15;
	[tilespmem:v3+s31+$0x0] =	vst.idx.add.f32.msk $0xffff, v2;
	v12 =	vshll.u32 v12, $0x7  }
0xe7: {  	v6 =	vsub.f32 v19, v6;
	[tilespmem:v3+s4+$0x0] =	vst.idx.add.f32.msk $0xffff, v10;
	v10 =	vor.u32 v1, v12  }
0xe8: {  	v4 =	vsub.f32 v22, v4;
	[tilespmem:v5+s31+$0x0] =	vst.idx.add.f32.msk $0xffff, v2;
	v3 =	vshll.u32 v9, $0x7  }
0xe9: {  	[tilespmem:v5+s4+$0x0] =	vst.idx.add.f32.msk $0xffff, v11;
	v3 =	vor.u32 v1, v3  }
.Ltmp0:
0xea: {  	[tilespmem:v7+s31+$0x0] =	vst.idx.add.f32.msk $0xffff, v2;
	(pc) =	sbr.rel @p0 .LBB2_2-.Ltmp0, $4  }
0xeb: {  	[tilespmem:v7+s4+$0x0] =	vst.idx.add.f32.msk $0xffff, v8  }
0xec: {  	[tilespmem:v10+s31+$0x0] =	vst.idx.add.f32.msk $0xffff, v2  }
0xed: {  	[tilespmem:v10+s4+$0x0] =	vst.idx.add.f32.msk $0xffff, v6  }
0xee: {  	[tilespmem:v3+s31+$0x0] =	vst.idx.add.f32.msk $0xffff, v2  }
0xef: {  	_ =	sdelay $0x3  }
0xf0: {  	[tilespmem:v3+s4+$0x0] =	vst.idx.add.f32.msk $0xffff, v4;
	s11 =	simm.s32 $0x0;
	s12 =	rddreg [dreg:$0xc]  }
0xf1: {  	[tilespmem:s11], [sflag:$0x1] =	stream.linear.gather [hbm4b:s12+s11], $0x1400, $0x38;
	[tilespmem:$0xE000] =	vst v63  }
0xf2: {  	s12 =	rddreg [dreg:$0xd]  }
0xf3: {  	[tilespmem:s26], [sflag:$0x2] =	stream.linear.gather [hbm4b:s12+s11], $0x1400, $0x38;
	[tilespmem:$0xE000] =	vst v63  }
0xf4: {  	_ =	swait.ge [sflag:s1], $0x1400  }
0xf5: {  	[sflag:s1] =	ssyncset.done $0x0  }
0xf6: {  	[sflag:s1] =	ssyncadd.s32 $0xFFFFEC00  }
0xf7: {  	_ =	swait.ge [sflag:s0], $0x1400  }
0xf8: {  	[sflag:s0] =	ssyncset.done $0x0  }
0xf9: {  	s12 =	simm.s32 $0x0;
	[sflag:s0] =	ssyncadd.s32 $0xFFFFEC00  }
0xfa: {  	v3 =	vld [tilespmem:s12+$0x3C00]  }
0xfb: {  	v4 =	vld [tilespmem:s12+$0x2870]  }
0xfc: {  	v5 =	vld [tilespmem:s12+$0x3C10]  }
0xfd: {  	v6 =	vld [tilespmem:s12+$0x2860]  }
0xfe: {  	v7 =	vld [tilespmem:s12+$0x3C20]  }
0xff: {  	v8 =	vld [tilespmem:s12+$0x2850];
	v9 =	vmul.f32 $6.400000000e+01, v3  }
0x100: {  	v10 =	vld [tilespmem:s12+$0x3C30]  }
0x101: {  	v11 =	vld [tilespmem:s12+$0x2840];
	v12 =	vmul.f32 $6.400000000e+01, v5;
	v9 =	vtrunc.f32 v9  }
0x102: {  	v13 =	vld [tilespmem:s12+$0x3C40];
	v9 =	vcvt.f32.s32 v9  }
0x103: {  	v14 =	vld [tilespmem:s12+$0x2800];
	v15 =	vmul.f32 $6.400000000e+01, v7;
	v12 =	vtrunc.f32 v12  }
0x104: {  	v16 =	vld [tilespmem:s12+$0x3C50];
	v12 =	vcvt.f32.s32 v12;
	v9 =	vshll.u32 v9, $0x7  }
0x105: {  	v17 =	vld [tilespmem:s12+$0x2810];
	v18 =	vmul.f32 $6.400000000e+01, v10;
	v15 =	vtrunc.f32 v15;
	v9 =	vor.u32 v1, v9  }
0x106: {  	v19 =	vld [tilespmem:s12+$0x3C60];
	v15 =	vcvt.f32.s32 v15;
	v12 =	vshll.u32 v12, $0x7  }
0x107: {  	v20 =	vld [tilespmem:s12+$0x2820];
	v21 =	vmul.f32 $6.400000000e+01, v13;
	v18 =	vtrunc.f32 v18;
	v12 =	vor.u32 v1, v12  }
0x108: {  	v22 =	vld [tilespmem:s12+$0x3C70];
	v3 =	vsub.f32 v3, v14;
	v18 =	vcvt.f32.s32 v18;
	v51 =	vshll.u32 v15, $0x7  }
0x109: {  	v52 =	vld [tilespmem:s12+$0x2830];
	v23 =	vmul.f32 $6.400000000e+01, v16;
	v21 =	vtrunc.f32 v21;
	v14 =	vor.u32 v1, v51  }
0x10a: {  	v5 =	vsub.f32 v5, v17;
	v21 =	vcvt.f32.s32 v21;
	v53 =	vshll.u32 v18, $0x7;
	[tilespmem:v9+s31+$0x0] =	vst.idx.add.f32.msk $0xffff, v2  }
0x10b: {  	v55 =	vmul.f32 $6.400000000e+01, v19;
	v54 =	vtrunc.f32 v23;
	[tilespmem:v9+s4+$0x0] =	vst.idx.add.f32.msk $0xffff, v3;
	v3 =	vor.u32 v1, v53  }
0x10c: {  	v7 =	vsub.f32 v7, v20;
	v56 =	vcvt.f32.s32 v54;
	v57 =	vshll.u32 v21, $0x7;
	[tilespmem:v12+s31+$0x0] =	vst.idx.add.f32.msk $0xffff, v2  }
0x10d: {  	v59 =	vmul.f32 $6.400000000e+01, v22;
	v58 =	vtrunc.f32 v55;
	[tilespmem:v12+s4+$0x0] =	vst.idx.add.f32.msk $0xffff, v5;
	v5 =	vor.u32 v1, v57  }
0x10e: {  	v60 =	vcvt.f32.s32 v58;
	v9 =	vshll.u32 v56, $0x7;
	[tilespmem:v14+s31+$0x0] =	vst.idx.add.f32.msk $0xffff, v2  }
0x10f: {  	v10 =	vsub.f32 v10, v52;
	v61 =	vtrunc.f32 v59;
	[tilespmem:v14+s4+$0x0] =	vst.idx.add.f32.msk $0xffff, v7;
	v7 =	vor.u32 v1, v9  }
0x110: {  	v62 =	vcvt.f32.s32 v61;
	v12 =	vshll.u32 v60, $0x7;
	[tilespmem:v3+s31+$0x0] =	vst.idx.add.f32.msk $0xffff, v2  }
0x111: {  	v11 =	vsub.f32 v13, v11;
	v63 =	vor.u32 v1, v12;
	[tilespmem:v3+s4+$0x0] =	vst.idx.add.f32.msk $0xffff, v10  }
0x112: {  	v3 =	vshll.u32 v62, $0x7;
	[tilespmem:v5+s31+$0x0] =	vst.idx.add.f32.msk $0xffff, v2  }
0x113: {  	v8 =	vsub.f32 v16, v8;
	v3 =	vor.u32 v1, v3;
	[tilespmem:v5+s4+$0x0] =	vst.idx.add.f32.msk $0xffff, v11  }
0x114: {  	[tilespmem:v7+s31+$0x0] =	vst.idx.add.f32.msk $0xffff, v2  }
0x115: {  	v5 =	vsub.f32 v19, v6;
	[tilespmem:v7+s4+$0x0] =	vst.idx.add.f32.msk $0xffff, v8  }
0x116: {  	[tilespmem:v63+s31+$0x0] =	vst.idx.add.f32.msk $0xffff, v2  }
0x117: {  	v4 =	vsub.f32 v22, v4;
	[tilespmem:v63+s4+$0x0] =	vst.idx.add.f32.msk $0xffff, v5  }
0x118: {  	s11 =	simm.s32 $0x200;
	[tilespmem:v3+s31+$0x0] =	vst.idx.add.f32.msk $0xffff, v2  }
.LBB2_4:
0x119: {  	s12 =	sshra.s32 s11, $0x2;
	p0 =	sne.s32 s11, $0x4E00;
	s11 =	sadd.s32 $0x200, s11;
	[tilespmem:v3+s4+$0x0] =	vst.idx.add.f32.msk $0xffff, v4  }
0x11a: {  	v3 =	vld [tilespmem:s12+$0x3C00]  }
0x11b: {  	v4 =	vld [tilespmem:s12+$0x2870]  }
0x11c: {  	v5 =	vld [tilespmem:s12+$0x3C10]  }
0x11d: {  	v6 =	vld [tilespmem:s12+$0x2860]  }
0x11e: {  	v7 =	vld [tilespmem:s12+$0x3C20]  }
0x11f: {  	v8 =	vld [tilespmem:s12+$0x2850];
	v9 =	vmul.f32 $6.400000000e+01, v3  }
0x120: {  	v10 =	vld [tilespmem:s12+$0x3C30]  }
0x121: {  	v11 =	vld [tilespmem:s12+$0x2840];
	v9 =	vtrunc.f32 v9;
	v12 =	vmul.f32 $6.400000000e+01, v5  }
0x122: {  	v13 =	vld [tilespmem:s12+$0x3C40];
	v9 =	vcvt.f32.s32 v9  }
0x123: {  	v14 =	vld [tilespmem:s12+$0x2800];
	v12 =	vtrunc.f32 v12;
	v15 =	vmul.f32 $6.400000000e+01, v7  }
0x124: {  	v16 =	vld [tilespmem:s12+$0x3C50];
	v12 =	vcvt.f32.s32 v12;
	v9 =	vshll.u32 v9, $0x7  }
0x125: {  	v17 =	vld [tilespmem:s12+$0x2810];
	v15 =	vtrunc.f32 v15;
	v18 =	vmul.f32 $6.400000000e+01, v10;
	v9 =	vor.u32 v1, v9  }
0x126: {  	v19 =	vld [tilespmem:s12+$0x3C60];
	v15 =	vcvt.f32.s32 v15;
	v12 =	vshll.u32 v12, $0x7  }
0x127: {  	v20 =	vld [tilespmem:s12+$0x2820];
	v18 =	vtrunc.f32 v18;
	v21 =	vmul.f32 $6.400000000e+01, v13;
	v12 =	vor.u32 v1, v12  }
0x128: {  	v22 =	vld [tilespmem:s12+$0x3C70];
	v18 =	vcvt.f32.s32 v18;
	v3 =	vsub.f32 v3, v14;
	v14 =	vshll.u32 v15, $0x7  }
0x129: {  	v15 =	vld [tilespmem:s12+$0x2830];
	v21 =	vtrunc.f32 v21;
	v23 =	vmul.f32 $6.400000000e+01, v16;
	v14 =	vor.u32 v1, v14  }
0x12a: {  	v21 =	vcvt.f32.s32 v21;
	v5 =	vsub.f32 v5, v17;
	[tilespmem:v9+s31+$0x0] =	vst.idx.add.f32.msk $0xffff, v2;
	v17 =	vshll.u32 v18, $0x7  }
0x12b: {  	v18 =	vtrunc.f32 v23;
	v23 =	vmul.f32 $6.400000000e+01, v19;
	[tilespmem:v9+s4+$0x0] =	vst.idx.add.f32.msk $0xffff, v3;
	v3 =	vor.u32 v1, v17  }
0x12c: {  	v9 =	vcvt.f32.s32 v18;
	v7 =	vsub.f32 v7, v20;
	[tilespmem:v12+s31+$0x0] =	vst.idx.add.f32.msk $0xffff, v2;
	v17 =	vshll.u32 v21, $0x7  }
0x12d: {  	v18 =	vtrunc.f32 v23;
	v20 =	vmul.f32 $6.400000000e+01, v22;
	[tilespmem:v12+s4+$0x0] =	vst.idx.add.f32.msk $0xffff, v5;
	v5 =	vor.u32 v1, v17  }
0x12e: {  	v12 =	vcvt.f32.s32 v18;
	v10 =	vsub.f32 v10, v15;
	[tilespmem:v14+s31+$0x0] =	vst.idx.add.f32.msk $0xffff, v2;
	v9 =	vshll.u32 v9, $0x7  }
0x12f: {  	v11 =	vsub.f32 v13, v11;
	v15 =	vtrunc.f32 v20;
	[tilespmem:v14+s4+$0x0] =	vst.idx.add.f32.msk $0xffff, v7;
	v7 =	vor.u32 v1, v9  }
0x130: {  	v8 =	vsub.f32 v16, v8;
	v9 =	vcvt.f32.s32 v15;
	[tilespmem:v3+s31+$0x0] =	vst.idx.add.f32.msk $0xffff, v2;
	v12 =	vshll.u32 v12, $0x7  }
0x131: {  	v6 =	vsub.f32 v19, v6;
	[tilespmem:v3+s4+$0x0] =	vst.idx.add.f32.msk $0xffff, v10;
	v10 =	vor.u32 v1, v12  }
0x132: {  	v4 =	vsub.f32 v22, v4;
	[tilespmem:v5+s31+$0x0] =	vst.idx.add.f32.msk $0xffff, v2;
	v3 =	vshll.u32 v9, $0x7  }
0x133: {  	[tilespmem:v5+s4+$0x0] =	vst.idx.add.f32.msk $0xffff, v11;
	v3 =	vor.u32 v1, v3  }
.Ltmp1:
0x134: {  	[tilespmem:v7+s31+$0x0] =	vst.idx.add.f32.msk $0xffff, v2;
	(pc) =	sbr.rel @p0 .LBB2_4-.Ltmp1, $4  }
0x135: {  	[tilespmem:v7+s4+$0x0] =	vst.idx.add.f32.msk $0xffff, v8  }
0x136: {  	[tilespmem:v10+s31+$0x0] =	vst.idx.add.f32.msk $0xffff, v2  }
0x137: {  	[tilespmem:v10+s4+$0x0] =	vst.idx.add.f32.msk $0xffff, v6  }
0x138: {  	[tilespmem:v3+s31+$0x0] =	vst.idx.add.f32.msk $0xffff, v2  }
0x139: {  	_ =	sdelay $0x3  }
0x13a: {  	[tilespmem:v3+s4+$0x0] =	vst.idx.add.f32.msk $0xffff, v4;
	s11 =	simm.s32 $0x0  }
0x13b: {  	[tilespmem:s28], [sflag:$0x3] =	stream.linear.gather [hbm4b:s13+s11], $0x1400, $0x38;
	[tilespmem:$0xE000] =	vst v63  }
0x13c: {  	_ = 	snop  }
0x13d: {  	[tilespmem:s29], [sflag:$0x4] =	stream.linear.gather [hbm4b:s14+s11], $0x1400, $0x38;
	[tilespmem:$0xE000] =	vst v63  }
0x13e: {  	_ =	swait.ge [sflag:s5], $0x1400  }
0x13f: {  	[sflag:s5] =	ssyncset.done $0x0  }
0x140: {  	[sflag:s5] =	ssyncadd.s32 $0xFFFFEC00  }
0x141: {  	_ =	swait.ge [sflag:s6], $0x1400  }
0x142: {  	[sflag:s6] =	ssyncset.done $0x0  }
0x143: {  	s12 =	simm.s32 $0x0;
	[sflag:s6] =	ssyncadd.s32 $0xFFFFEC00  }
0x144: {  	v3 =	vld [tilespmem:s12+$0x6400]  }
0x145: {  	v4 =	vld [tilespmem:s12+$0x5070]  }
0x146: {  	v5 =	vld [tilespmem:s12+$0x6410]  }
0x147: {  	v6 =	vld [tilespmem:s12+$0x5060]  }
0x148: {  	v7 =	vld [tilespmem:s12+$0x6420]  }
0x149: {  	v8 =	vld [tilespmem:s12+$0x5050];
	v9 =	vmul.f32 $6.400000000e+01, v3  }
0x14a: {  	v10 =	vld [tilespmem:s12+$0x6430]  }
0x14b: {  	v11 =	vld [tilespmem:s12+$0x5040];
	v12 =	vmul.f32 $6.400000000e+01, v5;
	v9 =	vtrunc.f32 v9  }
0x14c: {  	v13 =	vld [tilespmem:s12+$0x6440];
	v9 =	vcvt.f32.s32 v9  }
0x14d: {  	v14 =	vld [tilespmem:s12+$0x5000];
	v15 =	vmul.f32 $6.400000000e+01, v7;
	v12 =	vtrunc.f32 v12  }
0x14e: {  	v16 =	vld [tilespmem:s12+$0x6450];
	v12 =	vcvt.f32.s32 v12;
	v9 =	vshll.u32 v9, $0x7  }
0x14f: {  	v17 =	vld [tilespmem:s12+$0x5010];
	v18 =	vmul.f32 $6.400000000e+01, v10;
	v15 =	vtrunc.f32 v15;
	v9 =	vor.u32 v1, v9  }
0x150: {  	v19 =	vld [tilespmem:s12+$0x6460];
	v15 =	vcvt.f32.s32 v15;
	v12 =	vshll.u32 v12, $0x7  }
0x151: {  	v20 =	vld [tilespmem:s12+$0x5020];
	v21 =	vmul.f32 $6.400000000e+01, v13;
	v18 =	vtrunc.f32 v18;
	v12 =	vor.u32 v1, v12  }
0x152: {  	v22 =	vld [tilespmem:s12+$0x6470];
	v3 =	vsub.f32 v3, v14;
	v18 =	vcvt.f32.s32 v18;
	v51 =	vshll.u32 v15, $0x7  }
0x153: {  	v52 =	vld [tilespmem:s12+$0x5030];
	v23 =	vmul.f32 $6.400000000e+01, v16;
	v21 =	vtrunc.f32 v21;
	v14 =	vor.u32 v1, v51  }
0x154: {  	v5 =	vsub.f32 v5, v17;
	v21 =	vcvt.f32.s32 v21;
	v53 =	vshll.u32 v18, $0x7;
	[tilespmem:v9+s31+$0x0] =	vst.idx.add.f32.msk $0xffff, v2  }
0x155: {  	v55 =	vmul.f32 $6.400000000e+01, v19;
	v54 =	vtrunc.f32 v23;
	[tilespmem:v9+s4+$0x0] =	vst.idx.add.f32.msk $0xffff, v3;
	v3 =	vor.u32 v1, v53  }
0x156: {  	v7 =	vsub.f32 v7, v20;
	v56 =	vcvt.f32.s32 v54;
	v57 =	vshll.u32 v21, $0x7;
	[tilespmem:v12+s31+$0x0] =	vst.idx.add.f32.msk $0xffff, v2  }
0x157: {  	v59 =	vmul.f32 $6.400000000e+01, v22;
	v58 =	vtrunc.f32 v55;
	[tilespmem:v12+s4+$0x0] =	vst.idx.add.f32.msk $0xffff, v5;
	v5 =	vor.u32 v1, v57  }
0x158: {  	v60 =	vcvt.f32.s32 v58;
	v9 =	vshll.u32 v56, $0x7;
	[tilespmem:v14+s31+$0x0] =	vst.idx.add.f32.msk $0xffff, v2  }
0x159: {  	v10 =	vsub.f32 v10, v52;
	v61 =	vtrunc.f32 v59;
	[tilespmem:v14+s4+$0x0] =	vst.idx.add.f32.msk $0xffff, v7;
	v7 =	vor.u32 v1, v9  }
0x15a: {  	v62 =	vcvt.f32.s32 v61;
	v12 =	vshll.u32 v60, $0x7;
	[tilespmem:v3+s31+$0x0] =	vst.idx.add.f32.msk $0xffff, v2  }
0x15b: {  	v11 =	vsub.f32 v13, v11;
	v63 =	vor.u32 v1, v12;
	[tilespmem:v3+s4+$0x0] =	vst.idx.add.f32.msk $0xffff, v10  }
0x15c: {  	v3 =	vshll.u32 v62, $0x7;
	[tilespmem:v5+s31+$0x0] =	vst.idx.add.f32.msk $0xffff, v2  }
0x15d: {  	v8 =	vsub.f32 v16, v8;
	v3 =	vor.u32 v1, v3;
	[tilespmem:v5+s4+$0x0] =	vst.idx.add.f32.msk $0xffff, v11  }
0x15e: {  	[tilespmem:v7+s31+$0x0] =	vst.idx.add.f32.msk $0xffff, v2  }
0x15f: {  	v5 =	vsub.f32 v19, v6;
	[tilespmem:v7+s4+$0x0] =	vst.idx.add.f32.msk $0xffff, v8  }
0x160: {  	[tilespmem:v63+s31+$0x0] =	vst.idx.add.f32.msk $0xffff, v2  }
0x161: {  	v4 =	vsub.f32 v22, v4;
	[tilespmem:v63+s4+$0x0] =	vst.idx.add.f32.msk $0xffff, v5  }
0x162: {  	s11 =	simm.s32 $0x200;
	[tilespmem:v3+s31+$0x0] =	vst.idx.add.f32.msk $0xffff, v2  }
.LBB2_6:
0x163: {  	s12 =	sshra.s32 s11, $0x2;
	p0 =	sne.s32 s11, $0x4E00;
	s11 =	sadd.s32 $0x200, s11;
	[tilespmem:v3+s4+$0x0] =	vst.idx.add.f32.msk $0xffff, v4  }
0x164: {  	v3 =	vld [tilespmem:s12+$0x6400]  }
0x165: {  	v4 =	vld [tilespmem:s12+$0x5070]  }
0x166: {  	v5 =	vld [tilespmem:s12+$0x6410]  }
0x167: {  	v6 =	vld [tilespmem:s12+$0x5060]  }
0x168: {  	v7 =	vld [tilespmem:s12+$0x6420]  }
0x169: {  	v8 =	vld [tilespmem:s12+$0x5050];
	v9 =	vmul.f32 $6.400000000e+01, v3  }
0x16a: {  	v10 =	vld [tilespmem:s12+$0x6430]  }
0x16b: {  	v11 =	vld [tilespmem:s12+$0x5040];
	v9 =	vtrunc.f32 v9;
	v12 =	vmul.f32 $6.400000000e+01, v5  }
0x16c: {  	v13 =	vld [tilespmem:s12+$0x6440];
	v9 =	vcvt.f32.s32 v9  }
0x16d: {  	v14 =	vld [tilespmem:s12+$0x5000];
	v12 =	vtrunc.f32 v12;
	v15 =	vmul.f32 $6.400000000e+01, v7  }
0x16e: {  	v16 =	vld [tilespmem:s12+$0x6450];
	v12 =	vcvt.f32.s32 v12;
	v9 =	vshll.u32 v9, $0x7  }
0x16f: {  	v17 =	vld [tilespmem:s12+$0x5010];
	v15 =	vtrunc.f32 v15;
	v18 =	vmul.f32 $6.400000000e+01, v10;
	v9 =	vor.u32 v1, v9  }
0x170: {  	v19 =	vld [tilespmem:s12+$0x6460];
	v15 =	vcvt.f32.s32 v15;
	v12 =	vshll.u32 v12, $0x7  }
0x171: {  	v20 =	vld [tilespmem:s12+$0x5020];
	v18 =	vtrunc.f32 v18;
	v21 =	vmul.f32 $6.400000000e+01, v13;
	v12 =	vor.u32 v1, v12  }
0x172: {  	v22 =	vld [tilespmem:s12+$0x6470];
	v18 =	vcvt.f32.s32 v18;
	v3 =	vsub.f32 v3, v14;
	v14 =	vshll.u32 v15, $0x7  }
0x173: {  	v15 =	vld [tilespmem:s12+$0x5030];
	v21 =	vtrunc.f32 v21;
	v23 =	vmul.f32 $6.400000000e+01, v16;
	v14 =	vor.u32 v1, v14  }
0x174: {  	v21 =	vcvt.f32.s32 v21;
	v5 =	vsub.f32 v5, v17;
	[tilespmem:v9+s31+$0x0] =	vst.idx.add.f32.msk $0xffff, v2;
	v17 =	vshll.u32 v18, $0x7  }
0x175: {  	v18 =	vtrunc.f32 v23;
	v23 =	vmul.f32 $6.400000000e+01, v19;
	[tilespmem:v9+s4+$0x0] =	vst.idx.add.f32.msk $0xffff, v3;
	v3 =	vor.u32 v1, v17  }
0x176: {  	v9 =	vcvt.f32.s32 v18;
	v7 =	vsub.f32 v7, v20;
	[tilespmem:v12+s31+$0x0] =	vst.idx.add.f32.msk $0xffff, v2;
	v17 =	vshll.u32 v21, $0x7  }
0x177: {  	v18 =	vtrunc.f32 v23;
	v20 =	vmul.f32 $6.400000000e+01, v22;
	[tilespmem:v12+s4+$0x0] =	vst.idx.add.f32.msk $0xffff, v5;
	v5 =	vor.u32 v1, v17  }
0x178: {  	v12 =	vcvt.f32.s32 v18;
	v10 =	vsub.f32 v10, v15;
	[tilespmem:v14+s31+$0x0] =	vst.idx.add.f32.msk $0xffff, v2;
	v9 =	vshll.u32 v9, $0x7  }
0x179: {  	v11 =	vsub.f32 v13, v11;
	v15 =	vtrunc.f32 v20;
	[tilespmem:v14+s4+$0x0] =	vst.idx.add.f32.msk $0xffff, v7;
	v7 =	vor.u32 v1, v9  }
0x17a: {  	v8 =	vsub.f32 v16, v8;
	v9 =	vcvt.f32.s32 v15;
	[tilespmem:v3+s31+$0x0] =	vst.idx.add.f32.msk $0xffff, v2;
	v12 =	vshll.u32 v12, $0x7  }
0x17b: {  	v6 =	vsub.f32 v19, v6;
	[tilespmem:v3+s4+$0x0] =	vst.idx.add.f32.msk $0xffff, v10;
	v10 =	vor.u32 v1, v12  }
0x17c: {  	v4 =	vsub.f32 v22, v4;
	[tilespmem:v5+s31+$0x0] =	vst.idx.add.f32.msk $0xffff, v2;
	v3 =	vshll.u32 v9, $0x7  }
0x17d: {  	[tilespmem:v5+s4+$0x0] =	vst.idx.add.f32.msk $0xffff, v11;
	v3 =	vor.u32 v1, v3  }
.Ltmp2:
0x17e: {  	[tilespmem:v7+s31+$0x0] =	vst.idx.add.f32.msk $0xffff, v2;
	(pc) =	sbr.rel @p0 .LBB2_6-.Ltmp2, $4  }
0x17f: {  	[tilespmem:v7+s4+$0x0] =	vst.idx.add.f32.msk $0xffff, v8  }
0x180: {  	[tilespmem:v10+s31+$0x0] =	vst.idx.add.f32.msk $0xffff, v2  }
0x181: {  	[tilespmem:v10+s4+$0x0] =	vst.idx.add.f32.msk $0xffff, v6  }
0x182: {  	[tilespmem:v3+s31+$0x0] =	vst.idx.add.f32.msk $0xffff, v2  }
0x183: {  	_ =	sdelay $0x3  }
0x184: {  	[tilespmem:v3+s4+$0x0] =	vst.idx.add.f32.msk $0xffff, v4;
	s11 =	simm.s32 $0x0;
	s12 =	simm.s32 $0x5000  }
0x185: {  	[tilespmem:s12], [sflag:$0x5] =	stream.linear.gather [hbm4b:s15+s11], $0x1400, $0x38;
	[tilespmem:$0xE000] =	vst v63  }
0x186: {  	s12 =	simm.s32 $0x6400  }
0x187: {  	[tilespmem:s12], [sflag:$0x6] =	stream.linear.gather [hbm4b:s16+s11], $0x1400, $0x38;
	[tilespmem:$0xE000] =	vst v63  }
0x188: {  	_ =	swait.ge [sflag:s7], $0x1400  }
0x189: {  	[sflag:s7] =	ssyncset.done $0x0  }
0x18a: {  	[sflag:s7] =	ssyncadd.s32 $0xFFFFEC00  }
0x18b: {  	_ =	swait.ge [sflag:s8], $0x1400  }
0x18c: {  	[sflag:s8] =	ssyncset.done $0x0  }
0x18d: {  	s12 =	simm.s32 $0x0;
	[sflag:s8] =	ssyncadd.s32 $0xFFFFEC00  }
0x18e: {  	v3 =	vld [tilespmem:s12+$0x8C00]  }
0x18f: {  	v4 =	vld [tilespmem:s12+$0x7870]  }
0x190: {  	v5 =	vld [tilespmem:s12+$0x8C10]  }
0x191: {  	v6 =	vld [tilespmem:s12+$0x7860]  }
0x192: {  	v7 =	vld [tilespmem:s12+$0x8C20]  }
0x193: {  	v8 =	vld [tilespmem:s12+$0x7850];
	v9 =	vmul.f32 $6.400000000e+01, v3  }
0x194: {  	v10 =	vld [tilespmem:s12+$0x8C30]  }
0x195: {  	v11 =	vld [tilespmem:s12+$0x7840];
	v12 =	vmul.f32 $6.400000000e+01, v5;
	v9 =	vtrunc.f32 v9  }
0x196: {  	v13 =	vld [tilespmem:s12+$0x8C40];
	v9 =	vcvt.f32.s32 v9  }
0x197: {  	v14 =	vld [tilespmem:s12+$0x7800];
	v15 =	vmul.f32 $6.400000000e+01, v7;
	v12 =	vtrunc.f32 v12  }
0x198: {  	v16 =	vld [tilespmem:s12+$0x8C50];
	v12 =	vcvt.f32.s32 v12;
	v9 =	vshll.u32 v9, $0x7  }
0x199: {  	v17 =	vld [tilespmem:s12+$0x7810];
	v18 =	vmul.f32 $6.400000000e+01, v10;
	v15 =	vtrunc.f32 v15;
	v9 =	vor.u32 v1, v9  }
0x19a: {  	v19 =	vld [tilespmem:s12+$0x8C60];
	v15 =	vcvt.f32.s32 v15;
	v12 =	vshll.u32 v12, $0x7  }
0x19b: {  	v20 =	vld [tilespmem:s12+$0x7820];
	v21 =	vmul.f32 $6.400000000e+01, v13;
	v18 =	vtrunc.f32 v18;
	v12 =	vor.u32 v1, v12  }
0x19c: {  	v22 =	vld [tilespmem:s12+$0x8C70];
	v3 =	vsub.f32 v3, v14;
	v18 =	vcvt.f32.s32 v18;
	v51 =	vshll.u32 v15, $0x7  }
0x19d: {  	v52 =	vld [tilespmem:s12+$0x7830];
	v23 =	vmul.f32 $6.400000000e+01, v16;
	v21 =	vtrunc.f32 v21;
	v14 =	vor.u32 v1, v51  }
0x19e: {  	v5 =	vsub.f32 v5, v17;
	v21 =	vcvt.f32.s32 v21;
	v53 =	vshll.u32 v18, $0x7;
	[tilespmem:v9+s31+$0x0] =	vst.idx.add.f32.msk $0xffff, v2  }
0x19f: {  	v55 =	vmul.f32 $6.400000000e+01, v19;
	v54 =	vtrunc.f32 v23;
	[tilespmem:v9+s4+$0x0] =	vst.idx.add.f32.msk $0xffff, v3;
	v3 =	vor.u32 v1, v53  }
0x1a0: {  	v7 =	vsub.f32 v7, v20;
	v56 =	vcvt.f32.s32 v54;
	v57 =	vshll.u32 v21, $0x7;
	[tilespmem:v12+s31+$0x0] =	vst.idx.add.f32.msk $0xffff, v2  }
0x1a1: {  	v59 =	vmul.f32 $6.400000000e+01, v22;
	v58 =	vtrunc.f32 v55;
	[tilespmem:v12+s4+$0x0] =	vst.idx.add.f32.msk $0xffff, v5;
	v5 =	vor.u32 v1, v57  }
0x1a2: {  	v60 =	vcvt.f32.s32 v58;
	v9 =	vshll.u32 v56, $0x7;
	[tilespmem:v14+s31+$0x0] =	vst.idx.add.f32.msk $0xffff, v2  }
0x1a3: {  	v10 =	vsub.f32 v10, v52;
	v61 =	vtrunc.f32 v59;
	[tilespmem:v14+s4+$0x0] =	vst.idx.add.f32.msk $0xffff, v7;
	v7 =	vor.u32 v1, v9  }
0x1a4: {  	v62 =	vcvt.f32.s32 v61;
	v12 =	vshll.u32 v60, $0x7;
	[tilespmem:v3+s31+$0x0] =	vst.idx.add.f32.msk $0xffff, v2  }
0x1a5: {  	v11 =	vsub.f32 v13, v11;
	v63 =	vor.u32 v1, v12;
	[tilespmem:v3+s4+$0x0] =	vst.idx.add.f32.msk $0xffff, v10  }
0x1a6: {  	v3 =	vshll.u32 v62, $0x7;
	[tilespmem:v5+s31+$0x0] =	vst.idx.add.f32.msk $0xffff, v2  }
0x1a7: {  	v8 =	vsub.f32 v16, v8;
	v3 =	vor.u32 v1, v3;
	[tilespmem:v5+s4+$0x0] =	vst.idx.add.f32.msk $0xffff, v11  }
0x1a8: {  	[tilespmem:v7+s31+$0x0] =	vst.idx.add.f32.msk $0xffff, v2  }
0x1a9: {  	v5 =	vsub.f32 v19, v6;
	[tilespmem:v7+s4+$0x0] =	vst.idx.add.f32.msk $0xffff, v8  }
0x1aa: {  	[tilespmem:v63+s31+$0x0] =	vst.idx.add.f32.msk $0xffff, v2  }
0x1ab: {  	v4 =	vsub.f32 v22, v4;
	[tilespmem:v63+s4+$0x0] =	vst.idx.add.f32.msk $0xffff, v5  }
0x1ac: {  	s11 =	simm.s32 $0x200;
	[tilespmem:v3+s31+$0x0] =	vst.idx.add.f32.msk $0xffff, v2  }
.LBB2_8:
0x1ad: {  	s12 =	sshra.s32 s11, $0x2;
	p0 =	sne.s32 s11, $0x4E00;
	s11 =	sadd.s32 $0x200, s11;
	[tilespmem:v3+s4+$0x0] =	vst.idx.add.f32.msk $0xffff, v4  }
0x1ae: {  	v3 =	vld [tilespmem:s12+$0x8C00]  }
0x1af: {  	v4 =	vld [tilespmem:s12+$0x7870]  }
0x1b0: {  	v5 =	vld [tilespmem:s12+$0x8C10]  }
0x1b1: {  	v6 =	vld [tilespmem:s12+$0x7860]  }
0x1b2: {  	v7 =	vld [tilespmem:s12+$0x8C20]  }
0x1b3: {  	v8 =	vld [tilespmem:s12+$0x7850];
	v9 =	vmul.f32 $6.400000000e+01, v3  }
0x1b4: {  	v10 =	vld [tilespmem:s12+$0x8C30]  }
0x1b5: {  	v11 =	vld [tilespmem:s12+$0x7840];
	v9 =	vtrunc.f32 v9;
	v12 =	vmul.f32 $6.400000000e+01, v5  }
0x1b6: {  	v13 =	vld [tilespmem:s12+$0x8C40];
	v9 =	vcvt.f32.s32 v9  }
0x1b7: {  	v14 =	vld [tilespmem:s12+$0x7800];
	v12 =	vtrunc.f32 v12;
	v15 =	vmul.f32 $6.400000000e+01, v7  }
0x1b8: {  	v16 =	vld [tilespmem:s12+$0x8C50];
	v12 =	vcvt.f32.s32 v12;
	v9 =	vshll.u32 v9, $0x7  }
0x1b9: {  	v17 =	vld [tilespmem:s12+$0x7810];
	v15 =	vtrunc.f32 v15;
	v18 =	vmul.f32 $6.400000000e+01, v10;
	v9 =	vor.u32 v1, v9  }
0x1ba: {  	v19 =	vld [tilespmem:s12+$0x8C60];
	v15 =	vcvt.f32.s32 v15;
	v12 =	vshll.u32 v12, $0x7  }
0x1bb: {  	v20 =	vld [tilespmem:s12+$0x7820];
	v18 =	vtrunc.f32 v18;
	v21 =	vmul.f32 $6.400000000e+01, v13;
	v12 =	vor.u32 v1, v12  }
0x1bc: {  	v22 =	vld [tilespmem:s12+$0x8C70];
	v18 =	vcvt.f32.s32 v18;
	v3 =	vsub.f32 v3, v14;
	v14 =	vshll.u32 v15, $0x7  }
0x1bd: {  	v15 =	vld [tilespmem:s12+$0x7830];
	v21 =	vtrunc.f32 v21;
	v23 =	vmul.f32 $6.400000000e+01, v16;
	v14 =	vor.u32 v1, v14  }
0x1be: {  	v21 =	vcvt.f32.s32 v21;
	v5 =	vsub.f32 v5, v17;
	[tilespmem:v9+s31+$0x0] =	vst.idx.add.f32.msk $0xffff, v2;
	v17 =	vshll.u32 v18, $0x7  }
0x1bf: {  	v18 =	vtrunc.f32 v23;
	v23 =	vmul.f32 $6.400000000e+01, v19;
	[tilespmem:v9+s4+$0x0] =	vst.idx.add.f32.msk $0xffff, v3;
	v3 =	vor.u32 v1, v17  }
0x1c0: {  	v9 =	vcvt.f32.s32 v18;
	v7 =	vsub.f32 v7, v20;
	[tilespmem:v12+s31+$0x0] =	vst.idx.add.f32.msk $0xffff, v2;
	v17 =	vshll.u32 v21, $0x7  }
0x1c1: {  	v18 =	vtrunc.f32 v23;
	v20 =	vmul.f32 $6.400000000e+01, v22;
	[tilespmem:v12+s4+$0x0] =	vst.idx.add.f32.msk $0xffff, v5;
	v5 =	vor.u32 v1, v17  }
0x1c2: {  	v12 =	vcvt.f32.s32 v18;
	v10 =	vsub.f32 v10, v15;
	[tilespmem:v14+s31+$0x0] =	vst.idx.add.f32.msk $0xffff, v2;
	v9 =	vshll.u32 v9, $0x7  }
0x1c3: {  	v11 =	vsub.f32 v13, v11;
	v15 =	vtrunc.f32 v20;
	[tilespmem:v14+s4+$0x0] =	vst.idx.add.f32.msk $0xffff, v7;
	v7 =	vor.u32 v1, v9  }
0x1c4: {  	v8 =	vsub.f32 v16, v8;
	v9 =	vcvt.f32.s32 v15;
	[tilespmem:v3+s31+$0x0] =	vst.idx.add.f32.msk $0xffff, v2;
	v12 =	vshll.u32 v12, $0x7  }
0x1c5: {  	v6 =	vsub.f32 v19, v6;
	[tilespmem:v3+s4+$0x0] =	vst.idx.add.f32.msk $0xffff, v10;
	v10 =	vor.u32 v1, v12  }
0x1c6: {  	v4 =	vsub.f32 v22, v4;
	[tilespmem:v5+s31+$0x0] =	vst.idx.add.f32.msk $0xffff, v2;
	v3 =	vshll.u32 v9, $0x7  }
0x1c7: {  	[tilespmem:v5+s4+$0x0] =	vst.idx.add.f32.msk $0xffff, v11;
	v3 =	vor.u32 v1, v3  }
.Ltmp3:
0x1c8: {  	[tilespmem:v7+s31+$0x0] =	vst.idx.add.f32.msk $0xffff, v2;
	(pc) =	sbr.rel @p0 .LBB2_8-.Ltmp3, $4  }
0x1c9: {  	[tilespmem:v7+s4+$0x0] =	vst.idx.add.f32.msk $0xffff, v8  }
0x1ca: {  	[tilespmem:v10+s31+$0x0] =	vst.idx.add.f32.msk $0xffff, v2  }
0x1cb: {  	[tilespmem:v10+s4+$0x0] =	vst.idx.add.f32.msk $0xffff, v6  }
0x1cc: {  	[tilespmem:v3+s31+$0x0] =	vst.idx.add.f32.msk $0xffff, v2  }
0x1cd: {  	_ =	sdelay $0x3  }
0x1ce: {  	[tilespmem:v3+s4+$0x0] =	vst.idx.add.f32.msk $0xffff, v4;
	s11 =	simm.s32 $0x0;
	s12 =	simm.s32 $0x7800  }
0x1cf: {  	[tilespmem:s12], [sflag:$0x7] =	stream.linear.gather [hbm4b:s17+s11], $0x1400, $0x38;
	[tilespmem:$0xE000] =	vst v63  }
0x1d0: {  	s12 =	simm.s32 $0x8C00  }
0x1d1: {  	[tilespmem:s12], [sflag:$0x8] =	stream.linear.gather [hbm4b:s18+s11], $0x1400, $0x38;
	[tilespmem:$0xE000] =	vst v63  }
0x1d2: {  	_ =	swait.ge [sflag:s30], $0x1400  }
0x1d3: {  	[sflag:s30] =	ssyncset.done $0x0  }
0x1d4: {  	[sflag:s30] =	ssyncadd.s32 $0xFFFFEC00  }
0x1d5: {  	_ =	swait.ge [sflag:s3], $0x1400  }
0x1d6: {  	[sflag:s3] =	ssyncset.done $0x0  }
0x1d7: {  	s12 =	simm.s32 $0x0;
	[sflag:s3] =	ssyncadd.s32 $0xFFFFEC00  }
0x1d8: {  	v3 =	vld [tilespmem:s12+$0x1400]  }
0x1d9: {  	v4 =	vld [tilespmem:s12+$0x70]  }
0x1da: {  	v5 =	vld [tilespmem:s12+$0x1410]  }
0x1db: {  	v6 =	vld [tilespmem:s12+$0x60]  }
0x1dc: {  	v7 =	vld [tilespmem:s12+$0x1420]  }
0x1dd: {  	v8 =	vld [tilespmem:s12+$0x50];
	v9 =	vmul.f32 $6.400000000e+01, v3  }
0x1de: {  	v10 =	vld [tilespmem:s12+$0x1430]  }
0x1df: {  	v11 =	vld [tilespmem:s12+$0x40];
	v12 =	vmul.f32 $6.400000000e+01, v5;
	v9 =	vtrunc.f32 v9  }
0x1e0: {  	v13 =	vld [tilespmem:s12+$0x1440];
	v9 =	vcvt.f32.s32 v9  }
0x1e1: {  	v14 =	vld [tilespmem:s12+$0x0];
	v15 =	vmul.f32 $6.400000000e+01, v7;
	v12 =	vtrunc.f32 v12  }
0x1e2: {  	v16 =	vld [tilespmem:s12+$0x1450];
	v12 =	vcvt.f32.s32 v12;
	v9 =	vshll.u32 v9, $0x7  }
0x1e3: {  	v17 =	vld [tilespmem:s12+$0x10];
	v18 =	vmul.f32 $6.400000000e+01, v10;
	v15 =	vtrunc.f32 v15;
	v9 =	vor.u32 v1, v9  }
0x1e4: {  	v19 =	vld [tilespmem:s12+$0x1460];
	v15 =	vcvt.f32.s32 v15;
	v12 =	vshll.u32 v12, $0x7  }
0x1e5: {  	v20 =	vld [tilespmem:s12+$0x20];
	v21 =	vmul.f32 $6.400000000e+01, v13;
	v18 =	vtrunc.f32 v18;
	v12 =	vor.u32 v1, v12  }
0x1e6: {  	v22 =	vld [tilespmem:s12+$0x1470];
	v3 =	vsub.f32 v3, v14;
	v18 =	vcvt.f32.s32 v18;
	v51 =	vshll.u32 v15, $0x7  }
0x1e7: {  	v52 =	vld [tilespmem:s12+$0x30];
	v23 =	vmul.f32 $6.400000000e+01, v16;
	v21 =	vtrunc.f32 v21;
	v14 =	vor.u32 v1, v51  }
0x1e8: {  	v5 =	vsub.f32 v5, v17;
	v21 =	vcvt.f32.s32 v21;
	v53 =	vshll.u32 v18, $0x7;
	[tilespmem:v9+s31+$0x0] =	vst.idx.add.f32.msk $0xffff, v2  }
0x1e9: {  	v55 =	vmul.f32 $6.400000000e+01, v19;
	v54 =	vtrunc.f32 v23;
	[tilespmem:v9+s4+$0x0] =	vst.idx.add.f32.msk $0xffff, v3;
	v3 =	vor.u32 v1, v53  }
0x1ea: {  	v7 =	vsub.f32 v7, v20;
	v56 =	vcvt.f32.s32 v54;
	v57 =	vshll.u32 v21, $0x7;
	[tilespmem:v12+s31+$0x0] =	vst.idx.add.f32.msk $0xffff, v2  }
0x1eb: {  	v59 =	vmul.f32 $6.400000000e+01, v22;
	v58 =	vtrunc.f32 v55;
	[tilespmem:v12+s4+$0x0] =	vst.idx.add.f32.msk $0xffff, v5;
	v5 =	vor.u32 v1, v57  }
0x1ec: {  	v60 =	vcvt.f32.s32 v58;
	v9 =	vshll.u32 v56, $0x7;
	[tilespmem:v14+s31+$0x0] =	vst.idx.add.f32.msk $0xffff, v2  }
0x1ed: {  	v10 =	vsub.f32 v10, v52;
	v61 =	vtrunc.f32 v59;
	[tilespmem:v14+s4+$0x0] =	vst.idx.add.f32.msk $0xffff, v7;
	v7 =	vor.u32 v1, v9  }
0x1ee: {  	v62 =	vcvt.f32.s32 v61;
	v12 =	vshll.u32 v60, $0x7;
	[tilespmem:v3+s31+$0x0] =	vst.idx.add.f32.msk $0xffff, v2  }
0x1ef: {  	v11 =	vsub.f32 v13, v11;
	v63 =	vor.u32 v1, v12;
	[tilespmem:v3+s4+$0x0] =	vst.idx.add.f32.msk $0xffff, v10  }
0x1f0: {  	v3 =	vshll.u32 v62, $0x7;
	[tilespmem:v5+s31+$0x0] =	vst.idx.add.f32.msk $0xffff, v2  }
0x1f1: {  	v8 =	vsub.f32 v16, v8;
	v3 =	vor.u32 v1, v3;
	[tilespmem:v5+s4+$0x0] =	vst.idx.add.f32.msk $0xffff, v11  }
0x1f2: {  	[tilespmem:v7+s31+$0x0] =	vst.idx.add.f32.msk $0xffff, v2  }
0x1f3: {  	v5 =	vsub.f32 v19, v6;
	[tilespmem:v7+s4+$0x0] =	vst.idx.add.f32.msk $0xffff, v8  }
0x1f4: {  	[tilespmem:v63+s31+$0x0] =	vst.idx.add.f32.msk $0xffff, v2  }
0x1f5: {  	v4 =	vsub.f32 v22, v4;
	[tilespmem:v63+s4+$0x0] =	vst.idx.add.f32.msk $0xffff, v5  }
0x1f6: {  	s11 =	simm.s32 $0x200;
	[tilespmem:v3+s31+$0x0] =	vst.idx.add.f32.msk $0xffff, v2  }
.LBB2_10:
0x1f7: {  	s12 =	sshra.s32 s11, $0x2;
	p0 =	sne.s32 s11, $0x4E00;
	s11 =	sadd.s32 $0x200, s11;
	[tilespmem:v3+s4+$0x0] =	vst.idx.add.f32.msk $0xffff, v4  }
0x1f8: {  	v3 =	vld [tilespmem:s12+$0x1400]  }
0x1f9: {  	v4 =	vld [tilespmem:s12+$0x70]  }
0x1fa: {  	v5 =	vld [tilespmem:s12+$0x1410]  }
0x1fb: {  	v6 =	vld [tilespmem:s12+$0x60]  }
0x1fc: {  	v7 =	vld [tilespmem:s12+$0x1420]  }
0x1fd: {  	v8 =	vld [tilespmem:s12+$0x50];
	v9 =	vmul.f32 $6.400000000e+01, v3  }
0x1fe: {  	v10 =	vld [tilespmem:s12+$0x1430]  }
0x1ff: {  	v11 =	vld [tilespmem:s12+$0x40];
	v9 =	vtrunc.f32 v9;
	v12 =	vmul.f32 $6.400000000e+01, v5  }
0x200: {  	v13 =	vld [tilespmem:s12+$0x1440];
	v9 =	vcvt.f32.s32 v9  }
0x201: {  	v14 =	vld [tilespmem:s12+$0x0];
	v12 =	vtrunc.f32 v12;
	v15 =	vmul.f32 $6.400000000e+01, v7  }
0x202: {  	v16 =	vld [tilespmem:s12+$0x1450];
	v12 =	vcvt.f32.s32 v12;
	v9 =	vshll.u32 v9, $0x7  }
0x203: {  	v17 =	vld [tilespmem:s12+$0x10];
	v15 =	vtrunc.f32 v15;
	v18 =	vmul.f32 $6.400000000e+01, v10;
	v9 =	vor.u32 v1, v9  }
0x204: {  	v19 =	vld [tilespmem:s12+$0x1460];
	v15 =	vcvt.f32.s32 v15;
	v12 =	vshll.u32 v12, $0x7  }
0x205: {  	v20 =	vld [tilespmem:s12+$0x20];
	v18 =	vtrunc.f32 v18;
	v21 =	vmul.f32 $6.400000000e+01, v13;
	v12 =	vor.u32 v1, v12  }
0x206: {  	v22 =	vld [tilespmem:s12+$0x1470];
	v18 =	vcvt.f32.s32 v18;
	v3 =	vsub.f32 v3, v14;
	v14 =	vshll.u32 v15, $0x7  }
0x207: {  	v15 =	vld [tilespmem:s12+$0x30];
	v21 =	vtrunc.f32 v21;
	v23 =	vmul.f32 $6.400000000e+01, v16;
	v14 =	vor.u32 v1, v14  }
0x208: {  	v21 =	vcvt.f32.s32 v21;
	v5 =	vsub.f32 v5, v17;
	[tilespmem:v9+s31+$0x0] =	vst.idx.add.f32.msk $0xffff, v2;
	v17 =	vshll.u32 v18, $0x7  }
0x209: {  	v18 =	vtrunc.f32 v23;
	v23 =	vmul.f32 $6.400000000e+01, v19;
	[tilespmem:v9+s4+$0x0] =	vst.idx.add.f32.msk $0xffff, v3;
	v3 =	vor.u32 v1, v17  }
0x20a: {  	v9 =	vcvt.f32.s32 v18;
	v7 =	vsub.f32 v7, v20;
	[tilespmem:v12+s31+$0x0] =	vst.idx.add.f32.msk $0xffff, v2;
	v17 =	vshll.u32 v21, $0x7  }
0x20b: {  	v18 =	vtrunc.f32 v23;
	v20 =	vmul.f32 $6.400000000e+01, v22;
	[tilespmem:v12+s4+$0x0] =	vst.idx.add.f32.msk $0xffff, v5;
	v5 =	vor.u32 v1, v17  }
0x20c: {  	v12 =	vcvt.f32.s32 v18;
	v10 =	vsub.f32 v10, v15;
	[tilespmem:v14+s31+$0x0] =	vst.idx.add.f32.msk $0xffff, v2;
	v9 =	vshll.u32 v9, $0x7  }
0x20d: {  	v11 =	vsub.f32 v13, v11;
	v15 =	vtrunc.f32 v20;
	[tilespmem:v14+s4+$0x0] =	vst.idx.add.f32.msk $0xffff, v7;
	v7 =	vor.u32 v1, v9  }
0x20e: {  	v8 =	vsub.f32 v16, v8;
	v9 =	vcvt.f32.s32 v15;
	[tilespmem:v3+s31+$0x0] =	vst.idx.add.f32.msk $0xffff, v2;
	v12 =	vshll.u32 v12, $0x7  }
0x20f: {  	v6 =	vsub.f32 v19, v6;
	[tilespmem:v3+s4+$0x0] =	vst.idx.add.f32.msk $0xffff, v10;
	v10 =	vor.u32 v1, v12  }
0x210: {  	v4 =	vsub.f32 v22, v4;
	[tilespmem:v5+s31+$0x0] =	vst.idx.add.f32.msk $0xffff, v2;
	v3 =	vshll.u32 v9, $0x7  }
0x211: {  	[tilespmem:v5+s4+$0x0] =	vst.idx.add.f32.msk $0xffff, v11;
	v3 =	vor.u32 v1, v3  }
.Ltmp4:
0x212: {  	[tilespmem:v7+s31+$0x0] =	vst.idx.add.f32.msk $0xffff, v2;
	(pc) =	sbr.rel @p0 .LBB2_10-.Ltmp4, $4  }
0x213: {  	[tilespmem:v7+s4+$0x0] =	vst.idx.add.f32.msk $0xffff, v8  }
0x214: {  	[tilespmem:v10+s31+$0x0] =	vst.idx.add.f32.msk $0xffff, v2  }
0x215: {  	[tilespmem:v10+s4+$0x0] =	vst.idx.add.f32.msk $0xffff, v6  }
0x216: {  	[tilespmem:v3+s31+$0x0] =	vst.idx.add.f32.msk $0xffff, v2  }
0x217: {  	_ =	sdelay $0x3  }
0x218: {  	[tilespmem:v3+s4+$0x0] =	vst.idx.add.f32.msk $0xffff, v4;
	s11 =	simm.s32 $0x0  }
0x219: {  	[tilespmem:s11], [sflag:$0x1] =	stream.linear.gather [hbm4b:s19+s11], $0x1400, $0x38;
	[tilespmem:$0xE000] =	vst v63  }
0x21a: {  	_ = 	snop  }
0x21b: {  	[tilespmem:s26], [sflag:$0x2] =	stream.linear.gather [hbm4b:s20+s11], $0x1400, $0x38;
	[tilespmem:$0xE000] =	vst v63  }
0x21c: {  	_ =	swait.ge [sflag:s1], $0x1400  }
0x21d: {  	[sflag:s1] =	ssyncset.done $0x0  }
0x21e: {  	[sflag:s1] =	ssyncadd.s32 $0xFFFFEC00  }
0x21f: {  	_ =	swait.ge [sflag:s0], $0x1400  }
0x220: {  	[sflag:s0] =	ssyncset.done $0x0  }
0x221: {  	s12 =	simm.s32 $0x0;
	[sflag:s0] =	ssyncadd.s32 $0xFFFFEC00  }
0x222: {  	v3 =	vld [tilespmem:s12+$0x3C00]  }
0x223: {  	v4 =	vld [tilespmem:s12+$0x2870]  }
0x224: {  	v5 =	vld [tilespmem:s12+$0x3C10]  }
0x225: {  	v6 =	vld [tilespmem:s12+$0x2860]  }
0x226: {  	v7 =	vld [tilespmem:s12+$0x3C20]  }
0x227: {  	v8 =	vld [tilespmem:s12+$0x2850];
	v9 =	vmul.f32 $6.400000000e+01, v3  }
0x228: {  	v10 =	vld [tilespmem:s12+$0x3C30]  }
0x229: {  	v11 =	vld [tilespmem:s12+$0x2840];
	v12 =	vmul.f32 $6.400000000e+01, v5;
	v9 =	vtrunc.f32 v9  }
0x22a: {  	v13 =	vld [tilespmem:s12+$0x3C40];
	v9 =	vcvt.f32.s32 v9  }
0x22b: {  	v14 =	vld [tilespmem:s12+$0x2800];
	v15 =	vmul.f32 $6.400000000e+01, v7;
	v12 =	vtrunc.f32 v12  }
0x22c: {  	v16 =	vld [tilespmem:s12+$0x3C50];
	v12 =	vcvt.f32.s32 v12;
	v9 =	vshll.u32 v9, $0x7  }
0x22d: {  	v17 =	vld [tilespmem:s12+$0x2810];
	v18 =	vmul.f32 $6.400000000e+01, v10;
	v15 =	vtrunc.f32 v15;
	v9 =	vor.u32 v1, v9  }
0x22e: {  	v19 =	vld [tilespmem:s12+$0x3C60];
	v15 =	vcvt.f32.s32 v15;
	v12 =	vshll.u32 v12, $0x7  }
0x22f: {  	v20 =	vld [tilespmem:s12+$0x2820];
	v21 =	vmul.f32 $6.400000000e+01, v13;
	v18 =	vtrunc.f32 v18;
	v12 =	vor.u32 v1, v12  }
0x230: {  	v22 =	vld [tilespmem:s12+$0x3C70];
	v3 =	vsub.f32 v3, v14;
	v18 =	vcvt.f32.s32 v18;
	v51 =	vshll.u32 v15, $0x7  }
0x231: {  	v52 =	vld [tilespmem:s12+$0x2830];
	v23 =	vmul.f32 $6.400000000e+01, v16;
	v21 =	vtrunc.f32 v21;
	v14 =	vor.u32 v1, v51  }
0x232: {  	v5 =	vsub.f32 v5, v17;
	v21 =	vcvt.f32.s32 v21;
	v53 =	vshll.u32 v18, $0x7;
	[tilespmem:v9+s31+$0x0] =	vst.idx.add.f32.msk $0xffff, v2  }
0x233: {  	v55 =	vmul.f32 $6.400000000e+01, v19;
	v54 =	vtrunc.f32 v23;
	[tilespmem:v9+s4+$0x0] =	vst.idx.add.f32.msk $0xffff, v3;
	v3 =	vor.u32 v1, v53  }
0x234: {  	v7 =	vsub.f32 v7, v20;
	v56 =	vcvt.f32.s32 v54;
	v57 =	vshll.u32 v21, $0x7;
	[tilespmem:v12+s31+$0x0] =	vst.idx.add.f32.msk $0xffff, v2  }
0x235: {  	v59 =	vmul.f32 $6.400000000e+01, v22;
	v58 =	vtrunc.f32 v55;
	[tilespmem:v12+s4+$0x0] =	vst.idx.add.f32.msk $0xffff, v5;
	v5 =	vor.u32 v1, v57  }
0x236: {  	v60 =	vcvt.f32.s32 v58;
	v9 =	vshll.u32 v56, $0x7;
	[tilespmem:v14+s31+$0x0] =	vst.idx.add.f32.msk $0xffff, v2  }
0x237: {  	v10 =	vsub.f32 v10, v52;
	v61 =	vtrunc.f32 v59;
	[tilespmem:v14+s4+$0x0] =	vst.idx.add.f32.msk $0xffff, v7;
	v7 =	vor.u32 v1, v9  }
0x238: {  	v62 =	vcvt.f32.s32 v61;
	v12 =	vshll.u32 v60, $0x7;
	[tilespmem:v3+s31+$0x0] =	vst.idx.add.f32.msk $0xffff, v2  }
0x239: {  	v11 =	vsub.f32 v13, v11;
	v63 =	vor.u32 v1, v12;
	[tilespmem:v3+s4+$0x0] =	vst.idx.add.f32.msk $0xffff, v10  }
0x23a: {  	v3 =	vshll.u32 v62, $0x7;
	[tilespmem:v5+s31+$0x0] =	vst.idx.add.f32.msk $0xffff, v2  }
0x23b: {  	v8 =	vsub.f32 v16, v8;
	v3 =	vor.u32 v1, v3;
	[tilespmem:v5+s4+$0x0] =	vst.idx.add.f32.msk $0xffff, v11  }
0x23c: {  	[tilespmem:v7+s31+$0x0] =	vst.idx.add.f32.msk $0xffff, v2  }
0x23d: {  	v5 =	vsub.f32 v19, v6;
	[tilespmem:v7+s4+$0x0] =	vst.idx.add.f32.msk $0xffff, v8  }
0x23e: {  	[tilespmem:v63+s31+$0x0] =	vst.idx.add.f32.msk $0xffff, v2  }
0x23f: {  	v4 =	vsub.f32 v22, v4;
	[tilespmem:v63+s4+$0x0] =	vst.idx.add.f32.msk $0xffff, v5  }
0x240: {  	s11 =	simm.s32 $0x200;
	[tilespmem:v3+s31+$0x0] =	vst.idx.add.f32.msk $0xffff, v2  }
.LBB2_12:
0x241: {  	s12 =	sshra.s32 s11, $0x2;
	p0 =	sne.s32 s11, $0x4E00;
	s11 =	sadd.s32 $0x200, s11;
	[tilespmem:v3+s4+$0x0] =	vst.idx.add.f32.msk $0xffff, v4  }
0x242: {  	v3 =	vld [tilespmem:s12+$0x3C00]  }
0x243: {  	v4 =	vld [tilespmem:s12+$0x2870]  }
0x244: {  	v5 =	vld [tilespmem:s12+$0x3C10]  }
0x245: {  	v6 =	vld [tilespmem:s12+$0x2860]  }
0x246: {  	v7 =	vld [tilespmem:s12+$0x3C20]  }
0x247: {  	v8 =	vld [tilespmem:s12+$0x2850];
	v9 =	vmul.f32 $6.400000000e+01, v3  }
0x248: {  	v10 =	vld [tilespmem:s12+$0x3C30]  }
0x249: {  	v11 =	vld [tilespmem:s12+$0x2840];
	v9 =	vtrunc.f32 v9;
	v12 =	vmul.f32 $6.400000000e+01, v5  }
0x24a: {  	v13 =	vld [tilespmem:s12+$0x3C40];
	v9 =	vcvt.f32.s32 v9  }
0x24b: {  	v14 =	vld [tilespmem:s12+$0x2800];
	v12 =	vtrunc.f32 v12;
	v15 =	vmul.f32 $6.400000000e+01, v7  }
0x24c: {  	v16 =	vld [tilespmem:s12+$0x3C50];
	v12 =	vcvt.f32.s32 v12;
	v9 =	vshll.u32 v9, $0x7  }
0x24d: {  	v17 =	vld [tilespmem:s12+$0x2810];
	v15 =	vtrunc.f32 v15;
	v18 =	vmul.f32 $6.400000000e+01, v10;
	v9 =	vor.u32 v1, v9  }
0x24e: {  	v19 =	vld [tilespmem:s12+$0x3C60];
	v15 =	vcvt.f32.s32 v15;
	v12 =	vshll.u32 v12, $0x7  }
0x24f: {  	v20 =	vld [tilespmem:s12+$0x2820];
	v18 =	vtrunc.f32 v18;
	v21 =	vmul.f32 $6.400000000e+01, v13;
	v12 =	vor.u32 v1, v12  }
0x250: {  	v22 =	vld [tilespmem:s12+$0x3C70];
	v18 =	vcvt.f32.s32 v18;
	v3 =	vsub.f32 v3, v14;
	v14 =	vshll.u32 v15, $0x7  }
0x251: {  	v15 =	vld [tilespmem:s12+$0x2830];
	v21 =	vtrunc.f32 v21;
	v23 =	vmul.f32 $6.400000000e+01, v16;
	v14 =	vor.u32 v1, v14  }
0x252: {  	v21 =	vcvt.f32.s32 v21;
	v5 =	vsub.f32 v5, v17;
	[tilespmem:v9+s31+$0x0] =	vst.idx.add.f32.msk $0xffff, v2;
	v17 =	vshll.u32 v18, $0x7  }
0x253: {  	v18 =	vtrunc.f32 v23;
	v23 =	vmul.f32 $6.400000000e+01, v19;
	[tilespmem:v9+s4+$0x0] =	vst.idx.add.f32.msk $0xffff, v3;
	v3 =	vor.u32 v1, v17  }
0x254: {  	v9 =	vcvt.f32.s32 v18;
	v7 =	vsub.f32 v7, v20;
	[tilespmem:v12+s31+$0x0] =	vst.idx.add.f32.msk $0xffff, v2;
	v17 =	vshll.u32 v21, $0x7  }
0x255: {  	v18 =	vtrunc.f32 v23;
	v20 =	vmul.f32 $6.400000000e+01, v22;
	[tilespmem:v12+s4+$0x0] =	vst.idx.add.f32.msk $0xffff, v5;
	v5 =	vor.u32 v1, v17  }
0x256: {  	v12 =	vcvt.f32.s32 v18;
	v10 =	vsub.f32 v10, v15;
	[tilespmem:v14+s31+$0x0] =	vst.idx.add.f32.msk $0xffff, v2;
	v9 =	vshll.u32 v9, $0x7  }
0x257: {  	v11 =	vsub.f32 v13, v11;
	v15 =	vtrunc.f32 v20;
	[tilespmem:v14+s4+$0x0] =	vst.idx.add.f32.msk $0xffff, v7;
	v7 =	vor.u32 v1, v9  }
0x258: {  	v8 =	vsub.f32 v16, v8;
	v9 =	vcvt.f32.s32 v15;
	[tilespmem:v3+s31+$0x0] =	vst.idx.add.f32.msk $0xffff, v2;
	v12 =	vshll.u32 v12, $0x7  }
0x259: {  	v6 =	vsub.f32 v19, v6;
	[tilespmem:v3+s4+$0x0] =	vst.idx.add.f32.msk $0xffff, v10;
	v10 =	vor.u32 v1, v12  }
0x25a: {  	v4 =	vsub.f32 v22, v4;
	[tilespmem:v5+s31+$0x0] =	vst.idx.add.f32.msk $0xffff, v2;
	v3 =	vshll.u32 v9, $0x7  }
0x25b: {  	[tilespmem:v5+s4+$0x0] =	vst.idx.add.f32.msk $0xffff, v11;
	v3 =	vor.u32 v1, v3  }
.Ltmp5:
0x25c: {  	[tilespmem:v7+s31+$0x0] =	vst.idx.add.f32.msk $0xffff, v2;
	(pc) =	sbr.rel @p0 .LBB2_12-.Ltmp5, $4  }
0x25d: {  	[tilespmem:v7+s4+$0x0] =	vst.idx.add.f32.msk $0xffff, v8  }
0x25e: {  	[tilespmem:v10+s31+$0x0] =	vst.idx.add.f32.msk $0xffff, v2  }
0x25f: {  	[tilespmem:v10+s4+$0x0] =	vst.idx.add.f32.msk $0xffff, v6  }
0x260: {  	[tilespmem:v3+s31+$0x0] =	vst.idx.add.f32.msk $0xffff, v2  }
0x261: {  	_ =	sdelay $0x3  }
0x262: {  	[tilespmem:v3+s4+$0x0] =	vst.idx.add.f32.msk $0xffff, v4;
	s11 =	simm.s32 $0x0  }
0x263: {  	[tilespmem:s28], [sflag:$0x3] =	stream.linear.gather [hbm4b:s21+s11], $0x1400, $0x38;
	[tilespmem:$0xE000] =	vst v63  }
0x264: {  	_ = 	snop  }
0x265: {  	[tilespmem:s29], [sflag:$0x4] =	stream.linear.gather [hbm4b:s22+s11], $0x1400, $0x38;
	[tilespmem:$0xE000] =	vst v63  }
0x266: {  	_ =	swait.ge [sflag:s5], $0x1400  }
0x267: {  	[sflag:s5] =	ssyncset.done $0x0  }
0x268: {  	[sflag:s5] =	ssyncadd.s32 $0xFFFFEC00  }
0x269: {  	_ =	swait.ge [sflag:s6], $0x1400  }
0x26a: {  	[sflag:s6] =	ssyncset.done $0x0  }
0x26b: {  	s12 =	simm.s32 $0x0;
	[sflag:s6] =	ssyncadd.s32 $0xFFFFEC00  }
0x26c: {  	v3 =	vld [tilespmem:s12+$0x6400]  }
0x26d: {  	v4 =	vld [tilespmem:s12+$0x5070]  }
0x26e: {  	v5 =	vld [tilespmem:s12+$0x6410]  }
0x26f: {  	v6 =	vld [tilespmem:s12+$0x5060]  }
0x270: {  	v7 =	vld [tilespmem:s12+$0x6420]  }
0x271: {  	v8 =	vld [tilespmem:s12+$0x5050];
	v9 =	vmul.f32 $6.400000000e+01, v3  }
0x272: {  	v10 =	vld [tilespmem:s12+$0x6430]  }
0x273: {  	v11 =	vld [tilespmem:s12+$0x5040];
	v12 =	vmul.f32 $6.400000000e+01, v5;
	v9 =	vtrunc.f32 v9  }
0x274: {  	v13 =	vld [tilespmem:s12+$0x6440];
	v9 =	vcvt.f32.s32 v9  }
0x275: {  	v14 =	vld [tilespmem:s12+$0x5000];
	v15 =	vmul.f32 $6.400000000e+01, v7;
	v12 =	vtrunc.f32 v12  }
0x276: {  	v16 =	vld [tilespmem:s12+$0x6450];
	v12 =	vcvt.f32.s32 v12;
	v9 =	vshll.u32 v9, $0x7  }
0x277: {  	v17 =	vld [tilespmem:s12+$0x5010];
	v18 =	vmul.f32 $6.400000000e+01, v10;
	v15 =	vtrunc.f32 v15;
	v9 =	vor.u32 v1, v9  }
0x278: {  	v19 =	vld [tilespmem:s12+$0x6460];
	v15 =	vcvt.f32.s32 v15;
	v12 =	vshll.u32 v12, $0x7  }
0x279: {  	v20 =	vld [tilespmem:s12+$0x5020];
	v21 =	vmul.f32 $6.400000000e+01, v13;
	v18 =	vtrunc.f32 v18;
	v12 =	vor.u32 v1, v12  }
0x27a: {  	v22 =	vld [tilespmem:s12+$0x6470];
	v3 =	vsub.f32 v3, v14;
	v18 =	vcvt.f32.s32 v18;
	v51 =	vshll.u32 v15, $0x7  }
0x27b: {  	v52 =	vld [tilespmem:s12+$0x5030];
	v23 =	vmul.f32 $6.400000000e+01, v16;
	v21 =	vtrunc.f32 v21;
	v14 =	vor.u32 v1, v51  }
0x27c: {  	v5 =	vsub.f32 v5, v17;
	v21 =	vcvt.f32.s32 v21;
	v53 =	vshll.u32 v18, $0x7;
	[tilespmem:v9+s31+$0x0] =	vst.idx.add.f32.msk $0xffff, v2  }
0x27d: {  	v55 =	vmul.f32 $6.400000000e+01, v19;
	v54 =	vtrunc.f32 v23;
	[tilespmem:v9+s4+$0x0] =	vst.idx.add.f32.msk $0xffff, v3;
	v3 =	vor.u32 v1, v53  }
0x27e: {  	v7 =	vsub.f32 v7, v20;
	v56 =	vcvt.f32.s32 v54;
	v57 =	vshll.u32 v21, $0x7;
	[tilespmem:v12+s31+$0x0] =	vst.idx.add.f32.msk $0xffff, v2  }
0x27f: {  	v59 =	vmul.f32 $6.400000000e+01, v22;
	v58 =	vtrunc.f32 v55;
	[tilespmem:v12+s4+$0x0] =	vst.idx.add.f32.msk $0xffff, v5;
	v5 =	vor.u32 v1, v57  }
0x280: {  	v60 =	vcvt.f32.s32 v58;
	v9 =	vshll.u32 v56, $0x7;
	[tilespmem:v14+s31+$0x0] =	vst.idx.add.f32.msk $0xffff, v2  }
0x281: {  	v10 =	vsub.f32 v10, v52;
	v61 =	vtrunc.f32 v59;
	[tilespmem:v14+s4+$0x0] =	vst.idx.add.f32.msk $0xffff, v7;
	v7 =	vor.u32 v1, v9  }
0x282: {  	v62 =	vcvt.f32.s32 v61;
	v12 =	vshll.u32 v60, $0x7;
	[tilespmem:v3+s31+$0x0] =	vst.idx.add.f32.msk $0xffff, v2  }
0x283: {  	v11 =	vsub.f32 v13, v11;
	v63 =	vor.u32 v1, v12;
	[tilespmem:v3+s4+$0x0] =	vst.idx.add.f32.msk $0xffff, v10  }
0x284: {  	v3 =	vshll.u32 v62, $0x7;
	[tilespmem:v5+s31+$0x0] =	vst.idx.add.f32.msk $0xffff, v2  }
0x285: {  	v8 =	vsub.f32 v16, v8;
	v3 =	vor.u32 v1, v3;
	[tilespmem:v5+s4+$0x0] =	vst.idx.add.f32.msk $0xffff, v11  }
0x286: {  	[tilespmem:v7+s31+$0x0] =	vst.idx.add.f32.msk $0xffff, v2  }
0x287: {  	v5 =	vsub.f32 v19, v6;
	[tilespmem:v7+s4+$0x0] =	vst.idx.add.f32.msk $0xffff, v8  }
0x288: {  	[tilespmem:v63+s31+$0x0] =	vst.idx.add.f32.msk $0xffff, v2  }
0x289: {  	v4 =	vsub.f32 v22, v4;
	[tilespmem:v63+s4+$0x0] =	vst.idx.add.f32.msk $0xffff, v5  }
0x28a: {  	s11 =	simm.s32 $0x200;
	[tilespmem:v3+s31+$0x0] =	vst.idx.add.f32.msk $0xffff, v2  }
.LBB2_14:
0x28b: {  	s12 =	sshra.s32 s11, $0x2;
	p0 =	sne.s32 s11, $0x4E00;
	s11 =	sadd.s32 $0x200, s11;
	[tilespmem:v3+s4+$0x0] =	vst.idx.add.f32.msk $0xffff, v4  }
0x28c: {  	v3 =	vld [tilespmem:s12+$0x6400]  }
0x28d: {  	v4 =	vld [tilespmem:s12+$0x5070]  }
0x28e: {  	v5 =	vld [tilespmem:s12+$0x6410]  }
0x28f: {  	v6 =	vld [tilespmem:s12+$0x5060]  }
0x290: {  	v7 =	vld [tilespmem:s12+$0x6420]  }
0x291: {  	v8 =	vld [tilespmem:s12+$0x5050];
	v9 =	vmul.f32 $6.400000000e+01, v3  }
0x292: {  	v10 =	vld [tilespmem:s12+$0x6430]  }
0x293: {  	v11 =	vld [tilespmem:s12+$0x5040];
	v9 =	vtrunc.f32 v9;
	v12 =	vmul.f32 $6.400000000e+01, v5  }
0x294: {  	v13 =	vld [tilespmem:s12+$0x6440];
	v9 =	vcvt.f32.s32 v9  }
0x295: {  	v14 =	vld [tilespmem:s12+$0x5000];
	v12 =	vtrunc.f32 v12;
	v15 =	vmul.f32 $6.400000000e+01, v7  }
0x296: {  	v16 =	vld [tilespmem:s12+$0x6450];
	v12 =	vcvt.f32.s32 v12;
	v9 =	vshll.u32 v9, $0x7  }
0x297: {  	v17 =	vld [tilespmem:s12+$0x5010];
	v15 =	vtrunc.f32 v15;
	v18 =	vmul.f32 $6.400000000e+01, v10;
	v9 =	vor.u32 v1, v9  }
0x298: {  	v19 =	vld [tilespmem:s12+$0x6460];
	v15 =	vcvt.f32.s32 v15;
	v12 =	vshll.u32 v12, $0x7  }
0x299: {  	v20 =	vld [tilespmem:s12+$0x5020];
	v18 =	vtrunc.f32 v18;
	v21 =	vmul.f32 $6.400000000e+01, v13;
	v12 =	vor.u32 v1, v12  }
0x29a: {  	v22 =	vld [tilespmem:s12+$0x6470];
	v18 =	vcvt.f32.s32 v18;
	v3 =	vsub.f32 v3, v14;
	v14 =	vshll.u32 v15, $0x7  }
0x29b: {  	v15 =	vld [tilespmem:s12+$0x5030];
	v21 =	vtrunc.f32 v21;
	v23 =	vmul.f32 $6.400000000e+01, v16;
	v14 =	vor.u32 v1, v14  }
0x29c: {  	v21 =	vcvt.f32.s32 v21;
	v5 =	vsub.f32 v5, v17;
	[tilespmem:v9+s31+$0x0] =	vst.idx.add.f32.msk $0xffff, v2;
	v17 =	vshll.u32 v18, $0x7  }
0x29d: {  	v18 =	vtrunc.f32 v23;
	v23 =	vmul.f32 $6.400000000e+01, v19;
	[tilespmem:v9+s4+$0x0] =	vst.idx.add.f32.msk $0xffff, v3;
	v3 =	vor.u32 v1, v17  }
0x29e: {  	v9 =	vcvt.f32.s32 v18;
	v7 =	vsub.f32 v7, v20;
	[tilespmem:v12+s31+$0x0] =	vst.idx.add.f32.msk $0xffff, v2;
	v17 =	vshll.u32 v21, $0x7  }
0x29f: {  	v18 =	vtrunc.f32 v23;
	v20 =	vmul.f32 $6.400000000e+01, v22;
	[tilespmem:v12+s4+$0x0] =	vst.idx.add.f32.msk $0xffff, v5;
	v5 =	vor.u32 v1, v17  }
0x2a0: {  	v12 =	vcvt.f32.s32 v18;
	v10 =	vsub.f32 v10, v15;
	[tilespmem:v14+s31+$0x0] =	vst.idx.add.f32.msk $0xffff, v2;
	v9 =	vshll.u32 v9, $0x7  }
0x2a1: {  	v11 =	vsub.f32 v13, v11;
	v15 =	vtrunc.f32 v20;
	[tilespmem:v14+s4+$0x0] =	vst.idx.add.f32.msk $0xffff, v7;
	v7 =	vor.u32 v1, v9  }
0x2a2: {  	v8 =	vsub.f32 v16, v8;
	v9 =	vcvt.f32.s32 v15;
	[tilespmem:v3+s31+$0x0] =	vst.idx.add.f32.msk $0xffff, v2;
	v12 =	vshll.u32 v12, $0x7  }
0x2a3: {  	v6 =	vsub.f32 v19, v6;
	[tilespmem:v3+s4+$0x0] =	vst.idx.add.f32.msk $0xffff, v10;
	v10 =	vor.u32 v1, v12  }
0x2a4: {  	v4 =	vsub.f32 v22, v4;
	[tilespmem:v5+s31+$0x0] =	vst.idx.add.f32.msk $0xffff, v2;
	v3 =	vshll.u32 v9, $0x7  }
0x2a5: {  	[tilespmem:v5+s4+$0x0] =	vst.idx.add.f32.msk $0xffff, v11;
	v3 =	vor.u32 v1, v3  }
.Ltmp6:
0x2a6: {  	[tilespmem:v7+s31+$0x0] =	vst.idx.add.f32.msk $0xffff, v2;
	(pc) =	sbr.rel @p0 .LBB2_14-.Ltmp6, $4  }
0x2a7: {  	[tilespmem:v7+s4+$0x0] =	vst.idx.add.f32.msk $0xffff, v8  }
0x2a8: {  	[tilespmem:v10+s31+$0x0] =	vst.idx.add.f32.msk $0xffff, v2  }
0x2a9: {  	[tilespmem:v10+s4+$0x0] =	vst.idx.add.f32.msk $0xffff, v6  }
0x2aa: {  	[tilespmem:v3+s31+$0x0] =	vst.idx.add.f32.msk $0xffff, v2  }
0x2ab: {  	_ =	sdelay $0x3  }
0x2ac: {  	[tilespmem:v3+s4+$0x0] =	vst.idx.add.f32.msk $0xffff, v4  }
0x2ad: {  	_ =	swait.ge [sflag:s7], $0x1400  }
0x2ae: {  	[sflag:s7] =	ssyncset.done $0x0  }
0x2af: {  	[sflag:s7] =	ssyncadd.s32 $0xFFFFEC00  }
0x2b0: {  	_ =	swait.ge [sflag:s8], $0x1400  }
0x2b1: {  	[sflag:s8] =	ssyncset.done $0x0  }
0x2b2: {  	s11 =	simm.s32 $0x0;
	[sflag:s8] =	ssyncadd.s32 $0xFFFFEC00  }
0x2b3: {  	v3 =	vld [tilespmem:s11+$0x8C00]  }
0x2b4: {  	v4 =	vld [tilespmem:s11+$0x7870]  }
0x2b5: {  	v5 =	vld [tilespmem:s11+$0x8C10]  }
0x2b6: {  	v6 =	vld [tilespmem:s11+$0x7860]  }
0x2b7: {  	v7 =	vld [tilespmem:s11+$0x8C20]  }
0x2b8: {  	v8 =	vld [tilespmem:s11+$0x7850];
	v9 =	vmul.f32 $6.400000000e+01, v3  }
0x2b9: {  	v10 =	vld [tilespmem:s11+$0x8C30]  }
0x2ba: {  	v11 =	vld [tilespmem:s11+$0x7840];
	v12 =	vmul.f32 $6.400000000e+01, v5;
	v9 =	vtrunc.f32 v9  }
0x2bb: {  	v13 =	vld [tilespmem:s11+$0x8C40];
	v9 =	vcvt.f32.s32 v9  }
0x2bc: {  	v14 =	vld [tilespmem:s11+$0x7800];
	v15 =	vmul.f32 $6.400000000e+01, v7;
	v12 =	vtrunc.f32 v12  }
0x2bd: {  	v16 =	vld [tilespmem:s11+$0x8C50];
	v12 =	vcvt.f32.s32 v12;
	v9 =	vshll.u32 v9, $0x7  }
0x2be: {  	v17 =	vld [tilespmem:s11+$0x7810];
	v18 =	vmul.f32 $6.400000000e+01, v10;
	v15 =	vtrunc.f32 v15;
	v9 =	vor.u32 v1, v9  }
0x2bf: {  	v19 =	vld [tilespmem:s11+$0x8C60];
	v15 =	vcvt.f32.s32 v15;
	v12 =	vshll.u32 v12, $0x7  }
0x2c0: {  	v20 =	vld [tilespmem:s11+$0x7820];
	v21 =	vmul.f32 $6.400000000e+01, v13;
	v18 =	vtrunc.f32 v18;
	v12 =	vor.u32 v1, v12  }
0x2c1: {  	v22 =	vld [tilespmem:s11+$0x8C70];
	v3 =	vsub.f32 v3, v14;
	v18 =	vcvt.f32.s32 v18;
	v51 =	vshll.u32 v15, $0x7  }
0x2c2: {  	v52 =	vld [tilespmem:s11+$0x7830];
	v23 =	vmul.f32 $6.400000000e+01, v16;
	v21 =	vtrunc.f32 v21;
	v14 =	vor.u32 v1, v51  }
0x2c3: {  	v5 =	vsub.f32 v5, v17;
	v21 =	vcvt.f32.s32 v21;
	v53 =	vshll.u32 v18, $0x7;
	[tilespmem:v9+s31+$0x0] =	vst.idx.add.f32.msk $0xffff, v2  }
0x2c4: {  	v55 =	vmul.f32 $6.400000000e+01, v19;
	v54 =	vtrunc.f32 v23;
	[tilespmem:v9+s4+$0x0] =	vst.idx.add.f32.msk $0xffff, v3;
	v3 =	vor.u32 v1, v53  }
0x2c5: {  	v7 =	vsub.f32 v7, v20;
	v56 =	vcvt.f32.s32 v54;
	v57 =	vshll.u32 v21, $0x7;
	[tilespmem:v12+s31+$0x0] =	vst.idx.add.f32.msk $0xffff, v2  }
0x2c6: {  	v59 =	vmul.f32 $6.400000000e+01, v22;
	v58 =	vtrunc.f32 v55;
	[tilespmem:v12+s4+$0x0] =	vst.idx.add.f32.msk $0xffff, v5;
	v5 =	vor.u32 v1, v57  }
0x2c7: {  	v60 =	vcvt.f32.s32 v58;
	v9 =	vshll.u32 v56, $0x7;
	[tilespmem:v14+s31+$0x0] =	vst.idx.add.f32.msk $0xffff, v2  }
0x2c8: {  	v10 =	vsub.f32 v10, v52;
	v61 =	vtrunc.f32 v59;
	[tilespmem:v14+s4+$0x0] =	vst.idx.add.f32.msk $0xffff, v7;
	v7 =	vor.u32 v1, v9  }
0x2c9: {  	v62 =	vcvt.f32.s32 v61;
	v12 =	vshll.u32 v60, $0x7;
	[tilespmem:v3+s31+$0x0] =	vst.idx.add.f32.msk $0xffff, v2  }
0x2ca: {  	v11 =	vsub.f32 v13, v11;
	v63 =	vor.u32 v1, v12;
	[tilespmem:v3+s4+$0x0] =	vst.idx.add.f32.msk $0xffff, v10  }
0x2cb: {  	v3 =	vshll.u32 v62, $0x7;
	[tilespmem:v5+s31+$0x0] =	vst.idx.add.f32.msk $0xffff, v2  }
0x2cc: {  	v8 =	vsub.f32 v16, v8;
	v3 =	vor.u32 v1, v3;
	[tilespmem:v5+s4+$0x0] =	vst.idx.add.f32.msk $0xffff, v11  }
0x2cd: {  	[tilespmem:v7+s31+$0x0] =	vst.idx.add.f32.msk $0xffff, v2  }
0x2ce: {  	v5 =	vsub.f32 v19, v6;
	[tilespmem:v7+s4+$0x0] =	vst.idx.add.f32.msk $0xffff, v8  }
0x2cf: {  	[tilespmem:v63+s31+$0x0] =	vst.idx.add.f32.msk $0xffff, v2  }
0x2d0: {  	v4 =	vsub.f32 v22, v4;
	[tilespmem:v63+s4+$0x0] =	vst.idx.add.f32.msk $0xffff, v5  }
0x2d1: {  	s11 =	simm.s32 $0x200;
	[tilespmem:v3+s31+$0x0] =	vst.idx.add.f32.msk $0xffff, v2  }
.LBB2_16:
0x2d2: {  	s12 =	sshra.s32 s11, $0x2;
	p0 =	sne.s32 s11, $0x4E00;
	s11 =	sadd.s32 $0x200, s11;
	[tilespmem:v3+s4+$0x0] =	vst.idx.add.f32.msk $0xffff, v4  }
0x2d3: {  	v3 =	vld [tilespmem:s12+$0x8C00]  }
0x2d4: {  	v4 =	vld [tilespmem:s12+$0x7870]  }
0x2d5: {  	v5 =	vld [tilespmem:s12+$0x8C10]  }
0x2d6: {  	v6 =	vld [tilespmem:s12+$0x7860]  }
0x2d7: {  	v7 =	vld [tilespmem:s12+$0x8C20]  }
0x2d8: {  	v8 =	vld [tilespmem:s12+$0x7850];
	v9 =	vmul.f32 $6.400000000e+01, v3  }
0x2d9: {  	v10 =	vld [tilespmem:s12+$0x8C30]  }
0x2da: {  	v11 =	vld [tilespmem:s12+$0x7840];
	v9 =	vtrunc.f32 v9;
	v12 =	vmul.f32 $6.400000000e+01, v5  }
0x2db: {  	v13 =	vld [tilespmem:s12+$0x8C40];
	v9 =	vcvt.f32.s32 v9  }
0x2dc: {  	v14 =	vld [tilespmem:s12+$0x7800];
	v12 =	vtrunc.f32 v12;
	v15 =	vmul.f32 $6.400000000e+01, v7  }
0x2dd: {  	v16 =	vld [tilespmem:s12+$0x8C50];
	v12 =	vcvt.f32.s32 v12;
	v9 =	vshll.u32 v9, $0x7  }
0x2de: {  	v17 =	vld [tilespmem:s12+$0x7810];
	v15 =	vtrunc.f32 v15;
	v18 =	vmul.f32 $6.400000000e+01, v10;
	v9 =	vor.u32 v1, v9  }
0x2df: {  	v19 =	vld [tilespmem:s12+$0x8C60];
	v15 =	vcvt.f32.s32 v15;
	v12 =	vshll.u32 v12, $0x7  }
0x2e0: {  	v20 =	vld [tilespmem:s12+$0x7820];
	v18 =	vtrunc.f32 v18;
	v21 =	vmul.f32 $6.400000000e+01, v13;
	v12 =	vor.u32 v1, v12  }
0x2e1: {  	v22 =	vld [tilespmem:s12+$0x8C70];
	v18 =	vcvt.f32.s32 v18;
	v3 =	vsub.f32 v3, v14;
	v14 =	vshll.u32 v15, $0x7  }
0x2e2: {  	v15 =	vld [tilespmem:s12+$0x7830];
	v21 =	vtrunc.f32 v21;
	v23 =	vmul.f32 $6.400000000e+01, v16;
	v14 =	vor.u32 v1, v14  }
0x2e3: {  	v21 =	vcvt.f32.s32 v21;
	v5 =	vsub.f32 v5, v17;
	[tilespmem:v9+s31+$0x0] =	vst.idx.add.f32.msk $0xffff, v2;
	v17 =	vshll.u32 v18, $0x7  }
0x2e4: {  	v18 =	vtrunc.f32 v23;
	v23 =	vmul.f32 $6.400000000e+01, v19;
	[tilespmem:v9+s4+$0x0] =	vst.idx.add.f32.msk $0xffff, v3;
	v3 =	vor.u32 v1, v17  }
0x2e5: {  	v9 =	vcvt.f32.s32 v18;
	v7 =	vsub.f32 v7, v20;
	[tilespmem:v12+s31+$0x0] =	vst.idx.add.f32.msk $0xffff, v2;
	v17 =	vshll.u32 v21, $0x7  }
0x2e6: {  	v18 =	vtrunc.f32 v23;
	v20 =	vmul.f32 $6.400000000e+01, v22;
	[tilespmem:v12+s4+$0x0] =	vst.idx.add.f32.msk $0xffff, v5;
	v5 =	vor.u32 v1, v17  }
0x2e7: {  	v12 =	vcvt.f32.s32 v18;
	v10 =	vsub.f32 v10, v15;
	[tilespmem:v14+s31+$0x0] =	vst.idx.add.f32.msk $0xffff, v2;
	v9 =	vshll.u32 v9, $0x7  }
0x2e8: {  	v11 =	vsub.f32 v13, v11;
	v15 =	vtrunc.f32 v20;
	[tilespmem:v14+s4+$0x0] =	vst.idx.add.f32.msk $0xffff, v7;
	v7 =	vor.u32 v1, v9  }
0x2e9: {  	v8 =	vsub.f32 v16, v8;
	v9 =	vcvt.f32.s32 v15;
	[tilespmem:v3+s31+$0x0] =	vst.idx.add.f32.msk $0xffff, v2;
	v12 =	vshll.u32 v12, $0x7  }
0x2ea: {  	v6 =	vsub.f32 v19, v6;
	[tilespmem:v3+s4+$0x0] =	vst.idx.add.f32.msk $0xffff, v10;
	v10 =	vor.u32 v1, v12  }
0x2eb: {  	v4 =	vsub.f32 v22, v4;
	[tilespmem:v5+s31+$0x0] =	vst.idx.add.f32.msk $0xffff, v2;
	v3 =	vshll.u32 v9, $0x7  }
0x2ec: {  	[tilespmem:v5+s4+$0x0] =	vst.idx.add.f32.msk $0xffff, v11;
	v3 =	vor.u32 v1, v3  }
.Ltmp7:
0x2ed: {  	[tilespmem:v7+s31+$0x0] =	vst.idx.add.f32.msk $0xffff, v2;
	(pc) =	sbr.rel @p0 .LBB2_16-.Ltmp7, $4  }
0x2ee: {  	[tilespmem:v7+s4+$0x0] =	vst.idx.add.f32.msk $0xffff, v8  }
0x2ef: {  	[tilespmem:v10+s31+$0x0] =	vst.idx.add.f32.msk $0xffff, v2  }
0x2f0: {  	[tilespmem:v10+s4+$0x0] =	vst.idx.add.f32.msk $0xffff, v6  }
0x2f1: {  	[tilespmem:v3+s31+$0x0] =	vst.idx.add.f32.msk $0xffff, v2  }
0x2f2: {  	_ =	sdelay $0x3  }
0x2f3: {  	[tilespmem:v3+s4+$0x0] =	vst.idx.add.f32.msk $0xffff, v4  }
0x2f4: {  	_ =	swait.ge [sflag:s30], $0x1400  }
0x2f5: {  	[sflag:s30] =	ssyncset.done $0x0  }
0x2f6: {  	[sflag:s30] =	ssyncadd.s32 $0xFFFFEC00  }
0x2f7: {  	_ =	swait.ge [sflag:s3], $0x1400  }
0x2f8: {  	[sflag:s3] =	ssyncset.done $0x0  }
0x2f9: {  	s11 =	simm.s32 $0x0;
	[sflag:s3] =	ssyncadd.s32 $0xFFFFEC00  }
0x2fa: {  	v3 =	vld [tilespmem:s11+$0x1400]  }
0x2fb: {  	v4 =	vld [tilespmem:s11+$0x70]  }
0x2fc: {  	v5 =	vld [tilespmem:s11+$0x1410]  }
0x2fd: {  	v6 =	vld [tilespmem:s11+$0x60]  }
0x2fe: {  	v7 =	vld [tilespmem:s11+$0x1420]  }
0x2ff: {  	v8 =	vld [tilespmem:s11+$0x50];
	v9 =	vmul.f32 $6.400000000e+01, v3  }
0x300: {  	v10 =	vld [tilespmem:s11+$0x1430]  }
0x301: {  	v11 =	vld [tilespmem:s11+$0x40];
	v12 =	vmul.f32 $6.400000000e+01, v5;
	v9 =	vtrunc.f32 v9  }
0x302: {  	v13 =	vld [tilespmem:s11+$0x1440];
	v9 =	vcvt.f32.s32 v9  }
0x303: {  	v14 =	vld [tilespmem:s11+$0x0];
	v15 =	vmul.f32 $6.400000000e+01, v7;
	v12 =	vtrunc.f32 v12  }
0x304: {  	v16 =	vld [tilespmem:s11+$0x1450];
	v12 =	vcvt.f32.s32 v12;
	v9 =	vshll.u32 v9, $0x7  }
0x305: {  	v17 =	vld [tilespmem:s11+$0x10];
	v18 =	vmul.f32 $6.400000000e+01, v10;
	v15 =	vtrunc.f32 v15;
	v9 =	vor.u32 v1, v9  }
0x306: {  	v19 =	vld [tilespmem:s11+$0x1460];
	v15 =	vcvt.f32.s32 v15;
	v12 =	vshll.u32 v12, $0x7  }
0x307: {  	v20 =	vld [tilespmem:s11+$0x20];
	v21 =	vmul.f32 $6.400000000e+01, v13;
	v18 =	vtrunc.f32 v18;
	v12 =	vor.u32 v1, v12  }
0x308: {  	v22 =	vld [tilespmem:s11+$0x1470];
	v3 =	vsub.f32 v3, v14;
	v18 =	vcvt.f32.s32 v18;
	v51 =	vshll.u32 v15, $0x7  }
0x309: {  	v52 =	vld [tilespmem:s11+$0x30];
	v23 =	vmul.f32 $6.400000000e+01, v16;
	v21 =	vtrunc.f32 v21;
	v14 =	vor.u32 v1, v51  }
0x30a: {  	v5 =	vsub.f32 v5, v17;
	v21 =	vcvt.f32.s32 v21;
	v53 =	vshll.u32 v18, $0x7;
	[tilespmem:v9+s31+$0x0] =	vst.idx.add.f32.msk $0xffff, v2  }
0x30b: {  	v55 =	vmul.f32 $6.400000000e+01, v19;
	v54 =	vtrunc.f32 v23;
	[tilespmem:v9+s4+$0x0] =	vst.idx.add.f32.msk $0xffff, v3;
	v3 =	vor.u32 v1, v53  }
0x30c: {  	v7 =	vsub.f32 v7, v20;
	v56 =	vcvt.f32.s32 v54;
	v57 =	vshll.u32 v21, $0x7;
	[tilespmem:v12+s31+$0x0] =	vst.idx.add.f32.msk $0xffff, v2  }
0x30d: {  	v59 =	vmul.f32 $6.400000000e+01, v22;
	v58 =	vtrunc.f32 v55;
	[tilespmem:v12+s4+$0x0] =	vst.idx.add.f32.msk $0xffff, v5;
	v5 =	vor.u32 v1, v57  }
0x30e: {  	v60 =	vcvt.f32.s32 v58;
	v9 =	vshll.u32 v56, $0x7;
	[tilespmem:v14+s31+$0x0] =	vst.idx.add.f32.msk $0xffff, v2  }
0x30f: {  	v10 =	vsub.f32 v10, v52;
	v61 =	vtrunc.f32 v59;
	[tilespmem:v14+s4+$0x0] =	vst.idx.add.f32.msk $0xffff, v7;
	v7 =	vor.u32 v1, v9  }
0x310: {  	v62 =	vcvt.f32.s32 v61;
	v12 =	vshll.u32 v60, $0x7;
	[tilespmem:v3+s31+$0x0] =	vst.idx.add.f32.msk $0xffff, v2  }
0x311: {  	v11 =	vsub.f32 v13, v11;
	v63 =	vor.u32 v1, v12;
	[tilespmem:v3+s4+$0x0] =	vst.idx.add.f32.msk $0xffff, v10  }
0x312: {  	v3 =	vshll.u32 v62, $0x7;
	[tilespmem:v5+s31+$0x0] =	vst.idx.add.f32.msk $0xffff, v2  }
0x313: {  	v8 =	vsub.f32 v16, v8;
	v3 =	vor.u32 v1, v3;
	[tilespmem:v5+s4+$0x0] =	vst.idx.add.f32.msk $0xffff, v11  }
0x314: {  	[tilespmem:v7+s31+$0x0] =	vst.idx.add.f32.msk $0xffff, v2  }
0x315: {  	v5 =	vsub.f32 v19, v6;
	[tilespmem:v7+s4+$0x0] =	vst.idx.add.f32.msk $0xffff, v8  }
0x316: {  	[tilespmem:v63+s31+$0x0] =	vst.idx.add.f32.msk $0xffff, v2  }
0x317: {  	v4 =	vsub.f32 v22, v4;
	[tilespmem:v63+s4+$0x0] =	vst.idx.add.f32.msk $0xffff, v5  }
0x318: {  	s11 =	simm.s32 $0x200;
	[tilespmem:v3+s31+$0x0] =	vst.idx.add.f32.msk $0xffff, v2  }
.LBB2_18:
0x319: {  	s12 =	sshra.s32 s11, $0x2;
	p0 =	sne.s32 s11, $0x4E00;
	s11 =	sadd.s32 $0x200, s11;
	[tilespmem:v3+s4+$0x0] =	vst.idx.add.f32.msk $0xffff, v4  }
0x31a: {  	v3 =	vld [tilespmem:s12+$0x1400]  }
0x31b: {  	v4 =	vld [tilespmem:s12+$0x70]  }
0x31c: {  	v5 =	vld [tilespmem:s12+$0x1410]  }
0x31d: {  	v6 =	vld [tilespmem:s12+$0x60]  }
0x31e: {  	v7 =	vld [tilespmem:s12+$0x1420]  }
0x31f: {  	v8 =	vld [tilespmem:s12+$0x50];
	v9 =	vmul.f32 $6.400000000e+01, v3  }
0x320: {  	v10 =	vld [tilespmem:s12+$0x1430]  }
0x321: {  	v11 =	vld [tilespmem:s12+$0x40];
	v9 =	vtrunc.f32 v9;
	v12 =	vmul.f32 $6.400000000e+01, v5  }
0x322: {  	v13 =	vld [tilespmem:s12+$0x1440];
	v9 =	vcvt.f32.s32 v9  }
0x323: {  	v14 =	vld [tilespmem:s12+$0x0];
	v12 =	vtrunc.f32 v12;
	v15 =	vmul.f32 $6.400000000e+01, v7  }
0x324: {  	v16 =	vld [tilespmem:s12+$0x1450];
	v12 =	vcvt.f32.s32 v12;
	v9 =	vshll.u32 v9, $0x7  }
0x325: {  	v17 =	vld [tilespmem:s12+$0x10];
	v15 =	vtrunc.f32 v15;
	v18 =	vmul.f32 $6.400000000e+01, v10;
	v9 =	vor.u32 v1, v9  }
0x326: {  	v19 =	vld [tilespmem:s12+$0x1460];
	v15 =	vcvt.f32.s32 v15;
	v12 =	vshll.u32 v12, $0x7  }
0x327: {  	v20 =	vld [tilespmem:s12+$0x20];
	v18 =	vtrunc.f32 v18;
	v21 =	vmul.f32 $6.400000000e+01, v13;
	v12 =	vor.u32 v1, v12  }
0x328: {  	v22 =	vld [tilespmem:s12+$0x1470];
	v18 =	vcvt.f32.s32 v18;
	v3 =	vsub.f32 v3, v14;
	v14 =	vshll.u32 v15, $0x7  }
0x329: {  	v15 =	vld [tilespmem:s12+$0x30];
	v21 =	vtrunc.f32 v21;
	v23 =	vmul.f32 $6.400000000e+01, v16;
	v14 =	vor.u32 v1, v14  }
0x32a: {  	v21 =	vcvt.f32.s32 v21;
	v5 =	vsub.f32 v5, v17;
	[tilespmem:v9+s31+$0x0] =	vst.idx.add.f32.msk $0xffff, v2;
	v17 =	vshll.u32 v18, $0x7  }
0x32b: {  	v18 =	vtrunc.f32 v23;
	v23 =	vmul.f32 $6.400000000e+01, v19;
	[tilespmem:v9+s4+$0x0] =	vst.idx.add.f32.msk $0xffff, v3;
	v3 =	vor.u32 v1, v17  }
0x32c: {  	v9 =	vcvt.f32.s32 v18;
	v7 =	vsub.f32 v7, v20;
	[tilespmem:v12+s31+$0x0] =	vst.idx.add.f32.msk $0xffff, v2;
	v17 =	vshll.u32 v21, $0x7  }
0x32d: {  	v18 =	vtrunc.f32 v23;
	v20 =	vmul.f32 $6.400000000e+01, v22;
	[tilespmem:v12+s4+$0x0] =	vst.idx.add.f32.msk $0xffff, v5;
	v5 =	vor.u32 v1, v17  }
0x32e: {  	v12 =	vcvt.f32.s32 v18;
	v10 =	vsub.f32 v10, v15;
	[tilespmem:v14+s31+$0x0] =	vst.idx.add.f32.msk $0xffff, v2;
	v9 =	vshll.u32 v9, $0x7  }
0x32f: {  	v11 =	vsub.f32 v13, v11;
	v15 =	vtrunc.f32 v20;
	[tilespmem:v14+s4+$0x0] =	vst.idx.add.f32.msk $0xffff, v7;
	v7 =	vor.u32 v1, v9  }
0x330: {  	v8 =	vsub.f32 v16, v8;
	v9 =	vcvt.f32.s32 v15;
	[tilespmem:v3+s31+$0x0] =	vst.idx.add.f32.msk $0xffff, v2;
	v12 =	vshll.u32 v12, $0x7  }
0x331: {  	v6 =	vsub.f32 v19, v6;
	[tilespmem:v3+s4+$0x0] =	vst.idx.add.f32.msk $0xffff, v10;
	v10 =	vor.u32 v1, v12  }
0x332: {  	v4 =	vsub.f32 v22, v4;
	[tilespmem:v5+s31+$0x0] =	vst.idx.add.f32.msk $0xffff, v2;
	v3 =	vshll.u32 v9, $0x7  }
0x333: {  	[tilespmem:v5+s4+$0x0] =	vst.idx.add.f32.msk $0xffff, v11;
	v3 =	vor.u32 v1, v3  }
.Ltmp8:
0x334: {  	[tilespmem:v7+s31+$0x0] =	vst.idx.add.f32.msk $0xffff, v2;
	(pc) =	sbr.rel @p0 .LBB2_18-.Ltmp8, $4  }
0x335: {  	[tilespmem:v7+s4+$0x0] =	vst.idx.add.f32.msk $0xffff, v8  }
0x336: {  	[tilespmem:v10+s31+$0x0] =	vst.idx.add.f32.msk $0xffff, v2  }
0x337: {  	[tilespmem:v10+s4+$0x0] =	vst.idx.add.f32.msk $0xffff, v6  }
0x338: {  	[tilespmem:v3+s31+$0x0] =	vst.idx.add.f32.msk $0xffff, v2  }
0x339: {  	_ =	sdelay $0x3  }
0x33a: {  	[tilespmem:v3+s4+$0x0] =	vst.idx.add.f32.msk $0xffff, v4  }
0x33b: {  	_ =	swait.ge [sflag:s1], $0x1400  }
0x33c: {  	[sflag:s1] =	ssyncset.done $0x0  }
0x33d: {  	[sflag:s1] =	ssyncadd.s32 $0xFFFFEC00  }
0x33e: {  	_ =	swait.ge [sflag:s0], $0x1400  }
0x33f: {  	[sflag:s0] =	ssyncset.done $0x0  }
0x340: {  	s11 =	simm.s32 $0x0;
	[sflag:s0] =	ssyncadd.s32 $0xFFFFEC00  }
0x341: {  	v3 =	vld [tilespmem:s11+$0x3C00]  }
0x342: {  	v4 =	vld [tilespmem:s11+$0x2870]  }
0x343: {  	v5 =	vld [tilespmem:s11+$0x3C10]  }
0x344: {  	v6 =	vld [tilespmem:s11+$0x2860]  }
0x345: {  	v7 =	vld [tilespmem:s11+$0x3C20]  }
0x346: {  	v8 =	vld [tilespmem:s11+$0x2850];
	v9 =	vmul.f32 $6.400000000e+01, v3  }
0x347: {  	v10 =	vld [tilespmem:s11+$0x3C30]  }
0x348: {  	v11 =	vld [tilespmem:s11+$0x2840];
	v12 =	vmul.f32 $6.400000000e+01, v5;
	v9 =	vtrunc.f32 v9  }
0x349: {  	v13 =	vld [tilespmem:s11+$0x3C40];
	v9 =	vcvt.f32.s32 v9  }
0x34a: {  	v14 =	vld [tilespmem:s11+$0x2800];
	v15 =	vmul.f32 $6.400000000e+01, v7;
	v12 =	vtrunc.f32 v12  }
0x34b: {  	v16 =	vld [tilespmem:s11+$0x3C50];
	v12 =	vcvt.f32.s32 v12;
	v9 =	vshll.u32 v9, $0x7  }
0x34c: {  	v17 =	vld [tilespmem:s11+$0x2810];
	v18 =	vmul.f32 $6.400000000e+01, v10;
	v15 =	vtrunc.f32 v15;
	v9 =	vor.u32 v1, v9  }
0x34d: {  	v19 =	vld [tilespmem:s11+$0x3C60];
	v15 =	vcvt.f32.s32 v15;
	v12 =	vshll.u32 v12, $0x7  }
0x34e: {  	v20 =	vld [tilespmem:s11+$0x2820];
	v21 =	vmul.f32 $6.400000000e+01, v13;
	v18 =	vtrunc.f32 v18;
	v12 =	vor.u32 v1, v12  }
0x34f: {  	v22 =	vld [tilespmem:s11+$0x3C70];
	v3 =	vsub.f32 v3, v14;
	v18 =	vcvt.f32.s32 v18;
	v51 =	vshll.u32 v15, $0x7  }
0x350: {  	v52 =	vld [tilespmem:s11+$0x2830];
	v23 =	vmul.f32 $6.400000000e+01, v16;
	v21 =	vtrunc.f32 v21;
	v14 =	vor.u32 v1, v51  }
0x351: {  	v5 =	vsub.f32 v5, v17;
	v21 =	vcvt.f32.s32 v21;
	v53 =	vshll.u32 v18, $0x7;
	[tilespmem:v9+s31+$0x0] =	vst.idx.add.f32.msk $0xffff, v2  }
0x352: {  	v55 =	vmul.f32 $6.400000000e+01, v19;
	v54 =	vtrunc.f32 v23;
	[tilespmem:v9+s4+$0x0] =	vst.idx.add.f32.msk $0xffff, v3;
	v3 =	vor.u32 v1, v53  }
0x353: {  	v7 =	vsub.f32 v7, v20;
	v56 =	vcvt.f32.s32 v54;
	v57 =	vshll.u32 v21, $0x7;
	[tilespmem:v12+s31+$0x0] =	vst.idx.add.f32.msk $0xffff, v2  }
0x354: {  	v59 =	vmul.f32 $6.400000000e+01, v22;
	v58 =	vtrunc.f32 v55;
	[tilespmem:v12+s4+$0x0] =	vst.idx.add.f32.msk $0xffff, v5;
	v5 =	vor.u32 v1, v57  }
0x355: {  	v60 =	vcvt.f32.s32 v58;
	v9 =	vshll.u32 v56, $0x7;
	[tilespmem:v14+s31+$0x0] =	vst.idx.add.f32.msk $0xffff, v2  }
0x356: {  	v10 =	vsub.f32 v10, v52;
	v61 =	vtrunc.f32 v59;
	[tilespmem:v14+s4+$0x0] =	vst.idx.add.f32.msk $0xffff, v7;
	v7 =	vor.u32 v1, v9  }
0x357: {  	v62 =	vcvt.f32.s32 v61;
	v12 =	vshll.u32 v60, $0x7;
	[tilespmem:v3+s31+$0x0] =	vst.idx.add.f32.msk $0xffff, v2  }
0x358: {  	v11 =	vsub.f32 v13, v11;
	v63 =	vor.u32 v1, v12;
	[tilespmem:v3+s4+$0x0] =	vst.idx.add.f32.msk $0xffff, v10  }
0x359: {  	v3 =	vshll.u32 v62, $0x7;
	[tilespmem:v5+s31+$0x0] =	vst.idx.add.f32.msk $0xffff, v2  }
0x35a: {  	v8 =	vsub.f32 v16, v8;
	v3 =	vor.u32 v1, v3;
	[tilespmem:v5+s4+$0x0] =	vst.idx.add.f32.msk $0xffff, v11  }
0x35b: {  	[tilespmem:v7+s31+$0x0] =	vst.idx.add.f32.msk $0xffff, v2  }
0x35c: {  	v5 =	vsub.f32 v19, v6;
	[tilespmem:v7+s4+$0x0] =	vst.idx.add.f32.msk $0xffff, v8  }
0x35d: {  	[tilespmem:v63+s31+$0x0] =	vst.idx.add.f32.msk $0xffff, v2  }
0x35e: {  	v4 =	vsub.f32 v22, v4;
	[tilespmem:v63+s4+$0x0] =	vst.idx.add.f32.msk $0xffff, v5  }
0x35f: {  	s11 =	simm.s32 $0x200;
	[tilespmem:v3+s31+$0x0] =	vst.idx.add.f32.msk $0xffff, v2  }
.LBB2_20:
0x360: {  	s12 =	sshra.s32 s11, $0x2;
	p0 =	sne.s32 s11, $0x4E00;
	s11 =	sadd.s32 $0x200, s11;
	[tilespmem:v3+s4+$0x0] =	vst.idx.add.f32.msk $0xffff, v4  }
0x361: {  	v3 =	vld [tilespmem:s12+$0x3C00]  }
0x362: {  	v4 =	vld [tilespmem:s12+$0x2870]  }
0x363: {  	v5 =	vld [tilespmem:s12+$0x3C10]  }
0x364: {  	v6 =	vld [tilespmem:s12+$0x2860]  }
0x365: {  	v7 =	vld [tilespmem:s12+$0x3C20]  }
0x366: {  	v8 =	vld [tilespmem:s12+$0x2850];
	v9 =	vmul.f32 $6.400000000e+01, v3  }
0x367: {  	v10 =	vld [tilespmem:s12+$0x3C30]  }
0x368: {  	v11 =	vld [tilespmem:s12+$0x2840];
	v9 =	vtrunc.f32 v9;
	v12 =	vmul.f32 $6.400000000e+01, v5  }
0x369: {  	v13 =	vld [tilespmem:s12+$0x3C40];
	v9 =	vcvt.f32.s32 v9  }
0x36a: {  	v14 =	vld [tilespmem:s12+$0x2800];
	v12 =	vtrunc.f32 v12;
	v15 =	vmul.f32 $6.400000000e+01, v7  }
0x36b: {  	v16 =	vld [tilespmem:s12+$0x3C50];
	v12 =	vcvt.f32.s32 v12;
	v9 =	vshll.u32 v9, $0x7  }
0x36c: {  	v17 =	vld [tilespmem:s12+$0x2810];
	v15 =	vtrunc.f32 v15;
	v18 =	vmul.f32 $6.400000000e+01, v10;
	v9 =	vor.u32 v1, v9  }
0x36d: {  	v19 =	vld [tilespmem:s12+$0x3C60];
	v15 =	vcvt.f32.s32 v15;
	v12 =	vshll.u32 v12, $0x7  }
0x36e: {  	v20 =	vld [tilespmem:s12+$0x2820];
	v18 =	vtrunc.f32 v18;
	v21 =	vmul.f32 $6.400000000e+01, v13;
	v12 =	vor.u32 v1, v12  }
0x36f: {  	v22 =	vld [tilespmem:s12+$0x3C70];
	v18 =	vcvt.f32.s32 v18;
	v3 =	vsub.f32 v3, v14;
	v14 =	vshll.u32 v15, $0x7  }
0x370: {  	v15 =	vld [tilespmem:s12+$0x2830];
	v21 =	vtrunc.f32 v21;
	v23 =	vmul.f32 $6.400000000e+01, v16;
	v14 =	vor.u32 v1, v14  }
0x371: {  	v21 =	vcvt.f32.s32 v21;
	v5 =	vsub.f32 v5, v17;
	[tilespmem:v9+s31+$0x0] =	vst.idx.add.f32.msk $0xffff, v2;
	v17 =	vshll.u32 v18, $0x7  }
0x372: {  	v18 =	vtrunc.f32 v23;
	v23 =	vmul.f32 $6.400000000e+01, v19;
	[tilespmem:v9+s4+$0x0] =	vst.idx.add.f32.msk $0xffff, v3;
	v3 =	vor.u32 v1, v17  }
0x373: {  	v9 =	vcvt.f32.s32 v18;
	v7 =	vsub.f32 v7, v20;
	[tilespmem:v12+s31+$0x0] =	vst.idx.add.f32.msk $0xffff, v2;
	v17 =	vshll.u32 v21, $0x7  }
0x374: {  	v18 =	vtrunc.f32 v23;
	v20 =	vmul.f32 $6.400000000e+01, v22;
	[tilespmem:v12+s4+$0x0] =	vst.idx.add.f32.msk $0xffff, v5;
	v5 =	vor.u32 v1, v17  }
0x375: {  	v12 =	vcvt.f32.s32 v18;
	v10 =	vsub.f32 v10, v15;
	[tilespmem:v14+s31+$0x0] =	vst.idx.add.f32.msk $0xffff, v2;
	v9 =	vshll.u32 v9, $0x7  }
0x376: {  	v11 =	vsub.f32 v13, v11;
	v15 =	vtrunc.f32 v20;
	[tilespmem:v14+s4+$0x0] =	vst.idx.add.f32.msk $0xffff, v7;
	v7 =	vor.u32 v1, v9  }
0x377: {  	v8 =	vsub.f32 v16, v8;
	v9 =	vcvt.f32.s32 v15;
	[tilespmem:v3+s31+$0x0] =	vst.idx.add.f32.msk $0xffff, v2;
	v12 =	vshll.u32 v12, $0x7  }
0x378: {  	v6 =	vsub.f32 v19, v6;
	[tilespmem:v3+s4+$0x0] =	vst.idx.add.f32.msk $0xffff, v10;
	v10 =	vor.u32 v1, v12  }
0x379: {  	v4 =	vsub.f32 v22, v4;
	[tilespmem:v5+s31+$0x0] =	vst.idx.add.f32.msk $0xffff, v2;
	v3 =	vshll.u32 v9, $0x7  }
0x37a: {  	[tilespmem:v5+s4+$0x0] =	vst.idx.add.f32.msk $0xffff, v11;
	v3 =	vor.u32 v1, v3  }
.Ltmp9:
0x37b: {  	[tilespmem:v7+s31+$0x0] =	vst.idx.add.f32.msk $0xffff, v2;
	(pc) =	sbr.rel @p0 .LBB2_20-.Ltmp9, $4  }
0x37c: {  	[tilespmem:v7+s4+$0x0] =	vst.idx.add.f32.msk $0xffff, v8  }
0x37d: {  	[tilespmem:v10+s31+$0x0] =	vst.idx.add.f32.msk $0xffff, v2  }
0x37e: {  	[tilespmem:v10+s4+$0x0] =	vst.idx.add.f32.msk $0xffff, v6  }
0x37f: {  	[tilespmem:v3+s31+$0x0] =	vst.idx.add.f32.msk $0xffff, v2  }
0x380: {  	_ =	sdelay $0x3  }
0x381: {  	[tilespmem:v3+s4+$0x0] =	vst.idx.add.f32.msk $0xffff, v4  }
0x382: {  	[hbm4b:s23+s2] =	stream.linear.scatter [tilespmem:s31], [sflag:$0x9], $0x2000, $0x38;
	[tilespmem:$0xE000] =	vst v63  }
0x383: {  	s10 =	sadd.s32 $0x1, s10;
	_ =	swait.ge [sflag:s9], $0x2000  }
0x384: {  	p0 =	sne.s32 s10, s25;
	[sflag:s9] =	ssyncset.done $0x0  }
.Ltmp10:
0x385: {  	[sflag:s9] =	ssyncadd.s32 $0xFFFFE000;
	(pc) =	sbr.rel @p0 .LBB2_1-.Ltmp10, $4  }
0x386: {  	[hbm4b:s24+s2] =	stream.linear.scatter [tilespmem:s4], [sflag:$0x9], $0x2000, $0x38;
	[tilespmem:$0xE000] =	vst v63  }
0x387: {  	_ =	swait.ge [sflag:s9], $0x2000  }
0x388: {  	[sflag:s9] =	ssyncset.done $0x0  }
0x389: {  	[sflag:s9] =	ssyncadd.s32 $0xFFFFE000  }
0x38a: {  	_ =	sfence.sel $0x180000  }
0x38b: {  	[bflag:$0x0] =	sbarrier.arrive $0xFFFF  }
0x38c: {  	_ =	strace $0x90000047  }
0x38d: {  	s0 =	stileid.u32;
	[bflag:$0x2] =	sbarrier.arrive $0xFFFF  }
0x38e: {  	p0 =	sne.s32 s0, $0x0;
	s0 =	rddreg [dreg:$0x3]  }
0x38f: {  	s0 =	sadd.s32 @!p0 $0x100000, s0  }
0x390: {  	[sflag:s0] =	ssyncadd.tile.s32 @!p0 $0x1;
	_ =	shalt  }
.Lfunc_end2:
_tile_overlayer_lowered:
.L_overlay_start_2:
0x391: {  	(tag) =	ssettag $0x2  }
0x392: {  	s0 =	rddreg [dreg:$0x0];
	s2 =	stileid.u32  }
0x393: {  	s1 =	rddreg [dreg:$0x1];
	p0 =	sne.s32 s2, $0x0  }
0x394: {  	s3 =	rddreg [dreg:$0x2];
	[bflag:$0x3] =	sbarrier.arrive $0xFFFF;
	s2 =	simm.s32 @!p0 $0x1C09  }
0x395: {  	[timem:s3], [sflag:s2] =	dma.local @!p0 [hbm:s0], s1  }
0x396: {  	s0 =	simm.s32 @!p0 $0x9  }
0x397: {  	_ =	swait.ge @!p0 [sflag:s0], s1  }
0x398: {  	s1 =	ssub.s32 @!p0 $0x0, s1;
	[sflag:s0] =	ssyncset.done @!p0 $0x0  }
0x399: {  	[sflag:s0] =	ssyncadd.s32 @!p0 s1  }
0x39a: {  	[bflag:$0x3] =	sbarrier.arrive $0xFFFF  }
0x39b: {  	_ =	shalt  }

</sc_bundles>
